<compile_context>
chip_gen: v7x
topology: tpu7x:2x2x1
jax: 0.10.2.dev20260603
libtpu: 0.0.44.dev20260713+nightly
codegen_flags: <defaults>
</compile_context>

<pallas_src>
import functools

import jax
import jax.numpy as jnp
from jax import lax
from jax.experimental import pallas as pl
from jax.experimental.pallas import tpu as pltpu
from jax.experimental.pallas import tpu_sc as plsc

_N = 10000
_D = 128
_E = 320000
_G = 64
_LANES = 16
_CHUNK = 64
_NCH = _E // _CHUNK
_NSLOT = 3
_NW = 32
_STRIPE = 624
_TAIL = _N - 16 * _STRIPE


def _edge_mlp_body(ea_ref, w1_ref, b1_ref, w2_ref, b2_ref, w3_ref, b3_ref,
                   o1_ref, o2_ref, o3_ref):
    ea = ea_ref[...]
    o1_ref[...] = jnp.dot(ea, w1_ref[...],
                          preferred_element_type=jnp.float32) + b1_ref[...]
    o2_ref[...] = jnp.dot(ea, w2_ref[...],
                          preferred_element_type=jnp.float32) + b2_ref[...]
    o3_ref[...] = jnp.dot(ea, w3_ref[...],
                          preferred_element_type=jnp.float32) + b3_ref[...]


def _edge_mlp(edge_attr, w1, b1, w2, b2, w3, b3):
    blk = 2000
    grid = _E // blk
    ed = edge_attr.shape[1]
    out_spec = pl.BlockSpec((blk, _D), lambda i: (i, 0))
    w_spec = pl.BlockSpec((ed, _D), lambda i: (0, 0))
    b_spec = pl.BlockSpec((1, _D), lambda i: (0, 0))
    return pl.pallas_call(
        _edge_mlp_body,
        grid=(grid,),
        in_specs=[pl.BlockSpec((blk, ed), lambda i: (i, 0)),
                  w_spec, b_spec, w_spec, b_spec, w_spec, b_spec],
        out_specs=[out_spec, out_spec, out_spec],
        out_shape=[jax.ShapeDtypeStruct((_E, _D), jnp.float32)] * 3,
    )(edge_attr, w1, b1.reshape(1, _D), w2, b2.reshape(1, _D),
      w3, b3.reshape(1, _D))



def _sc_edge_body(x_hbm, e_hbm, src_hbm, dst_hbm, out_hbm, *sc):
    src_v = sc[0:3]
    dst_v = sc[3:6]
    xbuf = sc[6:9]
    ebuf = sc[9:12]
    acc = sc[12]
    sem_is = sc[13:16]
    sem_id = sc[16:19]
    sem_g = sc[19:22]
    sem_e = sc[22:25]
    sem_sc = sc[25:28]

    cid = lax.axis_index("c")
    sid = lax.axis_index("s")
    wid = sid * 2 + cid

    def zero_row(r, _):
        for j in range(_D // _LANES):
            xbuf[0][r, pl.ds(j * _LANES, _LANES)] = jnp.zeros(
                (_LANES,), jnp.float32)
        return 0

    lax.fori_loop(0, _CHUNK, zero_row, 0)
    nfull = _STRIPE // _CHUNK
    for k in range(nfull):
        pltpu.sync_copy(xbuf[0], acc.at[pl.ds(sid * _STRIPE + k * _CHUNK,
                                              _CHUNK)])
    pltpu.sync_copy(xbuf[0].at[pl.ds(0, _STRIPE - nfull * _CHUNK)],
                    acc.at[pl.ds(sid * _STRIPE + nfull * _CHUNK,
                                 _STRIPE - nfull * _CHUNK)])

    @pl.when(sid == 15)
    def _zero_tail():
        pltpu.sync_copy(xbuf[0].at[pl.ds(0, _TAIL)],
                        acc.at[pl.ds(16 * _STRIPE, _TAIL)])

    plsc.subcore_barrier()

    nbase = _NCH // _NW
    nch = nbase + jnp.where(wid < _NCH - nbase * _NW, 1, 0)

    def issue_loads(k, slot):
        c = k * _NW + wid
        base = c * _CHUNK
        pltpu.async_copy(src_hbm.at[pl.ds(base, _CHUNK)], src_v[slot],
                         sem_is[slot])
        pltpu.async_copy(dst_hbm.at[pl.ds(base, _CHUNK)], dst_v[slot],
                         sem_id[slot])
        pltpu.async_copy(e_hbm.at[pl.ds(base, _CHUNK)], ebuf[slot],
                         sem_e[slot])

    def issue_gather(slot):
        pltpu.make_async_copy(src_hbm.at[pl.ds(0, _CHUNK)], src_v[slot],
                              sem_is[slot]).wait()
        pltpu.async_copy(x_hbm.at[src_v[slot]], xbuf[slot], sem_g[slot])

    issue_loads(jnp.int32(0), 0)
    issue_loads(jnp.int32(1), 1)
    issue_gather(0)

    def tri_body(i3, _):
        for u in range(_NSLOT):
            k = i3 * _NSLOT + u
            s1 = (u + 1) % _NSLOT
            sj = (u + 2) % _NSLOT
            j = k + 2

            @pl.when((k >= 1) & (j < nch))
            def _refill_wait():
                pltpu.make_async_copy(ebuf[sj], acc.at[pl.ds(0, _CHUNK)],
                                      sem_sc[sj]).wait()
                issue_loads(j, sj)

            @pl.when((k == 0) & (j < nch))
            def _refill_fresh():
                issue_loads(j, sj)

            @pl.when(k + 1 < nch)
            def _gather_next():
                issue_gather(s1)

            @pl.when(k < nch)
            def _process():
                pltpu.make_async_copy(x_hbm.at[pl.ds(0, _CHUNK)], xbuf[u],
                                      sem_g[u]).wait()
                pltpu.make_async_copy(e_hbm.at[pl.ds(0, _CHUNK)], ebuf[u],
                                      sem_e[u]).wait()

                @plsc.parallel_loop(0, _CHUNK, step=1)
                def _rows(r):
                    for jj in range(_D // _LANES):
                        s = pl.ds(jj * _LANES, _LANES)
                        ebuf[u][r, s] = jnp.maximum(
                            ebuf[u][r, s] + xbuf[u][r, s], 0.0)
                pltpu.make_async_copy(dst_hbm.at[pl.ds(0, _CHUNK)], dst_v[u],
                                      sem_id[u]).wait()
                pltpu.async_copy(ebuf[u], acc.at[dst_v[u]], sem_sc[u],
                                 add=True)
        return 0

    lax.fori_loop(0, (_NCH // _NW + _NSLOT) // _NSLOT, tri_body, 0)

    for u in range(_NSLOT):
        pltpu.make_async_copy(ebuf[u], acc.at[pl.ds(0, _CHUNK)],
                              sem_sc[u]).wait()

    plsc.subcore_barrier()

    row0 = sid * _STRIPE
    pltpu.sync_copy(acc.at[pl.ds(row0, _STRIPE)],
                    out_hbm.at[pl.ds(cid * _N + row0, _STRIPE)])

    @pl.when(sid == 15)
    def _write_tail():
        pltpu.sync_copy(acc.at[pl.ds(16 * _STRIPE, _TAIL)],
                        out_hbm.at[pl.ds(cid * _N + 16 * _STRIPE, _TAIL)])


def _sc_edge(x, e_l, src, dst):
    mesh = plsc.VectorSubcoreMesh(core_axis_name="c", subcore_axis_name="s")
    f = functools.partial(
        pl.kernel,
        out_type=jax.ShapeDtypeStruct((2 * _N, _D), jnp.float32),
        mesh=mesh,
        scratch_types=(
            [pltpu.VMEM((_CHUNK,), jnp.int32)] * 3
            + [pltpu.VMEM((_CHUNK,), jnp.int32)] * 3
            + [pltpu.VMEM((_CHUNK, _D), jnp.float32)] * 3
            + [pltpu.VMEM((_CHUNK, _D), jnp.float32)] * 3
            + [pltpu.VMEM_SHARED((_N, _D), jnp.float32)]
            + [pltpu.SemaphoreType.DMA] * 15
        ),
    )(_sc_edge_body)
    return f(x, e_l, src, dst)



def _node_body(x_ref, agg_ref, w_ref, b_ref, g_ref, bt_ref, o_ref):
    xa = x_ref[...] + agg_ref[0:_N, :] + agg_ref[_N:2 * _N, :]
    h = jnp.dot(xa, w_ref[...], preferred_element_type=jnp.float32) + b_ref[...]
    mu = jnp.mean(h, axis=0, keepdims=True)
    var = jnp.mean(h * h, axis=0, keepdims=True) - mu * mu
    hn = (h - mu) * lax.rsqrt(var + 1e-5) * g_ref[...] + bt_ref[...]
    o_ref[...] = jnp.where(hn >= 0, hn, 0.01 * hn)


def _node(x, agg2, w, b, g, bt):
    return pl.pallas_call(
        _node_body,
        out_shape=jax.ShapeDtypeStruct((_N, _D), jnp.float32),
    )(x, agg2, w, b.reshape(1, _D), g.reshape(1, _D), bt.reshape(1, _D))



def _final_body(h1_ref, h2_ref, h3_ref, brow_ref, bcol_ref, wl_ref, bl_ref,
                o_ref):
    w1 = wl_ref[0:_D, :]
    w2 = wl_ref[_D:2 * _D, :]
    w3 = wl_ref[2 * _D:3 * _D, :]
    w4 = wl_ref[3 * _D:4 * _D, :]
    h3 = h3_ref[...]
    t = (jnp.dot(h1_ref[...], w1, preferred_element_type=jnp.float32)
         + jnp.dot(h2_ref[...], w2, preferred_element_type=jnp.float32)
         + jnp.dot(h3, w3, preferred_element_type=jnp.float32))
    oh = (lax.broadcasted_iota(jnp.int32, (_G, _N), 0)
          == brow_ref[...]).astype(jnp.float32)
    pool = jnp.dot(oh, h3, preferred_element_type=jnp.float32)
    s = jnp.dot(pool, w4, preferred_element_type=jnp.float32)
    oht = (lax.broadcasted_iota(jnp.int32, (_N, _G), 1)
           == bcol_ref[...]).astype(jnp.float32)
    pooled = jnp.dot(oht, s, preferred_element_type=jnp.float32)
    z = t + pooled + bl_ref[...]
    o_ref[...] = 1.0 / (1.0 + jnp.exp(-z))


def _final(h1, h2, h3, batch, wl, bl):
    return pl.pallas_call(
        _final_body,
        out_shape=jax.ShapeDtypeStruct((_N, 1), jnp.float32),
    )(h1, h2, h3, batch.reshape(1, _N), batch.reshape(_N, 1), wl,
      bl.reshape(1, 1))



def kernel(x, edge_index, edge_attr, batch,
           W1e, b1e, W1, b1, g1, bt1,
           W2e, b2e, W2, b2, g2, bt2,
           W3e, b3e, W3, b3, g3, bt3,
           Wl, bl):
    src = edge_index[0]
    dst = edge_index[1]
    e1, e2, e3 = _edge_mlp(edge_attr, W1e, b1e, W2e, b2e, W3e, b3e)

    h = x
    hs = []
    for e_l, w, b, g, bt in ((e1, W1, b1, g1, bt1),
                             (e2, W2, b2, g2, bt2),
                             (e3, W3, b3, g3, bt3)):
        agg2 = _sc_edge(h, e_l, src, dst)
        h = _node(h, agg2, w, b, g, bt)
        hs.append(h)

    return _final(hs[0], hs[1], hs[2], batch, Wl, bl)

# --- scband reference (transcript-rebuilt; emitter-appended) ---
"""Pipeline reference for scband-gin-87497073754464 (READ-ONLY COPY).

The authoritative reference and input builder live on the scoring server;
editing this copy changes nothing except your own understanding.
"""

import jax, jax.numpy as jnp
import numpy as np

N, D, H, ED, E, G = 10000, 128, 128, 16, 320000, 64


def setup_inputs(seed: int = 0):
    key = jax.random.key(seed)
    ks = jax.random.split(key, 32)
    x = jax.random.normal(ks[0], (N, D), dtype=jnp.float32)
    edge_index = jax.random.randint(ks[1], (2, E), 0, N, dtype=jnp.int32)
    edge_attr = jax.random.normal(ks[2], (E, ED), dtype=jnp.float32)
    batch = jnp.sort(jax.random.randint(ks[3], (N,), 0, G, dtype=jnp.int32))
    s = 0.05
    inp = {
        'x': x, 'edge_index': edge_index, 'edge_attr': edge_attr, 'batch': batch,
        'W1e': jax.random.normal(ks[4], (ED, D), dtype=jnp.float32) * s,
        'b1e': jnp.zeros((D,), dtype=jnp.float32),
        'W1': jax.random.normal(ks[5], (D, H), dtype=jnp.float32) * s,
        'b1': jnp.zeros((H,), dtype=jnp.float32),
        'g1': jnp.ones((H,), dtype=jnp.float32),
        'bt1': jnp.zeros((H,), dtype=jnp.float32),
        'W2e': jax.random.normal(ks[6], (ED, H), dtype=jnp.float32) * s,
        'b2e': jnp.zeros((H,), dtype=jnp.float32),
        'W2': jax.random.normal(ks[7], (H, H), dtype=jnp.float32) * s,
        'b2': jnp.zeros((H,), dtype=jnp.float32),
        'g2': jnp.ones((H,), dtype=jnp.float32),
        'bt2': jnp.zeros((H,), dtype=jnp.float32),
        'W3e': jax.random.normal(ks[8], (ED, H), dtype=jnp.float32) * s,
        'b3e': jnp.zeros((H,), dtype=jnp.float32),
        'W3': jax.random.normal(ks[9], (H, H), dtype=jnp.float32) * s,
        'b3': jnp.zeros((H,), dtype=jnp.float32),
        'g3': jnp.ones((H,), dtype=jnp.float32),
        'bt3': jnp.zeros((H,), dtype=jnp.float32),
        'Wl': jax.random.normal(ks[10], (4 * H, 1), dtype=jnp.float32) * s,
        'bl': jnp.zeros((1,), dtype=jnp.float32),
    }
    return inp


def _gine(x, edge_index, edge_attr, We, be, W, b, g, bt):
    # GINEConv: out = nn((1+eps)*x + sum_j ReLU(x_j + lin(edge_attr)))  with eps=0
    src = edge_index[0]
    dst = edge_index[1]
    e = edge_attr @ We + be
    m = jax.nn.relu(x[src] + e)
    agg = jax.ops.segment_sum(m, dst, num_segments=x.shape[0])
    h = x + agg
    # nn = Linear -> BatchNorm1d (batch stats) -> LeakyReLU -> Dropout(p=0, identity)
    h = h @ W + b
    mu = jnp.mean(h, axis=0)
    var = jnp.var(h, axis=0)
    h = (h - mu) * jax.lax.rsqrt(var + 1e-5) * g + bt
    h = jnp.where(h >= 0, h, 0.01 * h)  # LeakyReLU(0.01)
    return h


def reference(x, edge_index, edge_attr, batch,
              W1e, b1e, W1, b1, g1, bt1,
              W2e, b2e, W2, b2, g2, bt2,
              W3e, b3e, W3, b3, g3, bt3,
              Wl, bl):
    h1 = _gine(x, edge_index, edge_attr, W1e, b1e, W1, b1, g1, bt1)
    h2 = _gine(h1, edge_index, edge_attr, W2e, b2e, W2, b2, g2, bt2)
    h3 = _gine(h2, edge_index, edge_attr, W3e, b3e, W3, b3, g3, bt3)
    # global_add_pool then repeat_interleave by per-graph counts (batch is sorted,
    # so repeat_interleave(h_pool, counts) == h_pool[batch])
    h_pool = jax.ops.segment_sum(h3, batch, num_segments=G)
    h_pool_ = h_pool[batch]
    h = jnp.concatenate([h1, h2, h3, h_pool_], axis=1)
    h = h @ Wl + bl
    return jax.nn.sigmoid(h)

if __name__ == "__main__":
    import jax
    _d = setup_inputs()
    print(jax.jit(kernel)(*tuple(_d.values())))

</pallas_src>

<mosaic_0001>
#map = affine_map<(d0, d1) -> (0, 0)>
#map1 = affine_map<(d0, d1) -> (0)>
module attributes {stable_mosaic.version = 14 : i64} {
  func.func @_sc_edge_body(%arg0: i32, %arg1: i32, %arg2: memref<10000x128xf32, #tpu.memory_space<hbm>>, %arg3: memref<320000x128xf32, #tpu.memory_space<hbm>>, %arg4: memref<320000xi32, #tpu.memory_space<hbm>>, %arg5: memref<320000xi32, #tpu.memory_space<hbm>>, %arg6: memref<20000x128xf32, #tpu.memory_space<hbm>>, %arg7: memref<64xi32, #tpu.memory_space<vmem>>, %arg8: memref<64xi32, #tpu.memory_space<vmem>>, %arg9: memref<64xi32, #tpu.memory_space<vmem>>, %arg10: memref<64xi32, #tpu.memory_space<vmem>>, %arg11: memref<64xi32, #tpu.memory_space<vmem>>, %arg12: memref<64xi32, #tpu.memory_space<vmem>>, %arg13: memref<64x128xf32, #tpu.memory_space<vmem>>, %arg14: memref<64x128xf32, #tpu.memory_space<vmem>>, %arg15: memref<64x128xf32, #tpu.memory_space<vmem>>, %arg16: memref<64x128xf32, #tpu.memory_space<vmem>>, %arg17: memref<64x128xf32, #tpu.memory_space<vmem>>, %arg18: memref<64x128xf32, #tpu.memory_space<vmem>>, %arg19: memref<10000x128xf32, #tpu.memory_space<vmem_shared>>, %arg20: memref<!tpu.dma_semaphore, #tpu.memory_space<semaphore_mem>>, %arg21: memref<!tpu.dma_semaphore, #tpu.memory_space<semaphore_mem>>, %arg22: memref<!tpu.dma_semaphore, #tpu.memory_space<semaphore_mem>>, %arg23: memref<!tpu.dma_semaphore, #tpu.memory_space<semaphore_mem>>, %arg24: memref<!tpu.dma_semaphore, #tpu.memory_space<semaphore_mem>>, %arg25: memref<!tpu.dma_semaphore, #tpu.memory_space<semaphore_mem>>, %arg26: memref<!tpu.dma_semaphore, #tpu.memory_space<semaphore_mem>>, %arg27: memref<!tpu.dma_semaphore, #tpu.memory_space<semaphore_mem>>, %arg28: memref<!tpu.dma_semaphore, #tpu.memory_space<semaphore_mem>>, %arg29: memref<!tpu.dma_semaphore, #tpu.memory_space<semaphore_mem>>, %arg30: memref<!tpu.dma_semaphore, #tpu.memory_space<semaphore_mem>>, %arg31: memref<!tpu.dma_semaphore, #tpu.memory_space<semaphore_mem>>, %arg32: memref<!tpu.dma_semaphore, #tpu.memory_space<semaphore_mem>>, %arg33: memref<!tpu.dma_semaphore, #tpu.memory_space<semaphore_mem>>, %arg34: memref<!tpu.dma_semaphore, #tpu.memory_space<semaphore_mem>>) attributes {dimension_semantics = [#tpu.dimension_semantics<core_parallel>, #tpu.dimension_semantics<subcore_parallel>], iteration_bounds = array<i64: 2, 16>, scalar_prefetch = 0 : i64, scratch_operands = 28 : i64, tpu.core_type = #tpu.core_type<sc_vector_subcore>, window_params = [{transform_indices = #map}, {transform_indices = #map}, {transform_indices = #map1}, {transform_indices = #map1}, {transform_indices = #map}]} {
    %mul3A = arith.constant 2 : i32
    %mul3A_0 = arith.muli %arg1, %mul3A : i32
    %add3A = arith.addi %mul3A_0, %arg0 : i32
    %scan3A = arith.constant 0 : i32
    %scan3A_1 = arith.constant 0 : i32
    %scan3A_2 = arith.constant 64 : i32
    %scan3A_3 = arith.addi %scan3A_1, %scan3A_2 : i32
    %scan3A_4 = arith.constant 1 : i32
    %scan3A_5 = scf.for %scan3A_122 = %scan3A_1 to %scan3A_3 step %scan3A_4 iter_args(%scan3A_123 = %scan3A) -> (i32)  : i32 {
      %broadcast_in_dim3A = arith.constant 0.000000e+00 : f32
      %broadcast_in_dim3A_124 = vector.broadcast %broadcast_in_dim3A : f32 to vector<16xf32>
      %swap3A = arith.index_cast %scan3A_122 : i32 to index
      %swap3A_125 = arith.constant 0 : index
      %swap3A_126 = tpu.vector_load %arg13[%swap3A, %swap3A_125] {strides = array<i32>} : memref<64x128xf32, #tpu.memory_space<vmem>>, vector<1x16xf32>,
      %swap3A_127 = vector.shape_cast %swap3A_126 : vector<1x16xf32> to vector<16xf32>
      %swap3A_128 = vector.shape_cast %broadcast_in_dim3A_124 : vector<16xf32> to vector<1x16xf32>
      tpu.vector_store %arg13[%swap3A, %swap3A_125], %swap3A_128 {strides = array<i32>} : memref<64x128xf32, #tpu.memory_space<vmem>>, vector<1x16xf32>,
      %broadcast_in_dim3A_129 = arith.constant 0.000000e+00 : f32
      %broadcast_in_dim3A_130 = vector.broadcast %broadcast_in_dim3A_129 : f32 to vector<16xf32>
      %swap3A_131 = arith.index_cast %scan3A_122 : i32 to index
      %swap3A_132 = arith.constant 16 : index
      %swap3A_133 = tpu.vector_load %arg13[%swap3A_131, %swap3A_132] {strides = array<i32>} : memref<64x128xf32, #tpu.memory_space<vmem>>, vector<1x16xf32>,
      %swap3A_134 = vector.shape_cast %swap3A_133 : vector<1x16xf32> to vector<16xf32>
      %swap3A_135 = vector.shape_cast %broadcast_in_dim3A_130 : vector<16xf32> to vector<1x16xf32>
      tpu.vector_store %arg13[%swap3A_131, %swap3A_132], %swap3A_135 {strides = array<i32>} : memref<64x128xf32, #tpu.memory_space<vmem>>, vector<1x16xf32>,
      %broadcast_in_dim3A_136 = arith.constant 0.000000e+00 : f32
      %broadcast_in_dim3A_137 = vector.broadcast %broadcast_in_dim3A_136 : f32 to vector<16xf32>
      %swap3A_138 = arith.index_cast %scan3A_122 : i32 to index
      %swap3A_139 = arith.constant 32 : index
      %swap3A_140 = tpu.vector_load %arg13[%swap3A_138, %swap3A_139] {strides = array<i32>} : memref<64x128xf32, #tpu.memory_space<vmem>>, vector<1x16xf32>,
      %swap3A_141 = vector.shape_cast %swap3A_140 : vector<1x16xf32> to vector<16xf32>
      %swap3A_142 = vector.shape_cast %broadcast_in_dim3A_137 : vector<16xf32> to vector<1x16xf32>
      tpu.vector_store %arg13[%swap3A_138, %swap3A_139], %swap3A_142 {strides = array<i32>} : memref<64x128xf32, #tpu.memory_space<vmem>>, vector<1x16xf32>,
      %broadcast_in_dim3A_143 = arith.constant 0.000000e+00 : f32
      %broadcast_in_dim3A_144 = vector.broadcast %broadcast_in_dim3A_143 : f32 to vector<16xf32>
      %swap3A_145 = arith.index_cast %scan3A_122 : i32 to index
      %swap3A_146 = arith.constant 48 : index
      %swap3A_147 = tpu.vector_load %arg13[%swap3A_145, %swap3A_146] {strides = array<i32>} : memref<64x128xf32, #tpu.memory_space<vmem>>, vector<1x16xf32>,
      %swap3A_148 = vector.shape_cast %swap3A_147 : vector<1x16xf32> to vector<16xf32>
      %swap3A_149 = vector.shape_cast %broadcast_in_dim3A_144 : vector<16xf32> to vector<1x16xf32>
      tpu.vector_store %arg13[%swap3A_145, %swap3A_146], %swap3A_149 {strides = array<i32>} : memref<64x128xf32, #tpu.memory_space<vmem>>, vector<1x16xf32>,
      %broadcast_in_dim3A_150 = arith.constant 0.000000e+00 : f32
      %broadcast_in_dim3A_151 = vector.broadcast %broadcast_in_dim3A_150 : f32 to vector<16xf32>
      %swap3A_152 = arith.index_cast %scan3A_122 : i32 to index
      %swap3A_153 = arith.constant 64 : index
      %swap3A_154 = tpu.vector_load %arg13[%swap3A_152, %swap3A_153] {strides = array<i32>} : memref<64x128xf32, #tpu.memory_space<vmem>>, vector<1x16xf32>,
      %swap3A_155 = vector.shape_cast %swap3A_154 : vector<1x16xf32> to vector<16xf32>
      %swap3A_156 = vector.shape_cast %broadcast_in_dim3A_151 : vector<16xf32> to vector<1x16xf32>
      tpu.vector_store %arg13[%swap3A_152, %swap3A_153], %swap3A_156 {strides = array<i32>} : memref<64x128xf32, #tpu.memory_space<vmem>>, vector<1x16xf32>,
      %broadcast_in_dim3A_157 = arith.constant 0.000000e+00 : f32
      %broadcast_in_dim3A_158 = vector.broadcast %broadcast_in_dim3A_157 : f32 to vector<16xf32>
      %swap3A_159 = arith.index_cast %scan3A_122 : i32 to index
      %swap3A_160 = arith.constant 80 : index
      %swap3A_161 = tpu.vector_load %arg13[%swap3A_159, %swap3A_160] {strides = array<i32>} : memref<64x128xf32, #tpu.memory_space<vmem>>, vector<1x16xf32>,
      %swap3A_162 = vector.shape_cast %swap3A_161 : vector<1x16xf32> to vector<16xf32>
      %swap3A_163 = vector.shape_cast %broadcast_in_dim3A_158 : vector<16xf32> to vector<1x16xf32>
      tpu.vector_store %arg13[%swap3A_159, %swap3A_160], %swap3A_163 {strides = array<i32>} : memref<64x128xf32, #tpu.memory_space<vmem>>, vector<1x16xf32>,
      %broadcast_in_dim3A_164 = arith.constant 0.000000e+00 : f32
      %broadcast_in_dim3A_165 = vector.broadcast %broadcast_in_dim3A_164 : f32 to vector<16xf32>
      %swap3A_166 = arith.index_cast %scan3A_122 : i32 to index
      %swap3A_167 = arith.constant 96 : index
      %swap3A_168 = tpu.vector_load %arg13[%swap3A_166, %swap3A_167] {strides = array<i32>} : memref<64x128xf32, #tpu.memory_space<vmem>>, vector<1x16xf32>,
      %swap3A_169 = vector.shape_cast %swap3A_168 : vector<1x16xf32> to vector<16xf32>
      %swap3A_170 = vector.shape_cast %broadcast_in_dim3A_165 : vector<16xf32> to vector<1x16xf32>
      tpu.vector_store %arg13[%swap3A_166, %swap3A_167], %swap3A_170 {strides = array<i32>} : memref<64x128xf32, #tpu.memory_space<vmem>>, vector<1x16xf32>,
      %broadcast_in_dim3A_171 = arith.constant 0.000000e+00 : f32
      %broadcast_in_dim3A_172 = vector.broadcast %broadcast_in_dim3A_171 : f32 to vector<16xf32>
      %swap3A_173 = arith.index_cast %scan3A_122 : i32 to index
      %swap3A_174 = arith.constant 112 : index
      %swap3A_175 = tpu.vector_load %arg13[%swap3A_173, %swap3A_174] {strides = array<i32>} : memref<64x128xf32, #tpu.memory_space<vmem>>, vector<1x16xf32>,
      %swap3A_176 = vector.shape_cast %swap3A_175 : vector<1x16xf32> to vector<16xf32>
      %swap3A_177 = vector.shape_cast %broadcast_in_dim3A_172 : vector<16xf32> to vector<1x16xf32>
      tpu.vector_store %arg13[%swap3A_173, %swap3A_174], %swap3A_177 {strides = array<i32>} : memref<64x128xf32, #tpu.memory_space<vmem>>, vector<1x16xf32>,
      %scan3A_178 = arith.constant 0 : i32
      scf.yield %scan3A_178 : i32
    }
    %scan3A_6 = arith.constant 64 : i32
    %mul3A_7 = arith.constant 624 : i32
    %mul3A_8 = arith.muli %arg1, %mul3A_7 : i32
    %add3A_9 = arith.constant 0 : i32
    %add3A_10 = arith.addi %mul3A_8, %add3A_9 : i32
    "tpu.region"() ({
      %run_scoped3A = tpu.sem_alloc : memref<!tpu.dma_semaphore, #tpu.memory_space<semaphore_mem>>
      %dma_start3A_122 = arith.constant 0 : i32
      %dma_start3A_123 = tpu.memref_slice %arg19[%add3A_10, %dma_start3A_122] : memref<10000x128xf32, #tpu.memory_space<vmem_shared>> -> memref<64x128xf32, #tpu.memory_space<vmem_shared>>
      %dma_start3A_124 = arith.constant 0 : i32
      %dma_start3A_125 = tpu.memref_slice %arg19[%add3A_10, %dma_start3A_124] : memref<10000x128xf32, #tpu.memory_space<vmem_shared>> -> memref<64x128xf32, #tpu.memory_space<vmem_shared>>
      tpu.enqueue_dma source(%arg13 : memref<64x128xf32, #tpu.memory_space<vmem>>) target(%dma_start3A_125 : memref<64x128xf32, #tpu.memory_space<vmem_shared>>) target_semaphore(%run_scoped3A : memref<!tpu.dma_semaphore, #tpu.memory_space<semaphore_mem>>)
      %dma_wait3A_126 = arith.constant 0 : i32
      %dma_wait3A_127 = tpu.memref_slice %arg19[%add3A_10, %dma_wait3A_126] : memref<10000x128xf32, #tpu.memory_space<vmem_shared>> -> memref<64x128xf32, #tpu.memory_space<vmem_shared>>
      %dma_wait3A_128 = arith.constant 0 : i32
      %dma_wait3A_129 = tpu.memref_slice %arg19[%add3A_10, %dma_wait3A_128] : memref<10000x128xf32, #tpu.memory_space<vmem_shared>> -> memref<64x128xf32, #tpu.memory_space<vmem_shared>>
      tpu.wait_dma2 semaphore(%run_scoped3A : memref<!tpu.dma_semaphore, #tpu.memory_space<semaphore_mem>>) src(%arg13 : memref<64x128xf32, #tpu.memory_space<vmem>>) dst(%dma_wait3A_129 : memref<64x128xf32, #tpu.memory_space<vmem_shared>>)
      tpu.yield
    }) : () -> ()
    %mul3A_11 = arith.constant 624 : i32
    %mul3A_12 = arith.muli %arg1, %mul3A_11 : i32
    %add3A_13 = arith.constant 64 : i32
    %add3A_14 = arith.addi %mul3A_12, %add3A_13 : i32
    "tpu.region"() ({
      %run_scoped3A = tpu.sem_alloc : memref<!tpu.dma_semaphore, #tpu.memory_space<semaphore_mem>>
      %dma_start3A_122 = arith.constant 0 : i32
      %dma_start3A_123 = tpu.memref_slice %arg19[%add3A_14, %dma_start3A_122] : memref<10000x128xf32, #tpu.memory_space<vmem_shared>> -> memref<64x128xf32, #tpu.memory_space<vmem_shared>>
      %dma_start3A_124 = arith.constant 0 : i32
      %dma_start3A_125 = tpu.memref_slice %arg19[%add3A_14, %dma_start3A_124] : memref<10000x128xf32, #tpu.memory_space<vmem_shared>> -> memref<64x128xf32, #tpu.memory_space<vmem_shared>>
      tpu.enqueue_dma source(%arg13 : memref<64x128xf32, #tpu.memory_space<vmem>>) target(%dma_start3A_125 : memref<64x128xf32, #tpu.memory_space<vmem_shared>>) target_semaphore(%run_scoped3A : memref<!tpu.dma_semaphore, #tpu.memory_space<semaphore_mem>>)
      %dma_wait3A_126 = arith.constant 0 : i32
      %dma_wait3A_127 = tpu.memref_slice %arg19[%add3A_14, %dma_wait3A_126] : memref<10000x128xf32, #tpu.memory_space<vmem_shared>> -> memref<64x128xf32, #tpu.memory_space<vmem_shared>>
      %dma_wait3A_128 = arith.constant 0 : i32
      %dma_wait3A_129 = tpu.memref_slice %arg19[%add3A_14, %dma_wait3A_128] : memref<10000x128xf32, #tpu.memory_space<vmem_shared>> -> memref<64x128xf32, #tpu.memory_space<vmem_shared>>
      tpu.wait_dma2 semaphore(%run_scoped3A : memref<!tpu.dma_semaphore, #tpu.memory_space<semaphore_mem>>) src(%arg13 : memref<64x128xf32, #tpu.memory_space<vmem>>) dst(%dma_wait3A_129 : memref<64x128xf32, #tpu.memory_space<vmem_shared>>)
      tpu.yield
    }) : () -> ()
    %mul3A_15 = arith.constant 624 : i32
    %mul3A_16 = arith.muli %arg1, %mul3A_15 : i32
    %add3A_17 = arith.constant 128 : i32
    %add3A_18 = arith.addi %mul3A_16, %add3A_17 : i32
    "tpu.region"() ({
      %run_scoped3A = tpu.sem_alloc : memref<!tpu.dma_semaphore, #tpu.memory_space<semaphore_mem>>
      %dma_start3A_122 = arith.constant 0 : i32
      %dma_start3A_123 = tpu.memref_slice %arg19[%add3A_18, %dma_start3A_122] : memref<10000x128xf32, #tpu.memory_space<vmem_shared>> -> memref<64x128xf32, #tpu.memory_space<vmem_shared>>
      %dma_start3A_124 = arith.constant 0 : i32
      %dma_start3A_125 = tpu.memref_slice %arg19[%add3A_18, %dma_start3A_124] : memref<10000x128xf32, #tpu.memory_space<vmem_shared>> -> memref<64x128xf32, #tpu.memory_space<vmem_shared>>
      tpu.enqueue_dma source(%arg13 : memref<64x128xf32, #tpu.memory_space<vmem>>) target(%dma_start3A_125 : memref<64x128xf32, #tpu.memory_space<vmem_shared>>) target_semaphore(%run_scoped3A : memref<!tpu.dma_semaphore, #tpu.memory_space<semaphore_mem>>)
      %dma_wait3A_126 = arith.constant 0 : i32
      %dma_wait3A_127 = tpu.memref_slice %arg19[%add3A_18, %dma_wait3A_126] : memref<10000x128xf32, #tpu.memory_space<vmem_shared>> -> memref<64x128xf32, #tpu.memory_space<vmem_shared>>
      %dma_wait3A_128 = arith.constant 0 : i32
      %dma_wait3A_129 = tpu.memref_slice %arg19[%add3A_18, %dma_wait3A_128] : memref<10000x128xf32, #tpu.memory_space<vmem_shared>> -> memref<64x128xf32, #tpu.memory_space<vmem_shared>>
      tpu.wait_dma2 semaphore(%run_scoped3A : memref<!tpu.dma_semaphore, #tpu.memory_space<semaphore_mem>>) src(%arg13 : memref<64x128xf32, #tpu.memory_space<vmem>>) dst(%dma_wait3A_129 : memref<64x128xf32, #tpu.memory_space<vmem_shared>>)
      tpu.yield
    }) : () -> ()
    %mul3A_19 = arith.constant 624 : i32
    %mul3A_20 = arith.muli %arg1, %mul3A_19 : i32
    %add3A_21 = arith.constant 192 : i32
    %add3A_22 = arith.addi %mul3A_20, %add3A_21 : i32
    "tpu.region"() ({
      %run_scoped3A = tpu.sem_alloc : memref<!tpu.dma_semaphore, #tpu.memory_space<semaphore_mem>>
      %dma_start3A_122 = arith.constant 0 : i32
      %dma_start3A_123 = tpu.memref_slice %arg19[%add3A_22, %dma_start3A_122] : memref<10000x128xf32, #tpu.memory_space<vmem_shared>> -> memref<64x128xf32, #tpu.memory_space<vmem_shared>>
      %dma_start3A_124 = arith.constant 0 : i32
      %dma_start3A_125 = tpu.memref_slice %arg19[%add3A_22, %dma_start3A_124] : memref<10000x128xf32, #tpu.memory_space<vmem_shared>> -> memref<64x128xf32, #tpu.memory_space<vmem_shared>>
      tpu.enqueue_dma source(%arg13 : memref<64x128xf32, #tpu.memory_space<vmem>>) target(%dma_start3A_125 : memref<64x128xf32, #tpu.memory_space<vmem_shared>>) target_semaphore(%run_scoped3A : memref<!tpu.dma_semaphore, #tpu.memory_space<semaphore_mem>>)
      %dma_wait3A_126 = arith.constant 0 : i32
      %dma_wait3A_127 = tpu.memref_slice %arg19[%add3A_22, %dma_wait3A_126] : memref<10000x128xf32, #tpu.memory_space<vmem_shared>> -> memref<64x128xf32, #tpu.memory_space<vmem_shared>>
      %dma_wait3A_128 = arith.constant 0 : i32
      %dma_wait3A_129 = tpu.memref_slice %arg19[%add3A_22, %dma_wait3A_128] : memref<10000x128xf32, #tpu.memory_space<vmem_shared>> -> memref<64x128xf32, #tpu.memory_space<vmem_shared>>
      tpu.wait_dma2 semaphore(%run_scoped3A : memref<!tpu.dma_semaphore, #tpu.memory_space<semaphore_mem>>) src(%arg13 : memref<64x128xf32, #tpu.memory_space<vmem>>) dst(%dma_wait3A_129 : memref<64x128xf32, #tpu.memory_space<vmem_shared>>)
      tpu.yield
    }) : () -> ()
    %mul3A_23 = arith.constant 624 : i32
    %mul3A_24 = arith.muli %arg1, %mul3A_23 : i32
    %add3A_25 = arith.constant 256 : i32
    %add3A_26 = arith.addi %mul3A_24, %add3A_25 : i32
    "tpu.region"() ({
      %run_scoped3A = tpu.sem_alloc : memref<!tpu.dma_semaphore, #tpu.memory_space<semaphore_mem>>
      %dma_start3A_122 = arith.constant 0 : i32
      %dma_start3A_123 = tpu.memref_slice %arg19[%add3A_26, %dma_start3A_122] : memref<10000x128xf32, #tpu.memory_space<vmem_shared>> -> memref<64x128xf32, #tpu.memory_space<vmem_shared>>
      %dma_start3A_124 = arith.constant 0 : i32
      %dma_start3A_125 = tpu.memref_slice %arg19[%add3A_26, %dma_start3A_124] : memref<10000x128xf32, #tpu.memory_space<vmem_shared>> -> memref<64x128xf32, #tpu.memory_space<vmem_shared>>
      tpu.enqueue_dma source(%arg13 : memref<64x128xf32, #tpu.memory_space<vmem>>) target(%dma_start3A_125 : memref<64x128xf32, #tpu.memory_space<vmem_shared>>) target_semaphore(%run_scoped3A : memref<!tpu.dma_semaphore, #tpu.memory_space<semaphore_mem>>)
      %dma_wait3A_126 = arith.constant 0 : i32
      %dma_wait3A_127 = tpu.memref_slice %arg19[%add3A_26, %dma_wait3A_126] : memref<10000x128xf32, #tpu.memory_space<vmem_shared>> -> memref<64x128xf32, #tpu.memory_space<vmem_shared>>
      %dma_wait3A_128 = arith.constant 0 : i32
      %dma_wait3A_129 = tpu.memref_slice %arg19[%add3A_26, %dma_wait3A_128] : memref<10000x128xf32, #tpu.memory_space<vmem_shared>> -> memref<64x128xf32, #tpu.memory_space<vmem_shared>>
      tpu.wait_dma2 semaphore(%run_scoped3A : memref<!tpu.dma_semaphore, #tpu.memory_space<semaphore_mem>>) src(%arg13 : memref<64x128xf32, #tpu.memory_space<vmem>>) dst(%dma_wait3A_129 : memref<64x128xf32, #tpu.memory_space<vmem_shared>>)
      tpu.yield
    }) : () -> ()
    %mul3A_27 = arith.constant 624 : i32
    %mul3A_28 = arith.muli %arg1, %mul3A_27 : i32
    %add3A_29 = arith.constant 320 : i32
    %add3A_30 = arith.addi %mul3A_28, %add3A_29 : i32
    "tpu.region"() ({
      %run_scoped3A = tpu.sem_alloc : memref<!tpu.dma_semaphore, #tpu.memory_space<semaphore_mem>>
      %dma_start3A_122 = arith.constant 0 : i32
      %dma_start3A_123 = tpu.memref_slice %arg19[%add3A_30, %dma_start3A_122] : memref<10000x128xf32, #tpu.memory_space<vmem_shared>> -> memref<64x128xf32, #tpu.memory_space<vmem_shared>>
      %dma_start3A_124 = arith.constant 0 : i32
      %dma_start3A_125 = tpu.memref_slice %arg19[%add3A_30, %dma_start3A_124] : memref<10000x128xf32, #tpu.memory_space<vmem_shared>> -> memref<64x128xf32, #tpu.memory_space<vmem_shared>>
      tpu.enqueue_dma source(%arg13 : memref<64x128xf32, #tpu.memory_space<vmem>>) target(%dma_start3A_125 : memref<64x128xf32, #tpu.memory_space<vmem_shared>>) target_semaphore(%run_scoped3A : memref<!tpu.dma_semaphore, #tpu.memory_space<semaphore_mem>>)
      %dma_wait3A_126 = arith.constant 0 : i32
      %dma_wait3A_127 = tpu.memref_slice %arg19[%add3A_30, %dma_wait3A_126] : memref<10000x128xf32, #tpu.memory_space<vmem_shared>> -> memref<64x128xf32, #tpu.memory_space<vmem_shared>>
      %dma_wait3A_128 = arith.constant 0 : i32
      %dma_wait3A_129 = tpu.memref_slice %arg19[%add3A_30, %dma_wait3A_128] : memref<10000x128xf32, #tpu.memory_space<vmem_shared>> -> memref<64x128xf32, #tpu.memory_space<vmem_shared>>
      tpu.wait_dma2 semaphore(%run_scoped3A : memref<!tpu.dma_semaphore, #tpu.memory_space<semaphore_mem>>) src(%arg13 : memref<64x128xf32, #tpu.memory_space<vmem>>) dst(%dma_wait3A_129 : memref<64x128xf32, #tpu.memory_space<vmem_shared>>)
      tpu.yield
    }) : () -> ()
    %mul3A_31 = arith.constant 624 : i32
    %mul3A_32 = arith.muli %arg1, %mul3A_31 : i32
    %add3A_33 = arith.constant 384 : i32
    %add3A_34 = arith.addi %mul3A_32, %add3A_33 : i32
    "tpu.region"() ({
      %run_scoped3A = tpu.sem_alloc : memref<!tpu.dma_semaphore, #tpu.memory_space<semaphore_mem>>
      %dma_start3A_122 = arith.constant 0 : i32
      %dma_start3A_123 = tpu.memref_slice %arg19[%add3A_34, %dma_start3A_122] : memref<10000x128xf32, #tpu.memory_space<vmem_shared>> -> memref<64x128xf32, #tpu.memory_space<vmem_shared>>
      %dma_start3A_124 = arith.constant 0 : i32
      %dma_start3A_125 = tpu.memref_slice %arg19[%add3A_34, %dma_start3A_124] : memref<10000x128xf32, #tpu.memory_space<vmem_shared>> -> memref<64x128xf32, #tpu.memory_space<vmem_shared>>
      tpu.enqueue_dma source(%arg13 : memref<64x128xf32, #tpu.memory_space<vmem>>) target(%dma_start3A_125 : memref<64x128xf32, #tpu.memory_space<vmem_shared>>) target_semaphore(%run_scoped3A : memref<!tpu.dma_semaphore, #tpu.memory_space<semaphore_mem>>)
      %dma_wait3A_126 = arith.constant 0 : i32
      %dma_wait3A_127 = tpu.memref_slice %arg19[%add3A_34, %dma_wait3A_126] : memref<10000x128xf32, #tpu.memory_space<vmem_shared>> -> memref<64x128xf32, #tpu.memory_space<vmem_shared>>
      %dma_wait3A_128 = arith.constant 0 : i32
      %dma_wait3A_129 = tpu.memref_slice %arg19[%add3A_34, %dma_wait3A_128] : memref<10000x128xf32, #tpu.memory_space<vmem_shared>> -> memref<64x128xf32, #tpu.memory_space<vmem_shared>>
      tpu.wait_dma2 semaphore(%run_scoped3A : memref<!tpu.dma_semaphore, #tpu.memory_space<semaphore_mem>>) src(%arg13 : memref<64x128xf32, #tpu.memory_space<vmem>>) dst(%dma_wait3A_129 : memref<64x128xf32, #tpu.memory_space<vmem_shared>>)
      tpu.yield
    }) : () -> ()
    %mul3A_35 = arith.constant 624 : i32
    %mul3A_36 = arith.muli %arg1, %mul3A_35 : i32
    %add3A_37 = arith.constant 448 : i32
    %add3A_38 = arith.addi %mul3A_36, %add3A_37 : i32
    "tpu.region"() ({
      %run_scoped3A = tpu.sem_alloc : memref<!tpu.dma_semaphore, #tpu.memory_space<semaphore_mem>>
      %dma_start3A_122 = arith.constant 0 : i32
      %dma_start3A_123 = tpu.memref_slice %arg19[%add3A_38, %dma_start3A_122] : memref<10000x128xf32, #tpu.memory_space<vmem_shared>> -> memref<64x128xf32, #tpu.memory_space<vmem_shared>>
      %dma_start3A_124 = arith.constant 0 : i32
      %dma_start3A_125 = tpu.memref_slice %arg19[%add3A_38, %dma_start3A_124] : memref<10000x128xf32, #tpu.memory_space<vmem_shared>> -> memref<64x128xf32, #tpu.memory_space<vmem_shared>>
      tpu.enqueue_dma source(%arg13 : memref<64x128xf32, #tpu.memory_space<vmem>>) target(%dma_start3A_125 : memref<64x128xf32, #tpu.memory_space<vmem_shared>>) target_semaphore(%run_scoped3A : memref<!tpu.dma_semaphore, #tpu.memory_space<semaphore_mem>>)
      %dma_wait3A_126 = arith.constant 0 : i32
      %dma_wait3A_127 = tpu.memref_slice %arg19[%add3A_38, %dma_wait3A_126] : memref<10000x128xf32, #tpu.memory_space<vmem_shared>> -> memref<64x128xf32, #tpu.memory_space<vmem_shared>>
      %dma_wait3A_128 = arith.constant 0 : i32
      %dma_wait3A_129 = tpu.memref_slice %arg19[%add3A_38, %dma_wait3A_128] : memref<10000x128xf32, #tpu.memory_space<vmem_shared>> -> memref<64x128xf32, #tpu.memory_space<vmem_shared>>
      tpu.wait_dma2 semaphore(%run_scoped3A : memref<!tpu.dma_semaphore, #tpu.memory_space<semaphore_mem>>) src(%arg13 : memref<64x128xf32, #tpu.memory_space<vmem>>) dst(%dma_wait3A_129 : memref<64x128xf32, #tpu.memory_space<vmem_shared>>)
      tpu.yield
    }) : () -> ()
    %mul3A_39 = arith.constant 624 : i32
    %mul3A_40 = arith.muli %arg1, %mul3A_39 : i32
    %add3A_41 = arith.constant 512 : i32
    %add3A_42 = arith.addi %mul3A_40, %add3A_41 : i32
    "tpu.region"() ({
      %run_scoped3A = tpu.sem_alloc : memref<!tpu.dma_semaphore, #tpu.memory_space<semaphore_mem>>
      %dma_start3A_122 = arith.constant 0 : i32
      %dma_start3A_123 = tpu.memref_slice %arg19[%add3A_42, %dma_start3A_122] : memref<10000x128xf32, #tpu.memory_space<vmem_shared>> -> memref<64x128xf32, #tpu.memory_space<vmem_shared>>
      %dma_start3A_124 = arith.constant 0 : i32
      %dma_start3A_125 = tpu.memref_slice %arg19[%add3A_42, %dma_start3A_124] : memref<10000x128xf32, #tpu.memory_space<vmem_shared>> -> memref<64x128xf32, #tpu.memory_space<vmem_shared>>
      tpu.enqueue_dma source(%arg13 : memref<64x128xf32, #tpu.memory_space<vmem>>) target(%dma_start3A_125 : memref<64x128xf32, #tpu.memory_space<vmem_shared>>) target_semaphore(%run_scoped3A : memref<!tpu.dma_semaphore, #tpu.memory_space<semaphore_mem>>)
      %dma_wait3A_126 = arith.constant 0 : i32
      %dma_wait3A_127 = tpu.memref_slice %arg19[%add3A_42, %dma_wait3A_126] : memref<10000x128xf32, #tpu.memory_space<vmem_shared>> -> memref<64x128xf32, #tpu.memory_space<vmem_shared>>
      %dma_wait3A_128 = arith.constant 0 : i32
      %dma_wait3A_129 = tpu.memref_slice %arg19[%add3A_42, %dma_wait3A_128] : memref<10000x128xf32, #tpu.memory_space<vmem_shared>> -> memref<64x128xf32, #tpu.memory_space<vmem_shared>>
      tpu.wait_dma2 semaphore(%run_scoped3A : memref<!tpu.dma_semaphore, #tpu.memory_space<semaphore_mem>>) src(%arg13 : memref<64x128xf32, #tpu.memory_space<vmem>>) dst(%dma_wait3A_129 : memref<64x128xf32, #tpu.memory_space<vmem_shared>>)
      tpu.yield
    }) : () -> ()
    %mul3A_43 = arith.constant 624 : i32
    %mul3A_44 = arith.muli %arg1, %mul3A_43 : i32
    %add3A_45 = arith.constant 576 : i32
    %add3A_46 = arith.addi %mul3A_44, %add3A_45 : i32
    "tpu.region"() ({
      %run_scoped3A = tpu.sem_alloc : memref<!tpu.dma_semaphore, #tpu.memory_space<semaphore_mem>>
      %dma_start3A_122 = arith.constant 0 : i32
      %dma_start3A_123 = arith.constant 0 : i32
      %dma_start3A_124 = tpu.memref_slice %arg13[%dma_start3A_122, %dma_start3A_123] : memref<64x128xf32, #tpu.memory_space<vmem>> -> memref<48x128xf32, #tpu.memory_space<vmem>>
      %dma_start3A_125 = arith.constant 0 : i32
      %dma_start3A_126 = tpu.memref_slice %arg19[%add3A_46, %dma_start3A_125] : memref<10000x128xf32, #tpu.memory_space<vmem_shared>> -> memref<48x128xf32, #tpu.memory_space<vmem_shared>>
      %dma_start3A_127 = arith.constant 0 : i32
      %dma_start3A_128 = tpu.memref_slice %arg19[%add3A_46, %dma_start3A_127] : memref<10000x128xf32, #tpu.memory_space<vmem_shared>> -> memref<48x128xf32, #tpu.memory_space<vmem_shared>>
      %dma_start3A_129 = arith.constant 0 : i32
      %dma_start3A_130 = arith.constant 0 : i32
      %dma_start3A_131 = tpu.memref_slice %arg13[%dma_start3A_129, %dma_start3A_130] : memref<64x128xf32, #tpu.memory_space<vmem>> -> memref<48x128xf32, #tpu.memory_space<vmem>>
      tpu.enqueue_dma source(%dma_start3A_131 : memref<48x128xf32, #tpu.memory_space<vmem>>) target(%dma_start3A_128 : memref<48x128xf32, #tpu.memory_space<vmem_shared>>) target_semaphore(%run_scoped3A : memref<!tpu.dma_semaphore, #tpu.memory_space<semaphore_mem>>)
      %dma_wait3A_132 = arith.constant 0 : i32
      %dma_wait3A_133 = arith.constant 0 : i32
      %dma_wait3A_134 = tpu.memref_slice %arg13[%dma_wait3A_132, %dma_wait3A_133] : memref<64x128xf32, #tpu.memory_space<vmem>> -> memref<48x128xf32, #tpu.memory_space<vmem>>
      %dma_wait3A_135 = arith.constant 0 : i32
      %dma_wait3A_136 = tpu.memref_slice %arg19[%add3A_46, %dma_wait3A_135] : memref<10000x128xf32, #tpu.memory_space<vmem_shared>> -> memref<48x128xf32, #tpu.memory_space<vmem_shared>>
      %dma_wait3A_137 = arith.constant 0 : i32
      %dma_wait3A_138 = tpu.memref_slice %arg19[%add3A_46, %dma_wait3A_137] : memref<10000x128xf32, #tpu.memory_space<vmem_shared>> -> memref<48x128xf32, #tpu.memory_space<vmem_shared>>
      %dma_wait3A_139 = arith.constant 0 : i32
      %dma_wait3A_140 = arith.constant 0 : i32
      %dma_wait3A_141 = tpu.memref_slice %arg13[%dma_wait3A_139, %dma_wait3A_140] : memref<64x128xf32, #tpu.memory_space<vmem>> -> memref<48x128xf32, #tpu.memory_space<vmem>>
      tpu.wait_dma2 semaphore(%run_scoped3A : memref<!tpu.dma_semaphore, #tpu.memory_space<semaphore_mem>>) src(%dma_wait3A_141 : memref<48x128xf32, #tpu.memory_space<vmem>>) dst(%dma_wait3A_138 : memref<48x128xf32, #tpu.memory_space<vmem_shared>>)
      tpu.yield
    }) : () -> ()
    %eq3A = arith.constant 15 : i32
    %eq3A_47 = arith.cmpi eq, %arg1, %eq3A : i32
    %convert_element_type3A = arith.extui %eq3A_47 : i1 to i32
    %cond3A = arith.constant 0 : i32
    %cond3A_48 = arith.cmpi ne, %convert_element_type3A, %cond3A : i32
    scf.if %cond3A_48 {
      "tpu.region"() ({
        %run_scoped3A = tpu.sem_alloc : memref<!tpu.dma_semaphore, #tpu.memory_space<semaphore_mem>>
        %dma_start3A_122 = arith.constant 0 : i32
        %dma_start3A_123 = arith.constant 0 : i32
        %dma_start3A_124 = tpu.memref_slice %arg13[%dma_start3A_122, %dma_start3A_123] : memref<64x128xf32, #tpu.memory_space<vmem>> -> memref<16x128xf32, #tpu.memory_space<vmem>>
        %dma_start3A_125 = arith.constant 9984 : i32
        %dma_start3A_126 = arith.constant 0 : i32
        %dma_start3A_127 = tpu.memref_slice %arg19[%dma_start3A_125, %dma_start3A_126] : memref<10000x128xf32, #tpu.memory_space<vmem_shared>> -> memref<16x128xf32, #tpu.memory_space<vmem_shared>>
        %dma_start3A_128 = arith.constant 9984 : i32
        %dma_start3A_129 = arith.constant 0 : i32
        %dma_start3A_130 = tpu.memref_slice %arg19[%dma_start3A_128, %dma_start3A_129] : memref<10000x128xf32, #tpu.memory_space<vmem_shared>> -> memref<16x128xf32, #tpu.memory_space<vmem_shared>>
        %dma_start3A_131 = arith.constant 0 : i32
        %dma_start3A_132 = arith.constant 0 : i32
        %dma_start3A_133 = tpu.memref_slice %arg13[%dma_start3A_131, %dma_start3A_132] : memref<64x128xf32, #tpu.memory_space<vmem>> -> memref<16x128xf32, #tpu.memory_space<vmem>>
        tpu.enqueue_dma source(%dma_start3A_133 : memref<16x128xf32, #tpu.memory_space<vmem>>) target(%dma_start3A_130 : memref<16x128xf32, #tpu.memory_space<vmem_shared>>) target_semaphore(%run_scoped3A : memref<!tpu.dma_semaphore, #tpu.memory_space<semaphore_mem>>)
        %dma_wait3A_134 = arith.constant 0 : i32
        %dma_wait3A_135 = arith.constant 0 : i32
        %dma_wait3A_136 = tpu.memref_slice %arg13[%dma_wait3A_134, %dma_wait3A_135] : memref<64x128xf32, #tpu.memory_space<vmem>> -> memref<16x128xf32, #tpu.memory_space<vmem>>
        %dma_wait3A_137 = arith.constant 9984 : i32
        %dma_wait3A_138 = arith.constant 0 : i32
        %dma_wait3A_139 = tpu.memref_slice %arg19[%dma_wait3A_137, %dma_wait3A_138] : memref<10000x128xf32, #tpu.memory_space<vmem_shared>> -> memref<16x128xf32, #tpu.memory_space<vmem_shared>>
        %dma_wait3A_140 = arith.constant 9984 : i32
        %dma_wait3A_141 = arith.constant 0 : i32
        %dma_wait3A_142 = tpu.memref_slice %arg19[%dma_wait3A_140, %dma_wait3A_141] : memref<10000x128xf32, #tpu.memory_space<vmem_shared>> -> memref<16x128xf32, #tpu.memory_space<vmem_shared>>
        %dma_wait3A_143 = arith.constant 0 : i32
        %dma_wait3A_144 = arith.constant 0 : i32
        %dma_wait3A_145 = tpu.memref_slice %arg13[%dma_wait3A_143, %dma_wait3A_144] : memref<64x128xf32, #tpu.memory_space<vmem>> -> memref<16x128xf32, #tpu.memory_space<vmem>>
        tpu.wait_dma2 semaphore(%run_scoped3A : memref<!tpu.dma_semaphore, #tpu.memory_space<semaphore_mem>>) src(%dma_wait3A_145 : memref<16x128xf32, #tpu.memory_space<vmem>>) dst(%dma_wait3A_142 : memref<16x128xf32, #tpu.memory_space<vmem_shared>>)
        tpu.yield
      }) : () -> ()
    } else {
    }
    %barrier3A = arith.constant 0 : index
    tpu.barrier barrier_id(%barrier3A)
    %lt3A = arith.constant 8 : i32
    %lt3A_49 = arith.cmpi slt, %add3A, %lt3A : i32
    %jit3A = arith.constant 1 : i32
    %jit3A_50 = arith.constant 0 : i32
    %select_n3A = arith.select %lt3A_49, %jit3A, %jit3A_50 : i32
    %add3A_51 = arith.constant 156 : i32
    %add3A_52 = arith.addi %add3A_51, %select_n3A : i32
    %mul3A_53 = arith.constant 0 : i32
    %mul3A_54 = arith.constant 32 : i32
    %mul3A_55 = arith.muli %mul3A_53, %mul3A_54 : i32
    %add3A_56 = arith.addi %mul3A_55, %add3A : i32
    %mul3A_57 = arith.constant 64 : i32
    %mul3A_58 = arith.muli %add3A_56, %mul3A_57 : i32
    %dma_start3A = tpu.memref_slice %arg4[%mul3A_58] : memref<320000xi32, #tpu.memory_space<hbm>> -> memref<64xi32, #tpu.memory_space<hbm>>
    %dma_start3A_59 = tpu.memref_slice %arg4[%mul3A_58] : memref<320000xi32, #tpu.memory_space<hbm>> -> memref<64xi32, #tpu.memory_space<hbm>>
    tpu.enqueue_dma source(%dma_start3A_59 : memref<64xi32, #tpu.memory_space<hbm>>) target(%arg7 : memref<64xi32, #tpu.memory_space<vmem>>) target_semaphore(%arg20 : memref<!tpu.dma_semaphore, #tpu.memory_space<semaphore_mem>>)
    %dma_start3A_60 = tpu.memref_slice %arg5[%mul3A_58] : memref<320000xi32, #tpu.memory_space<hbm>> -> memref<64xi32, #tpu.memory_space<hbm>>
    %dma_start3A_61 = tpu.memref_slice %arg5[%mul3A_58] : memref<320000xi32, #tpu.memory_space<hbm>> -> memref<64xi32, #tpu.memory_space<hbm>>
    tpu.enqueue_dma source(%dma_start3A_61 : memref<64xi32, #tpu.memory_space<hbm>>) target(%arg10 : memref<64xi32, #tpu.memory_space<vmem>>) target_semaphore(%arg23 : memref<!tpu.dma_semaphore, #tpu.memory_space<semaphore_mem>>)
    %dma_start3A_62 = arith.constant 0 : i32
    %dma_start3A_63 = tpu.memref_slice %arg3[%mul3A_58, %dma_start3A_62] : memref<320000x128xf32, #tpu.memory_space<hbm>> -> memref<64x128xf32, #tpu.memory_space<hbm>>
    %dma_start3A_64 = arith.constant 0 : i32
    %dma_start3A_65 = tpu.memref_slice %arg3[%mul3A_58, %dma_start3A_64] : memref<320000x128xf32, #tpu.memory_space<hbm>> -> memref<64x128xf32, #tpu.memory_space<hbm>>
    tpu.enqueue_dma source(%dma_start3A_65 : memref<64x128xf32, #tpu.memory_space<hbm>>) target(%arg16 : memref<64x128xf32, #tpu.memory_space<vmem>>) target_semaphore(%arg29 : memref<!tpu.dma_semaphore, #tpu.memory_space<semaphore_mem>>)
    %mul3A_66 = arith.constant 1 : i32
    %mul3A_67 = arith.constant 32 : i32
    %mul3A_68 = arith.muli %mul3A_66, %mul3A_67 : i32
    %add3A_69 = arith.addi %mul3A_68, %add3A : i32
    %mul3A_70 = arith.constant 64 : i32
    %mul3A_71 = arith.muli %add3A_69, %mul3A_70 : i32
    %dma_start3A_72 = tpu.memref_slice %arg4[%mul3A_71] : memref<320000xi32, #tpu.memory_space<hbm>> -> memref<64xi32, #tpu.memory_space<hbm>>
    %dma_start3A_73 = tpu.memref_slice %arg4[%mul3A_71] : memref<320000xi32, #tpu.memory_space<hbm>> -> memref<64xi32, #tpu.memory_space<hbm>>
    tpu.enqueue_dma source(%dma_start3A_73 : memref<64xi32, #tpu.memory_space<hbm>>) target(%arg8 : memref<64xi32, #tpu.memory_space<vmem>>) target_semaphore(%arg21 : memref<!tpu.dma_semaphore, #tpu.memory_space<semaphore_mem>>)
    %dma_start3A_74 = tpu.memref_slice %arg5[%mul3A_71] : memref<320000xi32, #tpu.memory_space<hbm>> -> memref<64xi32, #tpu.memory_space<hbm>>
    %dma_start3A_75 = tpu.memref_slice %arg5[%mul3A_71] : memref<320000xi32, #tpu.memory_space<hbm>> -> memref<64xi32, #tpu.memory_space<hbm>>
    tpu.enqueue_dma source(%dma_start3A_75 : memref<64xi32, #tpu.memory_space<hbm>>) target(%arg11 : memref<64xi32, #tpu.memory_space<vmem>>) target_semaphore(%arg24 : memref<!tpu.dma_semaphore, #tpu.memory_space<semaphore_mem>>)
    %dma_start3A_76 = arith.constant 0 : i32
    %dma_start3A_77 = tpu.memref_slice %arg3[%mul3A_71, %dma_start3A_76] : memref<320000x128xf32, #tpu.memory_space<hbm>> -> memref<64x128xf32, #tpu.memory_space<hbm>>
    %dma_start3A_78 = arith.constant 0 : i32
    %dma_start3A_79 = tpu.memref_slice %arg3[%mul3A_71, %dma_start3A_78] : memref<320000x128xf32, #tpu.memory_space<hbm>> -> memref<64x128xf32, #tpu.memory_space<hbm>>
    tpu.enqueue_dma source(%dma_start3A_79 : memref<64x128xf32, #tpu.memory_space<hbm>>) target(%arg17 : memref<64x128xf32, #tpu.memory_space<vmem>>) target_semaphore(%arg30 : memref<!tpu.dma_semaphore, #tpu.memory_space<semaphore_mem>>)
    %dma_wait3A = arith.constant 0 : i32
    %dma_wait3A_80 = tpu.memref_slice %arg4[%dma_wait3A] : memref<320000xi32, #tpu.memory_space<hbm>> -> memref<64xi32, #tpu.memory_space<hbm>>
    %dma_wait3A_81 = arith.constant 0 : i32
    %dma_wait3A_82 = tpu.memref_slice %arg4[%dma_wait3A_81] : memref<320000xi32, #tpu.memory_space<hbm>> -> memref<64xi32, #tpu.memory_space<hbm>>
    tpu.wait_dma2 semaphore(%arg20 : memref<!tpu.dma_semaphore, #tpu.memory_space<semaphore_mem>>) src(%dma_wait3A_82 : memref<64xi32, #tpu.memory_space<hbm>>) dst(%arg7 : memref<64xi32, #tpu.memory_space<vmem>>)
    %dma_start3A_83 = arith.constant 0 : i32
    %dma_start3A_84 = arith.constant 0 : i32
    %dma_start3A_85 = tpu.memref_slice %arg2[%dma_start3A_83, %dma_start3A_84] : memref<10000x128xf32, #tpu.memory_space<hbm>> -> memref<10000x128xf32, #tpu.memory_space<hbm>>
    tpu.enqueue_indirect_dma source(%dma_start3A_85 : memref<10000x128xf32, #tpu.memory_space<hbm>>) target(%arg13 : memref<64x128xf32, #tpu.memory_space<vmem>>) offsets(%arg7 : memref<64xi32, #tpu.memory_space<vmem>>) semaphore(%arg26 : memref<!tpu.dma_semaphore, #tpu.memory_space<semaphore_mem>>)
    %scan3A_86 = arith.constant 0 : i32
    %scan3A_87 = arith.constant 0 : i32
    %scan3A_88 = arith.constant 53 : i32
    %scan3A_89 = arith.addi %scan3A_87, %scan3A_88 : i32
    %scan3A_90 = arith.constant 1 : i32
    %scan3A_91 = scf.for %scan3A_122 = %scan3A_87 to %scan3A_89 step %scan3A_90 iter_args(%scan3A_123 = %scan3A_86) -> (i32)  : i32 {
      %mul3A_124 = arith.constant 3 : i32
      %mul3A_125 = arith.muli %scan3A_122, %mul3A_124 : i32
      %add3A_126 = arith.constant 0 : i32
      %add3A_127 = arith.addi %mul3A_125, %add3A_126 : i32
      %add3A_128 = arith.constant 2 : i32
      %add3A_129 = arith.addi %add3A_127, %add3A_128 : i32
      %ge3A = arith.constant 1 : i32
      %ge3A_130 = arith.cmpi sge, %add3A_127, %ge3A : i32
      %lt3A_131 = arith.cmpi slt, %add3A_129, %add3A_52 : i32
      %and3A = arith.andi %ge3A_130, %lt3A_131 : i1
      %convert_element_type3A_132 = arith.extui %and3A : i1 to i32
      %cond3A_133 = arith.constant 0 : i32
      %cond3A_134 = arith.cmpi ne, %convert_element_type3A_132, %cond3A_133 : i32
      scf.if %cond3A_134 {
        %dma_wait3A_213 = arith.constant 0 : i32
        %dma_wait3A_214 = arith.constant 0 : i32
        %dma_wait3A_215 = tpu.memref_slice %arg19[%dma_wait3A_213, %dma_wait3A_214] : memref<10000x128xf32, #tpu.memory_space<vmem_shared>> -> memref<64x128xf32, #tpu.memory_space<vmem_shared>>
        %dma_wait3A_216 = arith.constant 0 : i32
        %dma_wait3A_217 = arith.constant 0 : i32
        %dma_wait3A_218 = tpu.memref_slice %arg19[%dma_wait3A_216, %dma_wait3A_217] : memref<10000x128xf32, #tpu.memory_space<vmem_shared>> -> memref<64x128xf32, #tpu.memory_space<vmem_shared>>
        tpu.wait_dma2 semaphore(%arg34 : memref<!tpu.dma_semaphore, #tpu.memory_space<semaphore_mem>>) src(%arg18 : memref<64x128xf32, #tpu.memory_space<vmem>>) dst(%dma_wait3A_218 : memref<64x128xf32, #tpu.memory_space<vmem_shared>>)
        %mul3A_219 = arith.constant 32 : i32
        %mul3A_220 = arith.muli %add3A_129, %mul3A_219 : i32
        %add3A_221 = arith.addi %mul3A_220, %add3A : i32
        %mul3A_222 = arith.constant 64 : i32
        %mul3A_223 = arith.muli %add3A_221, %mul3A_222 : i32
        %dma_start3A_224 = tpu.memref_slice %arg4[%mul3A_223] : memref<320000xi32, #tpu.memory_space<hbm>> -> memref<64xi32, #tpu.memory_space<hbm>>
        %dma_start3A_225 = tpu.memref_slice %arg4[%mul3A_223] : memref<320000xi32, #tpu.memory_space<hbm>> -> memref<64xi32, #tpu.memory_space<hbm>>
        tpu.enqueue_dma source(%dma_start3A_225 : memref<64xi32, #tpu.memory_space<hbm>>) target(%arg9 : memref<64xi32, #tpu.memory_space<vmem>>) target_semaphore(%arg22 : memref<!tpu.dma_semaphore, #tpu.memory_space<semaphore_mem>>)
        %dma_start3A_226 = tpu.memref_slice %arg5[%mul3A_223] : memref<320000xi32, #tpu.memory_space<hbm>> -> memref<64xi32, #tpu.memory_space<hbm>>
        %dma_start3A_227 = tpu.memref_slice %arg5[%mul3A_223] : memref<320000xi32, #tpu.memory_space<hbm>> -> memref<64xi32, #tpu.memory_space<hbm>>
        tpu.enqueue_dma source(%dma_start3A_227 : memref<64xi32, #tpu.memory_space<hbm>>) target(%arg12 : memref<64xi32, #tpu.memory_space<vmem>>) target_semaphore(%arg25 : memref<!tpu.dma_semaphore, #tpu.memory_space<semaphore_mem>>)
        %dma_start3A_228 = arith.constant 0 : i32
        %dma_start3A_229 = tpu.memref_slice %arg3[%mul3A_223, %dma_start3A_228] : memref<320000x128xf32, #tpu.memory_space<hbm>> -> memref<64x128xf32, #tpu.memory_space<hbm>>
        %dma_start3A_230 = arith.constant 0 : i32
        %dma_start3A_231 = tpu.memref_slice %arg3[%mul3A_223, %dma_start3A_230] : memref<320000x128xf32, #tpu.memory_space<hbm>> -> memref<64x128xf32, #tpu.memory_space<hbm>>
        tpu.enqueue_dma source(%dma_start3A_231 : memref<64x128xf32, #tpu.memory_space<hbm>>) target(%arg18 : memref<64x128xf32, #tpu.memory_space<vmem>>) target_semaphore(%arg31 : memref<!tpu.dma_semaphore, #tpu.memory_space<semaphore_mem>>)
      } else {
      }
      %eq3A_135 = arith.constant 0 : i32
      %eq3A_136 = arith.cmpi eq, %add3A_127, %eq3A_135 : i32
      %lt3A_137 = arith.cmpi slt, %add3A_129, %add3A_52 : i32
      %and3A_138 = arith.andi %eq3A_136, %lt3A_137 : i1
      %convert_element_type3A_139 = arith.extui %and3A_138 : i1 to i32
      %cond3A_140 = arith.constant 0 : i32
      %cond3A_141 = arith.cmpi ne, %convert_element_type3A_139, %cond3A_140 : i32
      scf.if %cond3A_141 {
        %mul3A_213 = arith.constant 32 : i32
        %mul3A_214 = arith.muli %add3A_129, %mul3A_213 : i32
        %add3A_215 = arith.addi %mul3A_214, %add3A : i32
        %mul3A_216 = arith.constant 64 : i32
        %mul3A_217 = arith.muli %add3A_215, %mul3A_216 : i32
        %dma_start3A_218 = tpu.memref_slice %arg4[%mul3A_217] : memref<320000xi32, #tpu.memory_space<hbm>> -> memref<64xi32, #tpu.memory_space<hbm>>
        %dma_start3A_219 = tpu.memref_slice %arg4[%mul3A_217] : memref<320000xi32, #tpu.memory_space<hbm>> -> memref<64xi32, #tpu.memory_space<hbm>>
        tpu.enqueue_dma source(%dma_start3A_219 : memref<64xi32, #tpu.memory_space<hbm>>) target(%arg9 : memref<64xi32, #tpu.memory_space<vmem>>) target_semaphore(%arg22 : memref<!tpu.dma_semaphore, #tpu.memory_space<semaphore_mem>>)
        %dma_start3A_220 = tpu.memref_slice %arg5[%mul3A_217] : memref<320000xi32, #tpu.memory_space<hbm>> -> memref<64xi32, #tpu.memory_space<hbm>>
        %dma_start3A_221 = tpu.memref_slice %arg5[%mul3A_217] : memref<320000xi32, #tpu.memory_space<hbm>> -> memref<64xi32, #tpu.memory_space<hbm>>
        tpu.enqueue_dma source(%dma_start3A_221 : memref<64xi32, #tpu.memory_space<hbm>>) target(%arg12 : memref<64xi32, #tpu.memory_space<vmem>>) target_semaphore(%arg25 : memref<!tpu.dma_semaphore, #tpu.memory_space<semaphore_mem>>)
        %dma_start3A_222 = arith.constant 0 : i32
        %dma_start3A_223 = tpu.memref_slice %arg3[%mul3A_217, %dma_start3A_222] : memref<320000x128xf32, #tpu.memory_space<hbm>> -> memref<64x128xf32, #tpu.memory_space<hbm>>
        %dma_start3A_224 = arith.constant 0 : i32
        %dma_start3A_225 = tpu.memref_slice %arg3[%mul3A_217, %dma_start3A_224] : memref<320000x128xf32, #tpu.memory_space<hbm>> -> memref<64x128xf32, #tpu.memory_space<hbm>>
        tpu.enqueue_dma source(%dma_start3A_225 : memref<64x128xf32, #tpu.memory_space<hbm>>) target(%arg18 : memref<64x128xf32, #tpu.memory_space<vmem>>) target_semaphore(%arg31 : memref<!tpu.dma_semaphore, #tpu.memory_space<semaphore_mem>>)
      } else {
      }
      %add3A_142 = arith.constant 1 : i32
      %add3A_143 = arith.addi %add3A_127, %add3A_142 : i32
      %lt3A_144 = arith.cmpi slt, %add3A_143, %add3A_52 : i32
      %convert_element_type3A_145 = arith.extui %lt3A_144 : i1 to i32
      %cond3A_146 = arith.constant 0 : i32
      %cond3A_147 = arith.cmpi ne, %convert_element_type3A_145, %cond3A_146 : i32
      scf.if %cond3A_147 {
        %dma_wait3A_213 = arith.constant 0 : i32
        %dma_wait3A_214 = tpu.memref_slice %arg4[%dma_wait3A_213] : memref<320000xi32, #tpu.memory_space<hbm>> -> memref<64xi32, #tpu.memory_space<hbm>>
        %dma_wait3A_215 = arith.constant 0 : i32
        %dma_wait3A_216 = tpu.memref_slice %arg4[%dma_wait3A_215] : memref<320000xi32, #tpu.memory_space<hbm>> -> memref<64xi32, #tpu.memory_space<hbm>>
        tpu.wait_dma2 semaphore(%arg21 : memref<!tpu.dma_semaphore, #tpu.memory_space<semaphore_mem>>) src(%dma_wait3A_216 : memref<64xi32, #tpu.memory_space<hbm>>) dst(%arg8 : memref<64xi32, #tpu.memory_space<vmem>>)
        %dma_start3A_217 = arith.constant 0 : i32
        %dma_start3A_218 = arith.constant 0 : i32
        %dma_start3A_219 = tpu.memref_slice %arg2[%dma_start3A_217, %dma_start3A_218] : memref<10000x128xf32, #tpu.memory_space<hbm>> -> memref<10000x128xf32, #tpu.memory_space<hbm>>
        tpu.enqueue_indirect_dma source(%dma_start3A_219 : memref<10000x128xf32, #tpu.memory_space<hbm>>) target(%arg14 : memref<64x128xf32, #tpu.memory_space<vmem>>) offsets(%arg8 : memref<64xi32, #tpu.memory_space<vmem>>) semaphore(%arg27 : memref<!tpu.dma_semaphore, #tpu.memory_space<semaphore_mem>>)
      } else {
      }
      %lt3A_148 = arith.cmpi slt, %add3A_127, %add3A_52 : i32
      %convert_element_type3A_149 = arith.extui %lt3A_148 : i1 to i32
      %cond3A_150 = arith.constant 0 : i32
      %cond3A_151 = arith.cmpi ne, %convert_element_type3A_149, %cond3A_150 : i32
      scf.if %cond3A_151 {
        %dma_wait3A_213 = arith.constant 0 : i32
        %dma_wait3A_214 = arith.constant 0 : i32
        %dma_wait3A_215 = tpu.memref_slice %arg2[%dma_wait3A_213, %dma_wait3A_214] : memref<10000x128xf32, #tpu.memory_space<hbm>> -> memref<64x128xf32, #tpu.memory_space<hbm>>
        %dma_wait3A_216 = arith.constant 0 : i32
        %dma_wait3A_217 = arith.constant 0 : i32
        %dma_wait3A_218 = tpu.memref_slice %arg2[%dma_wait3A_216, %dma_wait3A_217] : memref<10000x128xf32, #tpu.memory_space<hbm>> -> memref<64x128xf32, #tpu.memory_space<hbm>>
        tpu.wait_dma2 semaphore(%arg26 : memref<!tpu.dma_semaphore, #tpu.memory_space<semaphore_mem>>) src(%dma_wait3A_218 : memref<64x128xf32, #tpu.memory_space<hbm>>) dst(%arg13 : memref<64x128xf32, #tpu.memory_space<vmem>>)
        %dma_wait3A_219 = arith.constant 0 : i32
        %dma_wait3A_220 = arith.constant 0 : i32
        %dma_wait3A_221 = tpu.memref_slice %arg3[%dma_wait3A_219, %dma_wait3A_220] : memref<320000x128xf32, #tpu.memory_space<hbm>> -> memref<64x128xf32, #tpu.memory_space<hbm>>
        %dma_wait3A_222 = arith.constant 0 : i32
        %dma_wait3A_223 = arith.constant 0 : i32
        %dma_wait3A_224 = tpu.memref_slice %arg3[%dma_wait3A_222, %dma_wait3A_223] : memref<320000x128xf32, #tpu.memory_space<hbm>> -> memref<64x128xf32, #tpu.memory_space<hbm>>
        tpu.wait_dma2 semaphore(%arg29 : memref<!tpu.dma_semaphore, #tpu.memory_space<semaphore_mem>>) src(%dma_wait3A_224 : memref<64x128xf32, #tpu.memory_space<hbm>>) dst(%arg16 : memref<64x128xf32, #tpu.memory_space<vmem>>)
        %parallel_loop3A = arith.constant 0 : i32
        %parallel_loop3A_225 = arith.constant 64 : i32
        %parallel_loop3A_226 = arith.constant 1 : i32
        scf.for %parallel_loop3A_234 = %parallel_loop3A to %parallel_loop3A_225 step %parallel_loop3A_226  : i32 {
          %parallel_loop3A_235 = arith.index_cast %parallel_loop3A_234 : i32 to index
          %parallel_loop3A_236 = arith.constant 0 : index
          %parallel_loop3A_237 = tpu.vector_load %arg16[%parallel_loop3A_235, %parallel_loop3A_236] {strides = array<i32>} : memref<64x128xf32, #tpu.memory_space<vmem>>, vector<1x16xf32>,
          %parallel_loop3A_238 = vector.shape_cast %parallel_loop3A_237 : vector<1x16xf32> to vector<16xf32>
          %parallel_loop3A_239 = arith.index_cast %parallel_loop3A_234 : i32 to index
          %parallel_loop3A_240 = arith.constant 0 : index
          %parallel_loop3A_241 = tpu.vector_load %arg13[%parallel_loop3A_239, %parallel_loop3A_240] {strides = array<i32>} : memref<64x128xf32, #tpu.memory_space<vmem>>, vector<1x16xf32>,
          %parallel_loop3A_242 = vector.shape_cast %parallel_loop3A_241 : vector<1x16xf32> to vector<16xf32>
          %parallel_loop3A_243 = arith.addf %parallel_loop3A_238, %parallel_loop3A_242 : vector<16xf32>
          %parallel_loop3A_244 = arith.constant 0.000000e+00 : f32
          %parallel_loop3A_245 = vector.broadcast %parallel_loop3A_244 : f32 to vector<16xf32>
          %parallel_loop3A_246 = arith.maximumf %parallel_loop3A_243, %parallel_loop3A_245 : vector<16xf32>
          %parallel_loop3A_247 = arith.index_cast %parallel_loop3A_234 : i32 to index
          %parallel_loop3A_248 = arith.constant 0 : index
          %parallel_loop3A_249 = tpu.vector_load %arg16[%parallel_loop3A_247, %parallel_loop3A_248] {strides = array<i32>} : memref<64x128xf32, #tpu.memory_space<vmem>>, vector<1x16xf32>,
          %parallel_loop3A_250 = vector.shape_cast %parallel_loop3A_249 : vector<1x16xf32> to vector<16xf32>
          %parallel_loop3A_251 = vector.shape_cast %parallel_loop3A_246 : vector<16xf32> to vector<1x16xf32>
          tpu.vector_store %arg16[%parallel_loop3A_247, %parallel_loop3A_248], %parallel_loop3A_251 {strides = array<i32>} : memref<64x128xf32, #tpu.memory_space<vmem>>, vector<1x16xf32>,
          %parallel_loop3A_252 = arith.index_cast %parallel_loop3A_234 : i32 to index
          %parallel_loop3A_253 = arith.constant 16 : index
          %parallel_loop3A_254 = tpu.vector_load %arg16[%parallel_loop3A_252, %parallel_loop3A_253] {strides = array<i32>} : memref<64x128xf32, #tpu.memory_space<vmem>>, vector<1x16xf32>,
          %parallel_loop3A_255 = vector.shape_cast %parallel_loop3A_254 : vector<1x16xf32> to vector<16xf32>
          %parallel_loop3A_256 = arith.index_cast %parallel_loop3A_234 : i32 to index
          %parallel_loop3A_257 = arith.constant 16 : index
          %parallel_loop3A_258 = tpu.vector_load %arg13[%parallel_loop3A_256, %parallel_loop3A_257] {strides = array<i32>} : memref<64x128xf32, #tpu.memory_space<vmem>>, vector<1x16xf32>,
          %parallel_loop3A_259 = vector.shape_cast %parallel_loop3A_258 : vector<1x16xf32> to vector<16xf32>
          %parallel_loop3A_260 = arith.addf %parallel_loop3A_255, %parallel_loop3A_259 : vector<16xf32>
          %parallel_loop3A_261 = arith.constant 0.000000e+00 : f32
          %parallel_loop3A_262 = vector.broadcast %parallel_loop3A_261 : f32 to vector<16xf32>
          %parallel_loop3A_263 = arith.maximumf %parallel_loop3A_260, %parallel_loop3A_262 : vector<16xf32>
          %parallel_loop3A_264 = arith.index_cast %parallel_loop3A_234 : i32 to index
          %parallel_loop3A_265 = arith.constant 16 : index
          %parallel_loop3A_266 = tpu.vector_load %arg16[%parallel_loop3A_264, %parallel_loop3A_265] {strides = array<i32>} : memref<64x128xf32, #tpu.memory_space<vmem>>, vector<1x16xf32>,
          %parallel_loop3A_267 = vector.shape_cast %parallel_loop3A_266 : vector<1x16xf32> to vector<16xf32>
          %parallel_loop3A_268 = vector.shape_cast %parallel_loop3A_263 : vector<16xf32> to vector<1x16xf32>
          tpu.vector_store %arg16[%parallel_loop3A_264, %parallel_loop3A_265], %parallel_loop3A_268 {strides = array<i32>} : memref<64x128xf32, #tpu.memory_space<vmem>>, vector<1x16xf32>,
          %parallel_loop3A_269 = arith.index_cast %parallel_loop3A_234 : i32 to index
          %parallel_loop3A_270 = arith.constant 32 : index
          %parallel_loop3A_271 = tpu.vector_load %arg16[%parallel_loop3A_269, %parallel_loop3A_270] {strides = array<i32>} : memref<64x128xf32, #tpu.memory_space<vmem>>, vector<1x16xf32>,
          %parallel_loop3A_272 = vector.shape_cast %parallel_loop3A_271 : vector<1x16xf32> to vector<16xf32>
          %parallel_loop3A_273 = arith.index_cast %parallel_loop3A_234 : i32 to index
          %parallel_loop3A_274 = arith.constant 32 : index
          %parallel_loop3A_275 = tpu.vector_load %arg13[%parallel_loop3A_273, %parallel_loop3A_274] {strides = array<i32>} : memref<64x128xf32, #tpu.memory_space<vmem>>, vector<1x16xf32>,
          %parallel_loop3A_276 = vector.shape_cast %parallel_loop3A_275 : vector<1x16xf32> to vector<16xf32>
          %parallel_loop3A_277 = arith.addf %parallel_loop3A_272, %parallel_loop3A_276 : vector<16xf32>
          %parallel_loop3A_278 = arith.constant 0.000000e+00 : f32
          %parallel_loop3A_279 = vector.broadcast %parallel_loop3A_278 : f32 to vector<16xf32>
          %parallel_loop3A_280 = arith.maximumf %parallel_loop3A_277, %parallel_loop3A_279 : vector<16xf32>
          %parallel_loop3A_281 = arith.index_cast %parallel_loop3A_234 : i32 to index
          %parallel_loop3A_282 = arith.constant 32 : index
          %parallel_loop3A_283 = tpu.vector_load %arg16[%parallel_loop3A_281, %parallel_loop3A_282] {strides = array<i32>} : memref<64x128xf32, #tpu.memory_space<vmem>>, vector<1x16xf32>,
          %parallel_loop3A_284 = vector.shape_cast %parallel_loop3A_283 : vector<1x16xf32> to vector<16xf32>
          %parallel_loop3A_285 = vector.shape_cast %parallel_loop3A_280 : vector<16xf32> to vector<1x16xf32>
          tpu.vector_store %arg16[%parallel_loop3A_281, %parallel_loop3A_282], %parallel_loop3A_285 {strides = array<i32>} : memref<64x128xf32, #tpu.memory_space<vmem>>, vector<1x16xf32>,
          %parallel_loop3A_286 = arith.index_cast %parallel_loop3A_234 : i32 to index
          %parallel_loop3A_287 = arith.constant 48 : index
          %parallel_loop3A_288 = tpu.vector_load %arg16[%parallel_loop3A_286, %parallel_loop3A_287] {strides = array<i32>} : memref<64x128xf32, #tpu.memory_space<vmem>>, vector<1x16xf32>,
          %parallel_loop3A_289 = vector.shape_cast %parallel_loop3A_288 : vector<1x16xf32> to vector<16xf32>
          %parallel_loop3A_290 = arith.index_cast %parallel_loop3A_234 : i32 to index
          %parallel_loop3A_291 = arith.constant 48 : index
          %parallel_loop3A_292 = tpu.vector_load %arg13[%parallel_loop3A_290, %parallel_loop3A_291] {strides = array<i32>} : memref<64x128xf32, #tpu.memory_space<vmem>>, vector<1x16xf32>,
          %parallel_loop3A_293 = vector.shape_cast %parallel_loop3A_292 : vector<1x16xf32> to vector<16xf32>
          %parallel_loop3A_294 = arith.addf %parallel_loop3A_289, %parallel_loop3A_293 : vector<16xf32>
          %parallel_loop3A_295 = arith.constant 0.000000e+00 : f32
          %parallel_loop3A_296 = vector.broadcast %parallel_loop3A_295 : f32 to vector<16xf32>
          %parallel_loop3A_297 = arith.maximumf %parallel_loop3A_294, %parallel_loop3A_296 : vector<16xf32>
          %parallel_loop3A_298 = arith.index_cast %parallel_loop3A_234 : i32 to index
          %parallel_loop3A_299 = arith.constant 48 : index
          %parallel_loop3A_300 = tpu.vector_load %arg16[%parallel_loop3A_298, %parallel_loop3A_299] {strides = array<i32>} : memref<64x128xf32, #tpu.memory_space<vmem>>, vector<1x16xf32>,
          %parallel_loop3A_301 = vector.shape_cast %parallel_loop3A_300 : vector<1x16xf32> to vector<16xf32>
          %parallel_loop3A_302 = vector.shape_cast %parallel_loop3A_297 : vector<16xf32> to vector<1x16xf32>
          tpu.vector_store %arg16[%parallel_loop3A_298, %parallel_loop3A_299], %parallel_loop3A_302 {strides = array<i32>} : memref<64x128xf32, #tpu.memory_space<vmem>>, vector<1x16xf32>,
          %parallel_loop3A_303 = arith.index_cast %parallel_loop3A_234 : i32 to index
          %parallel_loop3A_304 = arith.constant 64 : index
          %parallel_loop3A_305 = tpu.vector_load %arg16[%parallel_loop3A_303, %parallel_loop3A_304] {strides = array<i32>} : memref<64x128xf32, #tpu.memory_space<vmem>>, vector<1x16xf32>,
          %parallel_loop3A_306 = vector.shape_cast %parallel_loop3A_305 : vector<1x16xf32> to vector<16xf32>
          %parallel_loop3A_307 = arith.index_cast %parallel_loop3A_234 : i32 to index
          %parallel_loop3A_308 = arith.constant 64 : index
          %parallel_loop3A_309 = tpu.vector_load %arg13[%parallel_loop3A_307, %parallel_loop3A_308] {strides = array<i32>} : memref<64x128xf32, #tpu.memory_space<vmem>>, vector<1x16xf32>,
          %parallel_loop3A_310 = vector.shape_cast %parallel_loop3A_309 : vector<1x16xf32> to vector<16xf32>
          %parallel_loop3A_311 = arith.addf %parallel_loop3A_306, %parallel_loop3A_310 : vector<16xf32>
          %parallel_loop3A_312 = arith.constant 0.000000e+00 : f32
          %parallel_loop3A_313 = vector.broadcast %parallel_loop3A_312 : f32 to vector<16xf32>
          %parallel_loop3A_314 = arith.maximumf %parallel_loop3A_311, %parallel_loop3A_313 : vector<16xf32>
          %parallel_loop3A_315 = arith.index_cast %parallel_loop3A_234 : i32 to index
          %parallel_loop3A_316 = arith.constant 64 : index
          %parallel_loop3A_317 = tpu.vector_load %arg16[%parallel_loop3A_315, %parallel_loop3A_316] {strides = array<i32>} : memref<64x128xf32, #tpu.memory_space<vmem>>, vector<1x16xf32>,
          %parallel_loop3A_318 = vector.shape_cast %parallel_loop3A_317 : vector<1x16xf32> to vector<16xf32>
          %parallel_loop3A_319 = vector.shape_cast %parallel_loop3A_314 : vector<16xf32> to vector<1x16xf32>
          tpu.vector_store %arg16[%parallel_loop3A_315, %parallel_loop3A_316], %parallel_loop3A_319 {strides = array<i32>} : memref<64x128xf32, #tpu.memory_space<vmem>>, vector<1x16xf32>,
          %parallel_loop3A_320 = arith.index_cast %parallel_loop3A_234 : i32 to index
          %parallel_loop3A_321 = arith.constant 80 : index
          %parallel_loop3A_322 = tpu.vector_load %arg16[%parallel_loop3A_320, %parallel_loop3A_321] {strides = array<i32>} : memref<64x128xf32, #tpu.memory_space<vmem>>, vector<1x16xf32>,
          %parallel_loop3A_323 = vector.shape_cast %parallel_loop3A_322 : vector<1x16xf32> to vector<16xf32>
          %parallel_loop3A_324 = arith.index_cast %parallel_loop3A_234 : i32 to index
          %parallel_loop3A_325 = arith.constant 80 : index
          %parallel_loop3A_326 = tpu.vector_load %arg13[%parallel_loop3A_324, %parallel_loop3A_325] {strides = array<i32>} : memref<64x128xf32, #tpu.memory_space<vmem>>, vector<1x16xf32>,
          %parallel_loop3A_327 = vector.shape_cast %parallel_loop3A_326 : vector<1x16xf32> to vector<16xf32>
          %parallel_loop3A_328 = arith.addf %parallel_loop3A_323, %parallel_loop3A_327 : vector<16xf32>
          %parallel_loop3A_329 = arith.constant 0.000000e+00 : f32
          %parallel_loop3A_330 = vector.broadcast %parallel_loop3A_329 : f32 to vector<16xf32>
          %parallel_loop3A_331 = arith.maximumf %parallel_loop3A_328, %parallel_loop3A_330 : vector<16xf32>
          %parallel_loop3A_332 = arith.index_cast %parallel_loop3A_234 : i32 to index
          %parallel_loop3A_333 = arith.constant 80 : index
          %parallel_loop3A_334 = tpu.vector_load %arg16[%parallel_loop3A_332, %parallel_loop3A_333] {strides = array<i32>} : memref<64x128xf32, #tpu.memory_space<vmem>>, vector<1x16xf32>,
          %parallel_loop3A_335 = vector.shape_cast %parallel_loop3A_334 : vector<1x16xf32> to vector<16xf32>
          %parallel_loop3A_336 = vector.shape_cast %parallel_loop3A_331 : vector<16xf32> to vector<1x16xf32>
          tpu.vector_store %arg16[%parallel_loop3A_332, %parallel_loop3A_333], %parallel_loop3A_336 {strides = array<i32>} : memref<64x128xf32, #tpu.memory_space<vmem>>, vector<1x16xf32>,
          %parallel_loop3A_337 = arith.index_cast %parallel_loop3A_234 : i32 to index
          %parallel_loop3A_338 = arith.constant 96 : index
          %parallel_loop3A_339 = tpu.vector_load %arg16[%parallel_loop3A_337, %parallel_loop3A_338] {strides = array<i32>} : memref<64x128xf32, #tpu.memory_space<vmem>>, vector<1x16xf32>,
          %parallel_loop3A_340 = vector.shape_cast %parallel_loop3A_339 : vector<1x16xf32> to vector<16xf32>
          %parallel_loop3A_341 = arith.index_cast %parallel_loop3A_234 : i32 to index
          %parallel_loop3A_342 = arith.constant 96 : index
          %parallel_loop3A_343 = tpu.vector_load %arg13[%parallel_loop3A_341, %parallel_loop3A_342] {strides = array<i32>} : memref<64x128xf32, #tpu.memory_space<vmem>>, vector<1x16xf32>,
          %parallel_loop3A_344 = vector.shape_cast %parallel_loop3A_343 : vector<1x16xf32> to vector<16xf32>
          %parallel_loop3A_345 = arith.addf %parallel_loop3A_340, %parallel_loop3A_344 : vector<16xf32>
          %parallel_loop3A_346 = arith.constant 0.000000e+00 : f32
          %parallel_loop3A_347 = vector.broadcast %parallel_loop3A_346 : f32 to vector<16xf32>
          %parallel_loop3A_348 = arith.maximumf %parallel_loop3A_345, %parallel_loop3A_347 : vector<16xf32>
          %parallel_loop3A_349 = arith.index_cast %parallel_loop3A_234 : i32 to index
          %parallel_loop3A_350 = arith.constant 96 : index
          %parallel_loop3A_351 = tpu.vector_load %arg16[%parallel_loop3A_349, %parallel_loop3A_350] {strides = array<i32>} : memref<64x128xf32, #tpu.memory_space<vmem>>, vector<1x16xf32>,
          %parallel_loop3A_352 = vector.shape_cast %parallel_loop3A_351 : vector<1x16xf32> to vector<16xf32>
          %parallel_loop3A_353 = vector.shape_cast %parallel_loop3A_348 : vector<16xf32> to vector<1x16xf32>
          tpu.vector_store %arg16[%parallel_loop3A_349, %parallel_loop3A_350], %parallel_loop3A_353 {strides = array<i32>} : memref<64x128xf32, #tpu.memory_space<vmem>>, vector<1x16xf32>,
          %parallel_loop3A_354 = arith.index_cast %parallel_loop3A_234 : i32 to index
          %parallel_loop3A_355 = arith.constant 112 : index
          %parallel_loop3A_356 = tpu.vector_load %arg16[%parallel_loop3A_354, %parallel_loop3A_355] {strides = array<i32>} : memref<64x128xf32, #tpu.memory_space<vmem>>, vector<1x16xf32>,
          %parallel_loop3A_357 = vector.shape_cast %parallel_loop3A_356 : vector<1x16xf32> to vector<16xf32>
          %parallel_loop3A_358 = arith.index_cast %parallel_loop3A_234 : i32 to index
          %parallel_loop3A_359 = arith.constant 112 : index
          %parallel_loop3A_360 = tpu.vector_load %arg13[%parallel_loop3A_358, %parallel_loop3A_359] {strides = array<i32>} : memref<64x128xf32, #tpu.memory_space<vmem>>, vector<1x16xf32>,
          %parallel_loop3A_361 = vector.shape_cast %parallel_loop3A_360 : vector<1x16xf32> to vector<16xf32>
          %parallel_loop3A_362 = arith.addf %parallel_loop3A_357, %parallel_loop3A_361 : vector<16xf32>
          %parallel_loop3A_363 = arith.constant 0.000000e+00 : f32
          %parallel_loop3A_364 = vector.broadcast %parallel_loop3A_363 : f32 to vector<16xf32>
          %parallel_loop3A_365 = arith.maximumf %parallel_loop3A_362, %parallel_loop3A_364 : vector<16xf32>
          %parallel_loop3A_366 = arith.index_cast %parallel_loop3A_234 : i32 to index
          %parallel_loop3A_367 = arith.constant 112 : index
          %parallel_loop3A_368 = tpu.vector_load %arg16[%parallel_loop3A_366, %parallel_loop3A_367] {strides = array<i32>} : memref<64x128xf32, #tpu.memory_space<vmem>>, vector<1x16xf32>,
          %parallel_loop3A_369 = vector.shape_cast %parallel_loop3A_368 : vector<1x16xf32> to vector<16xf32>
          %parallel_loop3A_370 = vector.shape_cast %parallel_loop3A_365 : vector<16xf32> to vector<1x16xf32>
          tpu.vector_store %arg16[%parallel_loop3A_366, %parallel_loop3A_367], %parallel_loop3A_370 {strides = array<i32>} : memref<64x128xf32, #tpu.memory_space<vmem>>, vector<1x16xf32>,
        } {sc.loop_unroll_factor = 1 : i64, sc.parallel_access}
        %dma_wait3A_227 = arith.constant 0 : i32
        %dma_wait3A_228 = tpu.memref_slice %arg5[%dma_wait3A_227] : memref<320000xi32, #tpu.memory_space<hbm>> -> memref<64xi32, #tpu.memory_space<hbm>>
        %dma_wait3A_229 = arith.constant 0 : i32
        %dma_wait3A_230 = tpu.memref_slice %arg5[%dma_wait3A_229] : memref<320000xi32, #tpu.memory_space<hbm>> -> memref<64xi32, #tpu.memory_space<hbm>>
        tpu.wait_dma2 semaphore(%arg23 : memref<!tpu.dma_semaphore, #tpu.memory_space<semaphore_mem>>) src(%dma_wait3A_230 : memref<64xi32, #tpu.memory_space<hbm>>) dst(%arg10 : memref<64xi32, #tpu.memory_space<vmem>>)
        %dma_start3A_231 = arith.constant 0 : i32
        %dma_start3A_232 = arith.constant 0 : i32
        %dma_start3A_233 = tpu.memref_slice %arg19[%dma_start3A_231, %dma_start3A_232] : memref<10000x128xf32, #tpu.memory_space<vmem_shared>> -> memref<10000x128xf32, #tpu.memory_space<vmem_shared>>
        tpu.enqueue_indirect_dma source(%arg16 : memref<64x128xf32, #tpu.memory_space<vmem>>) target(%dma_start3A_233 : memref<10000x128xf32, #tpu.memory_space<vmem_shared>>) offsets(%arg10 : memref<64xi32, #tpu.memory_space<vmem>>) semaphore(%arg32 : memref<!tpu.dma_semaphore, #tpu.memory_space<semaphore_mem>>) {add = true}
      } else {
      }
      %mul3A_152 = arith.constant 3 : i32
      %mul3A_153 = arith.muli %scan3A_122, %mul3A_152 : i32
      %add3A_154 = arith.constant 1 : i32
      %add3A_155 = arith.addi %mul3A_153, %add3A_154 : i32
      %add3A_156 = arith.constant 2 : i32
      %add3A_157 = arith.addi %add3A_155, %add3A_156 : i32
      %ge3A_158 = arith.constant 1 : i32
      %ge3A_159 = arith.cmpi sge, %add3A_155, %ge3A_158 : i32
      %lt3A_160 = arith.cmpi slt, %add3A_157, %add3A_52 : i32
      %and3A_161 = arith.andi %ge3A_159, %lt3A_160 : i1
      %convert_element_type3A_162 = arith.extui %and3A_161 : i1 to i32
      %cond3A_163 = arith.constant 0 : i32
      %cond3A_164 = arith.cmpi ne, %convert_element_type3A_162, %cond3A_163 : i32
      scf.if %cond3A_164 {
        %dma_wait3A_213 = arith.constant 0 : i32
        %dma_wait3A_214 = arith.constant 0 : i32
        %dma_wait3A_215 = tpu.memref_slice %arg19[%dma_wait3A_213, %dma_wait3A_214] : memref<10000x128xf32, #tpu.memory_space<vmem_shared>> -> memref<64x128xf32, #tpu.memory_space<vmem_shared>>
        %dma_wait3A_216 = arith.constant 0 : i32
        %dma_wait3A_217 = arith.constant 0 : i32
        %dma_wait3A_218 = tpu.memref_slice %arg19[%dma_wait3A_216, %dma_wait3A_217] : memref<10000x128xf32, #tpu.memory_space<vmem_shared>> -> memref<64x128xf32, #tpu.memory_space<vmem_shared>>
        tpu.wait_dma2 semaphore(%arg32 : memref<!tpu.dma_semaphore, #tpu.memory_space<semaphore_mem>>) src(%arg16 : memref<64x128xf32, #tpu.memory_space<vmem>>) dst(%dma_wait3A_218 : memref<64x128xf32, #tpu.memory_space<vmem_shared>>)
        %mul3A_219 = arith.constant 32 : i32
        %mul3A_220 = arith.muli %add3A_157, %mul3A_219 : i32
        %add3A_221 = arith.addi %mul3A_220, %add3A : i32
        %mul3A_222 = arith.constant 64 : i32
        %mul3A_223 = arith.muli %add3A_221, %mul3A_222 : i32
        %dma_start3A_224 = tpu.memref_slice %arg4[%mul3A_223] : memref<320000xi32, #tpu.memory_space<hbm>> -> memref<64xi32, #tpu.memory_space<hbm>>
        %dma_start3A_225 = tpu.memref_slice %arg4[%mul3A_223] : memref<320000xi32, #tpu.memory_space<hbm>> -> memref<64xi32, #tpu.memory_space<hbm>>
        tpu.enqueue_dma source(%dma_start3A_225 : memref<64xi32, #tpu.memory_space<hbm>>) target(%arg7 : memref<64xi32, #tpu.memory_space<vmem>>) target_semaphore(%arg20 : memref<!tpu.dma_semaphore, #tpu.memory_space<semaphore_mem>>)
        %dma_start3A_226 = tpu.memref_slice %arg5[%mul3A_223] : memref<320000xi32, #tpu.memory_space<hbm>> -> memref<64xi32, #tpu.memory_space<hbm>>
        %dma_start3A_227 = tpu.memref_slice %arg5[%mul3A_223] : memref<320000xi32, #tpu.memory_space<hbm>> -> memref<64xi32, #tpu.memory_space<hbm>>
        tpu.enqueue_dma source(%dma_start3A_227 : memref<64xi32, #tpu.memory_space<hbm>>) target(%arg10 : memref<64xi32, #tpu.memory_space<vmem>>) target_semaphore(%arg23 : memref<!tpu.dma_semaphore, #tpu.memory_space<semaphore_mem>>)
        %dma_start3A_228 = arith.constant 0 : i32
        %dma_start3A_229 = tpu.memref_slice %arg3[%mul3A_223, %dma_start3A_228] : memref<320000x128xf32, #tpu.memory_space<hbm>> -> memref<64x128xf32, #tpu.memory_space<hbm>>
        %dma_start3A_230 = arith.constant 0 : i32
        %dma_start3A_231 = tpu.memref_slice %arg3[%mul3A_223, %dma_start3A_230] : memref<320000x128xf32, #tpu.memory_space<hbm>> -> memref<64x128xf32, #tpu.memory_space<hbm>>
        tpu.enqueue_dma source(%dma_start3A_231 : memref<64x128xf32, #tpu.memory_space<hbm>>) target(%arg16 : memref<64x128xf32, #tpu.memory_space<vmem>>) target_semaphore(%arg29 : memref<!tpu.dma_semaphore, #tpu.memory_space<semaphore_mem>>)
      } else {
      }
      %eq3A_165 = arith.constant 0 : i32
      %eq3A_166 = arith.cmpi eq, %add3A_155, %eq3A_165 : i32
      %lt3A_167 = arith.cmpi slt, %add3A_157, %add3A_52 : i32
      %and3A_168 = arith.andi %eq3A_166, %lt3A_167 : i1
      %convert_element_type3A_169 = arith.extui %and3A_168 : i1 to i32
      %cond3A_170 = arith.constant 0 : i32
      %cond3A_171 = arith.cmpi ne, %convert_element_type3A_169, %cond3A_170 : i32
      scf.if %cond3A_171 {
        %mul3A_213 = arith.constant 32 : i32
        %mul3A_214 = arith.muli %add3A_157, %mul3A_213 : i32
        %add3A_215 = arith.addi %mul3A_214, %add3A : i32
        %mul3A_216 = arith.constant 64 : i32
        %mul3A_217 = arith.muli %add3A_215, %mul3A_216 : i32
        %dma_start3A_218 = tpu.memref_slice %arg4[%mul3A_217] : memref<320000xi32, #tpu.memory_space<hbm>> -> memref<64xi32, #tpu.memory_space<hbm>>
        %dma_start3A_219 = tpu.memref_slice %arg4[%mul3A_217] : memref<320000xi32, #tpu.memory_space<hbm>> -> memref<64xi32, #tpu.memory_space<hbm>>
        tpu.enqueue_dma source(%dma_start3A_219 : memref<64xi32, #tpu.memory_space<hbm>>) target(%arg7 : memref<64xi32, #tpu.memory_space<vmem>>) target_semaphore(%arg20 : memref<!tpu.dma_semaphore, #tpu.memory_space<semaphore_mem>>)
        %dma_start3A_220 = tpu.memref_slice %arg5[%mul3A_217] : memref<320000xi32, #tpu.memory_space<hbm>> -> memref<64xi32, #tpu.memory_space<hbm>>
        %dma_start3A_221 = tpu.memref_slice %arg5[%mul3A_217] : memref<320000xi32, #tpu.memory_space<hbm>> -> memref<64xi32, #tpu.memory_space<hbm>>
        tpu.enqueue_dma source(%dma_start3A_221 : memref<64xi32, #tpu.memory_space<hbm>>) target(%arg10 : memref<64xi32, #tpu.memory_space<vmem>>) target_semaphore(%arg23 : memref<!tpu.dma_semaphore, #tpu.memory_space<semaphore_mem>>)
        %dma_start3A_222 = arith.constant 0 : i32
        %dma_start3A_223 = tpu.memref_slice %arg3[%mul3A_217, %dma_start3A_222] : memref<320000x128xf32, #tpu.memory_space<hbm>> -> memref<64x128xf32, #tpu.memory_space<hbm>>
        %dma_start3A_224 = arith.constant 0 : i32
        %dma_start3A_225 = tpu.memref_slice %arg3[%mul3A_217, %dma_start3A_224] : memref<320000x128xf32, #tpu.memory_space<hbm>> -> memref<64x128xf32, #tpu.memory_space<hbm>>
        tpu.enqueue_dma source(%dma_start3A_225 : memref<64x128xf32, #tpu.memory_space<hbm>>) target(%arg16 : memref<64x128xf32, #tpu.memory_space<vmem>>) target_semaphore(%arg29 : memref<!tpu.dma_semaphore, #tpu.memory_space<semaphore_mem>>)
      } else {
      }
      %add3A_172 = arith.constant 1 : i32
      %add3A_173 = arith.addi %add3A_155, %add3A_172 : i32
      %lt3A_174 = arith.cmpi slt, %add3A_173, %add3A_52 : i32
      %convert_element_type3A_175 = arith.extui %lt3A_174 : i1 to i32
      %cond3A_176 = arith.constant 0 : i32
      %cond3A_177 = arith.cmpi ne, %convert_element_type3A_175, %cond3A_176 : i32
      scf.if %cond3A_177 {
        %dma_wait3A_213 = arith.constant 0 : i32
        %dma_wait3A_214 = tpu.memref_slice %arg4[%dma_wait3A_213] : memref<320000xi32, #tpu.memory_space<hbm>> -> memref<64xi32, #tpu.memory_space<hbm>>
        %dma_wait3A_215 = arith.constant 0 : i32
        %dma_wait3A_216 = tpu.memref_slice %arg4[%dma_wait3A_215] : memref<320000xi32, #tpu.memory_space<hbm>> -> memref<64xi32, #tpu.memory_space<hbm>>
        tpu.wait_dma2 semaphore(%arg22 : memref<!tpu.dma_semaphore, #tpu.memory_space<semaphore_mem>>) src(%dma_wait3A_216 : memref<64xi32, #tpu.memory_space<hbm>>) dst(%arg9 : memref<64xi32, #tpu.memory_space<vmem>>)
        %dma_start3A_217 = arith.constant 0 : i32
        %dma_start3A_218 = arith.constant 0 : i32
        %dma_start3A_219 = tpu.memref_slice %arg2[%dma_start3A_217, %dma_start3A_218] : memref<10000x128xf32, #tpu.memory_space<hbm>> -> memref<10000x128xf32, #tpu.memory_space<hbm>>
        tpu.enqueue_indirect_dma source(%dma_start3A_219 : memref<10000x128xf32, #tpu.memory_space<hbm>>) target(%arg15 : memref<64x128xf32, #tpu.memory_space<vmem>>) offsets(%arg9 : memref<64xi32, #tpu.memory_space<vmem>>) semaphore(%arg28 : memref<!tpu.dma_semaphore, #tpu.memory_space<semaphore_mem>>)
      } else {
      }
      %lt3A_178 = arith.cmpi slt, %add3A_155, %add3A_52 : i32
      %convert_element_type3A_179 = arith.extui %lt3A_178 : i1 to i32
      %cond3A_180 = arith.constant 0 : i32
      %cond3A_181 = arith.cmpi ne, %convert_element_type3A_179, %cond3A_180 : i32
      scf.if %cond3A_181 {
        %dma_wait3A_213 = arith.constant 0 : i32
        %dma_wait3A_214 = arith.constant 0 : i32
        %dma_wait3A_215 = tpu.memref_slice %arg2[%dma_wait3A_213, %dma_wait3A_214] : memref<10000x128xf32, #tpu.memory_space<hbm>> -> memref<64x128xf32, #tpu.memory_space<hbm>>
        %dma_wait3A_216 = arith.constant 0 : i32
        %dma_wait3A_217 = arith.constant 0 : i32
        %dma_wait3A_218 = tpu.memref_slice %arg2[%dma_wait3A_216, %dma_wait3A_217] : memref<10000x128xf32, #tpu.memory_space<hbm>> -> memref<64x128xf32, #tpu.memory_space<hbm>>
        tpu.wait_dma2 semaphore(%arg27 : memref<!tpu.dma_semaphore, #tpu.memory_space<semaphore_mem>>) src(%dma_wait3A_218 : memref<64x128xf32, #tpu.memory_space<hbm>>) dst(%arg14 : memref<64x128xf32, #tpu.memory_space<vmem>>)
        %dma_wait3A_219 = arith.constant 0 : i32
        %dma_wait3A_220 = arith.constant 0 : i32
        %dma_wait3A_221 = tpu.memref_slice %arg3[%dma_wait3A_219, %dma_wait3A_220] : memref<320000x128xf32, #tpu.memory_space<hbm>> -> memref<64x128xf32, #tpu.memory_space<hbm>>
        %dma_wait3A_222 = arith.constant 0 : i32
        %dma_wait3A_223 = arith.constant 0 : i32
        %dma_wait3A_224 = tpu.memref_slice %arg3[%dma_wait3A_222, %dma_wait3A_223] : memref<320000x128xf32, #tpu.memory_space<hbm>> -> memref<64x128xf32, #tpu.memory_space<hbm>>
        tpu.wait_dma2 semaphore(%arg30 : memref<!tpu.dma_semaphore, #tpu.memory_space<semaphore_mem>>) src(%dma_wait3A_224 : memref<64x128xf32, #tpu.memory_space<hbm>>) dst(%arg17 : memref<64x128xf32, #tpu.memory_space<vmem>>)
        %parallel_loop3A = arith.constant 0 : i32
        %parallel_loop3A_225 = arith.constant 64 : i32
        %parallel_loop3A_226 = arith.constant 1 : i32
        scf.for %parallel_loop3A_234 = %parallel_loop3A to %parallel_loop3A_225 step %parallel_loop3A_226  : i32 {
          %parallel_loop3A_235 = arith.index_cast %parallel_loop3A_234 : i32 to index
          %parallel_loop3A_236 = arith.constant 0 : index
          %parallel_loop3A_237 = tpu.vector_load %arg17[%parallel_loop3A_235, %parallel_loop3A_236] {strides = array<i32>} : memref<64x128xf32, #tpu.memory_space<vmem>>, vector<1x16xf32>,
          %parallel_loop3A_238 = vector.shape_cast %parallel_loop3A_237 : vector<1x16xf32> to vector<16xf32>
          %parallel_loop3A_239 = arith.index_cast %parallel_loop3A_234 : i32 to index
          %parallel_loop3A_240 = arith.constant 0 : index
          %parallel_loop3A_241 = tpu.vector_load %arg14[%parallel_loop3A_239, %parallel_loop3A_240] {strides = array<i32>} : memref<64x128xf32, #tpu.memory_space<vmem>>, vector<1x16xf32>,
          %parallel_loop3A_242 = vector.shape_cast %parallel_loop3A_241 : vector<1x16xf32> to vector<16xf32>
          %parallel_loop3A_243 = arith.addf %parallel_loop3A_238, %parallel_loop3A_242 : vector<16xf32>
          %parallel_loop3A_244 = arith.constant 0.000000e+00 : f32
          %parallel_loop3A_245 = vector.broadcast %parallel_loop3A_244 : f32 to vector<16xf32>
          %parallel_loop3A_246 = arith.maximumf %parallel_loop3A_243, %parallel_loop3A_245 : vector<16xf32>
          %parallel_loop3A_247 = arith.index_cast %parallel_loop3A_234 : i32 to index
          %parallel_loop3A_248 = arith.constant 0 : index
          %parallel_loop3A_249 = tpu.vector_load %arg17[%parallel_loop3A_247, %parallel_loop3A_248] {strides = array<i32>} : memref<64x128xf32, #tpu.memory_space<vmem>>, vector<1x16xf32>,
          %parallel_loop3A_250 = vector.shape_cast %parallel_loop3A_249 : vector<1x16xf32> to vector<16xf32>
          %parallel_loop3A_251 = vector.shape_cast %parallel_loop3A_246 : vector<16xf32> to vector<1x16xf32>
          tpu.vector_store %arg17[%parallel_loop3A_247, %parallel_loop3A_248], %parallel_loop3A_251 {strides = array<i32>} : memref<64x128xf32, #tpu.memory_space<vmem>>, vector<1x16xf32>,
          %parallel_loop3A_252 = arith.index_cast %parallel_loop3A_234 : i32 to index
          %parallel_loop3A_253 = arith.constant 16 : index
          %parallel_loop3A_254 = tpu.vector_load %arg17[%parallel_loop3A_252, %parallel_loop3A_253] {strides = array<i32>} : memref<64x128xf32, #tpu.memory_space<vmem>>, vector<1x16xf32>,
          %parallel_loop3A_255 = vector.shape_cast %parallel_loop3A_254 : vector<1x16xf32> to vector<16xf32>
          %parallel_loop3A_256 = arith.index_cast %parallel_loop3A_234 : i32 to index
          %parallel_loop3A_257 = arith.constant 16 : index
          %parallel_loop3A_258 = tpu.vector_load %arg14[%parallel_loop3A_256, %parallel_loop3A_257] {strides = array<i32>} : memref<64x128xf32, #tpu.memory_space<vmem>>, vector<1x16xf32>,
          %parallel_loop3A_259 = vector.shape_cast %parallel_loop3A_258 : vector<1x16xf32> to vector<16xf32>
          %parallel_loop3A_260 = arith.addf %parallel_loop3A_255, %parallel_loop3A_259 : vector<16xf32>
          %parallel_loop3A_261 = arith.constant 0.000000e+00 : f32
          %parallel_loop3A_262 = vector.broadcast %parallel_loop3A_261 : f32 to vector<16xf32>
          %parallel_loop3A_263 = arith.maximumf %parallel_loop3A_260, %parallel_loop3A_262 : vector<16xf32>
          %parallel_loop3A_264 = arith.index_cast %parallel_loop3A_234 : i32 to index
          %parallel_loop3A_265 = arith.constant 16 : index
          %parallel_loop3A_266 = tpu.vector_load %arg17[%parallel_loop3A_264, %parallel_loop3A_265] {strides = array<i32>} : memref<64x128xf32, #tpu.memory_space<vmem>>, vector<1x16xf32>,
          %parallel_loop3A_267 = vector.shape_cast %parallel_loop3A_266 : vector<1x16xf32> to vector<16xf32>
          %parallel_loop3A_268 = vector.shape_cast %parallel_loop3A_263 : vector<16xf32> to vector<1x16xf32>
          tpu.vector_store %arg17[%parallel_loop3A_264, %parallel_loop3A_265], %parallel_loop3A_268 {strides = array<i32>} : memref<64x128xf32, #tpu.memory_space<vmem>>, vector<1x16xf32>,
          %parallel_loop3A_269 = arith.index_cast %parallel_loop3A_234 : i32 to index
          %parallel_loop3A_270 = arith.constant 32 : index
          %parallel_loop3A_271 = tpu.vector_load %arg17[%parallel_loop3A_269, %parallel_loop3A_270] {strides = array<i32>} : memref<64x128xf32, #tpu.memory_space<vmem>>, vector<1x16xf32>,
          %parallel_loop3A_272 = vector.shape_cast %parallel_loop3A_271 : vector<1x16xf32> to vector<16xf32>
          %parallel_loop3A_273 = arith.index_cast %parallel_loop3A_234 : i32 to index
          %parallel_loop3A_274 = arith.constant 32 : index
          %parallel_loop3A_275 = tpu.vector_load %arg14[%parallel_loop3A_273, %parallel_loop3A_274] {strides = array<i32>} : memref<64x128xf32, #tpu.memory_space<vmem>>, vector<1x16xf32>,
          %parallel_loop3A_276 = vector.shape_cast %parallel_loop3A_275 : vector<1x16xf32> to vector<16xf32>
          %parallel_loop3A_277 = arith.addf %parallel_loop3A_272, %parallel_loop3A_276 : vector<16xf32>
          %parallel_loop3A_278 = arith.constant 0.000000e+00 : f32
          %parallel_loop3A_279 = vector.broadcast %parallel_loop3A_278 : f32 to vector<16xf32>
          %parallel_loop3A_280 = arith.maximumf %parallel_loop3A_277, %parallel_loop3A_279 : vector<16xf32>
          %parallel_loop3A_281 = arith.index_cast %parallel_loop3A_234 : i32 to index
          %parallel_loop3A_282 = arith.constant 32 : index
          %parallel_loop3A_283 = tpu.vector_load %arg17[%parallel_loop3A_281, %parallel_loop3A_282] {strides = array<i32>} : memref<64x128xf32, #tpu.memory_space<vmem>>, vector<1x16xf32>,
          %parallel_loop3A_284 = vector.shape_cast %parallel_loop3A_283 : vector<1x16xf32> to vector<16xf32>
          %parallel_loop3A_285 = vector.shape_cast %parallel_loop3A_280 : vector<16xf32> to vector<1x16xf32>
          tpu.vector_store %arg17[%parallel_loop3A_281, %parallel_loop3A_282], %parallel_loop3A_285 {strides = array<i32>} : memref<64x128xf32, #tpu.memory_space<vmem>>, vector<1x16xf32>,
          %parallel_loop3A_286 = arith.index_cast %parallel_loop3A_234 : i32 to index
          %parallel_loop3A_287 = arith.constant 48 : index
          %parallel_loop3A_288 = tpu.vector_load %arg17[%parallel_loop3A_286, %parallel_loop3A_287] {strides = array<i32>} : memref<64x128xf32, #tpu.memory_space<vmem>>, vector<1x16xf32>,
          %parallel_loop3A_289 = vector.shape_cast %parallel_loop3A_288 : vector<1x16xf32> to vector<16xf32>
          %parallel_loop3A_290 = arith.index_cast %parallel_loop3A_234 : i32 to index
          %parallel_loop3A_291 = arith.constant 48 : index
          %parallel_loop3A_292 = tpu.vector_load %arg14[%parallel_loop3A_290, %parallel_loop3A_291] {strides = array<i32>} : memref<64x128xf32, #tpu.memory_space<vmem>>, vector<1x16xf32>,
          %parallel_loop3A_293 = vector.shape_cast %parallel_loop3A_292 : vector<1x16xf32> to vector<16xf32>
          %parallel_loop3A_294 = arith.addf %parallel_loop3A_289, %parallel_loop3A_293 : vector<16xf32>
          %parallel_loop3A_295 = arith.constant 0.000000e+00 : f32
          %parallel_loop3A_296 = vector.broadcast %parallel_loop3A_295 : f32 to vector<16xf32>
          %parallel_loop3A_297 = arith.maximumf %parallel_loop3A_294, %parallel_loop3A_296 : vector<16xf32>
          %parallel_loop3A_298 = arith.index_cast %parallel_loop3A_234 : i32 to index
          %parallel_loop3A_299 = arith.constant 48 : index
          %parallel_loop3A_300 = tpu.vector_load %arg17[%parallel_loop3A_298, %parallel_loop3A_299] {strides = array<i32>} : memref<64x128xf32, #tpu.memory_space<vmem>>, vector<1x16xf32>,
          %parallel_loop3A_301 = vector.shape_cast %parallel_loop3A_300 : vector<1x16xf32> to vector<16xf32>
          %parallel_loop3A_302 = vector.shape_cast %parallel_loop3A_297 : vector<16xf32> to vector<1x16xf32>
          tpu.vector_store %arg17[%parallel_loop3A_298, %parallel_loop3A_299], %parallel_loop3A_302 {strides = array<i32>} : memref<64x128xf32, #tpu.memory_space<vmem>>, vector<1x16xf32>,
          %parallel_loop3A_303 = arith.index_cast %parallel_loop3A_234 : i32 to index
          %parallel_loop3A_304 = arith.constant 64 : index
          %parallel_loop3A_305 = tpu.vector_load %arg17[%parallel_loop3A_303, %parallel_loop3A_304] {strides = array<i32>} : memref<64x128xf32, #tpu.memory_space<vmem>>, vector<1x16xf32>,
          %parallel_loop3A_306 = vector.shape_cast %parallel_loop3A_305 : vector<1x16xf32> to vector<16xf32>
          %parallel_loop3A_307 = arith.index_cast %parallel_loop3A_234 : i32 to index
          %parallel_loop3A_308 = arith.constant 64 : index
          %parallel_loop3A_309 = tpu.vector_load %arg14[%parallel_loop3A_307, %parallel_loop3A_308] {strides = array<i32>} : memref<64x128xf32, #tpu.memory_space<vmem>>, vector<1x16xf32>,
          %parallel_loop3A_310 = vector.shape_cast %parallel_loop3A_309 : vector<1x16xf32> to vector<16xf32>
          %parallel_loop3A_311 = arith.addf %parallel_loop3A_306, %parallel_loop3A_310 : vector<16xf32>
          %parallel_loop3A_312 = arith.constant 0.000000e+00 : f32
          %parallel_loop3A_313 = vector.broadcast %parallel_loop3A_312 : f32 to vector<16xf32>
          %parallel_loop3A_314 = arith.maximumf %parallel_loop3A_311, %parallel_loop3A_313 : vector<16xf32>
          %parallel_loop3A_315 = arith.index_cast %parallel_loop3A_234 : i32 to index
          %parallel_loop3A_316 = arith.constant 64 : index
          %parallel_loop3A_317 = tpu.vector_load %arg17[%parallel_loop3A_315, %parallel_loop3A_316] {strides = array<i32>} : memref<64x128xf32, #tpu.memory_space<vmem>>, vector<1x16xf32>,
          %parallel_loop3A_318 = vector.shape_cast %parallel_loop3A_317 : vector<1x16xf32> to vector<16xf32>
          %parallel_loop3A_319 = vector.shape_cast %parallel_loop3A_314 : vector<16xf32> to vector<1x16xf32>
          tpu.vector_store %arg17[%parallel_loop3A_315, %parallel_loop3A_316], %parallel_loop3A_319 {strides = array<i32>} : memref<64x128xf32, #tpu.memory_space<vmem>>, vector<1x16xf32>,
          %parallel_loop3A_320 = arith.index_cast %parallel_loop3A_234 : i32 to index
          %parallel_loop3A_321 = arith.constant 80 : index
          %parallel_loop3A_322 = tpu.vector_load %arg17[%parallel_loop3A_320, %parallel_loop3A_321] {strides = array<i32>} : memref<64x128xf32, #tpu.memory_space<vmem>>, vector<1x16xf32>,
          %parallel_loop3A_323 = vector.shape_cast %parallel_loop3A_322 : vector<1x16xf32> to vector<16xf32>
          %parallel_loop3A_324 = arith.index_cast %parallel_loop3A_234 : i32 to index
          %parallel_loop3A_325 = arith.constant 80 : index
          %parallel_loop3A_326 = tpu.vector_load %arg14[%parallel_loop3A_324, %parallel_loop3A_325] {strides = array<i32>} : memref<64x128xf32, #tpu.memory_space<vmem>>, vector<1x16xf32>,
          %parallel_loop3A_327 = vector.shape_cast %parallel_loop3A_326 : vector<1x16xf32> to vector<16xf32>
          %parallel_loop3A_328 = arith.addf %parallel_loop3A_323, %parallel_loop3A_327 : vector<16xf32>
          %parallel_loop3A_329 = arith.constant 0.000000e+00 : f32
          %parallel_loop3A_330 = vector.broadcast %parallel_loop3A_329 : f32 to vector<16xf32>
          %parallel_loop3A_331 = arith.maximumf %parallel_loop3A_328, %parallel_loop3A_330 : vector<16xf32>
          %parallel_loop3A_332 = arith.index_cast %parallel_loop3A_234 : i32 to index
          %parallel_loop3A_333 = arith.constant 80 : index
          %parallel_loop3A_334 = tpu.vector_load %arg17[%parallel_loop3A_332, %parallel_loop3A_333] {strides = array<i32>} : memref<64x128xf32, #tpu.memory_space<vmem>>, vector<1x16xf32>,
          %parallel_loop3A_335 = vector.shape_cast %parallel_loop3A_334 : vector<1x16xf32> to vector<16xf32>
          %parallel_loop3A_336 = vector.shape_cast %parallel_loop3A_331 : vector<16xf32> to vector<1x16xf32>
          tpu.vector_store %arg17[%parallel_loop3A_332, %parallel_loop3A_333], %parallel_loop3A_336 {strides = array<i32>} : memref<64x128xf32, #tpu.memory_space<vmem>>, vector<1x16xf32>,
          %parallel_loop3A_337 = arith.index_cast %parallel_loop3A_234 : i32 to index
          %parallel_loop3A_338 = arith.constant 96 : index
          %parallel_loop3A_339 = tpu.vector_load %arg17[%parallel_loop3A_337, %parallel_loop3A_338] {strides = array<i32>} : memref<64x128xf32, #tpu.memory_space<vmem>>, vector<1x16xf32>,
          %parallel_loop3A_340 = vector.shape_cast %parallel_loop3A_339 : vector<1x16xf32> to vector<16xf32>
          %parallel_loop3A_341 = arith.index_cast %parallel_loop3A_234 : i32 to index
          %parallel_loop3A_342 = arith.constant 96 : index
          %parallel_loop3A_343 = tpu.vector_load %arg14[%parallel_loop3A_341, %parallel_loop3A_342] {strides = array<i32>} : memref<64x128xf32, #tpu.memory_space<vmem>>, vector<1x16xf32>,
          %parallel_loop3A_344 = vector.shape_cast %parallel_loop3A_343 : vector<1x16xf32> to vector<16xf32>
          %parallel_loop3A_345 = arith.addf %parallel_loop3A_340, %parallel_loop3A_344 : vector<16xf32>
          %parallel_loop3A_346 = arith.constant 0.000000e+00 : f32
          %parallel_loop3A_347 = vector.broadcast %parallel_loop3A_346 : f32 to vector<16xf32>
          %parallel_loop3A_348 = arith.maximumf %parallel_loop3A_345, %parallel_loop3A_347 : vector<16xf32>
          %parallel_loop3A_349 = arith.index_cast %parallel_loop3A_234 : i32 to index
          %parallel_loop3A_350 = arith.constant 96 : index
          %parallel_loop3A_351 = tpu.vector_load %arg17[%parallel_loop3A_349, %parallel_loop3A_350] {strides = array<i32>} : memref<64x128xf32, #tpu.memory_space<vmem>>, vector<1x16xf32>,
          %parallel_loop3A_352 = vector.shape_cast %parallel_loop3A_351 : vector<1x16xf32> to vector<16xf32>
          %parallel_loop3A_353 = vector.shape_cast %parallel_loop3A_348 : vector<16xf32> to vector<1x16xf32>
          tpu.vector_store %arg17[%parallel_loop3A_349, %parallel_loop3A_350], %parallel_loop3A_353 {strides = array<i32>} : memref<64x128xf32, #tpu.memory_space<vmem>>, vector<1x16xf32>,
          %parallel_loop3A_354 = arith.index_cast %parallel_loop3A_234 : i32 to index
          %parallel_loop3A_355 = arith.constant 112 : index
          %parallel_loop3A_356 = tpu.vector_load %arg17[%parallel_loop3A_354, %parallel_loop3A_355] {strides = array<i32>} : memref<64x128xf32, #tpu.memory_space<vmem>>, vector<1x16xf32>,
          %parallel_loop3A_357 = vector.shape_cast %parallel_loop3A_356 : vector<1x16xf32> to vector<16xf32>
          %parallel_loop3A_358 = arith.index_cast %parallel_loop3A_234 : i32 to index
          %parallel_loop3A_359 = arith.constant 112 : index
          %parallel_loop3A_360 = tpu.vector_load %arg14[%parallel_loop3A_358, %parallel_loop3A_359] {strides = array<i32>} : memref<64x128xf32, #tpu.memory_space<vmem>>, vector<1x16xf32>,
          %parallel_loop3A_361 = vector.shape_cast %parallel_loop3A_360 : vector<1x16xf32> to vector<16xf32>
          %parallel_loop3A_362 = arith.addf %parallel_loop3A_357, %parallel_loop3A_361 : vector<16xf32>
          %parallel_loop3A_363 = arith.constant 0.000000e+00 : f32
          %parallel_loop3A_364 = vector.broadcast %parallel_loop3A_363 : f32 to vector<16xf32>
          %parallel_loop3A_365 = arith.maximumf %parallel_loop3A_362, %parallel_loop3A_364 : vector<16xf32>
          %parallel_loop3A_366 = arith.index_cast %parallel_loop3A_234 : i32 to index
          %parallel_loop3A_367 = arith.constant 112 : index
          %parallel_loop3A_368 = tpu.vector_load %arg17[%parallel_loop3A_366, %parallel_loop3A_367] {strides = array<i32>} : memref<64x128xf32, #tpu.memory_space<vmem>>, vector<1x16xf32>,
          %parallel_loop3A_369 = vector.shape_cast %parallel_loop3A_368 : vector<1x16xf32> to vector<16xf32>
          %parallel_loop3A_370 = vector.shape_cast %parallel_loop3A_365 : vector<16xf32> to vector<1x16xf32>
          tpu.vector_store %arg17[%parallel_loop3A_366, %parallel_loop3A_367], %parallel_loop3A_370 {strides = array<i32>} : memref<64x128xf32, #tpu.memory_space<vmem>>, vector<1x16xf32>,
        } {sc.loop_unroll_factor = 1 : i64, sc.parallel_access}
        %dma_wait3A_227 = arith.constant 0 : i32
        %dma_wait3A_228 = tpu.memref_slice %arg5[%dma_wait3A_227] : memref<320000xi32, #tpu.memory_space<hbm>> -> memref<64xi32, #tpu.memory_space<hbm>>
        %dma_wait3A_229 = arith.constant 0 : i32
        %dma_wait3A_230 = tpu.memref_slice %arg5[%dma_wait3A_229] : memref<320000xi32, #tpu.memory_space<hbm>> -> memref<64xi32, #tpu.memory_space<hbm>>
        tpu.wait_dma2 semaphore(%arg24 : memref<!tpu.dma_semaphore, #tpu.memory_space<semaphore_mem>>) src(%dma_wait3A_230 : memref<64xi32, #tpu.memory_space<hbm>>) dst(%arg11 : memref<64xi32, #tpu.memory_space<vmem>>)
        %dma_start3A_231 = arith.constant 0 : i32
        %dma_start3A_232 = arith.constant 0 : i32
        %dma_start3A_233 = tpu.memref_slice %arg19[%dma_start3A_231, %dma_start3A_232] : memref<10000x128xf32, #tpu.memory_space<vmem_shared>> -> memref<10000x128xf32, #tpu.memory_space<vmem_shared>>
        tpu.enqueue_indirect_dma source(%arg17 : memref<64x128xf32, #tpu.memory_space<vmem>>) target(%dma_start3A_233 : memref<10000x128xf32, #tpu.memory_space<vmem_shared>>) offsets(%arg11 : memref<64xi32, #tpu.memory_space<vmem>>) semaphore(%arg33 : memref<!tpu.dma_semaphore, #tpu.memory_space<semaphore_mem>>) {add = true}
      } else {
      }
      %mul3A_182 = arith.constant 3 : i32
      %mul3A_183 = arith.muli %scan3A_122, %mul3A_182 : i32
      %add3A_184 = arith.constant 2 : i32
      %add3A_185 = arith.addi %mul3A_183, %add3A_184 : i32
      %add3A_186 = arith.constant 2 : i32
      %add3A_187 = arith.addi %add3A_185, %add3A_186 : i32
      %ge3A_188 = arith.constant 1 : i32
      %ge3A_189 = arith.cmpi sge, %add3A_185, %ge3A_188 : i32
      %lt3A_190 = arith.cmpi slt, %add3A_187, %add3A_52 : i32
      %and3A_191 = arith.andi %ge3A_189, %lt3A_190 : i1
      %convert_element_type3A_192 = arith.extui %and3A_191 : i1 to i32
      %cond3A_193 = arith.constant 0 : i32
      %cond3A_194 = arith.cmpi ne, %convert_element_type3A_192, %cond3A_193 : i32
      scf.if %cond3A_194 {
        %dma_wait3A_213 = arith.constant 0 : i32
        %dma_wait3A_214 = arith.constant 0 : i32
        %dma_wait3A_215 = tpu.memref_slice %arg19[%dma_wait3A_213, %dma_wait3A_214] : memref<10000x128xf32, #tpu.memory_space<vmem_shared>> -> memref<64x128xf32, #tpu.memory_space<vmem_shared>>
        %dma_wait3A_216 = arith.constant 0 : i32
        %dma_wait3A_217 = arith.constant 0 : i32
        %dma_wait3A_218 = tpu.memref_slice %arg19[%dma_wait3A_216, %dma_wait3A_217] : memref<10000x128xf32, #tpu.memory_space<vmem_shared>> -> memref<64x128xf32, #tpu.memory_space<vmem_shared>>
        tpu.wait_dma2 semaphore(%arg33 : memref<!tpu.dma_semaphore, #tpu.memory_space<semaphore_mem>>) src(%arg17 : memref<64x128xf32, #tpu.memory_space<vmem>>) dst(%dma_wait3A_218 : memref<64x128xf32, #tpu.memory_space<vmem_shared>>)
        %mul3A_219 = arith.constant 32 : i32
        %mul3A_220 = arith.muli %add3A_187, %mul3A_219 : i32
        %add3A_221 = arith.addi %mul3A_220, %add3A : i32
        %mul3A_222 = arith.constant 64 : i32
        %mul3A_223 = arith.muli %add3A_221, %mul3A_222 : i32
        %dma_start3A_224 = tpu.memref_slice %arg4[%mul3A_223] : memref<320000xi32, #tpu.memory_space<hbm>> -> memref<64xi32, #tpu.memory_space<hbm>>
        %dma_start3A_225 = tpu.memref_slice %arg4[%mul3A_223] : memref<320000xi32, #tpu.memory_space<hbm>> -> memref<64xi32, #tpu.memory_space<hbm>>
        tpu.enqueue_dma source(%dma_start3A_225 : memref<64xi32, #tpu.memory_space<hbm>>) target(%arg8 : memref<64xi32, #tpu.memory_space<vmem>>) target_semaphore(%arg21 : memref<!tpu.dma_semaphore, #tpu.memory_space<semaphore_mem>>)
        %dma_start3A_226 = tpu.memref_slice %arg5[%mul3A_223] : memref<320000xi32, #tpu.memory_space<hbm>> -> memref<64xi32, #tpu.memory_space<hbm>>
        %dma_start3A_227 = tpu.memref_slice %arg5[%mul3A_223] : memref<320000xi32, #tpu.memory_space<hbm>> -> memref<64xi32, #tpu.memory_space<hbm>>
        tpu.enqueue_dma source(%dma_start3A_227 : memref<64xi32, #tpu.memory_space<hbm>>) target(%arg11 : memref<64xi32, #tpu.memory_space<vmem>>) target_semaphore(%arg24 : memref<!tpu.dma_semaphore, #tpu.memory_space<semaphore_mem>>)
        %dma_start3A_228 = arith.constant 0 : i32
        %dma_start3A_229 = tpu.memref_slice %arg3[%mul3A_223, %dma_start3A_228] : memref<320000x128xf32, #tpu.memory_space<hbm>> -> memref<64x128xf32, #tpu.memory_space<hbm>>
        %dma_start3A_230 = arith.constant 0 : i32
        %dma_start3A_231 = tpu.memref_slice %arg3[%mul3A_223, %dma_start3A_230] : memref<320000x128xf32, #tpu.memory_space<hbm>> -> memref<64x128xf32, #tpu.memory_space<hbm>>
        tpu.enqueue_dma source(%dma_start3A_231 : memref<64x128xf32, #tpu.memory_space<hbm>>) target(%arg17 : memref<64x128xf32, #tpu.memory_space<vmem>>) target_semaphore(%arg30 : memref<!tpu.dma_semaphore, #tpu.memory_space<semaphore_mem>>)
      } else {
      }
      %eq3A_195 = arith.constant 0 : i32
      %eq3A_196 = arith.cmpi eq, %add3A_185, %eq3A_195 : i32
      %lt3A_197 = arith.cmpi slt, %add3A_187, %add3A_52 : i32
      %and3A_198 = arith.andi %eq3A_196, %lt3A_197 : i1
      %convert_element_type3A_199 = arith.extui %and3A_198 : i1 to i32
      %cond3A_200 = arith.constant 0 : i32
      %cond3A_201 = arith.cmpi ne, %convert_element_type3A_199, %cond3A_200 : i32
      scf.if %cond3A_201 {
        %mul3A_213 = arith.constant 32 : i32
        %mul3A_214 = arith.muli %add3A_187, %mul3A_213 : i32
        %add3A_215 = arith.addi %mul3A_214, %add3A : i32
        %mul3A_216 = arith.constant 64 : i32
        %mul3A_217 = arith.muli %add3A_215, %mul3A_216 : i32
        %dma_start3A_218 = tpu.memref_slice %arg4[%mul3A_217] : memref<320000xi32, #tpu.memory_space<hbm>> -> memref<64xi32, #tpu.memory_space<hbm>>
        %dma_start3A_219 = tpu.memref_slice %arg4[%mul3A_217] : memref<320000xi32, #tpu.memory_space<hbm>> -> memref<64xi32, #tpu.memory_space<hbm>>
        tpu.enqueue_dma source(%dma_start3A_219 : memref<64xi32, #tpu.memory_space<hbm>>) target(%arg8 : memref<64xi32, #tpu.memory_space<vmem>>) target_semaphore(%arg21 : memref<!tpu.dma_semaphore, #tpu.memory_space<semaphore_mem>>)
        %dma_start3A_220 = tpu.memref_slice %arg5[%mul3A_217] : memref<320000xi32, #tpu.memory_space<hbm>> -> memref<64xi32, #tpu.memory_space<hbm>>
        %dma_start3A_221 = tpu.memref_slice %arg5[%mul3A_217] : memref<320000xi32, #tpu.memory_space<hbm>> -> memref<64xi32, #tpu.memory_space<hbm>>
        tpu.enqueue_dma source(%dma_start3A_221 : memref<64xi32, #tpu.memory_space<hbm>>) target(%arg11 : memref<64xi32, #tpu.memory_space<vmem>>) target_semaphore(%arg24 : memref<!tpu.dma_semaphore, #tpu.memory_space<semaphore_mem>>)
        %dma_start3A_222 = arith.constant 0 : i32
        %dma_start3A_223 = tpu.memref_slice %arg3[%mul3A_217, %dma_start3A_222] : memref<320000x128xf32, #tpu.memory_space<hbm>> -> memref<64x128xf32, #tpu.memory_space<hbm>>
        %dma_start3A_224 = arith.constant 0 : i32
        %dma_start3A_225 = tpu.memref_slice %arg3[%mul3A_217, %dma_start3A_224] : memref<320000x128xf32, #tpu.memory_space<hbm>> -> memref<64x128xf32, #tpu.memory_space<hbm>>
        tpu.enqueue_dma source(%dma_start3A_225 : memref<64x128xf32, #tpu.memory_space<hbm>>) target(%arg17 : memref<64x128xf32, #tpu.memory_space<vmem>>) target_semaphore(%arg30 : memref<!tpu.dma_semaphore, #tpu.memory_space<semaphore_mem>>)
      } else {
      }
      %add3A_202 = arith.constant 1 : i32
      %add3A_203 = arith.addi %add3A_185, %add3A_202 : i32
      %lt3A_204 = arith.cmpi slt, %add3A_203, %add3A_52 : i32
      %convert_element_type3A_205 = arith.extui %lt3A_204 : i1 to i32
      %cond3A_206 = arith.constant 0 : i32
      %cond3A_207 = arith.cmpi ne, %convert_element_type3A_205, %cond3A_206 : i32
      scf.if %cond3A_207 {
        %dma_wait3A_213 = arith.constant 0 : i32
        %dma_wait3A_214 = tpu.memref_slice %arg4[%dma_wait3A_213] : memref<320000xi32, #tpu.memory_space<hbm>> -> memref<64xi32, #tpu.memory_space<hbm>>
        %dma_wait3A_215 = arith.constant 0 : i32
        %dma_wait3A_216 = tpu.memref_slice %arg4[%dma_wait3A_215] : memref<320000xi32, #tpu.memory_space<hbm>> -> memref<64xi32, #tpu.memory_space<hbm>>
        tpu.wait_dma2 semaphore(%arg20 : memref<!tpu.dma_semaphore, #tpu.memory_space<semaphore_mem>>) src(%dma_wait3A_216 : memref<64xi32, #tpu.memory_space<hbm>>) dst(%arg7 : memref<64xi32, #tpu.memory_space<vmem>>)
        %dma_start3A_217 = arith.constant 0 : i32
        %dma_start3A_218 = arith.constant 0 : i32
        %dma_start3A_219 = tpu.memref_slice %arg2[%dma_start3A_217, %dma_start3A_218] : memref<10000x128xf32, #tpu.memory_space<hbm>> -> memref<10000x128xf32, #tpu.memory_space<hbm>>
        tpu.enqueue_indirect_dma source(%dma_start3A_219 : memref<10000x128xf32, #tpu.memory_space<hbm>>) target(%arg13 : memref<64x128xf32, #tpu.memory_space<vmem>>) offsets(%arg7 : memref<64xi32, #tpu.memory_space<vmem>>) semaphore(%arg26 : memref<!tpu.dma_semaphore, #tpu.memory_space<semaphore_mem>>)
      } else {
      }
      %lt3A_208 = arith.cmpi slt, %add3A_185, %add3A_52 : i32
      %convert_element_type3A_209 = arith.extui %lt3A_208 : i1 to i32
      %cond3A_210 = arith.constant 0 : i32
      %cond3A_211 = arith.cmpi ne, %convert_element_type3A_209, %cond3A_210 : i32
      scf.if %cond3A_211 {
        %dma_wait3A_213 = arith.constant 0 : i32
        %dma_wait3A_214 = arith.constant 0 : i32
        %dma_wait3A_215 = tpu.memref_slice %arg2[%dma_wait3A_213, %dma_wait3A_214] : memref<10000x128xf32, #tpu.memory_space<hbm>> -> memref<64x128xf32, #tpu.memory_space<hbm>>
        %dma_wait3A_216 = arith.constant 0 : i32
        %dma_wait3A_217 = arith.constant 0 : i32
        %dma_wait3A_218 = tpu.memref_slice %arg2[%dma_wait3A_216, %dma_wait3A_217] : memref<10000x128xf32, #tpu.memory_space<hbm>> -> memref<64x128xf32, #tpu.memory_space<hbm>>
        tpu.wait_dma2 semaphore(%arg28 : memref<!tpu.dma_semaphore, #tpu.memory_space<semaphore_mem>>) src(%dma_wait3A_218 : memref<64x128xf32, #tpu.memory_space<hbm>>) dst(%arg15 : memref<64x128xf32, #tpu.memory_space<vmem>>)
        %dma_wait3A_219 = arith.constant 0 : i32
        %dma_wait3A_220 = arith.constant 0 : i32
        %dma_wait3A_221 = tpu.memref_slice %arg3[%dma_wait3A_219, %dma_wait3A_220] : memref<320000x128xf32, #tpu.memory_space<hbm>> -> memref<64x128xf32, #tpu.memory_space<hbm>>
        %dma_wait3A_222 = arith.constant 0 : i32
        %dma_wait3A_223 = arith.constant 0 : i32
        %dma_wait3A_224 = tpu.memref_slice %arg3[%dma_wait3A_222, %dma_wait3A_223] : memref<320000x128xf32, #tpu.memory_space<hbm>> -> memref<64x128xf32, #tpu.memory_space<hbm>>
        tpu.wait_dma2 semaphore(%arg31 : memref<!tpu.dma_semaphore, #tpu.memory_space<semaphore_mem>>) src(%dma_wait3A_224 : memref<64x128xf32, #tpu.memory_space<hbm>>) dst(%arg18 : memref<64x128xf32, #tpu.memory_space<vmem>>)
        %parallel_loop3A = arith.constant 0 : i32
        %parallel_loop3A_225 = arith.constant 64 : i32
        %parallel_loop3A_226 = arith.constant 1 : i32
        scf.for %parallel_loop3A_234 = %parallel_loop3A to %parallel_loop3A_225 step %parallel_loop3A_226  : i32 {
          %parallel_loop3A_235 = arith.index_cast %parallel_loop3A_234 : i32 to index
          %parallel_loop3A_236 = arith.constant 0 : index
          %parallel_loop3A_237 = tpu.vector_load %arg18[%parallel_loop3A_235, %parallel_loop3A_236] {strides = array<i32>} : memref<64x128xf32, #tpu.memory_space<vmem>>, vector<1x16xf32>,
          %parallel_loop3A_238 = vector.shape_cast %parallel_loop3A_237 : vector<1x16xf32> to vector<16xf32>
          %parallel_loop3A_239 = arith.index_cast %parallel_loop3A_234 : i32 to index
          %parallel_loop3A_240 = arith.constant 0 : index
          %parallel_loop3A_241 = tpu.vector_load %arg15[%parallel_loop3A_239, %parallel_loop3A_240] {strides = array<i32>} : memref<64x128xf32, #tpu.memory_space<vmem>>, vector<1x16xf32>,
          %parallel_loop3A_242 = vector.shape_cast %parallel_loop3A_241 : vector<1x16xf32> to vector<16xf32>
          %parallel_loop3A_243 = arith.addf %parallel_loop3A_238, %parallel_loop3A_242 : vector<16xf32>
          %parallel_loop3A_244 = arith.constant 0.000000e+00 : f32
          %parallel_loop3A_245 = vector.broadcast %parallel_loop3A_244 : f32 to vector<16xf32>
          %parallel_loop3A_246 = arith.maximumf %parallel_loop3A_243, %parallel_loop3A_245 : vector<16xf32>
          %parallel_loop3A_247 = arith.index_cast %parallel_loop3A_234 : i32 to index
          %parallel_loop3A_248 = arith.constant 0 : index
          %parallel_loop3A_249 = tpu.vector_load %arg18[%parallel_loop3A_247, %parallel_loop3A_248] {strides = array<i32>} : memref<64x128xf32, #tpu.memory_space<vmem>>, vector<1x16xf32>,
          %parallel_loop3A_250 = vector.shape_cast %parallel_loop3A_249 : vector<1x16xf32> to vector<16xf32>
          %parallel_loop3A_251 = vector.shape_cast %parallel_loop3A_246 : vector<16xf32> to vector<1x16xf32>
          tpu.vector_store %arg18[%parallel_loop3A_247, %parallel_loop3A_248], %parallel_loop3A_251 {strides = array<i32>} : memref<64x128xf32, #tpu.memory_space<vmem>>, vector<1x16xf32>,
          %parallel_loop3A_252 = arith.index_cast %parallel_loop3A_234 : i32 to index
          %parallel_loop3A_253 = arith.constant 16 : index
          %parallel_loop3A_254 = tpu.vector_load %arg18[%parallel_loop3A_252, %parallel_loop3A_253] {strides = array<i32>} : memref<64x128xf32, #tpu.memory_space<vmem>>, vector<1x16xf32>,
          %parallel_loop3A_255 = vector.shape_cast %parallel_loop3A_254 : vector<1x16xf32> to vector<16xf32>
          %parallel_loop3A_256 = arith.index_cast %parallel_loop3A_234 : i32 to index
          %parallel_loop3A_257 = arith.constant 16 : index
          %parallel_loop3A_258 = tpu.vector_load %arg15[%parallel_loop3A_256, %parallel_loop3A_257] {strides = array<i32>} : memref<64x128xf32, #tpu.memory_space<vmem>>, vector<1x16xf32>,
          %parallel_loop3A_259 = vector.shape_cast %parallel_loop3A_258 : vector<1x16xf32> to vector<16xf32>
          %parallel_loop3A_260 = arith.addf %parallel_loop3A_255, %parallel_loop3A_259 : vector<16xf32>
          %parallel_loop3A_261 = arith.constant 0.000000e+00 : f32
          %parallel_loop3A_262 = vector.broadcast %parallel_loop3A_261 : f32 to vector<16xf32>
          %parallel_loop3A_263 = arith.maximumf %parallel_loop3A_260, %parallel_loop3A_262 : vector<16xf32>
          %parallel_loop3A_264 = arith.index_cast %parallel_loop3A_234 : i32 to index
          %parallel_loop3A_265 = arith.constant 16 : index
          %parallel_loop3A_266 = tpu.vector_load %arg18[%parallel_loop3A_264, %parallel_loop3A_265] {strides = array<i32>} : memref<64x128xf32, #tpu.memory_space<vmem>>, vector<1x16xf32>,
          %parallel_loop3A_267 = vector.shape_cast %parallel_loop3A_266 : vector<1x16xf32> to vector<16xf32>
          %parallel_loop3A_268 = vector.shape_cast %parallel_loop3A_263 : vector<16xf32> to vector<1x16xf32>
          tpu.vector_store %arg18[%parallel_loop3A_264, %parallel_loop3A_265], %parallel_loop3A_268 {strides = array<i32>} : memref<64x128xf32, #tpu.memory_space<vmem>>, vector<1x16xf32>,
          %parallel_loop3A_269 = arith.index_cast %parallel_loop3A_234 : i32 to index
          %parallel_loop3A_270 = arith.constant 32 : index
          %parallel_loop3A_271 = tpu.vector_load %arg18[%parallel_loop3A_269, %parallel_loop3A_270] {strides = array<i32>} : memref<64x128xf32, #tpu.memory_space<vmem>>, vector<1x16xf32>,
          %parallel_loop3A_272 = vector.shape_cast %parallel_loop3A_271 : vector<1x16xf32> to vector<16xf32>
          %parallel_loop3A_273 = arith.index_cast %parallel_loop3A_234 : i32 to index
          %parallel_loop3A_274 = arith.constant 32 : index
          %parallel_loop3A_275 = tpu.vector_load %arg15[%parallel_loop3A_273, %parallel_loop3A_274] {strides = array<i32>} : memref<64x128xf32, #tpu.memory_space<vmem>>, vector<1x16xf32>,
          %parallel_loop3A_276 = vector.shape_cast %parallel_loop3A_275 : vector<1x16xf32> to vector<16xf32>
          %parallel_loop3A_277 = arith.addf %parallel_loop3A_272, %parallel_loop3A_276 : vector<16xf32>
          %parallel_loop3A_278 = arith.constant 0.000000e+00 : f32
          %parallel_loop3A_279 = vector.broadcast %parallel_loop3A_278 : f32 to vector<16xf32>
          %parallel_loop3A_280 = arith.maximumf %parallel_loop3A_277, %parallel_loop3A_279 : vector<16xf32>
          %parallel_loop3A_281 = arith.index_cast %parallel_loop3A_234 : i32 to index
          %parallel_loop3A_282 = arith.constant 32 : index
          %parallel_loop3A_283 = tpu.vector_load %arg18[%parallel_loop3A_281, %parallel_loop3A_282] {strides = array<i32>} : memref<64x128xf32, #tpu.memory_space<vmem>>, vector<1x16xf32>,
          %parallel_loop3A_284 = vector.shape_cast %parallel_loop3A_283 : vector<1x16xf32> to vector<16xf32>
          %parallel_loop3A_285 = vector.shape_cast %parallel_loop3A_280 : vector<16xf32> to vector<1x16xf32>
          tpu.vector_store %arg18[%parallel_loop3A_281, %parallel_loop3A_282], %parallel_loop3A_285 {strides = array<i32>} : memref<64x128xf32, #tpu.memory_space<vmem>>, vector<1x16xf32>,
          %parallel_loop3A_286 = arith.index_cast %parallel_loop3A_234 : i32 to index
          %parallel_loop3A_287 = arith.constant 48 : index
          %parallel_loop3A_288 = tpu.vector_load %arg18[%parallel_loop3A_286, %parallel_loop3A_287] {strides = array<i32>} : memref<64x128xf32, #tpu.memory_space<vmem>>, vector<1x16xf32>,
          %parallel_loop3A_289 = vector.shape_cast %parallel_loop3A_288 : vector<1x16xf32> to vector<16xf32>
          %parallel_loop3A_290 = arith.index_cast %parallel_loop3A_234 : i32 to index
          %parallel_loop3A_291 = arith.constant 48 : index
          %parallel_loop3A_292 = tpu.vector_load %arg15[%parallel_loop3A_290, %parallel_loop3A_291] {strides = array<i32>} : memref<64x128xf32, #tpu.memory_space<vmem>>, vector<1x16xf32>,
          %parallel_loop3A_293 = vector.shape_cast %parallel_loop3A_292 : vector<1x16xf32> to vector<16xf32>
          %parallel_loop3A_294 = arith.addf %parallel_loop3A_289, %parallel_loop3A_293 : vector<16xf32>
          %parallel_loop3A_295 = arith.constant 0.000000e+00 : f32
          %parallel_loop3A_296 = vector.broadcast %parallel_loop3A_295 : f32 to vector<16xf32>
          %parallel_loop3A_297 = arith.maximumf %parallel_loop3A_294, %parallel_loop3A_296 : vector<16xf32>
          %parallel_loop3A_298 = arith.index_cast %parallel_loop3A_234 : i32 to index
          %parallel_loop3A_299 = arith.constant 48 : index
          %parallel_loop3A_300 = tpu.vector_load %arg18[%parallel_loop3A_298, %parallel_loop3A_299] {strides = array<i32>} : memref<64x128xf32, #tpu.memory_space<vmem>>, vector<1x16xf32>,
          %parallel_loop3A_301 = vector.shape_cast %parallel_loop3A_300 : vector<1x16xf32> to vector<16xf32>
          %parallel_loop3A_302 = vector.shape_cast %parallel_loop3A_297 : vector<16xf32> to vector<1x16xf32>
          tpu.vector_store %arg18[%parallel_loop3A_298, %parallel_loop3A_299], %parallel_loop3A_302 {strides = array<i32>} : memref<64x128xf32, #tpu.memory_space<vmem>>, vector<1x16xf32>,
          %parallel_loop3A_303 = arith.index_cast %parallel_loop3A_234 : i32 to index
          %parallel_loop3A_304 = arith.constant 64 : index
          %parallel_loop3A_305 = tpu.vector_load %arg18[%parallel_loop3A_303, %parallel_loop3A_304] {strides = array<i32>} : memref<64x128xf32, #tpu.memory_space<vmem>>, vector<1x16xf32>,
          %parallel_loop3A_306 = vector.shape_cast %parallel_loop3A_305 : vector<1x16xf32> to vector<16xf32>
          %parallel_loop3A_307 = arith.index_cast %parallel_loop3A_234 : i32 to index
          %parallel_loop3A_308 = arith.constant 64 : index
          %parallel_loop3A_309 = tpu.vector_load %arg15[%parallel_loop3A_307, %parallel_loop3A_308] {strides = array<i32>} : memref<64x128xf32, #tpu.memory_space<vmem>>, vector<1x16xf32>,
          %parallel_loop3A_310 = vector.shape_cast %parallel_loop3A_309 : vector<1x16xf32> to vector<16xf32>
          %parallel_loop3A_311 = arith.addf %parallel_loop3A_306, %parallel_loop3A_310 : vector<16xf32>
          %parallel_loop3A_312 = arith.constant 0.000000e+00 : f32
          %parallel_loop3A_313 = vector.broadcast %parallel_loop3A_312 : f32 to vector<16xf32>
          %parallel_loop3A_314 = arith.maximumf %parallel_loop3A_311, %parallel_loop3A_313 : vector<16xf32>
          %parallel_loop3A_315 = arith.index_cast %parallel_loop3A_234 : i32 to index
          %parallel_loop3A_316 = arith.constant 64 : index
          %parallel_loop3A_317 = tpu.vector_load %arg18[%parallel_loop3A_315, %parallel_loop3A_316] {strides = array<i32>} : memref<64x128xf32, #tpu.memory_space<vmem>>, vector<1x16xf32>,
          %parallel_loop3A_318 = vector.shape_cast %parallel_loop3A_317 : vector<1x16xf32> to vector<16xf32>
          %parallel_loop3A_319 = vector.shape_cast %parallel_loop3A_314 : vector<16xf32> to vector<1x16xf32>
          tpu.vector_store %arg18[%parallel_loop3A_315, %parallel_loop3A_316], %parallel_loop3A_319 {strides = array<i32>} : memref<64x128xf32, #tpu.memory_space<vmem>>, vector<1x16xf32>,
          %parallel_loop3A_320 = arith.index_cast %parallel_loop3A_234 : i32 to index
          %parallel_loop3A_321 = arith.constant 80 : index
          %parallel_loop3A_322 = tpu.vector_load %arg18[%parallel_loop3A_320, %parallel_loop3A_321] {strides = array<i32>} : memref<64x128xf32, #tpu.memory_space<vmem>>, vector<1x16xf32>,
          %parallel_loop3A_323 = vector.shape_cast %parallel_loop3A_322 : vector<1x16xf32> to vector<16xf32>
          %parallel_loop3A_324 = arith.index_cast %parallel_loop3A_234 : i32 to index
          %parallel_loop3A_325 = arith.constant 80 : index
          %parallel_loop3A_326 = tpu.vector_load %arg15[%parallel_loop3A_324, %parallel_loop3A_325] {strides = array<i32>} : memref<64x128xf32, #tpu.memory_space<vmem>>, vector<1x16xf32>,
          %parallel_loop3A_327 = vector.shape_cast %parallel_loop3A_326 : vector<1x16xf32> to vector<16xf32>
          %parallel_loop3A_328 = arith.addf %parallel_loop3A_323, %parallel_loop3A_327 : vector<16xf32>
          %parallel_loop3A_329 = arith.constant 0.000000e+00 : f32
          %parallel_loop3A_330 = vector.broadcast %parallel_loop3A_329 : f32 to vector<16xf32>
          %parallel_loop3A_331 = arith.maximumf %parallel_loop3A_328, %parallel_loop3A_330 : vector<16xf32>
          %parallel_loop3A_332 = arith.index_cast %parallel_loop3A_234 : i32 to index
          %parallel_loop3A_333 = arith.constant 80 : index
          %parallel_loop3A_334 = tpu.vector_load %arg18[%parallel_loop3A_332, %parallel_loop3A_333] {strides = array<i32>} : memref<64x128xf32, #tpu.memory_space<vmem>>, vector<1x16xf32>,
          %parallel_loop3A_335 = vector.shape_cast %parallel_loop3A_334 : vector<1x16xf32> to vector<16xf32>
          %parallel_loop3A_336 = vector.shape_cast %parallel_loop3A_331 : vector<16xf32> to vector<1x16xf32>
          tpu.vector_store %arg18[%parallel_loop3A_332, %parallel_loop3A_333], %parallel_loop3A_336 {strides = array<i32>} : memref<64x128xf32, #tpu.memory_space<vmem>>, vector<1x16xf32>,
          %parallel_loop3A_337 = arith.index_cast %parallel_loop3A_234 : i32 to index
          %parallel_loop3A_338 = arith.constant 96 : index
          %parallel_loop3A_339 = tpu.vector_load %arg18[%parallel_loop3A_337, %parallel_loop3A_338] {strides = array<i32>} : memref<64x128xf32, #tpu.memory_space<vmem>>, vector<1x16xf32>,
          %parallel_loop3A_340 = vector.shape_cast %parallel_loop3A_339 : vector<1x16xf32> to vector<16xf32>
          %parallel_loop3A_341 = arith.index_cast %parallel_loop3A_234 : i32 to index
          %parallel_loop3A_342 = arith.constant 96 : index
          %parallel_loop3A_343 = tpu.vector_load %arg15[%parallel_loop3A_341, %parallel_loop3A_342] {strides = array<i32>} : memref<64x128xf32, #tpu.memory_space<vmem>>, vector<1x16xf32>,
          %parallel_loop3A_344 = vector.shape_cast %parallel_loop3A_343 : vector<1x16xf32> to vector<16xf32>
          %parallel_loop3A_345 = arith.addf %parallel_loop3A_340, %parallel_loop3A_344 : vector<16xf32>
          %parallel_loop3A_346 = arith.constant 0.000000e+00 : f32
          %parallel_loop3A_347 = vector.broadcast %parallel_loop3A_346 : f32 to vector<16xf32>
          %parallel_loop3A_348 = arith.maximumf %parallel_loop3A_345, %parallel_loop3A_347 : vector<16xf32>
          %parallel_loop3A_349 = arith.index_cast %parallel_loop3A_234 : i32 to index
          %parallel_loop3A_350 = arith.constant 96 : index
          %parallel_loop3A_351 = tpu.vector_load %arg18[%parallel_loop3A_349, %parallel_loop3A_350] {strides = array<i32>} : memref<64x128xf32, #tpu.memory_space<vmem>>, vector<1x16xf32>,
          %parallel_loop3A_352 = vector.shape_cast %parallel_loop3A_351 : vector<1x16xf32> to vector<16xf32>
          %parallel_loop3A_353 = vector.shape_cast %parallel_loop3A_348 : vector<16xf32> to vector<1x16xf32>
          tpu.vector_store %arg18[%parallel_loop3A_349, %parallel_loop3A_350], %parallel_loop3A_353 {strides = array<i32>} : memref<64x128xf32, #tpu.memory_space<vmem>>, vector<1x16xf32>,
          %parallel_loop3A_354 = arith.index_cast %parallel_loop3A_234 : i32 to index
          %parallel_loop3A_355 = arith.constant 112 : index
          %parallel_loop3A_356 = tpu.vector_load %arg18[%parallel_loop3A_354, %parallel_loop3A_355] {strides = array<i32>} : memref<64x128xf32, #tpu.memory_space<vmem>>, vector<1x16xf32>,
          %parallel_loop3A_357 = vector.shape_cast %parallel_loop3A_356 : vector<1x16xf32> to vector<16xf32>
          %parallel_loop3A_358 = arith.index_cast %parallel_loop3A_234 : i32 to index
          %parallel_loop3A_359 = arith.constant 112 : index
          %parallel_loop3A_360 = tpu.vector_load %arg15[%parallel_loop3A_358, %parallel_loop3A_359] {strides = array<i32>} : memref<64x128xf32, #tpu.memory_space<vmem>>, vector<1x16xf32>,
          %parallel_loop3A_361 = vector.shape_cast %parallel_loop3A_360 : vector<1x16xf32> to vector<16xf32>
          %parallel_loop3A_362 = arith.addf %parallel_loop3A_357, %parallel_loop3A_361 : vector<16xf32>
          %parallel_loop3A_363 = arith.constant 0.000000e+00 : f32
          %parallel_loop3A_364 = vector.broadcast %parallel_loop3A_363 : f32 to vector<16xf32>
          %parallel_loop3A_365 = arith.maximumf %parallel_loop3A_362, %parallel_loop3A_364 : vector<16xf32>
          %parallel_loop3A_366 = arith.index_cast %parallel_loop3A_234 : i32 to index
          %parallel_loop3A_367 = arith.constant 112 : index
          %parallel_loop3A_368 = tpu.vector_load %arg18[%parallel_loop3A_366, %parallel_loop3A_367] {strides = array<i32>} : memref<64x128xf32, #tpu.memory_space<vmem>>, vector<1x16xf32>,
          %parallel_loop3A_369 = vector.shape_cast %parallel_loop3A_368 : vector<1x16xf32> to vector<16xf32>
          %parallel_loop3A_370 = vector.shape_cast %parallel_loop3A_365 : vector<16xf32> to vector<1x16xf32>
          tpu.vector_store %arg18[%parallel_loop3A_366, %parallel_loop3A_367], %parallel_loop3A_370 {strides = array<i32>} : memref<64x128xf32, #tpu.memory_space<vmem>>, vector<1x16xf32>,
        } {sc.loop_unroll_factor = 1 : i64, sc.parallel_access}
        %dma_wait3A_227 = arith.constant 0 : i32
        %dma_wait3A_228 = tpu.memref_slice %arg5[%dma_wait3A_227] : memref<320000xi32, #tpu.memory_space<hbm>> -> memref<64xi32, #tpu.memory_space<hbm>>
        %dma_wait3A_229 = arith.constant 0 : i32
        %dma_wait3A_230 = tpu.memref_slice %arg5[%dma_wait3A_229] : memref<320000xi32, #tpu.memory_space<hbm>> -> memref<64xi32, #tpu.memory_space<hbm>>
        tpu.wait_dma2 semaphore(%arg25 : memref<!tpu.dma_semaphore, #tpu.memory_space<semaphore_mem>>) src(%dma_wait3A_230 : memref<64xi32, #tpu.memory_space<hbm>>) dst(%arg12 : memref<64xi32, #tpu.memory_space<vmem>>)
        %dma_start3A_231 = arith.constant 0 : i32
        %dma_start3A_232 = arith.constant 0 : i32
        %dma_start3A_233 = tpu.memref_slice %arg19[%dma_start3A_231, %dma_start3A_232] : memref<10000x128xf32, #tpu.memory_space<vmem_shared>> -> memref<10000x128xf32, #tpu.memory_space<vmem_shared>>
        tpu.enqueue_indirect_dma source(%arg18 : memref<64x128xf32, #tpu.memory_space<vmem>>) target(%dma_start3A_233 : memref<10000x128xf32, #tpu.memory_space<vmem_shared>>) offsets(%arg12 : memref<64xi32, #tpu.memory_space<vmem>>) semaphore(%arg34 : memref<!tpu.dma_semaphore, #tpu.memory_space<semaphore_mem>>) {add = true}
      } else {
      }
      %scan3A_212 = arith.constant 0 : i32
      scf.yield %scan3A_212 : i32
    }
    %scan3A_92 = arith.constant 53 : i32
    %dma_wait3A_93 = arith.constant 0 : i32
    %dma_wait3A_94 = arith.constant 0 : i32
    %dma_wait3A_95 = tpu.memref_slice %arg19[%dma_wait3A_93, %dma_wait3A_94] : memref<10000x128xf32, #tpu.memory_space<vmem_shared>> -> memref<64x128xf32, #tpu.memory_space<vmem_shared>>
    %dma_wait3A_96 = arith.constant 0 : i32
    %dma_wait3A_97 = arith.constant 0 : i32
    %dma_wait3A_98 = tpu.memref_slice %arg19[%dma_wait3A_96, %dma_wait3A_97] : memref<10000x128xf32, #tpu.memory_space<vmem_shared>> -> memref<64x128xf32, #tpu.memory_space<vmem_shared>>
    tpu.wait_dma2 semaphore(%arg32 : memref<!tpu.dma_semaphore, #tpu.memory_space<semaphore_mem>>) src(%arg16 : memref<64x128xf32, #tpu.memory_space<vmem>>) dst(%dma_wait3A_98 : memref<64x128xf32, #tpu.memory_space<vmem_shared>>)
    %dma_wait3A_99 = arith.constant 0 : i32
    %dma_wait3A_100 = arith.constant 0 : i32
    %dma_wait3A_101 = tpu.memref_slice %arg19[%dma_wait3A_99, %dma_wait3A_100] : memref<10000x128xf32, #tpu.memory_space<vmem_shared>> -> memref<64x128xf32, #tpu.memory_space<vmem_shared>>
    %dma_wait3A_102 = arith.constant 0 : i32
    %dma_wait3A_103 = arith.constant 0 : i32
    %dma_wait3A_104 = tpu.memref_slice %arg19[%dma_wait3A_102, %dma_wait3A_103] : memref<10000x128xf32, #tpu.memory_space<vmem_shared>> -> memref<64x128xf32, #tpu.memory_space<vmem_shared>>
    tpu.wait_dma2 semaphore(%arg33 : memref<!tpu.dma_semaphore, #tpu.memory_space<semaphore_mem>>) src(%arg17 : memref<64x128xf32, #tpu.memory_space<vmem>>) dst(%dma_wait3A_104 : memref<64x128xf32, #tpu.memory_space<vmem_shared>>)
    %dma_wait3A_105 = arith.constant 0 : i32
    %dma_wait3A_106 = arith.constant 0 : i32
    %dma_wait3A_107 = tpu.memref_slice %arg19[%dma_wait3A_105, %dma_wait3A_106] : memref<10000x128xf32, #tpu.memory_space<vmem_shared>> -> memref<64x128xf32, #tpu.memory_space<vmem_shared>>
    %dma_wait3A_108 = arith.constant 0 : i32
    %dma_wait3A_109 = arith.constant 0 : i32
    %dma_wait3A_110 = tpu.memref_slice %arg19[%dma_wait3A_108, %dma_wait3A_109] : memref<10000x128xf32, #tpu.memory_space<vmem_shared>> -> memref<64x128xf32, #tpu.memory_space<vmem_shared>>
    tpu.wait_dma2 semaphore(%arg34 : memref<!tpu.dma_semaphore, #tpu.memory_space<semaphore_mem>>) src(%arg18 : memref<64x128xf32, #tpu.memory_space<vmem>>) dst(%dma_wait3A_110 : memref<64x128xf32, #tpu.memory_space<vmem_shared>>)
    %barrier3A_111 = arith.constant 0 : index
    tpu.barrier barrier_id(%barrier3A_111)
    %mul3A_112 = arith.constant 624 : i32
    %mul3A_113 = arith.muli %arg1, %mul3A_112 : i32
    %mul3A_114 = arith.constant 10000 : i32
    %mul3A_115 = arith.muli %arg0, %mul3A_114 : i32
    %add3A_116 = arith.addi %mul3A_115, %mul3A_113 : i32
    "tpu.region"() ({
      %run_scoped3A = tpu.sem_alloc : memref<!tpu.dma_semaphore, #tpu.memory_space<semaphore_mem>>
      %dma_start3A_122 = arith.constant 0 : i32
      %dma_start3A_123 = tpu.memref_slice %arg6[%add3A_116, %dma_start3A_122] : memref<20000x128xf32, #tpu.memory_space<hbm>> -> memref<624x128xf32, #tpu.memory_space<hbm>>
      %dma_start3A_124 = arith.constant 0 : i32
      %dma_start3A_125 = tpu.memref_slice %arg19[%mul3A_113, %dma_start3A_124] : memref<10000x128xf32, #tpu.memory_space<vmem_shared>> -> memref<624x128xf32, #tpu.memory_space<vmem_shared>>
      tpu.enqueue_dma source(%dma_start3A_125 : memref<624x128xf32, #tpu.memory_space<vmem_shared>>) target(%dma_start3A_123 : memref<624x128xf32, #tpu.memory_space<hbm>>) target_semaphore(%run_scoped3A : memref<!tpu.dma_semaphore, #tpu.memory_space<semaphore_mem>>)
      %dma_wait3A_126 = arith.constant 0 : i32
      %dma_wait3A_127 = tpu.memref_slice %arg6[%add3A_116, %dma_wait3A_126] : memref<20000x128xf32, #tpu.memory_space<hbm>> -> memref<624x128xf32, #tpu.memory_space<hbm>>
      %dma_wait3A_128 = arith.constant 0 : i32
      %dma_wait3A_129 = tpu.memref_slice %arg19[%mul3A_113, %dma_wait3A_128] : memref<10000x128xf32, #tpu.memory_space<vmem_shared>> -> memref<624x128xf32, #tpu.memory_space<vmem_shared>>
      tpu.wait_dma2 semaphore(%run_scoped3A : memref<!tpu.dma_semaphore, #tpu.memory_space<semaphore_mem>>) src(%dma_wait3A_129 : memref<624x128xf32, #tpu.memory_space<vmem_shared>>) dst(%dma_wait3A_127 : memref<624x128xf32, #tpu.memory_space<hbm>>)
      tpu.yield
    }) : () -> ()
    %eq3A_117 = arith.constant 15 : i32
    %eq3A_118 = arith.cmpi eq, %arg1, %eq3A_117 : i32
    %convert_element_type3A_119 = arith.extui %eq3A_118 : i1 to i32
    %cond3A_120 = arith.constant 0 : i32
    %cond3A_121 = arith.cmpi ne, %convert_element_type3A_119, %cond3A_120 : i32
    scf.if %cond3A_121 {
      %mul3A_122 = arith.constant 10000 : i32
      %mul3A_123 = arith.muli %arg0, %mul3A_122 : i32
      %add3A_124 = arith.constant 9984 : i32
      %add3A_125 = arith.addi %mul3A_123, %add3A_124 : i32
      "tpu.region"() ({
        %run_scoped3A = tpu.sem_alloc : memref<!tpu.dma_semaphore, #tpu.memory_space<semaphore_mem>>
        %dma_start3A_126 = arith.constant 0 : i32
        %dma_start3A_127 = tpu.memref_slice %arg6[%add3A_125, %dma_start3A_126] : memref<20000x128xf32, #tpu.memory_space<hbm>> -> memref<16x128xf32, #tpu.memory_space<hbm>>
        %dma_start3A_128 = arith.constant 9984 : i32
        %dma_start3A_129 = arith.constant 0 : i32
        %dma_start3A_130 = tpu.memref_slice %arg19[%dma_start3A_128, %dma_start3A_129] : memref<10000x128xf32, #tpu.memory_space<vmem_shared>> -> memref<16x128xf32, #tpu.memory_space<vmem_shared>>
        tpu.enqueue_dma source(%dma_start3A_130 : memref<16x128xf32, #tpu.memory_space<vmem_shared>>) target(%dma_start3A_127 : memref<16x128xf32, #tpu.memory_space<hbm>>) target_semaphore(%run_scoped3A : memref<!tpu.dma_semaphore, #tpu.memory_space<semaphore_mem>>)
        %dma_wait3A_131 = arith.constant 0 : i32
        %dma_wait3A_132 = tpu.memref_slice %arg6[%add3A_125, %dma_wait3A_131] : memref<20000x128xf32, #tpu.memory_space<hbm>> -> memref<16x128xf32, #tpu.memory_space<hbm>>
        %dma_wait3A_133 = arith.constant 9984 : i32
        %dma_wait3A_134 = arith.constant 0 : i32
        %dma_wait3A_135 = tpu.memref_slice %arg19[%dma_wait3A_133, %dma_wait3A_134] : memref<10000x128xf32, #tpu.memory_space<vmem_shared>> -> memref<16x128xf32, #tpu.memory_space<vmem_shared>>
        tpu.wait_dma2 semaphore(%run_scoped3A : memref<!tpu.dma_semaphore, #tpu.memory_space<semaphore_mem>>) src(%dma_wait3A_135 : memref<16x128xf32, #tpu.memory_space<vmem_shared>>) dst(%dma_wait3A_132 : memref<16x128xf32, #tpu.memory_space<hbm>>)
        tpu.yield
      }) : () -> ()
    } else {
    }
    return
  }
}

#map = affine_map<(d0, d1) -> (0, 0)>
#map1 = affine_map<(d0, d1) -> (0)>
module attributes {stable_mosaic.version = 14 : i64} {
  func.func @_sc_edge_body(%arg0: i32, %arg1: i32, %arg2: memref<10000x128xf32, #tpu.memory_space<hbm>>, %arg3: memref<320000x128xf32, #tpu.memory_space<hbm>>, %arg4: memref<320000xi32, #tpu.memory_space<hbm>>, %arg5: memref<320000xi32, #tpu.memory_space<hbm>>, %arg6: memref<20000x128xf32, #tpu.memory_space<hbm>>, %arg7: memref<64xi32, #tpu.memory_space<vmem>>, %arg8: memref<64xi32, #tpu.memory_space<vmem>>, %arg9: memref<64xi32, #tpu.memory_space<vmem>>, %arg10: memref<64xi32, #tpu.memory_space<vmem>>, %arg11: memref<64xi32, #tpu.memory_space<vmem>>, %arg12: memref<64xi32, #tpu.memory_space<vmem>>, %arg13: memref<64x128xf32, #tpu.memory_space<vmem>>, %arg14: memref<64x128xf32, #tpu.memory_space<vmem>>, %arg15: memref<64x128xf32, #tpu.memory_space<vmem>>, %arg16: memref<64x128xf32, #tpu.memory_space<vmem>>, %arg17: memref<64x128xf32, #tpu.memory_space<vmem>>, %arg18: memref<64x128xf32, #tpu.memory_space<vmem>>, %arg19: memref<10000x128xf32, #tpu.memory_space<vmem_shared>>, %arg20: memref<!tpu.dma_semaphore, #tpu.memory_space<semaphore_mem>>, %arg21: memref<!tpu.dma_semaphore, #tpu.memory_space<semaphore_mem>>, %arg22: memref<!tpu.dma_semaphore, #tpu.memory_space<semaphore_mem>>, %arg23: memref<!tpu.dma_semaphore, #tpu.memory_space<semaphore_mem>>, %arg24: memref<!tpu.dma_semaphore, #tpu.memory_space<semaphore_mem>>, %arg25: memref<!tpu.dma_semaphore, #tpu.memory_space<semaphore_mem>>, %arg26: memref<!tpu.dma_semaphore, #tpu.memory_space<semaphore_mem>>, %arg27: memref<!tpu.dma_semaphore, #tpu.memory_space<semaphore_mem>>, %arg28: memref<!tpu.dma_semaphore, #tpu.memory_space<semaphore_mem>>, %arg29: memref<!tpu.dma_semaphore, #tpu.memory_space<semaphore_mem>>, %arg30: memref<!tpu.dma_semaphore, #tpu.memory_space<semaphore_mem>>, %arg31: memref<!tpu.dma_semaphore, #tpu.memory_space<semaphore_mem>>, %arg32: memref<!tpu.dma_semaphore, #tpu.memory_space<semaphore_mem>>, %arg33: memref<!tpu.dma_semaphore, #tpu.memory_space<semaphore_mem>>, %arg34: memref<!tpu.dma_semaphore, #tpu.memory_space<semaphore_mem>>) attributes {dimension_semantics = [#tpu.dimension_semantics<core_parallel>, #tpu.dimension_semantics<subcore_parallel>], iteration_bounds = array<i64: 2, 16>, scalar_prefetch = 0 : i64, scratch_operands = 28 : i64, tpu.core_type = #tpu.core_type<sc_vector_subcore>, window_params = [{transform_indices = #map}, {transform_indices = #map}, {transform_indices = #map1}, {transform_indices = #map1}, {transform_indices = #map}]} {
    %mul3A = arith.constant 2 : i32
    %mul3A_0 = arith.muli %arg1, %mul3A : i32
    %add3A = arith.addi %mul3A_0, %arg0 : i32
    %scan3A = arith.constant 0 : i32
    %scan3A_1 = arith.constant 0 : i32
    %scan3A_2 = arith.constant 64 : i32
    %scan3A_3 = arith.addi %scan3A_1, %scan3A_2 : i32
    %scan3A_4 = arith.constant 1 : i32
    %scan3A_5 = scf.for %scan3A_122 = %scan3A_1 to %scan3A_3 step %scan3A_4 iter_args(%scan3A_123 = %scan3A) -> (i32)  : i32 {
      %broadcast_in_dim3A = arith.constant 0.000000e+00 : f32
      %broadcast_in_dim3A_124 = vector.broadcast %broadcast_in_dim3A : f32 to vector<16xf32>
      %swap3A = arith.index_cast %scan3A_122 : i32 to index
      %swap3A_125 = arith.constant 0 : index
      %swap3A_126 = tpu.vector_load %arg13[%swap3A, %swap3A_125] {strides = array<i32>} : memref<64x128xf32, #tpu.memory_space<vmem>>, vector<1x16xf32>,
      %swap3A_127 = vector.shape_cast %swap3A_126 : vector<1x16xf32> to vector<16xf32>
      %swap3A_128 = vector.shape_cast %broadcast_in_dim3A_124 : vector<16xf32> to vector<1x16xf32>
      tpu.vector_store %arg13[%swap3A, %swap3A_125], %swap3A_128 {strides = array<i32>} : memref<64x128xf32, #tpu.memory_space<vmem>>, vector<1x16xf32>,
      %broadcast_in_dim3A_129 = arith.constant 0.000000e+00 : f32
      %broadcast_in_dim3A_130 = vector.broadcast %broadcast_in_dim3A_129 : f32 to vector<16xf32>
      %swap3A_131 = arith.index_cast %scan3A_122 : i32 to index
      %swap3A_132 = arith.constant 16 : index
      %swap3A_133 = tpu.vector_load %arg13[%swap3A_131, %swap3A_132] {strides = array<i32>} : memref<64x128xf32, #tpu.memory_space<vmem>>, vector<1x16xf32>,
      %swap3A_134 = vector.shape_cast %swap3A_133 : vector<1x16xf32> to vector<16xf32>
      %swap3A_135 = vector.shape_cast %broadcast_in_dim3A_130 : vector<16xf32> to vector<1x16xf32>
      tpu.vector_store %arg13[%swap3A_131, %swap3A_132], %swap3A_135 {strides = array<i32>} : memref<64x128xf32, #tpu.memory_space<vmem>>, vector<1x16xf32>,
      %broadcast_in_dim3A_136 = arith.constant 0.000000e+00 : f32
      %broadcast_in_dim3A_137 = vector.broadcast %broadcast_in_dim3A_136 : f32 to vector<16xf32>
      %swap3A_138 = arith.index_cast %scan3A_122 : i32 to index
      %swap3A_139 = arith.constant 32 : index
      %swap3A_140 = tpu.vector_load %arg13[%swap3A_138, %swap3A_139] {strides = array<i32>} : memref<64x128xf32, #tpu.memory_space<vmem>>, vector<1x16xf32>,
      %swap3A_141 = vector.shape_cast %swap3A_140 : vector<1x16xf32> to vector<16xf32>
      %swap3A_142 = vector.shape_cast %broadcast_in_dim3A_137 : vector<16xf32> to vector<1x16xf32>
      tpu.vector_store %arg13[%swap3A_138, %swap3A_139], %swap3A_142 {strides = array<i32>} : memref<64x128xf32, #tpu.memory_space<vmem>>, vector<1x16xf32>,
      %broadcast_in_dim3A_143 = arith.constant 0.000000e+00 : f32
      %broadcast_in_dim3A_144 = vector.broadcast %broadcast_in_dim3A_143 : f32 to vector<16xf32>
      %swap3A_145 = arith.index_cast %scan3A_122 : i32 to index
      %swap3A_146 = arith.constant 48 : index
      %swap3A_147 = tpu.vector_load %arg13[%swap3A_145, %swap3A_146] {strides = array<i32>} : memref<64x128xf32, #tpu.memory_space<vmem>>, vector<1x16xf32>,
      %swap3A_148 = vector.shape_cast %swap3A_147 : vector<1x16xf32> to vector<16xf32>
      %swap3A_149 = vector.shape_cast %broadcast_in_dim3A_144 : vector<16xf32> to vector<1x16xf32>
      tpu.vector_store %arg13[%swap3A_145, %swap3A_146], %swap3A_149 {strides = array<i32>} : memref<64x128xf32, #tpu.memory_space<vmem>>, vector<1x16xf32>,
      %broadcast_in_dim3A_150 = arith.constant 0.000000e+00 : f32
      %broadcast_in_dim3A_151 = vector.broadcast %broadcast_in_dim3A_150 : f32 to vector<16xf32>
      %swap3A_152 = arith.index_cast %scan3A_122 : i32 to index
      %swap3A_153 = arith.constant 64 : index
      %swap3A_154 = tpu.vector_load %arg13[%swap3A_152, %swap3A_153] {strides = array<i32>} : memref<64x128xf32, #tpu.memory_space<vmem>>, vector<1x16xf32>,
      %swap3A_155 = vector.shape_cast %swap3A_154 : vector<1x16xf32> to vector<16xf32>
      %swap3A_156 = vector.shape_cast %broadcast_in_dim3A_151 : vector<16xf32> to vector<1x16xf32>
      tpu.vector_store %arg13[%swap3A_152, %swap3A_153], %swap3A_156 {strides = array<i32>} : memref<64x128xf32, #tpu.memory_space<vmem>>, vector<1x16xf32>,
      %broadcast_in_dim3A_157 = arith.constant 0.000000e+00 : f32
      %broadcast_in_dim3A_158 = vector.broadcast %broadcast_in_dim3A_157 : f32 to vector<16xf32>
      %swap3A_159 = arith.index_cast %scan3A_122 : i32 to index
      %swap3A_160 = arith.constant 80 : index
      %swap3A_161 = tpu.vector_load %arg13[%swap3A_159, %swap3A_160] {strides = array<i32>} : memref<64x128xf32, #tpu.memory_space<vmem>>, vector<1x16xf32>,
      %swap3A_162 = vector.shape_cast %swap3A_161 : vector<1x16xf32> to vector<16xf32>
      %swap3A_163 = vector.shape_cast %broadcast_in_dim3A_158 : vector<16xf32> to vector<1x16xf32>
      tpu.vector_store %arg13[%swap3A_159, %swap3A_160], %swap3A_163 {strides = array<i32>} : memref<64x128xf32, #tpu.memory_space<vmem>>, vector<1x16xf32>,
      %broadcast_in_dim3A_164 = arith.constant 0.000000e+00 : f32
      %broadcast_in_dim3A_165 = vector.broadcast %broadcast_in_dim3A_164 : f32 to vector<16xf32>
      %swap3A_166 = arith.index_cast %scan3A_122 : i32 to index
      %swap3A_167 = arith.constant 96 : index
      %swap3A_168 = tpu.vector_load %arg13[%swap3A_166, %swap3A_167] {strides = array<i32>} : memref<64x128xf32, #tpu.memory_space<vmem>>, vector<1x16xf32>,
      %swap3A_169 = vector.shape_cast %swap3A_168 : vector<1x16xf32> to vector<16xf32>
      %swap3A_170 = vector.shape_cast %broadcast_in_dim3A_165 : vector<16xf32> to vector<1x16xf32>
      tpu.vector_store %arg13[%swap3A_166, %swap3A_167], %swap3A_170 {strides = array<i32>} : memref<64x128xf32, #tpu.memory_space<vmem>>, vector<1x16xf32>,
      %broadcast_in_dim3A_171 = arith.constant 0.000000e+00 : f32
      %broadcast_in_dim3A_172 = vector.broadcast %broadcast_in_dim3A_171 : f32 to vector<16xf32>
      %swap3A_173 = arith.index_cast %scan3A_122 : i32 to index
      %swap3A_174 = arith.constant 112 : index
      %swap3A_175 = tpu.vector_load %arg13[%swap3A_173, %swap3A_174] {strides = array<i32>} : memref<64x128xf32, #tpu.memory_space<vmem>>, vector<1x16xf32>,
      %swap3A_176 = vector.shape_cast %swap3A_175 : vector<1x16xf32> to vector<16xf32>
      %swap3A_177 = vector.shape_cast %broadcast_in_dim3A_172 : vector<16xf32> to vector<1x16xf32>
      tpu.vector_store %arg13[%swap3A_173, %swap3A_174], %swap3A_177 {strides = array<i32>} : memref<64x128xf32, #tpu.memory_space<vmem>>, vector<1x16xf32>,
      %scan3A_178 = arith.constant 0 : i32
      scf.yield %scan3A_178 : i32
    }
    %scan3A_6 = arith.constant 64 : i32
    %mul3A_7 = arith.constant 624 : i32
    %mul3A_8 = arith.muli %arg1, %mul3A_7 : i32
    %add3A_9 = arith.constant 0 : i32
    %add3A_10 = arith.addi %mul3A_8, %add3A_9 : i32
    "tpu.region"() ({
      %run_scoped3A = tpu.sem_alloc : memref<!tpu.dma_semaphore, #tpu.memory_space<semaphore_mem>>
      %dma_start3A_122 = arith.constant 0 : i32
      %dma_start3A_123 = tpu.memref_slice %arg19[%add3A_10, %dma_start3A_122] : memref<10000x128xf32, #tpu.memory_space<vmem_shared>> -> memref<64x128xf32, #tpu.memory_space<vmem_shared>>
      %dma_start3A_124 = arith.constant 0 : i32
      %dma_start3A_125 = tpu.memref_slice %arg19[%add3A_10, %dma_start3A_124] : memref<10000x128xf32, #tpu.memory_space<vmem_shared>> -> memref<64x128xf32, #tpu.memory_space<vmem_shared>>
      tpu.enqueue_dma source(%arg13 : memref<64x128xf32, #tpu.memory_space<vmem>>) target(%dma_start3A_125 : memref<64x128xf32, #tpu.memory_space<vmem_shared>>) target_semaphore(%run_scoped3A : memref<!tpu.dma_semaphore, #tpu.memory_space<semaphore_mem>>)
      %dma_wait3A_126 = arith.constant 0 : i32
      %dma_wait3A_127 = tpu.memref_slice %arg19[%add3A_10, %dma_wait3A_126] : memref<10000x128xf32, #tpu.memory_space<vmem_shared>> -> memref<64x128xf32, #tpu.memory_space<vmem_shared>>
      %dma_wait3A_128 = arith.constant 0 : i32
      %dma_wait3A_129 = tpu.memref_slice %arg19[%add3A_10, %dma_wait3A_128] : memref<10000x128xf32, #tpu.memory_space<vmem_shared>> -> memref<64x128xf32, #tpu.memory_space<vmem_shared>>
      tpu.wait_dma2 semaphore(%run_scoped3A : memref<!tpu.dma_semaphore, #tpu.memory_space<semaphore_mem>>) src(%arg13 : memref<64x128xf32, #tpu.memory_space<vmem>>) dst(%dma_wait3A_129 : memref<64x128xf32, #tpu.memory_space<vmem_shared>>)
      tpu.yield
    }) : () -> ()
    %mul3A_11 = arith.constant 624 : i32
    %mul3A_12 = arith.muli %arg1, %mul3A_11 : i32
    %add3A_13 = arith.constant 64 : i32
    %add3A_14 = arith.addi %mul3A_12, %add3A_13 : i32
    "tpu.region"() ({
      %run_scoped3A = tpu.sem_alloc : memref<!tpu.dma_semaphore, #tpu.memory_space<semaphore_mem>>
      %dma_start3A_122 = arith.constant 0 : i32
      %dma_start3A_123 = tpu.memref_slice %arg19[%add3A_14, %dma_start3A_122] : memref<10000x128xf32, #tpu.memory_space<vmem_shared>> -> memref<64x128xf32, #tpu.memory_space<vmem_shared>>
      %dma_start3A_124 = arith.constant 0 : i32
      %dma_start3A_125 = tpu.memref_slice %arg19[%add3A_14, %dma_start3A_124] : memref<10000x128xf32, #tpu.memory_space<vmem_shared>> -> memref<64x128xf32, #tpu.memory_space<vmem_shared>>
      tpu.enqueue_dma source(%arg13 : memref<64x128xf32, #tpu.memory_space<vmem>>) target(%dma_start3A_125 : memref<64x128xf32, #tpu.memory_space<vmem_shared>>) target_semaphore(%run_scoped3A : memref<!tpu.dma_semaphore, #tpu.memory_space<semaphore_mem>>)
      %dma_wait3A_126 = arith.constant 0 : i32
      %dma_wait3A_127 = tpu.memref_slice %arg19[%add3A_14, %dma_wait3A_126] : memref<10000x128xf32, #tpu.memory_space<vmem_shared>> -> memref<64x128xf32, #tpu.memory_space<vmem_shared>>
      %dma_wait3A_128 = arith.constant 0 : i32
      %dma_wait3A_129 = tpu.memref_slice %arg19[%add3A_14, %dma_wait3A_128] : memref<10000x128xf32, #tpu.memory_space<vmem_shared>> -> memref<64x128xf32, #tpu.memory_space<vmem_shared>>
      tpu.wait_dma2 semaphore(%run_scoped3A : memref<!tpu.dma_semaphore, #tpu.memory_space<semaphore_mem>>) src(%arg13 : memref<64x128xf32, #tpu.memory_space<vmem>>) dst(%dma_wait3A_129 : memref<64x128xf32, #tpu.memory_space<vmem_shared>>)
      tpu.yield
    }) : () -> ()
    %mul3A_15 = arith.constant 624 : i32
    %mul3A_16 = arith.muli %arg1, %mul3A_15 : i32
    %add3A_17 = arith.constant 128 : i32
    %add3A_18 = arith.addi %mul3A_16, %add3A_17 : i32
    "tpu.region"() ({
      %run_scoped3A = tpu.sem_alloc : memref<!tpu.dma_semaphore, #tpu.memory_space<semaphore_mem>>
      %dma_start3A_122 = arith.constant 0 : i32
      %dma_start3A_123 = tpu.memref_slice %arg19[%add3A_18, %dma_start3A_122] : memref<10000x128xf32, #tpu.memory_space<vmem_shared>> -> memref<64x128xf32, #tpu.memory_space<vmem_shared>>
      %dma_start3A_124 = arith.constant 0 : i32
      %dma_start3A_125 = tpu.memref_slice %arg19[%add3A_18, %dma_start3A_124] : memref<10000x128xf32, #tpu.memory_space<vmem_shared>> -> memref<64x128xf32, #tpu.memory_space<vmem_shared>>
      tpu.enqueue_dma source(%arg13 : memref<64x128xf32, #tpu.memory_space<vmem>>) target(%dma_start3A_125 : memref<64x128xf32, #tpu.memory_space<vmem_shared>>) target_semaphore(%run_scoped3A : memref<!tpu.dma_semaphore, #tpu.memory_space<semaphore_mem>>)
      %dma_wait3A_126 = arith.constant 0 : i32
      %dma_wait3A_127 = tpu.memref_slice %arg19[%add3A_18, %dma_wait3A_126] : memref<10000x128xf32, #tpu.memory_space<vmem_shared>> -> memref<64x128xf32, #tpu.memory_space<vmem_shared>>
      %dma_wait3A_128 = arith.constant 0 : i32
      %dma_wait3A_129 = tpu.memref_slice %arg19[%add3A_18, %dma_wait3A_128] : memref<10000x128xf32, #tpu.memory_space<vmem_shared>> -> memref<64x128xf32, #tpu.memory_space<vmem_shared>>
      tpu.wait_dma2 semaphore(%run_scoped3A : memref<!tpu.dma_semaphore, #tpu.memory_space<semaphore_mem>>) src(%arg13 : memref<64x128xf32, #tpu.memory_space<vmem>>) dst(%dma_wait3A_129 : memref<64x128xf32, #tpu.memory_space<vmem_shared>>)
      tpu.yield
    }) : () -> ()
    %mul3A_19 = arith.constant 624 : i32
    %mul3A_20 = arith.muli %arg1, %mul3A_19 : i32
    %add3A_21 = arith.constant 192 : i32
    %add3A_22 = arith.addi %mul3A_20, %add3A_21 : i32
    "tpu.region"() ({
      %run_scoped3A = tpu.sem_alloc : memref<!tpu.dma_semaphore, #tpu.memory_space<semaphore_mem>>
      %dma_start3A_122 = arith.constant 0 : i32
      %dma_start3A_123 = tpu.memref_slice %arg19[%add3A_22, %dma_start3A_122] : memref<10000x128xf32, #tpu.memory_space<vmem_shared>> -> memref<64x128xf32, #tpu.memory_space<vmem_shared>>
      %dma_start3A_124 = arith.constant 0 : i32
      %dma_start3A_125 = tpu.memref_slice %arg19[%add3A_22, %dma_start3A_124] : memref<10000x128xf32, #tpu.memory_space<vmem_shared>> -> memref<64x128xf32, #tpu.memory_space<vmem_shared>>
      tpu.enqueue_dma source(%arg13 : memref<64x128xf32, #tpu.memory_space<vmem>>) target(%dma_start3A_125 : memref<64x128xf32, #tpu.memory_space<vmem_shared>>) target_semaphore(%run_scoped3A : memref<!tpu.dma_semaphore, #tpu.memory_space<semaphore_mem>>)
      %dma_wait3A_126 = arith.constant 0 : i32
      %dma_wait3A_127 = tpu.memref_slice %arg19[%add3A_22, %dma_wait3A_126] : memref<10000x128xf32, #tpu.memory_space<vmem_shared>> -> memref<64x128xf32, #tpu.memory_space<vmem_shared>>
      %dma_wait3A_128 = arith.constant 0 : i32
      %dma_wait3A_129 = tpu.memref_slice %arg19[%add3A_22, %dma_wait3A_128] : memref<10000x128xf32, #tpu.memory_space<vmem_shared>> -> memref<64x128xf32, #tpu.memory_space<vmem_shared>>
      tpu.wait_dma2 semaphore(%run_scoped3A : memref<!tpu.dma_semaphore, #tpu.memory_space<semaphore_mem>>) src(%arg13 : memref<64x128xf32, #tpu.memory_space<vmem>>) dst(%dma_wait3A_129 : memref<64x128xf32, #tpu.memory_space<vmem_shared>>)
      tpu.yield
    }) : () -> ()
    %mul3A_23 = arith.constant 624 : i32
    %mul3A_24 = arith.muli %arg1, %mul3A_23 : i32
    %add3A_25 = arith.constant 256 : i32
    %add3A_26 = arith.addi %mul3A_24, %add3A_25 : i32
    "tpu.region"() ({
      %run_scoped3A = tpu.sem_alloc : memref<!tpu.dma_semaphore, #tpu.memory_space<semaphore_mem>>
      %dma_start3A_122 = arith.constant 0 : i32
      %dma_start3A_123 = tpu.memref_slice %arg19[%add3A_26, %dma_start3A_122] : memref<10000x128xf32, #tpu.memory_space<vmem_shared>> -> memref<64x128xf32, #tpu.memory_space<vmem_shared>>
      %dma_start3A_124 = arith.constant 0 : i32
      %dma_start3A_125 = tpu.memref_slice %arg19[%add3A_26, %dma_start3A_124] : memref<10000x128xf32, #tpu.memory_space<vmem_shared>> -> memref<64x128xf32, #tpu.memory_space<vmem_shared>>
      tpu.enqueue_dma source(%arg13 : memref<64x128xf32, #tpu.memory_space<vmem>>) target(%dma_start3A_125 : memref<64x128xf32, #tpu.memory_space<vmem_shared>>) target_semaphore(%run_scoped3A : memref<!tpu.dma_semaphore, #tpu.memory_space<semaphore_mem>>)
      %dma_wait3A_126 = arith.constant 0 : i32
      %dma_wait3A_127 = tpu.memref_slice %arg19[%add3A_26, %dma_wait3A_126] : memref<10000x128xf32, #tpu.memory_space<vmem_shared>> -> memref<64x128xf32, #tpu.memory_space<vmem_shared>>
      %dma_wait3A_128 = arith.constant 0 : i32
      %dma_wait3A_129 = tpu.memref_slice %arg19[%add3A_26, %dma_wait3A_128] : memref<10000x128xf32, #tpu.memory_space<vmem_shared>> -> memref<64x128xf32, #tpu.memory_space<vmem_shared>>
      tpu.wait_dma2 semaphore(%run_scoped3A : memref<!tpu.dma_semaphore, #tpu.memory_space<semaphore_mem>>) src(%arg13 : memref<64x128xf32, #tpu.memory_space<vmem>>) dst(%dma_wait3A_129 : memref<64x128xf32, #tpu.memory_space<vmem_shared>>)
      tpu.yield
    }) : () -> ()
    %mul3A_27 = arith.constant 624 : i32
    %mul3A_28 = arith.muli %arg1, %mul3A_27 : i32
    %add3A_29 = arith.constant 320 : i32
    %add3A_30 = arith.addi %mul3A_28, %add3A_29 : i32
    "tpu.region"() ({
      %run_scoped3A = tpu.sem_alloc : memref<!tpu.dma_semaphore, #tpu.memory_space<semaphore_mem>>
      %dma_start3A_122 = arith.constant 0 : i32
      %dma_start3A_123 = tpu.memref_slice %arg19[%add3A_30, %dma_start3A_122] : memref<10000x128xf32, #tpu.memory_space<vmem_shared>> -> memref<64x128xf32, #tpu.memory_space<vmem_shared>>
      %dma_start3A_124 = arith.constant 0 : i32
      %dma_start3A_125 = tpu.memref_slice %arg19[%add3A_30, %dma_start3A_124] : memref<10000x128xf32, #tpu.memory_space<vmem_shared>> -> memref<64x128xf32, #tpu.memory_space<vmem_shared>>
      tpu.enqueue_dma source(%arg13 : memref<64x128xf32, #tpu.memory_space<vmem>>) target(%dma_start3A_125 : memref<64x128xf32, #tpu.memory_space<vmem_shared>>) target_semaphore(%run_scoped3A : memref<!tpu.dma_semaphore, #tpu.memory_space<semaphore_mem>>)
      %dma_wait3A_126 = arith.constant 0 : i32
      %dma_wait3A_127 = tpu.memref_slice %arg19[%add3A_30, %dma_wait3A_126] : memref<10000x128xf32, #tpu.memory_space<vmem_shared>> -> memref<64x128xf32, #tpu.memory_space<vmem_shared>>
      %dma_wait3A_128 = arith.constant 0 : i32
      %dma_wait3A_129 = tpu.memref_slice %arg19[%add3A_30, %dma_wait3A_128] : memref<10000x128xf32, #tpu.memory_space<vmem_shared>> -> memref<64x128xf32, #tpu.memory_space<vmem_shared>>
      tpu.wait_dma2 semaphore(%run_scoped3A : memref<!tpu.dma_semaphore, #tpu.memory_space<semaphore_mem>>) src(%arg13 : memref<64x128xf32, #tpu.memory_space<vmem>>) dst(%dma_wait3A_129 : memref<64x128xf32, #tpu.memory_space<vmem_shared>>)
      tpu.yield
    }) : () -> ()
    %mul3A_31 = arith.constant 624 : i32
    %mul3A_32 = arith.muli %arg1, %mul3A_31 : i32
    %add3A_33 = arith.constant 384 : i32
    %add3A_34 = arith.addi %mul3A_32, %add3A_33 : i32
    "tpu.region"() ({
      %run_scoped3A = tpu.sem_alloc : memref<!tpu.dma_semaphore, #tpu.memory_space<semaphore_mem>>
      %dma_start3A_122 = arith.constant 0 : i32
      %dma_start3A_123 = tpu.memref_slice %arg19[%add3A_34, %dma_start3A_122] : memref<10000x128xf32, #tpu.memory_space<vmem_shared>> -> memref<64x128xf32, #tpu.memory_space<vmem_shared>>
      %dma_start3A_124 = arith.constant 0 : i32
      %dma_start3A_125 = tpu.memref_slice %arg19[%add3A_34, %dma_start3A_124] : memref<10000x128xf32, #tpu.memory_space<vmem_shared>> -> memref<64x128xf32, #tpu.memory_space<vmem_shared>>
      tpu.enqueue_dma source(%arg13 : memref<64x128xf32, #tpu.memory_space<vmem>>) target(%dma_start3A_125 : memref<64x128xf32, #tpu.memory_space<vmem_shared>>) target_semaphore(%run_scoped3A : memref<!tpu.dma_semaphore, #tpu.memory_space<semaphore_mem>>)
      %dma_wait3A_126 = arith.constant 0 : i32
      %dma_wait3A_127 = tpu.memref_slice %arg19[%add3A_34, %dma_wait3A_126] : memref<10000x128xf32, #tpu.memory_space<vmem_shared>> -> memref<64x128xf32, #tpu.memory_space<vmem_shared>>
      %dma_wait3A_128 = arith.constant 0 : i32
      %dma_wait3A_129 = tpu.memref_slice %arg19[%add3A_34, %dma_wait3A_128] : memref<10000x128xf32, #tpu.memory_space<vmem_shared>> -> memref<64x128xf32, #tpu.memory_space<vmem_shared>>
      tpu.wait_dma2 semaphore(%run_scoped3A : memref<!tpu.dma_semaphore, #tpu.memory_space<semaphore_mem>>) src(%arg13 : memref<64x128xf32, #tpu.memory_space<vmem>>) dst(%dma_wait3A_129 : memref<64x128xf32, #tpu.memory_space<vmem_shared>>)
      tpu.yield
    }) : () -> ()
    %mul3A_35 = arith.constant 624 : i32
    %mul3A_36 = arith.muli %arg1, %mul3A_35 : i32
    %add3A_37 = arith.constant 448 : i32
    %add3A_38 = arith.addi %mul3A_36, %add3A_37 : i32
    "tpu.region"() ({
      %run_scoped3A = tpu.sem_alloc : memref<!tpu.dma_semaphore, #tpu.memory_space<semaphore_mem>>
      %dma_start3A_122 = arith.constant 0 : i32
      %dma_start3A_123 = tpu.memref_slice %arg19[%add3A_38, %dma_start3A_122] : memref<10000x128xf32, #tpu.memory_space<vmem_shared>> -> memref<64x128xf32, #tpu.memory_space<vmem_shared>>
      %dma_start3A_124 = arith.constant 0 : i32
      %dma_start3A_125 = tpu.memref_slice %arg19[%add3A_38, %dma_start3A_124] : memref<10000x128xf32, #tpu.memory_space<vmem_shared>> -> memref<64x128xf32, #tpu.memory_space<vmem_shared>>
      tpu.enqueue_dma source(%arg13 : memref<64x128xf32, #tpu.memory_space<vmem>>) target(%dma_start3A_125 : memref<64x128xf32, #tpu.memory_space<vmem_shared>>) target_semaphore(%run_scoped3A : memref<!tpu.dma_semaphore, #tpu.memory_space<semaphore_mem>>)
      %dma_wait3A_126 = arith.constant 0 : i32
      %dma_wait3A_127 = tpu.memref_slice %arg19[%add3A_38, %dma_wait3A_126] : memref<10000x128xf32, #tpu.memory_space<vmem_shared>> -> memref<64x128xf32, #tpu.memory_space<vmem_shared>>
      %dma_wait3A_128 = arith.constant 0 : i32
      %dma_wait3A_129 = tpu.memref_slice %arg19[%add3A_38, %dma_wait3A_128] : memref<10000x128xf32, #tpu.memory_space<vmem_shared>> -> memref<64x128xf32, #tpu.memory_space<vmem_shared>>
      tpu.wait_dma2 semaphore(%run_scoped3A : memref<!tpu.dma_semaphore, #tpu.memory_space<semaphore_mem>>) src(%arg13 : memref<64x128xf32, #tpu.memory_space<vmem>>) dst(%dma_wait3A_129 : memref<64x128xf32, #tpu.memory_space<vmem_shared>>)
      tpu.yield
    }) : () -> ()
    %mul3A_39 = arith.constant 624 : i32
    %mul3A_40 = arith.muli %arg1, %mul3A_39 : i32
    %add3A_41 = arith.constant 512 : i32
    %add3A_42 = arith.addi %mul3A_40, %add3A_41 : i32
    "tpu.region"() ({
      %run_scoped3A = tpu.sem_alloc : memref<!tpu.dma_semaphore, #tpu.memory_space<semaphore_mem>>
      %dma_start3A_122 = arith.constant 0 : i32
      %dma_start3A_123 = tpu.memref_slice %arg19[%add3A_42, %dma_start3A_122] : memref<10000x128xf32, #tpu.memory_space<vmem_shared>> -> memref<64x128xf32, #tpu.memory_space<vmem_shared>>
      %dma_start3A_124 = arith.constant 0 : i32
      %dma_start3A_125 = tpu.memref_slice %arg19[%add3A_42, %dma_start3A_124] : memref<10000x128xf32, #tpu.memory_space<vmem_shared>> -> memref<64x128xf32, #tpu.memory_space<vmem_shared>>
      tpu.enqueue_dma source(%arg13 : memref<64x128xf32, #tpu.memory_space<vmem>>) target(%dma_start3A_125 : memref<64x128xf32, #tpu.memory_space<vmem_shared>>) target_semaphore(%run_scoped3A : memref<!tpu.dma_semaphore, #tpu.memory_space<semaphore_mem>>)
      %dma_wait3A_126 = arith.constant 0 : i32
      %dma_wait3A_127 = tpu.memref_slice %arg19[%add3A_42, %dma_wait3A_126] : memref<10000x128xf32, #tpu.memory_space<vmem_shared>> -> memref<64x128xf32, #tpu.memory_space<vmem_shared>>
      %dma_wait3A_128 = arith.constant 0 : i32
      %dma_wait3A_129 = tpu.memref_slice %arg19[%add3A_42, %dma_wait3A_128] : memref<10000x128xf32, #tpu.memory_space<vmem_shared>> -> memref<64x128xf32, #tpu.memory_space<vmem_shared>>
      tpu.wait_dma2 semaphore(%run_scoped3A : memref<!tpu.dma_semaphore, #tpu.memory_space<semaphore_mem>>) src(%arg13 : memref<64x128xf32, #tpu.memory_space<vmem>>) dst(%dma_wait3A_129 : memref<64x128xf32, #tpu.memory_space<vmem_shared>>)
      tpu.yield
    }) : () -> ()
    %mul3A_43 = arith.constant 624 : i32
    %mul3A_44 = arith.muli %arg1, %mul3A_43 : i32
    %add3A_45 = arith.constant 576 : i32
    %add3A_46 = arith.addi %mul3A_44, %add3A_45 : i32
    "tpu.region"() ({
      %run_scoped3A = tpu.sem_alloc : memref<!tpu.dma_semaphore, #tpu.memory_space<semaphore_mem>>
      %dma_start3A_122 = arith.constant 0 : i32
      %dma_start3A_123 = arith.constant 0 : i32
      %dma_start3A_124 = tpu.memref_slice %arg13[%dma_start3A_122, %dma_start3A_123] : memref<64x128xf32, #tpu.memory_space<vmem>> -> memref<48x128xf32, #tpu.memory_space<vmem>>
      %dma_start3A_125 = arith.constant 0 : i32
      %dma_start3A_126 = tpu.memref_slice %arg19[%add3A_46, %dma_start3A_125] : memref<10000x128xf32, #tpu.memory_space<vmem_shared>> -> memref<48x128xf32, #tpu.memory_space<vmem_shared>>
      %dma_start3A_127 = arith.constant 0 : i32
      %dma_start3A_128 = tpu.memref_slice %arg19[%add3A_46, %dma_start3A_127] : memref<10000x128xf32, #tpu.memory_space<vmem_shared>> -> memref<48x128xf32, #tpu.memory_space<vmem_shared>>
      %dma_start3A_129 = arith.constant 0 : i32
      %dma_start3A_130 = arith.constant 0 : i32
      %dma_start3A_131 = tpu.memref_slice %arg13[%dma_start3A_129, %dma_start3A_130] : memref<64x128xf32, #tpu.memory_space<vmem>> -> memref<48x128xf32, #tpu.memory_space<vmem>>
      tpu.enqueue_dma source(%dma_start3A_131 : memref<48x128xf32, #tpu.memory_space<vmem>>) target(%dma_start3A_128 : memref<48x128xf32, #tpu.memory_space<vmem_shared>>) target_semaphore(%run_scoped3A : memref<!tpu.dma_semaphore, #tpu.memory_space<semaphore_mem>>)
      %dma_wait3A_132 = arith.constant 0 : i32
      %dma_wait3A_133 = arith.constant 0 : i32
      %dma_wait3A_134 = tpu.memref_slice %arg13[%dma_wait3A_132, %dma_wait3A_133] : memref<64x128xf32, #tpu.memory_space<vmem>> -> memref<48x128xf32, #tpu.memory_space<vmem>>
      %dma_wait3A_135 = arith.constant 0 : i32
      %dma_wait3A_136 = tpu.memref_slice %arg19[%add3A_46, %dma_wait3A_135] : memref<10000x128xf32, #tpu.memory_space<vmem_shared>> -> memref<48x128xf32, #tpu.memory_space<vmem_shared>>
      %dma_wait3A_137 = arith.constant 0 : i32
      %dma_wait3A_138 = tpu.memref_slice %arg19[%add3A_46, %dma_wait3A_137] : memref<10000x128xf32, #tpu.memory_space<vmem_shared>> -> memref<48x128xf32, #tpu.memory_space<vmem_shared>>
      %dma_wait3A_139 = arith.constant 0 : i32
      %dma_wait3A_140 = arith.constant 0 : i32
      %dma_wait3A_141 = tpu.memref_slice %arg13[%dma_wait3A_139, %dma_wait3A_140] : memref<64x128xf32, #tpu.memory_space<vmem>> -> memref<48x128xf32, #tpu.memory_space<vmem>>
      tpu.wait_dma2 semaphore(%run_scoped3A : memref<!tpu.dma_semaphore, #tpu.memory_space<semaphore_mem>>) src(%dma_wait3A_141 : memref<48x128xf32, #tpu.memory_space<vmem>>) dst(%dma_wait3A_138 : memref<48x128xf32, #tpu.memory_space<vmem_shared>>)
      tpu.yield
    }) : () -> ()
    %eq3A = arith.constant 15 : i32
    %eq3A_47 = arith.cmpi eq, %arg1, %eq3A : i32
    %convert_element_type3A = arith.extui %eq3A_47 : i1 to i32
    %cond3A = arith.constant 0 : i32
    %cond3A_48 = arith.cmpi ne, %convert_element_type3A, %cond3A : i32
    scf.if %cond3A_48 {
      "tpu.region"() ({
        %run_scoped3A = tpu.sem_alloc : memref<!tpu.dma_semaphore, #tpu.memory_space<semaphore_mem>>
        %dma_start3A_122 = arith.constant 0 : i32
        %dma_start3A_123 = arith.constant 0 : i32
        %dma_start3A_124 = tpu.memref_slice %arg13[%dma_start3A_122, %dma_start3A_123] : memref<64x128xf32, #tpu.memory_space<vmem>> -> memref<16x128xf32, #tpu.memory_space<vmem>>
        %dma_start3A_125 = arith.constant 9984 : i32
        %dma_start3A_126 = arith.constant 0 : i32
        %dma_start3A_127 = tpu.memref_slice %arg19[%dma_start3A_125, %dma_start3A_126] : memref<10000x128xf32, #tpu.memory_space<vmem_shared>> -> memref<16x128xf32, #tpu.memory_space<vmem_shared>>
        %dma_start3A_128 = arith.constant 9984 : i32
        %dma_start3A_129 = arith.constant 0 : i32
        %dma_start3A_130 = tpu.memref_slice %arg19[%dma_start3A_128, %dma_start3A_129] : memref<10000x128xf32, #tpu.memory_space<vmem_shared>> -> memref<16x128xf32, #tpu.memory_space<vmem_shared>>
        %dma_start3A_131 = arith.constant 0 : i32
        %dma_start3A_132 = arith.constant 0 : i32
        %dma_start3A_133 = tpu.memref_slice %arg13[%dma_start3A_131, %dma_start3A_132] : memref<64x128xf32, #tpu.memory_space<vmem>> -> memref<16x128xf32, #tpu.memory_space<vmem>>
        tpu.enqueue_dma source(%dma_start3A_133 : memref<16x128xf32, #tpu.memory_space<vmem>>) target(%dma_start3A_130 : memref<16x128xf32, #tpu.memory_space<vmem_shared>>) target_semaphore(%run_scoped3A : memref<!tpu.dma_semaphore, #tpu.memory_space<semaphore_mem>>)
        %dma_wait3A_134 = arith.constant 0 : i32
        %dma_wait3A_135 = arith.constant 0 : i32
        %dma_wait3A_136 = tpu.memref_slice %arg13[%dma_wait3A_134, %dma_wait3A_135] : memref<64x128xf32, #tpu.memory_space<vmem>> -> memref<16x128xf32, #tpu.memory_space<vmem>>
        %dma_wait3A_137 = arith.constant 9984 : i32
        %dma_wait3A_138 = arith.constant 0 : i32
        %dma_wait3A_139 = tpu.memref_slice %arg19[%dma_wait3A_137, %dma_wait3A_138] : memref<10000x128xf32, #tpu.memory_space<vmem_shared>> -> memref<16x128xf32, #tpu.memory_space<vmem_shared>>
        %dma_wait3A_140 = arith.constant 9984 : i32
        %dma_wait3A_141 = arith.constant 0 : i32
        %dma_wait3A_142 = tpu.memref_slice %arg19[%dma_wait3A_140, %dma_wait3A_141] : memref<10000x128xf32, #tpu.memory_space<vmem_shared>> -> memref<16x128xf32, #tpu.memory_space<vmem_shared>>
        %dma_wait3A_143 = arith.constant 0 : i32
        %dma_wait3A_144 = arith.constant 0 : i32
        %dma_wait3A_145 = tpu.memref_slice %arg13[%dma_wait3A_143, %dma_wait3A_144] : memref<64x128xf32, #tpu.memory_space<vmem>> -> memref<16x128xf32, #tpu.memory_space<vmem>>
        tpu.wait_dma2 semaphore(%run_scoped3A : memref<!tpu.dma_semaphore, #tpu.memory_space<semaphore_mem>>) src(%dma_wait3A_145 : memref<16x128xf32, #tpu.memory_space<vmem>>) dst(%dma_wait3A_142 : memref<16x128xf32, #tpu.memory_space<vmem_shared>>)
        tpu.yield
      }) : () -> ()
    } else {
    }
    %barrier3A = arith.constant 0 : index
    tpu.barrier barrier_id(%barrier3A)
    %lt3A = arith.constant 8 : i32
    %lt3A_49 = arith.cmpi slt, %add3A, %lt3A : i32
    %jit3A = arith.constant 1 : i32
    %jit3A_50 = arith.constant 0 : i32
    %select_n3A = arith.select %lt3A_49, %jit3A, %jit3A_50 : i32
    %add3A_51 = arith.constant 156 : i32
    %add3A_52 = arith.addi %add3A_51, %select_n3A : i32
    %mul3A_53 = arith.constant 0 : i32
    %mul3A_54 = arith.constant 32 : i32
    %mul3A_55 = arith.muli %mul3A_53, %mul3A_54 : i32
    %add3A_56 = arith.addi %mul3A_55, %add3A : i32
    %mul3A_57 = arith.constant 64 : i32
    %mul3A_58 = arith.muli %add3A_56, %mul3A_57 : i32
    %dma_start3A = tpu.memref_slice %arg4[%mul3A_58] : memref<320000xi32, #tpu.memory_space<hbm>> -> memref<64xi32, #tpu.memory_space<hbm>>
    %dma_start3A_59 = tpu.memref_slice %arg4[%mul3A_58] : memref<320000xi32, #tpu.memory_space<hbm>> -> memref<64xi32, #tpu.memory_space<hbm>>
    tpu.enqueue_dma source(%dma_start3A_59 : memref<64xi32, #tpu.memory_space<hbm>>) target(%arg7 : memref<64xi32, #tpu.memory_space<vmem>>) target_semaphore(%arg20 : memref<!tpu.dma_semaphore, #tpu.memory_space<semaphore_mem>>)
    %dma_start3A_60 = tpu.memref_slice %arg5[%mul3A_58] : memref<320000xi32, #tpu.memory_space<hbm>> -> memref<64xi32, #tpu.memory_space<hbm>>
    %dma_start3A_61 = tpu.memref_slice %arg5[%mul3A_58] : memref<320000xi32, #tpu.memory_space<hbm>> -> memref<64xi32, #tpu.memory_space<hbm>>
    tpu.enqueue_dma source(%dma_start3A_61 : memref<64xi32, #tpu.memory_space<hbm>>) target(%arg10 : memref<64xi32, #tpu.memory_space<vmem>>) target_semaphore(%arg23 : memref<!tpu.dma_semaphore, #tpu.memory_space<semaphore_mem>>)
    %dma_start3A_62 = arith.constant 0 : i32
    %dma_start3A_63 = tpu.memref_slice %arg3[%mul3A_58, %dma_start3A_62] : memref<320000x128xf32, #tpu.memory_space<hbm>> -> memref<64x128xf32, #tpu.memory_space<hbm>>
    %dma_start3A_64 = arith.constant 0 : i32
    %dma_start3A_65 = tpu.memref_slice %arg3[%mul3A_58, %dma_start3A_64] : memref<320000x128xf32, #tpu.memory_space<hbm>> -> memref<64x128xf32, #tpu.memory_space<hbm>>
    tpu.enqueue_dma source(%dma_start3A_65 : memref<64x128xf32, #tpu.memory_space<hbm>>) target(%arg16 : memref<64x128xf32, #tpu.memory_space<vmem>>) target_semaphore(%arg29 : memref<!tpu.dma_semaphore, #tpu.memory_space<semaphore_mem>>)
    %mul3A_66 = arith.constant 1 : i32
    %mul3A_67 = arith.constant 32 : i32
    %mul3A_68 = arith.muli %mul3A_66, %mul3A_67 : i32
    %add3A_69 = arith.addi %mul3A_68, %add3A : i32
    %mul3A_70 = arith.constant 64 : i32
    %mul3A_71 = arith.muli %add3A_69, %mul3A_70 : i32
    %dma_start3A_72 = tpu.memref_slice %arg4[%mul3A_71] : memref<320000xi32, #tpu.memory_space<hbm>> -> memref<64xi32, #tpu.memory_space<hbm>>
    %dma_start3A_73 = tpu.memref_slice %arg4[%mul3A_71] : memref<320000xi32, #tpu.memory_space<hbm>> -> memref<64xi32, #tpu.memory_space<hbm>>
    tpu.enqueue_dma source(%dma_start3A_73 : memref<64xi32, #tpu.memory_space<hbm>>) target(%arg8 : memref<64xi32, #tpu.memory_space<vmem>>) target_semaphore(%arg21 : memref<!tpu.dma_semaphore, #tpu.memory_space<semaphore_mem>>)
    %dma_start3A_74 = tpu.memref_slice %arg5[%mul3A_71] : memref<320000xi32, #tpu.memory_space<hbm>> -> memref<64xi32, #tpu.memory_space<hbm>>
    %dma_start3A_75 = tpu.memref_slice %arg5[%mul3A_71] : memref<320000xi32, #tpu.memory_space<hbm>> -> memref<64xi32, #tpu.memory_space<hbm>>
    tpu.enqueue_dma source(%dma_start3A_75 : memref<64xi32, #tpu.memory_space<hbm>>) target(%arg11 : memref<64xi32, #tpu.memory_space<vmem>>) target_semaphore(%arg24 : memref<!tpu.dma_semaphore, #tpu.memory_space<semaphore_mem>>)
    %dma_start3A_76 = arith.constant 0 : i32
    %dma_start3A_77 = tpu.memref_slice %arg3[%mul3A_71, %dma_start3A_76] : memref<320000x128xf32, #tpu.memory_space<hbm>> -> memref<64x128xf32, #tpu.memory_space<hbm>>
    %dma_start3A_78 = arith.constant 0 : i32
    %dma_start3A_79 = tpu.memref_slice %arg3[%mul3A_71, %dma_start3A_78] : memref<320000x128xf32, #tpu.memory_space<hbm>> -> memref<64x128xf32, #tpu.memory_space<hbm>>
    tpu.enqueue_dma source(%dma_start3A_79 : memref<64x128xf32, #tpu.memory_space<hbm>>) target(%arg17 : memref<64x128xf32, #tpu.memory_space<vmem>>) target_semaphore(%arg30 : memref<!tpu.dma_semaphore, #tpu.memory_space<semaphore_mem>>)
    %dma_wait3A = arith.constant 0 : i32
    %dma_wait3A_80 = tpu.memref_slice %arg4[%dma_wait3A] : memref<320000xi32, #tpu.memory_space<hbm>> -> memref<64xi32, #tpu.memory_space<hbm>>
    %dma_wait3A_81 = arith.constant 0 : i32
    %dma_wait3A_82 = tpu.memref_slice %arg4[%dma_wait3A_81] : memref<320000xi32, #tpu.memory_space<hbm>> -> memref<64xi32, #tpu.memory_space<hbm>>
    tpu.wait_dma2 semaphore(%arg20 : memref<!tpu.dma_semaphore, #tpu.memory_space<semaphore_mem>>) src(%dma_wait3A_82 : memref<64xi32, #tpu.memory_space<hbm>>) dst(%arg7 : memref<64xi32, #tpu.memory_space<vmem>>)
    %dma_start3A_83 = arith.constant 0 : i32
    %dma_start3A_84 = arith.constant 0 : i32
    %dma_start3A_85 = tpu.memref_slice %arg2[%dma_start3A_83, %dma_start3A_84] : memref<10000x128xf32, #tpu.memory_space<hbm>> -> memref<10000x128xf32, #tpu.memory_space<hbm>>
    tpu.enqueue_indirect_dma source(%dma_start3A_85 : memref<10000x128xf32, #tpu.memory_space<hbm>>) target(%arg13 : memref<64x128xf32, #tpu.memory_space<vmem>>) offsets(%arg7 : memref<64xi32, #tpu.memory_space<vmem>>) semaphore(%arg26 : memref<!tpu.dma_semaphore, #tpu.memory_space<semaphore_mem>>)
    %scan3A_86 = arith.constant 0 : i32
    %scan3A_87 = arith.constant 0 : i32
    %scan3A_88 = arith.constant 53 : i32
    %scan3A_89 = arith.addi %scan3A_87, %scan3A_88 : i32
    %scan3A_90 = arith.constant 1 : i32
    %scan3A_91 = scf.for %scan3A_122 = %scan3A_87 to %scan3A_89 step %scan3A_90 iter_args(%scan3A_123 = %scan3A_86) -> (i32)  : i32 {
      %mul3A_124 = arith.constant 3 : i32
      %mul3A_125 = arith.muli %scan3A_122, %mul3A_124 : i32
      %add3A_126 = arith.constant 0 : i32
      %add3A_127 = arith.addi %mul3A_125, %add3A_126 : i32
      %add3A_128 = arith.constant 2 : i32
      %add3A_129 = arith.addi %add3A_127, %add3A_128 : i32
      %ge3A = arith.constant 1 : i32
      %ge3A_130 = arith.cmpi sge, %add3A_127, %ge3A : i32
      %lt3A_131 = arith.cmpi slt, %add3A_129, %add3A_52 : i32
      %and3A = arith.andi %ge3A_130, %lt3A_131 : i1
      %convert_element_type3A_132 = arith.extui %and3A : i1 to i32
      %cond3A_133 = arith.constant 0 : i32
      %cond3A_134 = arith.cmpi ne, %convert_element_type3A_132, %cond3A_133 : i32
      scf.if %cond3A_134 {
        %dma_wait3A_213 = arith.constant 0 : i32
        %dma_wait3A_214 = arith.constant 0 : i32
        %dma_wait3A_215 = tpu.memref_slice %arg19[%dma_wait3A_213, %dma_wait3A_214] : memref<10000x128xf32, #tpu.memory_space<vmem_shared>> -> memref<64x128xf32, #tpu.memory_space<vmem_shared>>
        %dma_wait3A_216 = arith.constant 0 : i32
        %dma_wait3A_217 = arith.constant 0 : i32
        %dma_wait3A_218 = tpu.memref_slice %arg19[%dma_wait3A_216, %dma_wait3A_217] : memref<10000x128xf32, #tpu.memory_space<vmem_shared>> -> memref<64x128xf32, #tpu.memory_space<vmem_shared>>
        tpu.wait_dma2 semaphore(%arg34 : memref<!tpu.dma_semaphore, #tpu.memory_space<semaphore_mem>>) src(%arg18 : memref<64x128xf32, #tpu.memory_space<vmem>>) dst(%dma_wait3A_218 : memref<64x128xf32, #tpu.memory_space<vmem_shared>>)
        %mul3A_219 = arith.constant 32 : i32
        %mul3A_220 = arith.muli %add3A_129, %mul3A_219 : i32
        %add3A_221 = arith.addi %mul3A_220, %add3A : i32
        %mul3A_222 = arith.constant 64 : i32
        %mul3A_223 = arith.muli %add3A_221, %mul3A_222 : i32
        %dma_start3A_224 = tpu.memref_slice %arg4[%mul3A_223] : memref<320000xi32, #tpu.memory_space<hbm>> -> memref<64xi32, #tpu.memory_space<hbm>>
        %dma_start3A_225 = tpu.memref_slice %arg4[%mul3A_223] : memref<320000xi32, #tpu.memory_space<hbm>> -> memref<64xi32, #tpu.memory_space<hbm>>
        tpu.enqueue_dma source(%dma_start3A_225 : memref<64xi32, #tpu.memory_space<hbm>>) target(%arg9 : memref<64xi32, #tpu.memory_space<vmem>>) target_semaphore(%arg22 : memref<!tpu.dma_semaphore, #tpu.memory_space<semaphore_mem>>)
        %dma_start3A_226 = tpu.memref_slice %arg5[%mul3A_223] : memref<320000xi32, #tpu.memory_space<hbm>> -> memref<64xi32, #tpu.memory_space<hbm>>
        %dma_start3A_227 = tpu.memref_slice %arg5[%mul3A_223] : memref<320000xi32, #tpu.memory_space<hbm>> -> memref<64xi32, #tpu.memory_space<hbm>>
        tpu.enqueue_dma source(%dma_start3A_227 : memref<64xi32, #tpu.memory_space<hbm>>) target(%arg12 : memref<64xi32, #tpu.memory_space<vmem>>) target_semaphore(%arg25 : memref<!tpu.dma_semaphore, #tpu.memory_space<semaphore_mem>>)
        %dma_start3A_228 = arith.constant 0 : i32
        %dma_start3A_229 = tpu.memref_slice %arg3[%mul3A_223, %dma_start3A_228] : memref<320000x128xf32, #tpu.memory_space<hbm>> -> memref<64x128xf32, #tpu.memory_space<hbm>>
        %dma_start3A_230 = arith.constant 0 : i32
        %dma_start3A_231 = tpu.memref_slice %arg3[%mul3A_223, %dma_start3A_230] : memref<320000x128xf32, #tpu.memory_space<hbm>> -> memref<64x128xf32, #tpu.memory_space<hbm>>
        tpu.enqueue_dma source(%dma_start3A_231 : memref<64x128xf32, #tpu.memory_space<hbm>>) target(%arg18 : memref<64x128xf32, #tpu.memory_space<vmem>>) target_semaphore(%arg31 : memref<!tpu.dma_semaphore, #tpu.memory_space<semaphore_mem>>)
      } else {
      }
      %eq3A_135 = arith.constant 0 : i32
      %eq3A_136 = arith.cmpi eq, %add3A_127, %eq3A_135 : i32
      %lt3A_137 = arith.cmpi slt, %add3A_129, %add3A_52 : i32
      %and3A_138 = arith.andi %eq3A_136, %lt3A_137 : i1
      %convert_element_type3A_139 = arith.extui %and3A_138 : i1 to i32
      %cond3A_140 = arith.constant 0 : i32
      %cond3A_141 = arith.cmpi ne, %convert_element_type3A_139, %cond3A_140 : i32
      scf.if %cond3A_141 {
        %mul3A_213 = arith.constant 32 : i32
        %mul3A_214 = arith.muli %add3A_129, %mul3A_213 : i32
        %add3A_215 = arith.addi %mul3A_214, %add3A : i32
        %mul3A_216 = arith.constant 64 : i32
        %mul3A_217 = arith.muli %add3A_215, %mul3A_216 : i32
        %dma_start3A_218 = tpu.memref_slice %arg4[%mul3A_217] : memref<320000xi32, #tpu.memory_space<hbm>> -> memref<64xi32, #tpu.memory_space<hbm>>
        %dma_start3A_219 = tpu.memref_slice %arg4[%mul3A_217] : memref<320000xi32, #tpu.memory_space<hbm>> -> memref<64xi32, #tpu.memory_space<hbm>>
        tpu.enqueue_dma source(%dma_start3A_219 : memref<64xi32, #tpu.memory_space<hbm>>) target(%arg9 : memref<64xi32, #tpu.memory_space<vmem>>) target_semaphore(%arg22 : memref<!tpu.dma_semaphore, #tpu.memory_space<semaphore_mem>>)
        %dma_start3A_220 = tpu.memref_slice %arg5[%mul3A_217] : memref<320000xi32, #tpu.memory_space<hbm>> -> memref<64xi32, #tpu.memory_space<hbm>>
        %dma_start3A_221 = tpu.memref_slice %arg5[%mul3A_217] : memref<320000xi32, #tpu.memory_space<hbm>> -> memref<64xi32, #tpu.memory_space<hbm>>
        tpu.enqueue_dma source(%dma_start3A_221 : memref<64xi32, #tpu.memory_space<hbm>>) target(%arg12 : memref<64xi32, #tpu.memory_space<vmem>>) target_semaphore(%arg25 : memref<!tpu.dma_semaphore, #tpu.memory_space<semaphore_mem>>)
        %dma_start3A_222 = arith.constant 0 : i32
        %dma_start3A_223 = tpu.memref_slice %arg3[%mul3A_217, %dma_start3A_222] : memref<320000x128xf32, #tpu.memory_space<hbm>> -> memref<64x128xf32, #tpu.memory_space<hbm>>
        %dma_start3A_224 = arith.constant 0 : i32
        %dma_start3A_225 = tpu.memref_slice %arg3[%mul3A_217, %dma_start3A_224] : memref<320000x128xf32, #tpu.memory_space<hbm>> -> memref<64x128xf32, #tpu.memory_space<hbm>>
        tpu.enqueue_dma source(%dma_start3A_225 : memref<64x128xf32, #tpu.memory_space<hbm>>) target(%arg18 : memref<64x128xf32, #tpu.memory_space<vmem>>) target_semaphore(%arg31 : memref<!tpu.dma_semaphore, #tpu.memory_space<semaphore_mem>>)
      } else {
      }
      %add3A_142 = arith.constant 1 : i32
      %add3A_143 = arith.addi %add3A_127, %add3A_142 : i32
      %lt3A_144 = arith.cmpi slt, %add3A_143, %add3A_52 : i32
      %convert_element_type3A_145 = arith.extui %lt3A_144 : i1 to i32
      %cond3A_146 = arith.constant 0 : i32
      %cond3A_147 = arith.cmpi ne, %convert_element_type3A_145, %cond3A_146 : i32
      scf.if %cond3A_147 {
        %dma_wait3A_213 = arith.constant 0 : i32
        %dma_wait3A_214 = tpu.memref_slice %arg4[%dma_wait3A_213] : memref<320000xi32, #tpu.memory_space<hbm>> -> memref<64xi32, #tpu.memory_space<hbm>>
        %dma_wait3A_215 = arith.constant 0 : i32
        %dma_wait3A_216 = tpu.memref_slice %arg4[%dma_wait3A_215] : memref<320000xi32, #tpu.memory_space<hbm>> -> memref<64xi32, #tpu.memory_space<hbm>>
        tpu.wait_dma2 semaphore(%arg21 : memref<!tpu.dma_semaphore, #tpu.memory_space<semaphore_mem>>) src(%dma_wait3A_216 : memref<64xi32, #tpu.memory_space<hbm>>) dst(%arg8 : memref<64xi32, #tpu.memory_space<vmem>>)
        %dma_start3A_217 = arith.constant 0 : i32
        %dma_start3A_218 = arith.constant 0 : i32
        %dma_start3A_219 = tpu.memref_slice %arg2[%dma_start3A_217, %dma_start3A_218] : memref<10000x128xf32, #tpu.memory_space<hbm>> -> memref<10000x128xf32, #tpu.memory_space<hbm>>
        tpu.enqueue_indirect_dma source(%dma_start3A_219 : memref<10000x128xf32, #tpu.memory_space<hbm>>) target(%arg14 : memref<64x128xf32, #tpu.memory_space<vmem>>) offsets(%arg8 : memref<64xi32, #tpu.memory_space<vmem>>) semaphore(%arg27 : memref<!tpu.dma_semaphore, #tpu.memory_space<semaphore_mem>>)
      } else {
      }
      %lt3A_148 = arith.cmpi slt, %add3A_127, %add3A_52 : i32
      %convert_element_type3A_149 = arith.extui %lt3A_148 : i1 to i32
      %cond3A_150 = arith.constant 0 : i32
      %cond3A_151 = arith.cmpi ne, %convert_element_type3A_149, %cond3A_150 : i32
      scf.if %cond3A_151 {
        %dma_wait3A_213 = arith.constant 0 : i32
        %dma_wait3A_214 = arith.constant 0 : i32
        %dma_wait3A_215 = tpu.memref_slice %arg2[%dma_wait3A_213, %dma_wait3A_214] : memref<10000x128xf32, #tpu.memory_space<hbm>> -> memref<64x128xf32, #tpu.memory_space<hbm>>
        %dma_wait3A_216 = arith.constant 0 : i32
        %dma_wait3A_217 = arith.constant 0 : i32
        %dma_wait3A_218 = tpu.memref_slice %arg2[%dma_wait3A_216, %dma_wait3A_217] : memref<10000x128xf32, #tpu.memory_space<hbm>> -> memref<64x128xf32, #tpu.memory_space<hbm>>
        tpu.wait_dma2 semaphore(%arg26 : memref<!tpu.dma_semaphore, #tpu.memory_space<semaphore_mem>>) src(%dma_wait3A_218 : memref<64x128xf32, #tpu.memory_space<hbm>>) dst(%arg13 : memref<64x128xf32, #tpu.memory_space<vmem>>)
        %dma_wait3A_219 = arith.constant 0 : i32
        %dma_wait3A_220 = arith.constant 0 : i32
        %dma_wait3A_221 = tpu.memref_slice %arg3[%dma_wait3A_219, %dma_wait3A_220] : memref<320000x128xf32, #tpu.memory_space<hbm>> -> memref<64x128xf32, #tpu.memory_space<hbm>>
        %dma_wait3A_222 = arith.constant 0 : i32
        %dma_wait3A_223 = arith.constant 0 : i32
        %dma_wait3A_224 = tpu.memref_slice %arg3[%dma_wait3A_222, %dma_wait3A_223] : memref<320000x128xf32, #tpu.memory_space<hbm>> -> memref<64x128xf32, #tpu.memory_space<hbm>>
        tpu.wait_dma2 semaphore(%arg29 : memref<!tpu.dma_semaphore, #tpu.memory_space<semaphore_mem>>) src(%dma_wait3A_224 : memref<64x128xf32, #tpu.memory_space<hbm>>) dst(%arg16 : memref<64x128xf32, #tpu.memory_space<vmem>>)
        %parallel_loop3A = arith.constant 0 : i32
        %parallel_loop3A_225 = arith.constant 64 : i32
        %parallel_loop3A_226 = arith.constant 1 : i32
        scf.for %parallel_loop3A_234 = %parallel_loop3A to %parallel_loop3A_225 step %parallel_loop3A_226  : i32 {
          %parallel_loop3A_235 = arith.index_cast %parallel_loop3A_234 : i32 to index
          %parallel_loop3A_236 = arith.constant 0 : index
          %parallel_loop3A_237 = tpu.vector_load %arg16[%parallel_loop3A_235, %parallel_loop3A_236] {strides = array<i32>} : memref<64x128xf32, #tpu.memory_space<vmem>>, vector<1x16xf32>,
          %parallel_loop3A_238 = vector.shape_cast %parallel_loop3A_237 : vector<1x16xf32> to vector<16xf32>
          %parallel_loop3A_239 = arith.index_cast %parallel_loop3A_234 : i32 to index
          %parallel_loop3A_240 = arith.constant 0 : index
          %parallel_loop3A_241 = tpu.vector_load %arg13[%parallel_loop3A_239, %parallel_loop3A_240] {strides = array<i32>} : memref<64x128xf32, #tpu.memory_space<vmem>>, vector<1x16xf32>,
          %parallel_loop3A_242 = vector.shape_cast %parallel_loop3A_241 : vector<1x16xf32> to vector<16xf32>
          %parallel_loop3A_243 = arith.addf %parallel_loop3A_238, %parallel_loop3A_242 : vector<16xf32>
          %parallel_loop3A_244 = arith.constant 0.000000e+00 : f32
          %parallel_loop3A_245 = vector.broadcast %parallel_loop3A_244 : f32 to vector<16xf32>
          %parallel_loop3A_246 = arith.maximumf %parallel_loop3A_243, %parallel_loop3A_245 : vector<16xf32>
          %parallel_loop3A_247 = arith.index_cast %parallel_loop3A_234 : i32 to index
          %parallel_loop3A_248 = arith.constant 0 : index
          %parallel_loop3A_249 = tpu.vector_load %arg16[%parallel_loop3A_247, %parallel_loop3A_248] {strides = array<i32>} : memref<64x128xf32, #tpu.memory_space<vmem>>, vector<1x16xf32>,
          %parallel_loop3A_250 = vector.shape_cast %parallel_loop3A_249 : vector<1x16xf32> to vector<16xf32>
          %parallel_loop3A_251 = vector.shape_cast %parallel_loop3A_246 : vector<16xf32> to vector<1x16xf32>
          tpu.vector_store %arg16[%parallel_loop3A_247, %parallel_loop3A_248], %parallel_loop3A_251 {strides = array<i32>} : memref<64x128xf32, #tpu.memory_space<vmem>>, vector<1x16xf32>,
          %parallel_loop3A_252 = arith.index_cast %parallel_loop3A_234 : i32 to index
          %parallel_loop3A_253 = arith.constant 16 : index
          %parallel_loop3A_254 = tpu.vector_load %arg16[%parallel_loop3A_252, %parallel_loop3A_253] {strides = array<i32>} : memref<64x128xf32, #tpu.memory_space<vmem>>, vector<1x16xf32>,
          %parallel_loop3A_255 = vector.shape_cast %parallel_loop3A_254 : vector<1x16xf32> to vector<16xf32>
          %parallel_loop3A_256 = arith.index_cast %parallel_loop3A_234 : i32 to index
          %parallel_loop3A_257 = arith.constant 16 : index
          %parallel_loop3A_258 = tpu.vector_load %arg13[%parallel_loop3A_256, %parallel_loop3A_257] {strides = array<i32>} : memref<64x128xf32, #tpu.memory_space<vmem>>, vector<1x16xf32>,
          %parallel_loop3A_259 = vector.shape_cast %parallel_loop3A_258 : vector<1x16xf32> to vector<16xf32>
          %parallel_loop3A_260 = arith.addf %parallel_loop3A_255, %parallel_loop3A_259 : vector<16xf32>
          %parallel_loop3A_261 = arith.constant 0.000000e+00 : f32
          %parallel_loop3A_262 = vector.broadcast %parallel_loop3A_261 : f32 to vector<16xf32>
          %parallel_loop3A_263 = arith.maximumf %parallel_loop3A_260, %parallel_loop3A_262 : vector<16xf32>
          %parallel_loop3A_264 = arith.index_cast %parallel_loop3A_234 : i32 to index
          %parallel_loop3A_265 = arith.constant 16 : index
          %parallel_loop3A_266 = tpu.vector_load %arg16[%parallel_loop3A_264, %parallel_loop3A_265] {strides = array<i32>} : memref<64x128xf32, #tpu.memory_space<vmem>>, vector<1x16xf32>,
          %parallel_loop3A_267 = vector.shape_cast %parallel_loop3A_266 : vector<1x16xf32> to vector<16xf32>
          %parallel_loop3A_268 = vector.shape_cast %parallel_loop3A_263 : vector<16xf32> to vector<1x16xf32>
          tpu.vector_store %arg16[%parallel_loop3A_264, %parallel_loop3A_265], %parallel_loop3A_268 {strides = array<i32>} : memref<64x128xf32, #tpu.memory_space<vmem>>, vector<1x16xf32>,
          %parallel_loop3A_269 = arith.index_cast %parallel_loop3A_234 : i32 to index
          %parallel_loop3A_270 = arith.constant 32 : index
          %parallel_loop3A_271 = tpu.vector_load %arg16[%parallel_loop3A_269, %parallel_loop3A_270] {strides = array<i32>} : memref<64x128xf32, #tpu.memory_space<vmem>>, vector<1x16xf32>,
          %parallel_loop3A_272 = vector.shape_cast %parallel_loop3A_271 : vector<1x16xf32> to vector<16xf32>
          %parallel_loop3A_273 = arith.index_cast %parallel_loop3A_234 : i32 to index
          %parallel_loop3A_274 = arith.constant 32 : index
          %parallel_loop3A_275 = tpu.vector_load %arg13[%parallel_loop3A_273, %parallel_loop3A_274] {strides = array<i32>} : memref<64x128xf32, #tpu.memory_space<vmem>>, vector<1x16xf32>,
          %parallel_loop3A_276 = vector.shape_cast %parallel_loop3A_275 : vector<1x16xf32> to vector<16xf32>
          %parallel_loop3A_277 = arith.addf %parallel_loop3A_272, %parallel_loop3A_276 : vector<16xf32>
          %parallel_loop3A_278 = arith.constant 0.000000e+00 : f32
          %parallel_loop3A_279 = vector.broadcast %parallel_loop3A_278 : f32 to vector<16xf32>
          %parallel_loop3A_280 = arith.maximumf %parallel_loop3A_277, %parallel_loop3A_279 : vector<16xf32>
          %parallel_loop3A_281 = arith.index_cast %parallel_loop3A_234 : i32 to index
          %parallel_loop3A_282 = arith.constant 32 : index
          %parallel_loop3A_283 = tpu.vector_load %arg16[%parallel_loop3A_281, %parallel_loop3A_282] {strides = array<i32>} : memref<64x128xf32, #tpu.memory_space<vmem>>, vector<1x16xf32>,
          %parallel_loop3A_284 = vector.shape_cast %parallel_loop3A_283 : vector<1x16xf32> to vector<16xf32>
          %parallel_loop3A_285 = vector.shape_cast %parallel_loop3A_280 : vector<16xf32> to vector<1x16xf32>
          tpu.vector_store %arg16[%parallel_loop3A_281, %parallel_loop3A_282], %parallel_loop3A_285 {strides = array<i32>} : memref<64x128xf32, #tpu.memory_space<vmem>>, vector<1x16xf32>,
          %parallel_loop3A_286 = arith.index_cast %parallel_loop3A_234 : i32 to index
          %parallel_loop3A_287 = arith.constant 48 : index
          %parallel_loop3A_288 = tpu.vector_load %arg16[%parallel_loop3A_286, %parallel_loop3A_287] {strides = array<i32>} : memref<64x128xf32, #tpu.memory_space<vmem>>, vector<1x16xf32>,
          %parallel_loop3A_289 = vector.shape_cast %parallel_loop3A_288 : vector<1x16xf32> to vector<16xf32>
          %parallel_loop3A_290 = arith.index_cast %parallel_loop3A_234 : i32 to index
          %parallel_loop3A_291 = arith.constant 48 : index
          %parallel_loop3A_292 = tpu.vector_load %arg13[%parallel_loop3A_290, %parallel_loop3A_291] {strides = array<i32>} : memref<64x128xf32, #tpu.memory_space<vmem>>, vector<1x16xf32>,
          %parallel_loop3A_293 = vector.shape_cast %parallel_loop3A_292 : vector<1x16xf32> to vector<16xf32>
          %parallel_loop3A_294 = arith.addf %parallel_loop3A_289, %parallel_loop3A_293 : vector<16xf32>
          %parallel_loop3A_295 = arith.constant 0.000000e+00 : f32
          %parallel_loop3A_296 = vector.broadcast %parallel_loop3A_295 : f32 to vector<16xf32>
          %parallel_loop3A_297 = arith.maximumf %parallel_loop3A_294, %parallel_loop3A_296 : vector<16xf32>
          %parallel_loop3A_298 = arith.index_cast %parallel_loop3A_234 : i32 to index
          %parallel_loop3A_299 = arith.constant 48 : index
          %parallel_loop3A_300 = tpu.vector_load %arg16[%parallel_loop3A_298, %parallel_loop3A_299] {strides = array<i32>} : memref<64x128xf32, #tpu.memory_space<vmem>>, vector<1x16xf32>,
          %parallel_loop3A_301 = vector.shape_cast %parallel_loop3A_300 : vector<1x16xf32> to vector<16xf32>
          %parallel_loop3A_302 = vector.shape_cast %parallel_loop3A_297 : vector<16xf32> to vector<1x16xf32>
          tpu.vector_store %arg16[%parallel_loop3A_298, %parallel_loop3A_299], %parallel_loop3A_302 {strides = array<i32>} : memref<64x128xf32, #tpu.memory_space<vmem>>, vector<1x16xf32>,
          %parallel_loop3A_303 = arith.index_cast %parallel_loop3A_234 : i32 to index
          %parallel_loop3A_304 = arith.constant 64 : index
          %parallel_loop3A_305 = tpu.vector_load %arg16[%parallel_loop3A_303, %parallel_loop3A_304] {strides = array<i32>} : memref<64x128xf32, #tpu.memory_space<vmem>>, vector<1x16xf32>,
          %parallel_loop3A_306 = vector.shape_cast %parallel_loop3A_305 : vector<1x16xf32> to vector<16xf32>
          %parallel_loop3A_307 = arith.index_cast %parallel_loop3A_234 : i32 to index
          %parallel_loop3A_308 = arith.constant 64 : index
          %parallel_loop3A_309 = tpu.vector_load %arg13[%parallel_loop3A_307, %parallel_loop3A_308] {strides = array<i32>} : memref<64x128xf32, #tpu.memory_space<vmem>>, vector<1x16xf32>,
          %parallel_loop3A_310 = vector.shape_cast %parallel_loop3A_309 : vector<1x16xf32> to vector<16xf32>
          %parallel_loop3A_311 = arith.addf %parallel_loop3A_306, %parallel_loop3A_310 : vector<16xf32>
          %parallel_loop3A_312 = arith.constant 0.000000e+00 : f32
          %parallel_loop3A_313 = vector.broadcast %parallel_loop3A_312 : f32 to vector<16xf32>
          %parallel_loop3A_314 = arith.maximumf %parallel_loop3A_311, %parallel_loop3A_313 : vector<16xf32>
          %parallel_loop3A_315 = arith.index_cast %parallel_loop3A_234 : i32 to index
          %parallel_loop3A_316 = arith.constant 64 : index
          %parallel_loop3A_317 = tpu.vector_load %arg16[%parallel_loop3A_315, %parallel_loop3A_316] {strides = array<i32>} : memref<64x128xf32, #tpu.memory_space<vmem>>, vector<1x16xf32>,
          %parallel_loop3A_318 = vector.shape_cast %parallel_loop3A_317 : vector<1x16xf32> to vector<16xf32>
          %parallel_loop3A_319 = vector.shape_cast %parallel_loop3A_314 : vector<16xf32> to vector<1x16xf32>
          tpu.vector_store %arg16[%parallel_loop3A_315, %parallel_loop3A_316], %parallel_loop3A_319 {strides = array<i32>} : memref<64x128xf32, #tpu.memory_space<vmem>>, vector<1x16xf32>,
          %parallel_loop3A_320 = arith.index_cast %parallel_loop3A_234 : i32 to index
          %parallel_loop3A_321 = arith.constant 80 : index
          %parallel_loop3A_322 = tpu.vector_load %arg16[%parallel_loop3A_320, %parallel_loop3A_321] {strides = array<i32>} : memref<64x128xf32, #tpu.memory_space<vmem>>, vector<1x16xf32>,
          %parallel_loop3A_323 = vector.shape_cast %parallel_loop3A_322 : vector<1x16xf32> to vector<16xf32>
          %parallel_loop3A_324 = arith.index_cast %parallel_loop3A_234 : i32 to index
          %parallel_loop3A_325 = arith.constant 80 : index
          %parallel_loop3A_326 = tpu.vector_load %arg13[%parallel_loop3A_324, %parallel_loop3A_325] {strides = array<i32>} : memref<64x128xf32, #tpu.memory_space<vmem>>, vector<1x16xf32>,
          %parallel_loop3A_327 = vector.shape_cast %parallel_loop3A_326 : vector<1x16xf32> to vector<16xf32>
          %parallel_loop3A_328 = arith.addf %parallel_loop3A_323, %parallel_loop3A_327 : vector<16xf32>
          %parallel_loop3A_329 = arith.constant 0.000000e+00 : f32
          %parallel_loop3A_330 = vector.broadcast %parallel_loop3A_329 : f32 to vector<16xf32>
          %parallel_loop3A_331 = arith.maximumf %parallel_loop3A_328, %parallel_loop3A_330 : vector<16xf32>
          %parallel_loop3A_332 = arith.index_cast %parallel_loop3A_234 : i32 to index
          %parallel_loop3A_333 = arith.constant 80 : index
          %parallel_loop3A_334 = tpu.vector_load %arg16[%parallel_loop3A_332, %parallel_loop3A_333] {strides = array<i32>} : memref<64x128xf32, #tpu.memory_space<vmem>>, vector<1x16xf32>,
          %parallel_loop3A_335 = vector.shape_cast %parallel_loop3A_334 : vector<1x16xf32> to vector<16xf32>
          %parallel_loop3A_336 = vector.shape_cast %parallel_loop3A_331 : vector<16xf32> to vector<1x16xf32>
          tpu.vector_store %arg16[%parallel_loop3A_332, %parallel_loop3A_333], %parallel_loop3A_336 {strides = array<i32>} : memref<64x128xf32, #tpu.memory_space<vmem>>, vector<1x16xf32>,
          %parallel_loop3A_337 = arith.index_cast %parallel_loop3A_234 : i32 to index
          %parallel_loop3A_338 = arith.constant 96 : index
          %parallel_loop3A_339 = tpu.vector_load %arg16[%parallel_loop3A_337, %parallel_loop3A_338] {strides = array<i32>} : memref<64x128xf32, #tpu.memory_space<vmem>>, vector<1x16xf32>,
          %parallel_loop3A_340 = vector.shape_cast %parallel_loop3A_339 : vector<1x16xf32> to vector<16xf32>
          %parallel_loop3A_341 = arith.index_cast %parallel_loop3A_234 : i32 to index
          %parallel_loop3A_342 = arith.constant 96 : index
          %parallel_loop3A_343 = tpu.vector_load %arg13[%parallel_loop3A_341, %parallel_loop3A_342] {strides = array<i32>} : memref<64x128xf32, #tpu.memory_space<vmem>>, vector<1x16xf32>,
          %parallel_loop3A_344 = vector.shape_cast %parallel_loop3A_343 : vector<1x16xf32> to vector<16xf32>
          %parallel_loop3A_345 = arith.addf %parallel_loop3A_340, %parallel_loop3A_344 : vector<16xf32>
          %parallel_loop3A_346 = arith.constant 0.000000e+00 : f32
          %parallel_loop3A_347 = vector.broadcast %parallel_loop3A_346 : f32 to vector<16xf32>
          %parallel_loop3A_348 = arith.maximumf %parallel_loop3A_345, %parallel_loop3A_347 : vector<16xf32>
          %parallel_loop3A_349 = arith.index_cast %parallel_loop3A_234 : i32 to index
          %parallel_loop3A_350 = arith.constant 96 : index
          %parallel_loop3A_351 = tpu.vector_load %arg16[%parallel_loop3A_349, %parallel_loop3A_350] {strides = array<i32>} : memref<64x128xf32, #tpu.memory_space<vmem>>, vector<1x16xf32>,
          %parallel_loop3A_352 = vector.shape_cast %parallel_loop3A_351 : vector<1x16xf32> to vector<16xf32>
          %parallel_loop3A_353 = vector.shape_cast %parallel_loop3A_348 : vector<16xf32> to vector<1x16xf32>
          tpu.vector_store %arg16[%parallel_loop3A_349, %parallel_loop3A_350], %parallel_loop3A_353 {strides = array<i32>} : memref<64x128xf32, #tpu.memory_space<vmem>>, vector<1x16xf32>,
          %parallel_loop3A_354 = arith.index_cast %parallel_loop3A_234 : i32 to index
          %parallel_loop3A_355 = arith.constant 112 : index
          %parallel_loop3A_356 = tpu.vector_load %arg16[%parallel_loop3A_354, %parallel_loop3A_355] {strides = array<i32>} : memref<64x128xf32, #tpu.memory_space<vmem>>, vector<1x16xf32>,
          %parallel_loop3A_357 = vector.shape_cast %parallel_loop3A_356 : vector<1x16xf32> to vector<16xf32>
          %parallel_loop3A_358 = arith.index_cast %parallel_loop3A_234 : i32 to index
          %parallel_loop3A_359 = arith.constant 112 : index
          %parallel_loop3A_360 = tpu.vector_load %arg13[%parallel_loop3A_358, %parallel_loop3A_359] {strides = array<i32>} : memref<64x128xf32, #tpu.memory_space<vmem>>, vector<1x16xf32>,
          %parallel_loop3A_361 = vector.shape_cast %parallel_loop3A_360 : vector<1x16xf32> to vector<16xf32>
          %parallel_loop3A_362 = arith.addf %parallel_loop3A_357, %parallel_loop3A_361 : vector<16xf32>
          %parallel_loop3A_363 = arith.constant 0.000000e+00 : f32
          %parallel_loop3A_364 = vector.broadcast %parallel_loop3A_363 : f32 to vector<16xf32>
          %parallel_loop3A_365 = arith.maximumf %parallel_loop3A_362, %parallel_loop3A_364 : vector<16xf32>
          %parallel_loop3A_366 = arith.index_cast %parallel_loop3A_234 : i32 to index
          %parallel_loop3A_367 = arith.constant 112 : index
          %parallel_loop3A_368 = tpu.vector_load %arg16[%parallel_loop3A_366, %parallel_loop3A_367] {strides = array<i32>} : memref<64x128xf32, #tpu.memory_space<vmem>>, vector<1x16xf32>,
          %parallel_loop3A_369 = vector.shape_cast %parallel_loop3A_368 : vector<1x16xf32> to vector<16xf32>
          %parallel_loop3A_370 = vector.shape_cast %parallel_loop3A_365 : vector<16xf32> to vector<1x16xf32>
          tpu.vector_store %arg16[%parallel_loop3A_366, %parallel_loop3A_367], %parallel_loop3A_370 {strides = array<i32>} : memref<64x128xf32, #tpu.memory_space<vmem>>, vector<1x16xf32>,
        } {sc.loop_unroll_factor = 1 : i64, sc.parallel_access}
        %dma_wait3A_227 = arith.constant 0 : i32
        %dma_wait3A_228 = tpu.memref_slice %arg5[%dma_wait3A_227] : memref<320000xi32, #tpu.memory_space<hbm>> -> memref<64xi32, #tpu.memory_space<hbm>>
        %dma_wait3A_229 = arith.constant 0 : i32
        %dma_wait3A_230 = tpu.memref_slice %arg5[%dma_wait3A_229] : memref<320000xi32, #tpu.memory_space<hbm>> -> memref<64xi32, #tpu.memory_space<hbm>>
        tpu.wait_dma2 semaphore(%arg23 : memref<!tpu.dma_semaphore, #tpu.memory_space<semaphore_mem>>) src(%dma_wait3A_230 : memref<64xi32, #tpu.memory_space<hbm>>) dst(%arg10 : memref<64xi32, #tpu.memory_space<vmem>>)
        %dma_start3A_231 = arith.constant 0 : i32
        %dma_start3A_232 = arith.constant 0 : i32
        %dma_start3A_233 = tpu.memref_slice %arg19[%dma_start3A_231, %dma_start3A_232] : memref<10000x128xf32, #tpu.memory_space<vmem_shared>> -> memref<10000x128xf32, #tpu.memory_space<vmem_shared>>
        tpu.enqueue_indirect_dma source(%arg16 : memref<64x128xf32, #tpu.memory_space<vmem>>) target(%dma_start3A_233 : memref<10000x128xf32, #tpu.memory_space<vmem_shared>>) offsets(%arg10 : memref<64xi32, #tpu.memory_space<vmem>>) semaphore(%arg32 : memref<!tpu.dma_semaphore, #tpu.memory_space<semaphore_mem>>) {add = true}
      } else {
      }
      %mul3A_152 = arith.constant 3 : i32
      %mul3A_153 = arith.muli %scan3A_122, %mul3A_152 : i32
      %add3A_154 = arith.constant 1 : i32
      %add3A_155 = arith.addi %mul3A_153, %add3A_154 : i32
      %add3A_156 = arith.constant 2 : i32
      %add3A_157 = arith.addi %add3A_155, %add3A_156 : i32
      %ge3A_158 = arith.constant 1 : i32
      %ge3A_159 = arith.cmpi sge, %add3A_155, %ge3A_158 : i32
      %lt3A_160 = arith.cmpi slt, %add3A_157, %add3A_52 : i32
      %and3A_161 = arith.andi %ge3A_159, %lt3A_160 : i1
      %convert_element_type3A_162 = arith.extui %and3A_161 : i1 to i32
      %cond3A_163 = arith.constant 0 : i32
      %cond3A_164 = arith.cmpi ne, %convert_element_type3A_162, %cond3A_163 : i32
      scf.if %cond3A_164 {
        %dma_wait3A_213 = arith.constant 0 : i32
        %dma_wait3A_214 = arith.constant 0 : i32
        %dma_wait3A_215 = tpu.memref_slice %arg19[%dma_wait3A_213, %dma_wait3A_214] : memref<10000x128xf32, #tpu.memory_space<vmem_shared>> -> memref<64x128xf32, #tpu.memory_space<vmem_shared>>
        %dma_wait3A_216 = arith.constant 0 : i32
        %dma_wait3A_217 = arith.constant 0 : i32
        %dma_wait3A_218 = tpu.memref_slice %arg19[%dma_wait3A_216, %dma_wait3A_217] : memref<10000x128xf32, #tpu.memory_space<vmem_shared>> -> memref<64x128xf32, #tpu.memory_space<vmem_shared>>
        tpu.wait_dma2 semaphore(%arg32 : memref<!tpu.dma_semaphore, #tpu.memory_space<semaphore_mem>>) src(%arg16 : memref<64x128xf32, #tpu.memory_space<vmem>>) dst(%dma_wait3A_218 : memref<64x128xf32, #tpu.memory_space<vmem_shared>>)
        %mul3A_219 = arith.constant 32 : i32
        %mul3A_220 = arith.muli %add3A_157, %mul3A_219 : i32
        %add3A_221 = arith.addi %mul3A_220, %add3A : i32
        %mul3A_222 = arith.constant 64 : i32
        %mul3A_223 = arith.muli %add3A_221, %mul3A_222 : i32
        %dma_start3A_224 = tpu.memref_slice %arg4[%mul3A_223] : memref<320000xi32, #tpu.memory_space<hbm>> -> memref<64xi32, #tpu.memory_space<hbm>>
        %dma_start3A_225 = tpu.memref_slice %arg4[%mul3A_223] : memref<320000xi32, #tpu.memory_space<hbm>> -> memref<64xi32, #tpu.memory_space<hbm>>
        tpu.enqueue_dma source(%dma_start3A_225 : memref<64xi32, #tpu.memory_space<hbm>>) target(%arg7 : memref<64xi32, #tpu.memory_space<vmem>>) target_semaphore(%arg20 : memref<!tpu.dma_semaphore, #tpu.memory_space<semaphore_mem>>)
        %dma_start3A_226 = tpu.memref_slice %arg5[%mul3A_223] : memref<320000xi32, #tpu.memory_space<hbm>> -> memref<64xi32, #tpu.memory_space<hbm>>
        %dma_start3A_227 = tpu.memref_slice %arg5[%mul3A_223] : memref<320000xi32, #tpu.memory_space<hbm>> -> memref<64xi32, #tpu.memory_space<hbm>>
        tpu.enqueue_dma source(%dma_start3A_227 : memref<64xi32, #tpu.memory_space<hbm>>) target(%arg10 : memref<64xi32, #tpu.memory_space<vmem>>) target_semaphore(%arg23 : memref<!tpu.dma_semaphore, #tpu.memory_space<semaphore_mem>>)
        %dma_start3A_228 = arith.constant 0 : i32
        %dma_start3A_229 = tpu.memref_slice %arg3[%mul3A_223, %dma_start3A_228] : memref<320000x128xf32, #tpu.memory_space<hbm>> -> memref<64x128xf32, #tpu.memory_space<hbm>>
        %dma_start3A_230 = arith.constant 0 : i32
        %dma_start3A_231 = tpu.memref_slice %arg3[%mul3A_223, %dma_start3A_230] : memref<320000x128xf32, #tpu.memory_space<hbm>> -> memref<64x128xf32, #tpu.memory_space<hbm>>
        tpu.enqueue_dma source(%dma_start3A_231 : memref<64x128xf32, #tpu.memory_space<hbm>>) target(%arg16 : memref<64x128xf32, #tpu.memory_space<vmem>>) target_semaphore(%arg29 : memref<!tpu.dma_semaphore, #tpu.memory_space<semaphore_mem>>)
      } else {
      }
      %eq3A_165 = arith.constant 0 : i32
      %eq3A_166 = arith.cmpi eq, %add3A_155, %eq3A_165 : i32
      %lt3A_167 = arith.cmpi slt, %add3A_157, %add3A_52 : i32
      %and3A_168 = arith.andi %eq3A_166, %lt3A_167 : i1
      %convert_element_type3A_169 = arith.extui %and3A_168 : i1 to i32
      %cond3A_170 = arith.constant 0 : i32
      %cond3A_171 = arith.cmpi ne, %convert_element_type3A_169, %cond3A_170 : i32
      scf.if %cond3A_171 {
        %mul3A_213 = arith.constant 32 : i32
        %mul3A_214 = arith.muli %add3A_157, %mul3A_213 : i32
        %add3A_215 = arith.addi %mul3A_214, %add3A : i32
        %mul3A_216 = arith.constant 64 : i32
        %mul3A_217 = arith.muli %add3A_215, %mul3A_216 : i32
        %dma_start3A_218 = tpu.memref_slice %arg4[%mul3A_217] : memref<320000xi32, #tpu.memory_space<hbm>> -> memref<64xi32, #tpu.memory_space<hbm>>
        %dma_start3A_219 = tpu.memref_slice %arg4[%mul3A_217] : memref<320000xi32, #tpu.memory_space<hbm>> -> memref<64xi32, #tpu.memory_space<hbm>>
        tpu.enqueue_dma source(%dma_start3A_219 : memref<64xi32, #tpu.memory_space<hbm>>) target(%arg7 : memref<64xi32, #tpu.memory_space<vmem>>) target_semaphore(%arg20 : memref<!tpu.dma_semaphore, #tpu.memory_space<semaphore_mem>>)
        %dma_start3A_220 = tpu.memref_slice %arg5[%mul3A_217] : memref<320000xi32, #tpu.memory_space<hbm>> -> memref<64xi32, #tpu.memory_space<hbm>>
        %dma_start3A_221 = tpu.memref_slice %arg5[%mul3A_217] : memref<320000xi32, #tpu.memory_space<hbm>> -> memref<64xi32, #tpu.memory_space<hbm>>
        tpu.enqueue_dma source(%dma_start3A_221 : memref<64xi32, #tpu.memory_space<hbm>>) target(%arg10 : memref<64xi32, #tpu.memory_space<vmem>>) target_semaphore(%arg23 : memref<!tpu.dma_semaphore, #tpu.memory_space<semaphore_mem>>)
        %dma_start3A_222 = arith.constant 0 : i32
        %dma_start3A_223 = tpu.memref_slice %arg3[%mul3A_217, %dma_start3A_222] : memref<320000x128xf32, #tpu.memory_space<hbm>> -> memref<64x128xf32, #tpu.memory_space<hbm>>
        %dma_start3A_224 = arith.constant 0 : i32
        %dma_start3A_225 = tpu.memref_slice %arg3[%mul3A_217, %dma_start3A_224] : memref<320000x128xf32, #tpu.memory_space<hbm>> -> memref<64x128xf32, #tpu.memory_space<hbm>>
        tpu.enqueue_dma source(%dma_start3A_225 : memref<64x128xf32, #tpu.memory_space<hbm>>) target(%arg16 : memref<64x128xf32, #tpu.memory_space<vmem>>) target_semaphore(%arg29 : memref<!tpu.dma_semaphore, #tpu.memory_space<semaphore_mem>>)
      } else {
      }
      %add3A_172 = arith.constant 1 : i32
      %add3A_173 = arith.addi %add3A_155, %add3A_172 : i32
      %lt3A_174 = arith.cmpi slt, %add3A_173, %add3A_52 : i32
      %convert_element_type3A_175 = arith.extui %lt3A_174 : i1 to i32
      %cond3A_176 = arith.constant 0 : i32
      %cond3A_177 = arith.cmpi ne, %convert_element_type3A_175, %cond3A_176 : i32
      scf.if %cond3A_177 {
        %dma_wait3A_213 = arith.constant 0 : i32
        %dma_wait3A_214 = tpu.memref_slice %arg4[%dma_wait3A_213] : memref<320000xi32, #tpu.memory_space<hbm>> -> memref<64xi32, #tpu.memory_space<hbm>>
        %dma_wait3A_215 = arith.constant 0 : i32
        %dma_wait3A_216 = tpu.memref_slice %arg4[%dma_wait3A_215] : memref<320000xi32, #tpu.memory_space<hbm>> -> memref<64xi32, #tpu.memory_space<hbm>>
        tpu.wait_dma2 semaphore(%arg22 : memref<!tpu.dma_semaphore, #tpu.memory_space<semaphore_mem>>) src(%dma_wait3A_216 : memref<64xi32, #tpu.memory_space<hbm>>) dst(%arg9 : memref<64xi32, #tpu.memory_space<vmem>>)
        %dma_start3A_217 = arith.constant 0 : i32
        %dma_start3A_218 = arith.constant 0 : i32
        %dma_start3A_219 = tpu.memref_slice %arg2[%dma_start3A_217, %dma_start3A_218] : memref<10000x128xf32, #tpu.memory_space<hbm>> -> memref<10000x128xf32, #tpu.memory_space<hbm>>
        tpu.enqueue_indirect_dma source(%dma_start3A_219 : memref<10000x128xf32, #tpu.memory_space<hbm>>) target(%arg15 : memref<64x128xf32, #tpu.memory_space<vmem>>) offsets(%arg9 : memref<64xi32, #tpu.memory_space<vmem>>) semaphore(%arg28 : memref<!tpu.dma_semaphore, #tpu.memory_space<semaphore_mem>>)
      } else {
      }
      %lt3A_178 = arith.cmpi slt, %add3A_155, %add3A_52 : i32
      %convert_element_type3A_179 = arith.extui %lt3A_178 : i1 to i32
      %cond3A_180 = arith.constant 0 : i32
      %cond3A_181 = arith.cmpi ne, %convert_element_type3A_179, %cond3A_180 : i32
      scf.if %cond3A_181 {
        %dma_wait3A_213 = arith.constant 0 : i32
        %dma_wait3A_214 = arith.constant 0 : i32
        %dma_wait3A_215 = tpu.memref_slice %arg2[%dma_wait3A_213, %dma_wait3A_214] : memref<10000x128xf32, #tpu.memory_space<hbm>> -> memref<64x128xf32, #tpu.memory_space<hbm>>
        %dma_wait3A_216 = arith.constant 0 : i32
        %dma_wait3A_217 = arith.constant 0 : i32
        %dma_wait3A_218 = tpu.memref_slice %arg2[%dma_wait3A_216, %dma_wait3A_217] : memref<10000x128xf32, #tpu.memory_space<hbm>> -> memref<64x128xf32, #tpu.memory_space<hbm>>
        tpu.wait_dma2 semaphore(%arg27 : memref<!tpu.dma_semaphore, #tpu.memory_space<semaphore_mem>>) src(%dma_wait3A_218 : memref<64x128xf32, #tpu.memory_space<hbm>>) dst(%arg14 : memref<64x128xf32, #tpu.memory_space<vmem>>)
        %dma_wait3A_219 = arith.constant 0 : i32
        %dma_wait3A_220 = arith.constant 0 : i32
        %dma_wait3A_221 = tpu.memref_slice %arg3[%dma_wait3A_219, %dma_wait3A_220] : memref<320000x128xf32, #tpu.memory_space<hbm>> -> memref<64x128xf32, #tpu.memory_space<hbm>>
        %dma_wait3A_222 = arith.constant 0 : i32
        %dma_wait3A_223 = arith.constant 0 : i32
        %dma_wait3A_224 = tpu.memref_slice %arg3[%dma_wait3A_222, %dma_wait3A_223] : memref<320000x128xf32, #tpu.memory_space<hbm>> -> memref<64x128xf32, #tpu.memory_space<hbm>>
        tpu.wait_dma2 semaphore(%arg30 : memref<!tpu.dma_semaphore, #tpu.memory_space<semaphore_mem>>) src(%dma_wait3A_224 : memref<64x128xf32, #tpu.memory_space<hbm>>) dst(%arg17 : memref<64x128xf32, #tpu.memory_space<vmem>>)
        %parallel_loop3A = arith.constant 0 : i32
        %parallel_loop3A_225 = arith.constant 64 : i32
        %parallel_loop3A_226 = arith.constant 1 : i32
        scf.for %parallel_loop3A_234 = %parallel_loop3A to %parallel_loop3A_225 step %parallel_loop3A_226  : i32 {
          %parallel_loop3A_235 = arith.index_cast %parallel_loop3A_234 : i32 to index
          %parallel_loop3A_236 = arith.constant 0 : index
          %parallel_loop3A_237 = tpu.vector_load %arg17[%parallel_loop3A_235, %parallel_loop3A_236] {strides = array<i32>} : memref<64x128xf32, #tpu.memory_space<vmem>>, vector<1x16xf32>,
          %parallel_loop3A_238 = vector.shape_cast %parallel_loop3A_237 : vector<1x16xf32> to vector<16xf32>
          %parallel_loop3A_239 = arith.index_cast %parallel_loop3A_234 : i32 to index
          %parallel_loop3A_240 = arith.constant 0 : index
          %parallel_loop3A_241 = tpu.vector_load %arg14[%parallel_loop3A_239, %parallel_loop3A_240] {strides = array<i32>} : memref<64x128xf32, #tpu.memory_space<vmem>>, vector<1x16xf32>,
          %parallel_loop3A_242 = vector.shape_cast %parallel_loop3A_241 : vector<1x16xf32> to vector<16xf32>
          %parallel_loop3A_243 = arith.addf %parallel_loop3A_238, %parallel_loop3A_242 : vector<16xf32>
          %parallel_loop3A_244 = arith.constant 0.000000e+00 : f32
          %parallel_loop3A_245 = vector.broadcast %parallel_loop3A_244 : f32 to vector<16xf32>
          %parallel_loop3A_246 = arith.maximumf %parallel_loop3A_243, %parallel_loop3A_245 : vector<16xf32>
          %parallel_loop3A_247 = arith.index_cast %parallel_loop3A_234 : i32 to index
          %parallel_loop3A_248 = arith.constant 0 : index
          %parallel_loop3A_249 = tpu.vector_load %arg17[%parallel_loop3A_247, %parallel_loop3A_248] {strides = array<i32>} : memref<64x128xf32, #tpu.memory_space<vmem>>, vector<1x16xf32>,
          %parallel_loop3A_250 = vector.shape_cast %parallel_loop3A_249 : vector<1x16xf32> to vector<16xf32>
          %parallel_loop3A_251 = vector.shape_cast %parallel_loop3A_246 : vector<16xf32> to vector<1x16xf32>
          tpu.vector_store %arg17[%parallel_loop3A_247, %parallel_loop3A_248], %parallel_loop3A_251 {strides = array<i32>} : memref<64x128xf32, #tpu.memory_space<vmem>>, vector<1x16xf32>,
          %parallel_loop3A_252 = arith.index_cast %parallel_loop3A_234 : i32 to index
          %parallel_loop3A_253 = arith.constant 16 : index
          %parallel_loop3A_254 = tpu.vector_load %arg17[%parallel_loop3A_252, %parallel_loop3A_253] {strides = array<i32>} : memref<64x128xf32, #tpu.memory_space<vmem>>, vector<1x16xf32>,
          %parallel_loop3A_255 = vector.shape_cast %parallel_loop3A_254 : vector<1x16xf32> to vector<16xf32>
          %parallel_loop3A_256 = arith.index_cast %parallel_loop3A_234 : i32 to index
          %parallel_loop3A_257 = arith.constant 16 : index
          %parallel_loop3A_258 = tpu.vector_load %arg14[%parallel_loop3A_256, %parallel_loop3A_257] {strides = array<i32>} : memref<64x128xf32, #tpu.memory_space<vmem>>, vector<1x16xf32>,
          %parallel_loop3A_259 = vector.shape_cast %parallel_loop3A_258 : vector<1x16xf32> to vector<16xf32>
          %parallel_loop3A_260 = arith.addf %parallel_loop3A_255, %parallel_loop3A_259 : vector<16xf32>
          %parallel_loop3A_261 = arith.constant 0.000000e+00 : f32
          %parallel_loop3A_262 = vector.broadcast %parallel_loop3A_261 : f32 to vector<16xf32>
          %parallel_loop3A_263 = arith.maximumf %parallel_loop3A_260, %parallel_loop3A_262 : vector<16xf32>
          %parallel_loop3A_264 = arith.index_cast %parallel_loop3A_234 : i32 to index
          %parallel_loop3A_265 = arith.constant 16 : index
          %parallel_loop3A_266 = tpu.vector_load %arg17[%parallel_loop3A_264, %parallel_loop3A_265] {strides = array<i32>} : memref<64x128xf32, #tpu.memory_space<vmem>>, vector<1x16xf32>,
          %parallel_loop3A_267 = vector.shape_cast %parallel_loop3A_266 : vector<1x16xf32> to vector<16xf32>
          %parallel_loop3A_268 = vector.shape_cast %parallel_loop3A_263 : vector<16xf32> to vector<1x16xf32>
          tpu.vector_store %arg17[%parallel_loop3A_264, %parallel_loop3A_265], %parallel_loop3A_268 {strides = array<i32>} : memref<64x128xf32, #tpu.memory_space<vmem>>, vector<1x16xf32>,
          %parallel_loop3A_269 = arith.index_cast %parallel_loop3A_234 : i32 to index
          %parallel_loop3A_270 = arith.constant 32 : index
          %parallel_loop3A_271 = tpu.vector_load %arg17[%parallel_loop3A_269, %parallel_loop3A_270] {strides = array<i32>} : memref<64x128xf32, #tpu.memory_space<vmem>>, vector<1x16xf32>,
          %parallel_loop3A_272 = vector.shape_cast %parallel_loop3A_271 : vector<1x16xf32> to vector<16xf32>
          %parallel_loop3A_273 = arith.index_cast %parallel_loop3A_234 : i32 to index
          %parallel_loop3A_274 = arith.constant 32 : index
          %parallel_loop3A_275 = tpu.vector_load %arg14[%parallel_loop3A_273, %parallel_loop3A_274] {strides = array<i32>} : memref<64x128xf32, #tpu.memory_space<vmem>>, vector<1x16xf32>,
          %parallel_loop3A_276 = vector.shape_cast %parallel_loop3A_275 : vector<1x16xf32> to vector<16xf32>
          %parallel_loop3A_277 = arith.addf %parallel_loop3A_272, %parallel_loop3A_276 : vector<16xf32>
          %parallel_loop3A_278 = arith.constant 0.000000e+00 : f32
          %parallel_loop3A_279 = vector.broadcast %parallel_loop3A_278 : f32 to vector<16xf32>
          %parallel_loop3A_280 = arith.maximumf %parallel_loop3A_277, %parallel_loop3A_279 : vector<16xf32>
          %parallel_loop3A_281 = arith.index_cast %parallel_loop3A_234 : i32 to index
          %parallel_loop3A_282 = arith.constant 32 : index
          %parallel_loop3A_283 = tpu.vector_load %arg17[%parallel_loop3A_281, %parallel_loop3A_282] {strides = array<i32>} : memref<64x128xf32, #tpu.memory_space<vmem>>, vector<1x16xf32>,
          %parallel_loop3A_284 = vector.shape_cast %parallel_loop3A_283 : vector<1x16xf32> to vector<16xf32>
          %parallel_loop3A_285 = vector.shape_cast %parallel_loop3A_280 : vector<16xf32> to vector<1x16xf32>
          tpu.vector_store %arg17[%parallel_loop3A_281, %parallel_loop3A_282], %parallel_loop3A_285 {strides = array<i32>} : memref<64x128xf32, #tpu.memory_space<vmem>>, vector<1x16xf32>,
          %parallel_loop3A_286 = arith.index_cast %parallel_loop3A_234 : i32 to index
          %parallel_loop3A_287 = arith.constant 48 : index
          %parallel_loop3A_288 = tpu.vector_load %arg17[%parallel_loop3A_286, %parallel_loop3A_287] {strides = array<i32>} : memref<64x128xf32, #tpu.memory_space<vmem>>, vector<1x16xf32>,
          %parallel_loop3A_289 = vector.shape_cast %parallel_loop3A_288 : vector<1x16xf32> to vector<16xf32>
          %parallel_loop3A_290 = arith.index_cast %parallel_loop3A_234 : i32 to index
          %parallel_loop3A_291 = arith.constant 48 : index
          %parallel_loop3A_292 = tpu.vector_load %arg14[%parallel_loop3A_290, %parallel_loop3A_291] {strides = array<i32>} : memref<64x128xf32, #tpu.memory_space<vmem>>, vector<1x16xf32>,
          %parallel_loop3A_293 = vector.shape_cast %parallel_loop3A_292 : vector<1x16xf32> to vector<16xf32>
          %parallel_loop3A_294 = arith.addf %parallel_loop3A_289, %parallel_loop3A_293 : vector<16xf32>
          %parallel_loop3A_295 = arith.constant 0.000000e+00 : f32
          %parallel_loop3A_296 = vector.broadcast %parallel_loop3A_295 : f32 to vector<16xf32>
          %parallel_loop3A_297 = arith.maximumf %parallel_loop3A_294, %parallel_loop3A_296 : vector<16xf32>
          %parallel_loop3A_298 = arith.index_cast %parallel_loop3A_234 : i32 to index
          %parallel_loop3A_299 = arith.constant 48 : index
          %parallel_loop3A_300 = tpu.vector_load %arg17[%parallel_loop3A_298, %parallel_loop3A_299] {strides = array<i32>} : memref<64x128xf32, #tpu.memory_space<vmem>>, vector<1x16xf32>,
          %parallel_loop3A_301 = vector.shape_cast %parallel_loop3A_300 : vector<1x16xf32> to vector<16xf32>
          %parallel_loop3A_302 = vector.shape_cast %parallel_loop3A_297 : vector<16xf32> to vector<1x16xf32>
          tpu.vector_store %arg17[%parallel_loop3A_298, %parallel_loop3A_299], %parallel_loop3A_302 {strides = array<i32>} : memref<64x128xf32, #tpu.memory_space<vmem>>, vector<1x16xf32>,
          %parallel_loop3A_303 = arith.index_cast %parallel_loop3A_234 : i32 to index
          %parallel_loop3A_304 = arith.constant 64 : index
          %parallel_loop3A_305 = tpu.vector_load %arg17[%parallel_loop3A_303, %parallel_loop3A_304] {strides = array<i32>} : memref<64x128xf32, #tpu.memory_space<vmem>>, vector<1x16xf32>,
          %parallel_loop3A_306 = vector.shape_cast %parallel_loop3A_305 : vector<1x16xf32> to vector<16xf32>
          %parallel_loop3A_307 = arith.index_cast %parallel_loop3A_234 : i32 to index
          %parallel_loop3A_308 = arith.constant 64 : index
          %parallel_loop3A_309 = tpu.vector_load %arg14[%parallel_loop3A_307, %parallel_loop3A_308] {strides = array<i32>} : memref<64x128xf32, #tpu.memory_space<vmem>>, vector<1x16xf32>,
          %parallel_loop3A_310 = vector.shape_cast %parallel_loop3A_309 : vector<1x16xf32> to vector<16xf32>
          %parallel_loop3A_311 = arith.addf %parallel_loop3A_306, %parallel_loop3A_310 : vector<16xf32>
          %parallel_loop3A_312 = arith.constant 0.000000e+00 : f32
          %parallel_loop3A_313 = vector.broadcast %parallel_loop3A_312 : f32 to vector<16xf32>
          %parallel_loop3A_314 = arith.maximumf %parallel_loop3A_311, %parallel_loop3A_313 : vector<16xf32>
          %parallel_loop3A_315 = arith.index_cast %parallel_loop3A_234 : i32 to index
          %parallel_loop3A_316 = arith.constant 64 : index
          %parallel_loop3A_317 = tpu.vector_load %arg17[%parallel_loop3A_315, %parallel_loop3A_316] {strides = array<i32>} : memref<64x128xf32, #tpu.memory_space<vmem>>, vector<1x16xf32>,
          %parallel_loop3A_318 = vector.shape_cast %parallel_loop3A_317 : vector<1x16xf32> to vector<16xf32>
          %parallel_loop3A_319 = vector.shape_cast %parallel_loop3A_314 : vector<16xf32> to vector<1x16xf32>
          tpu.vector_store %arg17[%parallel_loop3A_315, %parallel_loop3A_316], %parallel_loop3A_319 {strides = array<i32>} : memref<64x128xf32, #tpu.memory_space<vmem>>, vector<1x16xf32>,
          %parallel_loop3A_320 = arith.index_cast %parallel_loop3A_234 : i32 to index
          %parallel_loop3A_321 = arith.constant 80 : index
          %parallel_loop3A_322 = tpu.vector_load %arg17[%parallel_loop3A_320, %parallel_loop3A_321] {strides = array<i32>} : memref<64x128xf32, #tpu.memory_space<vmem>>, vector<1x16xf32>,
          %parallel_loop3A_323 = vector.shape_cast %parallel_loop3A_322 : vector<1x16xf32> to vector<16xf32>
          %parallel_loop3A_324 = arith.index_cast %parallel_loop3A_234 : i32 to index
          %parallel_loop3A_325 = arith.constant 80 : index
          %parallel_loop3A_326 = tpu.vector_load %arg14[%parallel_loop3A_324, %parallel_loop3A_325] {strides = array<i32>} : memref<64x128xf32, #tpu.memory_space<vmem>>, vector<1x16xf32>,
          %parallel_loop3A_327 = vector.shape_cast %parallel_loop3A_326 : vector<1x16xf32> to vector<16xf32>
          %parallel_loop3A_328 = arith.addf %parallel_loop3A_323, %parallel_loop3A_327 : vector<16xf32>
          %parallel_loop3A_329 = arith.constant 0.000000e+00 : f32
          %parallel_loop3A_330 = vector.broadcast %parallel_loop3A_329 : f32 to vector<16xf32>
          %parallel_loop3A_331 = arith.maximumf %parallel_loop3A_328, %parallel_loop3A_330 : vector<16xf32>
          %parallel_loop3A_332 = arith.index_cast %parallel_loop3A_234 : i32 to index
          %parallel_loop3A_333 = arith.constant 80 : index
          %parallel_loop3A_334 = tpu.vector_load %arg17[%parallel_loop3A_332, %parallel_loop3A_333] {strides = array<i32>} : memref<64x128xf32, #tpu.memory_space<vmem>>, vector<1x16xf32>,
          %parallel_loop3A_335 = vector.shape_cast %parallel_loop3A_334 : vector<1x16xf32> to vector<16xf32>
          %parallel_loop3A_336 = vector.shape_cast %parallel_loop3A_331 : vector<16xf32> to vector<1x16xf32>
          tpu.vector_store %arg17[%parallel_loop3A_332, %parallel_loop3A_333], %parallel_loop3A_336 {strides = array<i32>} : memref<64x128xf32, #tpu.memory_space<vmem>>, vector<1x16xf32>,
          %parallel_loop3A_337 = arith.index_cast %parallel_loop3A_234 : i32 to index
          %parallel_loop3A_338 = arith.constant 96 : index
          %parallel_loop3A_339 = tpu.vector_load %arg17[%parallel_loop3A_337, %parallel_loop3A_338] {strides = array<i32>} : memref<64x128xf32, #tpu.memory_space<vmem>>, vector<1x16xf32>,
          %parallel_loop3A_340 = vector.shape_cast %parallel_loop3A_339 : vector<1x16xf32> to vector<16xf32>
          %parallel_loop3A_341 = arith.index_cast %parallel_loop3A_234 : i32 to index
          %parallel_loop3A_342 = arith.constant 96 : index
          %parallel_loop3A_343 = tpu.vector_load %arg14[%parallel_loop3A_341, %parallel_loop3A_342] {strides = array<i32>} : memref<64x128xf32, #tpu.memory_space<vmem>>, vector<1x16xf32>,
          %parallel_loop3A_344 = vector.shape_cast %parallel_loop3A_343 : vector<1x16xf32> to vector<16xf32>
          %parallel_loop3A_345 = arith.addf %parallel_loop3A_340, %parallel_loop3A_344 : vector<16xf32>
          %parallel_loop3A_346 = arith.constant 0.000000e+00 : f32
          %parallel_loop3A_347 = vector.broadcast %parallel_loop3A_346 : f32 to vector<16xf32>
          %parallel_loop3A_348 = arith.maximumf %parallel_loop3A_345, %parallel_loop3A_347 : vector<16xf32>
          %parallel_loop3A_349 = arith.index_cast %parallel_loop3A_234 : i32 to index
          %parallel_loop3A_350 = arith.constant 96 : index
          %parallel_loop3A_351 = tpu.vector_load %arg17[%parallel_loop3A_349, %parallel_loop3A_350] {strides = array<i32>} : memref<64x128xf32, #tpu.memory_space<vmem>>, vector<1x16xf32>,
          %parallel_loop3A_352 = vector.shape_cast %parallel_loop3A_351 : vector<1x16xf32> to vector<16xf32>
          %parallel_loop3A_353 = vector.shape_cast %parallel_loop3A_348 : vector<16xf32> to vector<1x16xf32>
          tpu.vector_store %arg17[%parallel_loop3A_349, %parallel_loop3A_350], %parallel_loop3A_353 {strides = array<i32>} : memref<64x128xf32, #tpu.memory_space<vmem>>, vector<1x16xf32>,
          %parallel_loop3A_354 = arith.index_cast %parallel_loop3A_234 : i32 to index
          %parallel_loop3A_355 = arith.constant 112 : index
          %parallel_loop3A_356 = tpu.vector_load %arg17[%parallel_loop3A_354, %parallel_loop3A_355] {strides = array<i32>} : memref<64x128xf32, #tpu.memory_space<vmem>>, vector<1x16xf32>,
          %parallel_loop3A_357 = vector.shape_cast %parallel_loop3A_356 : vector<1x16xf32> to vector<16xf32>
          %parallel_loop3A_358 = arith.index_cast %parallel_loop3A_234 : i32 to index
          %parallel_loop3A_359 = arith.constant 112 : index
          %parallel_loop3A_360 = tpu.vector_load %arg14[%parallel_loop3A_358, %parallel_loop3A_359] {strides = array<i32>} : memref<64x128xf32, #tpu.memory_space<vmem>>, vector<1x16xf32>,
          %parallel_loop3A_361 = vector.shape_cast %parallel_loop3A_360 : vector<1x16xf32> to vector<16xf32>
          %parallel_loop3A_362 = arith.addf %parallel_loop3A_357, %parallel_loop3A_361 : vector<16xf32>
          %parallel_loop3A_363 = arith.constant 0.000000e+00 : f32
          %parallel_loop3A_364 = vector.broadcast %parallel_loop3A_363 : f32 to vector<16xf32>
          %parallel_loop3A_365 = arith.maximumf %parallel_loop3A_362, %parallel_loop3A_364 : vector<16xf32>
          %parallel_loop3A_366 = arith.index_cast %parallel_loop3A_234 : i32 to index
          %parallel_loop3A_367 = arith.constant 112 : index
          %parallel_loop3A_368 = tpu.vector_load %arg17[%parallel_loop3A_366, %parallel_loop3A_367] {strides = array<i32>} : memref<64x128xf32, #tpu.memory_space<vmem>>, vector<1x16xf32>,
          %parallel_loop3A_369 = vector.shape_cast %parallel_loop3A_368 : vector<1x16xf32> to vector<16xf32>
          %parallel_loop3A_370 = vector.shape_cast %parallel_loop3A_365 : vector<16xf32> to vector<1x16xf32>
          tpu.vector_store %arg17[%parallel_loop3A_366, %parallel_loop3A_367], %parallel_loop3A_370 {strides = array<i32>} : memref<64x128xf32, #tpu.memory_space<vmem>>, vector<1x16xf32>,
        } {sc.loop_unroll_factor = 1 : i64, sc.parallel_access}
        %dma_wait3A_227 = arith.constant 0 : i32
        %dma_wait3A_228 = tpu.memref_slice %arg5[%dma_wait3A_227] : memref<320000xi32, #tpu.memory_space<hbm>> -> memref<64xi32, #tpu.memory_space<hbm>>
        %dma_wait3A_229 = arith.constant 0 : i32
        %dma_wait3A_230 = tpu.memref_slice %arg5[%dma_wait3A_229] : memref<320000xi32, #tpu.memory_space<hbm>> -> memref<64xi32, #tpu.memory_space<hbm>>
        tpu.wait_dma2 semaphore(%arg24 : memref<!tpu.dma_semaphore, #tpu.memory_space<semaphore_mem>>) src(%dma_wait3A_230 : memref<64xi32, #tpu.memory_space<hbm>>) dst(%arg11 : memref<64xi32, #tpu.memory_space<vmem>>)
        %dma_start3A_231 = arith.constant 0 : i32
        %dma_start3A_232 = arith.constant 0 : i32
        %dma_start3A_233 = tpu.memref_slice %arg19[%dma_start3A_231, %dma_start3A_232] : memref<10000x128xf32, #tpu.memory_space<vmem_shared>> -> memref<10000x128xf32, #tpu.memory_space<vmem_shared>>
        tpu.enqueue_indirect_dma source(%arg17 : memref<64x128xf32, #tpu.memory_space<vmem>>) target(%dma_start3A_233 : memref<10000x128xf32, #tpu.memory_space<vmem_shared>>) offsets(%arg11 : memref<64xi32, #tpu.memory_space<vmem>>) semaphore(%arg33 : memref<!tpu.dma_semaphore, #tpu.memory_space<semaphore_mem>>) {add = true}
      } else {
      }
      %mul3A_182 = arith.constant 3 : i32
      %mul3A_183 = arith.muli %scan3A_122, %mul3A_182 : i32
      %add3A_184 = arith.constant 2 : i32
      %add3A_185 = arith.addi %mul3A_183, %add3A_184 : i32
      %add3A_186 = arith.constant 2 : i32
      %add3A_187 = arith.addi %add3A_185, %add3A_186 : i32
      %ge3A_188 = arith.constant 1 : i32
      %ge3A_189 = arith.cmpi sge, %add3A_185, %ge3A_188 : i32
      %lt3A_190 = arith.cmpi slt, %add3A_187, %add3A_52 : i32
      %and3A_191 = arith.andi %ge3A_189, %lt3A_190 : i1
      %convert_element_type3A_192 = arith.extui %and3A_191 : i1 to i32
      %cond3A_193 = arith.constant 0 : i32
      %cond3A_194 = arith.cmpi ne, %convert_element_type3A_192, %cond3A_193 : i32
      scf.if %cond3A_194 {
        %dma_wait3A_213 = arith.constant 0 : i32
        %dma_wait3A_214 = arith.constant 0 : i32
        %dma_wait3A_215 = tpu.memref_slice %arg19[%dma_wait3A_213, %dma_wait3A_214] : memref<10000x128xf32, #tpu.memory_space<vmem_shared>> -> memref<64x128xf32, #tpu.memory_space<vmem_shared>>
        %dma_wait3A_216 = arith.constant 0 : i32
        %dma_wait3A_217 = arith.constant 0 : i32
        %dma_wait3A_218 = tpu.memref_slice %arg19[%dma_wait3A_216, %dma_wait3A_217] : memref<10000x128xf32, #tpu.memory_space<vmem_shared>> -> memref<64x128xf32, #tpu.memory_space<vmem_shared>>
        tpu.wait_dma2 semaphore(%arg33 : memref<!tpu.dma_semaphore, #tpu.memory_space<semaphore_mem>>) src(%arg17 : memref<64x128xf32, #tpu.memory_space<vmem>>) dst(%dma_wait3A_218 : memref<64x128xf32, #tpu.memory_space<vmem_shared>>)
        %mul3A_219 = arith.constant 32 : i32
        %mul3A_220 = arith.muli %add3A_187, %mul3A_219 : i32
        %add3A_221 = arith.addi %mul3A_220, %add3A : i32
        %mul3A_222 = arith.constant 64 : i32
        %mul3A_223 = arith.muli %add3A_221, %mul3A_222 : i32
        %dma_start3A_224 = tpu.memref_slice %arg4[%mul3A_223] : memref<320000xi32, #tpu.memory_space<hbm>> -> memref<64xi32, #tpu.memory_space<hbm>>
        %dma_start3A_225 = tpu.memref_slice %arg4[%mul3A_223] : memref<320000xi32, #tpu.memory_space<hbm>> -> memref<64xi32, #tpu.memory_space<hbm>>
        tpu.enqueue_dma source(%dma_start3A_225 : memref<64xi32, #tpu.memory_space<hbm>>) target(%arg8 : memref<64xi32, #tpu.memory_space<vmem>>) target_semaphore(%arg21 : memref<!tpu.dma_semaphore, #tpu.memory_space<semaphore_mem>>)
        %dma_start3A_226 = tpu.memref_slice %arg5[%mul3A_223] : memref<320000xi32, #tpu.memory_space<hbm>> -> memref<64xi32, #tpu.memory_space<hbm>>
        %dma_start3A_227 = tpu.memref_slice %arg5[%mul3A_223] : memref<320000xi32, #tpu.memory_space<hbm>> -> memref<64xi32, #tpu.memory_space<hbm>>
        tpu.enqueue_dma source(%dma_start3A_227 : memref<64xi32, #tpu.memory_space<hbm>>) target(%arg11 : memref<64xi32, #tpu.memory_space<vmem>>) target_semaphore(%arg24 : memref<!tpu.dma_semaphore, #tpu.memory_space<semaphore_mem>>)
        %dma_start3A_228 = arith.constant 0 : i32
        %dma_start3A_229 = tpu.memref_slice %arg3[%mul3A_223, %dma_start3A_228] : memref<320000x128xf32, #tpu.memory_space<hbm>> -> memref<64x128xf32, #tpu.memory_space<hbm>>
        %dma_start3A_230 = arith.constant 0 : i32
        %dma_start3A_231 = tpu.memref_slice %arg3[%mul3A_223, %dma_start3A_230] : memref<320000x128xf32, #tpu.memory_space<hbm>> -> memref<64x128xf32, #tpu.memory_space<hbm>>
        tpu.enqueue_dma source(%dma_start3A_231 : memref<64x128xf32, #tpu.memory_space<hbm>>) target(%arg17 : memref<64x128xf32, #tpu.memory_space<vmem>>) target_semaphore(%arg30 : memref<!tpu.dma_semaphore, #tpu.memory_space<semaphore_mem>>)
      } else {
      }
      %eq3A_195 = arith.constant 0 : i32
      %eq3A_196 = arith.cmpi eq, %add3A_185, %eq3A_195 : i32
      %lt3A_197 = arith.cmpi slt, %add3A_187, %add3A_52 : i32
      %and3A_198 = arith.andi %eq3A_196, %lt3A_197 : i1
      %convert_element_type3A_199 = arith.extui %and3A_198 : i1 to i32
      %cond3A_200 = arith.constant 0 : i32
      %cond3A_201 = arith.cmpi ne, %convert_element_type3A_199, %cond3A_200 : i32
      scf.if %cond3A_201 {
        %mul3A_213 = arith.constant 32 : i32
        %mul3A_214 = arith.muli %add3A_187, %mul3A_213 : i32
        %add3A_215 = arith.addi %mul3A_214, %add3A : i32
        %mul3A_216 = arith.constant 64 : i32
        %mul3A_217 = arith.muli %add3A_215, %mul3A_216 : i32
        %dma_start3A_218 = tpu.memref_slice %arg4[%mul3A_217] : memref<320000xi32, #tpu.memory_space<hbm>> -> memref<64xi32, #tpu.memory_space<hbm>>
        %dma_start3A_219 = tpu.memref_slice %arg4[%mul3A_217] : memref<320000xi32, #tpu.memory_space<hbm>> -> memref<64xi32, #tpu.memory_space<hbm>>
        tpu.enqueue_dma source(%dma_start3A_219 : memref<64xi32, #tpu.memory_space<hbm>>) target(%arg8 : memref<64xi32, #tpu.memory_space<vmem>>) target_semaphore(%arg21 : memref<!tpu.dma_semaphore, #tpu.memory_space<semaphore_mem>>)
        %dma_start3A_220 = tpu.memref_slice %arg5[%mul3A_217] : memref<320000xi32, #tpu.memory_space<hbm>> -> memref<64xi32, #tpu.memory_space<hbm>>
        %dma_start3A_221 = tpu.memref_slice %arg5[%mul3A_217] : memref<320000xi32, #tpu.memory_space<hbm>> -> memref<64xi32, #tpu.memory_space<hbm>>
        tpu.enqueue_dma source(%dma_start3A_221 : memref<64xi32, #tpu.memory_space<hbm>>) target(%arg11 : memref<64xi32, #tpu.memory_space<vmem>>) target_semaphore(%arg24 : memref<!tpu.dma_semaphore, #tpu.memory_space<semaphore_mem>>)
        %dma_start3A_222 = arith.constant 0 : i32
        %dma_start3A_223 = tpu.memref_slice %arg3[%mul3A_217, %dma_start3A_222] : memref<320000x128xf32, #tpu.memory_space<hbm>> -> memref<64x128xf32, #tpu.memory_space<hbm>>
        %dma_start3A_224 = arith.constant 0 : i32
        %dma_start3A_225 = tpu.memref_slice %arg3[%mul3A_217, %dma_start3A_224] : memref<320000x128xf32, #tpu.memory_space<hbm>> -> memref<64x128xf32, #tpu.memory_space<hbm>>
        tpu.enqueue_dma source(%dma_start3A_225 : memref<64x128xf32, #tpu.memory_space<hbm>>) target(%arg17 : memref<64x128xf32, #tpu.memory_space<vmem>>) target_semaphore(%arg30 : memref<!tpu.dma_semaphore, #tpu.memory_space<semaphore_mem>>)
      } else {
      }
      %add3A_202 = arith.constant 1 : i32
      %add3A_203 = arith.addi %add3A_185, %add3A_202 : i32
      %lt3A_204 = arith.cmpi slt, %add3A_203, %add3A_52 : i32
      %convert_element_type3A_205 = arith.extui %lt3A_204 : i1 to i32
      %cond3A_206 = arith.constant 0 : i32
      %cond3A_207 = arith.cmpi ne, %convert_element_type3A_205, %cond3A_206 : i32
      scf.if %cond3A_207 {
        %dma_wait3A_213 = arith.constant 0 : i32
        %dma_wait3A_214 = tpu.memref_slice %arg4[%dma_wait3A_213] : memref<320000xi32, #tpu.memory_space<hbm>> -> memref<64xi32, #tpu.memory_space<hbm>>
        %dma_wait3A_215 = arith.constant 0 : i32
        %dma_wait3A_216 = tpu.memref_slice %arg4[%dma_wait3A_215] : memref<320000xi32, #tpu.memory_space<hbm>> -> memref<64xi32, #tpu.memory_space<hbm>>
        tpu.wait_dma2 semaphore(%arg20 : memref<!tpu.dma_semaphore, #tpu.memory_space<semaphore_mem>>) src(%dma_wait3A_216 : memref<64xi32, #tpu.memory_space<hbm>>) dst(%arg7 : memref<64xi32, #tpu.memory_space<vmem>>)
        %dma_start3A_217 = arith.constant 0 : i32
        %dma_start3A_218 = arith.constant 0 : i32
        %dma_start3A_219 = tpu.memref_slice %arg2[%dma_start3A_217, %dma_start3A_218] : memref<10000x128xf32, #tpu.memory_space<hbm>> -> memref<10000x128xf32, #tpu.memory_space<hbm>>
        tpu.enqueue_indirect_dma source(%dma_start3A_219 : memref<10000x128xf32, #tpu.memory_space<hbm>>) target(%arg13 : memref<64x128xf32, #tpu.memory_space<vmem>>) offsets(%arg7 : memref<64xi32, #tpu.memory_space<vmem>>) semaphore(%arg26 : memref<!tpu.dma_semaphore, #tpu.memory_space<semaphore_mem>>)
      } else {
      }
      %lt3A_208 = arith.cmpi slt, %add3A_185, %add3A_52 : i32
      %convert_element_type3A_209 = arith.extui %lt3A_208 : i1 to i32
      %cond3A_210 = arith.constant 0 : i32
      %cond3A_211 = arith.cmpi ne, %convert_element_type3A_209, %cond3A_210 : i32
      scf.if %cond3A_211 {
        %dma_wait3A_213 = arith.constant 0 : i32
        %dma_wait3A_214 = arith.constant 0 : i32
        %dma_wait3A_215 = tpu.memref_slice %arg2[%dma_wait3A_213, %dma_wait3A_214] : memref<10000x128xf32, #tpu.memory_space<hbm>> -> memref<64x128xf32, #tpu.memory_space<hbm>>
        %dma_wait3A_216 = arith.constant 0 : i32
        %dma_wait3A_217 = arith.constant 0 : i32
        %dma_wait3A_218 = tpu.memref_slice %arg2[%dma_wait3A_216, %dma_wait3A_217] : memref<10000x128xf32, #tpu.memory_space<hbm>> -> memref<64x128xf32, #tpu.memory_space<hbm>>
        tpu.wait_dma2 semaphore(%arg28 : memref<!tpu.dma_semaphore, #tpu.memory_space<semaphore_mem>>) src(%dma_wait3A_218 : memref<64x128xf32, #tpu.memory_space<hbm>>) dst(%arg15 : memref<64x128xf32, #tpu.memory_space<vmem>>)
        %dma_wait3A_219 = arith.constant 0 : i32
        %dma_wait3A_220 = arith.constant 0 : i32
        %dma_wait3A_221 = tpu.memref_slice %arg3[%dma_wait3A_219, %dma_wait3A_220] : memref<320000x128xf32, #tpu.memory_space<hbm>> -> memref<64x128xf32, #tpu.memory_space<hbm>>
        %dma_wait3A_222 = arith.constant 0 : i32
        %dma_wait3A_223 = arith.constant 0 : i32
        %dma_wait3A_224 = tpu.memref_slice %arg3[%dma_wait3A_222, %dma_wait3A_223] : memref<320000x128xf32, #tpu.memory_space<hbm>> -> memref<64x128xf32, #tpu.memory_space<hbm>>
        tpu.wait_dma2 semaphore(%arg31 : memref<!tpu.dma_semaphore, #tpu.memory_space<semaphore_mem>>) src(%dma_wait3A_224 : memref<64x128xf32, #tpu.memory_space<hbm>>) dst(%arg18 : memref<64x128xf32, #tpu.memory_space<vmem>>)
        %parallel_loop3A = arith.constant 0 : i32
        %parallel_loop3A_225 = arith.constant 64 : i32
        %parallel_loop3A_226 = arith.constant 1 : i32
        scf.for %parallel_loop3A_234 = %parallel_loop3A to %parallel_loop3A_225 step %parallel_loop3A_226  : i32 {
          %parallel_loop3A_235 = arith.index_cast %parallel_loop3A_234 : i32 to index
          %parallel_loop3A_236 = arith.constant 0 : index
          %parallel_loop3A_237 = tpu.vector_load %arg18[%parallel_loop3A_235, %parallel_loop3A_236] {strides = array<i32>} : memref<64x128xf32, #tpu.memory_space<vmem>>, vector<1x16xf32>,
          %parallel_loop3A_238 = vector.shape_cast %parallel_loop3A_237 : vector<1x16xf32> to vector<16xf32>
          %parallel_loop3A_239 = arith.index_cast %parallel_loop3A_234 : i32 to index
          %parallel_loop3A_240 = arith.constant 0 : index
          %parallel_loop3A_241 = tpu.vector_load %arg15[%parallel_loop3A_239, %parallel_loop3A_240] {strides = array<i32>} : memref<64x128xf32, #tpu.memory_space<vmem>>, vector<1x16xf32>,
          %parallel_loop3A_242 = vector.shape_cast %parallel_loop3A_241 : vector<1x16xf32> to vector<16xf32>
          %parallel_loop3A_243 = arith.addf %parallel_loop3A_238, %parallel_loop3A_242 : vector<16xf32>
          %parallel_loop3A_244 = arith.constant 0.000000e+00 : f32
          %parallel_loop3A_245 = vector.broadcast %parallel_loop3A_244 : f32 to vector<16xf32>
          %parallel_loop3A_246 = arith.maximumf %parallel_loop3A_243, %parallel_loop3A_245 : vector<16xf32>
          %parallel_loop3A_247 = arith.index_cast %parallel_loop3A_234 : i32 to index
          %parallel_loop3A_248 = arith.constant 0 : index
          %parallel_loop3A_249 = tpu.vector_load %arg18[%parallel_loop3A_247, %parallel_loop3A_248] {strides = array<i32>} : memref<64x128xf32, #tpu.memory_space<vmem>>, vector<1x16xf32>,
          %parallel_loop3A_250 = vector.shape_cast %parallel_loop3A_249 : vector<1x16xf32> to vector<16xf32>
          %parallel_loop3A_251 = vector.shape_cast %parallel_loop3A_246 : vector<16xf32> to vector<1x16xf32>
          tpu.vector_store %arg18[%parallel_loop3A_247, %parallel_loop3A_248], %parallel_loop3A_251 {strides = array<i32>} : memref<64x128xf32, #tpu.memory_space<vmem>>, vector<1x16xf32>,
          %parallel_loop3A_252 = arith.index_cast %parallel_loop3A_234 : i32 to index
          %parallel_loop3A_253 = arith.constant 16 : index
          %parallel_loop3A_254 = tpu.vector_load %arg18[%parallel_loop3A_252, %parallel_loop3A_253] {strides = array<i32>} : memref<64x128xf32, #tpu.memory_space<vmem>>, vector<1x16xf32>,
          %parallel_loop3A_255 = vector.shape_cast %parallel_loop3A_254 : vector<1x16xf32> to vector<16xf32>
          %parallel_loop3A_256 = arith.index_cast %parallel_loop3A_234 : i32 to index
          %parallel_loop3A_257 = arith.constant 16 : index
          %parallel_loop3A_258 = tpu.vector_load %arg15[%parallel_loop3A_256, %parallel_loop3A_257] {strides = array<i32>} : memref<64x128xf32, #tpu.memory_space<vmem>>, vector<1x16xf32>,
          %parallel_loop3A_259 = vector.shape_cast %parallel_loop3A_258 : vector<1x16xf32> to vector<16xf32>
          %parallel_loop3A_260 = arith.addf %parallel_loop3A_255, %parallel_loop3A_259 : vector<16xf32>
          %parallel_loop3A_261 = arith.constant 0.000000e+00 : f32
          %parallel_loop3A_262 = vector.broadcast %parallel_loop3A_261 : f32 to vector<16xf32>
          %parallel_loop3A_263 = arith.maximumf %parallel_loop3A_260, %parallel_loop3A_262 : vector<16xf32>
          %parallel_loop3A_264 = arith.index_cast %parallel_loop3A_234 : i32 to index
          %parallel_loop3A_265 = arith.constant 16 : index
          %parallel_loop3A_266 = tpu.vector_load %arg18[%parallel_loop3A_264, %parallel_loop3A_265] {strides = array<i32>} : memref<64x128xf32, #tpu.memory_space<vmem>>, vector<1x16xf32>,
          %parallel_loop3A_267 = vector.shape_cast %parallel_loop3A_266 : vector<1x16xf32> to vector<16xf32>
          %parallel_loop3A_268 = vector.shape_cast %parallel_loop3A_263 : vector<16xf32> to vector<1x16xf32>
          tpu.vector_store %arg18[%parallel_loop3A_264, %parallel_loop3A_265], %parallel_loop3A_268 {strides = array<i32>} : memref<64x128xf32, #tpu.memory_space<vmem>>, vector<1x16xf32>,
          %parallel_loop3A_269 = arith.index_cast %parallel_loop3A_234 : i32 to index
          %parallel_loop3A_270 = arith.constant 32 : index
          %parallel_loop3A_271 = tpu.vector_load %arg18[%parallel_loop3A_269, %parallel_loop3A_270] {strides = array<i32>} : memref<64x128xf32, #tpu.memory_space<vmem>>, vector<1x16xf32>,
          %parallel_loop3A_272 = vector.shape_cast %parallel_loop3A_271 : vector<1x16xf32> to vector<16xf32>
          %parallel_loop3A_273 = arith.index_cast %parallel_loop3A_234 : i32 to index
          %parallel_loop3A_274 = arith.constant 32 : index
          %parallel_loop3A_275 = tpu.vector_load %arg15[%parallel_loop3A_273, %parallel_loop3A_274] {strides = array<i32>} : memref<64x128xf32, #tpu.memory_space<vmem>>, vector<1x16xf32>,
          %parallel_loop3A_276 = vector.shape_cast %parallel_loop3A_275 : vector<1x16xf32> to vector<16xf32>
          %parallel_loop3A_277 = arith.addf %parallel_loop3A_272, %parallel_loop3A_276 : vector<16xf32>
          %parallel_loop3A_278 = arith.constant 0.000000e+00 : f32
          %parallel_loop3A_279 = vector.broadcast %parallel_loop3A_278 : f32 to vector<16xf32>
          %parallel_loop3A_280 = arith.maximumf %parallel_loop3A_277, %parallel_loop3A_279 : vector<16xf32>
          %parallel_loop3A_281 = arith.index_cast %parallel_loop3A_234 : i32 to index
          %parallel_loop3A_282 = arith.constant 32 : index
          %parallel_loop3A_283 = tpu.vector_load %arg18[%parallel_loop3A_281, %parallel_loop3A_282] {strides = array<i32>} : memref<64x128xf32, #tpu.memory_space<vmem>>, vector<1x16xf32>,
          %parallel_loop3A_284 = vector.shape_cast %parallel_loop3A_283 : vector<1x16xf32> to vector<16xf32>
          %parallel_loop3A_285 = vector.shape_cast %parallel_loop3A_280 : vector<16xf32> to vector<1x16xf32>
          tpu.vector_store %arg18[%parallel_loop3A_281, %parallel_loop3A_282], %parallel_loop3A_285 {strides = array<i32>} : memref<64x128xf32, #tpu.memory_space<vmem>>, vector<1x16xf32>,
          %parallel_loop3A_286 = arith.index_cast %parallel_loop3A_234 : i32 to index
          %parallel_loop3A_287 = arith.constant 48 : index
          %parallel_loop3A_288 = tpu.vector_load %arg18[%parallel_loop3A_286, %parallel_loop3A_287] {strides = array<i32>} : memref<64x128xf32, #tpu.memory_space<vmem>>, vector<1x16xf32>,
          %parallel_loop3A_289 = vector.shape_cast %parallel_loop3A_288 : vector<1x16xf32> to vector<16xf32>
          %parallel_loop3A_290 = arith.index_cast %parallel_loop3A_234 : i32 to index
          %parallel_loop3A_291 = arith.constant 48 : index
          %parallel_loop3A_292 = tpu.vector_load %arg15[%parallel_loop3A_290, %parallel_loop3A_291] {strides = array<i32>} : memref<64x128xf32, #tpu.memory_space<vmem>>, vector<1x16xf32>,
          %parallel_loop3A_293 = vector.shape_cast %parallel_loop3A_292 : vector<1x16xf32> to vector<16xf32>
          %parallel_loop3A_294 = arith.addf %parallel_loop3A_289, %parallel_loop3A_293 : vector<16xf32>
          %parallel_loop3A_295 = arith.constant 0.000000e+00 : f32
          %parallel_loop3A_296 = vector.broadcast %parallel_loop3A_295 : f32 to vector<16xf32>
          %parallel_loop3A_297 = arith.maximumf %parallel_loop3A_294, %parallel_loop3A_296 : vector<16xf32>
          %parallel_loop3A_298 = arith.index_cast %parallel_loop3A_234 : i32 to index
          %parallel_loop3A_299 = arith.constant 48 : index
          %parallel_loop3A_300 = tpu.vector_load %arg18[%parallel_loop3A_298, %parallel_loop3A_299] {strides = array<i32>} : memref<64x128xf32, #tpu.memory_space<vmem>>, vector<1x16xf32>,
          %parallel_loop3A_301 = vector.shape_cast %parallel_loop3A_300 : vector<1x16xf32> to vector<16xf32>
          %parallel_loop3A_302 = vector.shape_cast %parallel_loop3A_297 : vector<16xf32> to vector<1x16xf32>
          tpu.vector_store %arg18[%parallel_loop3A_298, %parallel_loop3A_299], %parallel_loop3A_302 {strides = array<i32>} : memref<64x128xf32, #tpu.memory_space<vmem>>, vector<1x16xf32>,
          %parallel_loop3A_303 = arith.index_cast %parallel_loop3A_234 : i32 to index
          %parallel_loop3A_304 = arith.constant 64 : index
          %parallel_loop3A_305 = tpu.vector_load %arg18[%parallel_loop3A_303, %parallel_loop3A_304] {strides = array<i32>} : memref<64x128xf32, #tpu.memory_space<vmem>>, vector<1x16xf32>,
          %parallel_loop3A_306 = vector.shape_cast %parallel_loop3A_305 : vector<1x16xf32> to vector<16xf32>
          %parallel_loop3A_307 = arith.index_cast %parallel_loop3A_234 : i32 to index
          %parallel_loop3A_308 = arith.constant 64 : index
          %parallel_loop3A_309 = tpu.vector_load %arg15[%parallel_loop3A_307, %parallel_loop3A_308] {strides = array<i32>} : memref<64x128xf32, #tpu.memory_space<vmem>>, vector<1x16xf32>,
          %parallel_loop3A_310 = vector.shape_cast %parallel_loop3A_309 : vector<1x16xf32> to vector<16xf32>
          %parallel_loop3A_311 = arith.addf %parallel_loop3A_306, %parallel_loop3A_310 : vector<16xf32>
          %parallel_loop3A_312 = arith.constant 0.000000e+00 : f32
          %parallel_loop3A_313 = vector.broadcast %parallel_loop3A_312 : f32 to vector<16xf32>
          %parallel_loop3A_314 = arith.maximumf %parallel_loop3A_311, %parallel_loop3A_313 : vector<16xf32>
          %parallel_loop3A_315 = arith.index_cast %parallel_loop3A_234 : i32 to index
          %parallel_loop3A_316 = arith.constant 64 : index
          %parallel_loop3A_317 = tpu.vector_load %arg18[%parallel_loop3A_315, %parallel_loop3A_316] {strides = array<i32>} : memref<64x128xf32, #tpu.memory_space<vmem>>, vector<1x16xf32>,
          %parallel_loop3A_318 = vector.shape_cast %parallel_loop3A_317 : vector<1x16xf32> to vector<16xf32>
          %parallel_loop3A_319 = vector.shape_cast %parallel_loop3A_314 : vector<16xf32> to vector<1x16xf32>
          tpu.vector_store %arg18[%parallel_loop3A_315, %parallel_loop3A_316], %parallel_loop3A_319 {strides = array<i32>} : memref<64x128xf32, #tpu.memory_space<vmem>>, vector<1x16xf32>,
          %parallel_loop3A_320 = arith.index_cast %parallel_loop3A_234 : i32 to index
          %parallel_loop3A_321 = arith.constant 80 : index
          %parallel_loop3A_322 = tpu.vector_load %arg18[%parallel_loop3A_320, %parallel_loop3A_321] {strides = array<i32>} : memref<64x128xf32, #tpu.memory_space<vmem>>, vector<1x16xf32>,
          %parallel_loop3A_323 = vector.shape_cast %parallel_loop3A_322 : vector<1x16xf32> to vector<16xf32>
          %parallel_loop3A_324 = arith.index_cast %parallel_loop3A_234 : i32 to index
          %parallel_loop3A_325 = arith.constant 80 : index
          %parallel_loop3A_326 = tpu.vector_load %arg15[%parallel_loop3A_324, %parallel_loop3A_325] {strides = array<i32>} : memref<64x128xf32, #tpu.memory_space<vmem>>, vector<1x16xf32>,
          %parallel_loop3A_327 = vector.shape_cast %parallel_loop3A_326 : vector<1x16xf32> to vector<16xf32>
          %parallel_loop3A_328 = arith.addf %parallel_loop3A_323, %parallel_loop3A_327 : vector<16xf32>
          %parallel_loop3A_329 = arith.constant 0.000000e+00 : f32
          %parallel_loop3A_330 = vector.broadcast %parallel_loop3A_329 : f32 to vector<16xf32>
          %parallel_loop3A_331 = arith.maximumf %parallel_loop3A_328, %parallel_loop3A_330 : vector<16xf32>
          %parallel_loop3A_332 = arith.index_cast %parallel_loop3A_234 : i32 to index
          %parallel_loop3A_333 = arith.constant 80 : index
          %parallel_loop3A_334 = tpu.vector_load %arg18[%parallel_loop3A_332, %parallel_loop3A_333] {strides = array<i32>} : memref<64x128xf32, #tpu.memory_space<vmem>>, vector<1x16xf32>,
          %parallel_loop3A_335 = vector.shape_cast %parallel_loop3A_334 : vector<1x16xf32> to vector<16xf32>
          %parallel_loop3A_336 = vector.shape_cast %parallel_loop3A_331 : vector<16xf32> to vector<1x16xf32>
          tpu.vector_store %arg18[%parallel_loop3A_332, %parallel_loop3A_333], %parallel_loop3A_336 {strides = array<i32>} : memref<64x128xf32, #tpu.memory_space<vmem>>, vector<1x16xf32>,
          %parallel_loop3A_337 = arith.index_cast %parallel_loop3A_234 : i32 to index
          %parallel_loop3A_338 = arith.constant 96 : index
          %parallel_loop3A_339 = tpu.vector_load %arg18[%parallel_loop3A_337, %parallel_loop3A_338] {strides = array<i32>} : memref<64x128xf32, #tpu.memory_space<vmem>>, vector<1x16xf32>,
          %parallel_loop3A_340 = vector.shape_cast %parallel_loop3A_339 : vector<1x16xf32> to vector<16xf32>
          %parallel_loop3A_341 = arith.index_cast %parallel_loop3A_234 : i32 to index
          %parallel_loop3A_342 = arith.constant 96 : index
          %parallel_loop3A_343 = tpu.vector_load %arg15[%parallel_loop3A_341, %parallel_loop3A_342] {strides = array<i32>} : memref<64x128xf32, #tpu.memory_space<vmem>>, vector<1x16xf32>,
          %parallel_loop3A_344 = vector.shape_cast %parallel_loop3A_343 : vector<1x16xf32> to vector<16xf32>
          %parallel_loop3A_345 = arith.addf %parallel_loop3A_340, %parallel_loop3A_344 : vector<16xf32>
          %parallel_loop3A_346 = arith.constant 0.000000e+00 : f32
          %parallel_loop3A_347 = vector.broadcast %parallel_loop3A_346 : f32 to vector<16xf32>
          %parallel_loop3A_348 = arith.maximumf %parallel_loop3A_345, %parallel_loop3A_347 : vector<16xf32>
          %parallel_loop3A_349 = arith.index_cast %parallel_loop3A_234 : i32 to index
          %parallel_loop3A_350 = arith.constant 96 : index
          %parallel_loop3A_351 = tpu.vector_load %arg18[%parallel_loop3A_349, %parallel_loop3A_350] {strides = array<i32>} : memref<64x128xf32, #tpu.memory_space<vmem>>, vector<1x16xf32>,
          %parallel_loop3A_352 = vector.shape_cast %parallel_loop3A_351 : vector<1x16xf32> to vector<16xf32>
          %parallel_loop3A_353 = vector.shape_cast %parallel_loop3A_348 : vector<16xf32> to vector<1x16xf32>
          tpu.vector_store %arg18[%parallel_loop3A_349, %parallel_loop3A_350], %parallel_loop3A_353 {strides = array<i32>} : memref<64x128xf32, #tpu.memory_space<vmem>>, vector<1x16xf32>,
          %parallel_loop3A_354 = arith.index_cast %parallel_loop3A_234 : i32 to index
          %parallel_loop3A_355 = arith.constant 112 : index
          %parallel_loop3A_356 = tpu.vector_load %arg18[%parallel_loop3A_354, %parallel_loop3A_355] {strides = array<i32>} : memref<64x128xf32, #tpu.memory_space<vmem>>, vector<1x16xf32>,
          %parallel_loop3A_357 = vector.shape_cast %parallel_loop3A_356 : vector<1x16xf32> to vector<16xf32>
          %parallel_loop3A_358 = arith.index_cast %parallel_loop3A_234 : i32 to index
          %parallel_loop3A_359 = arith.constant 112 : index
          %parallel_loop3A_360 = tpu.vector_load %arg15[%parallel_loop3A_358, %parallel_loop3A_359] {strides = array<i32>} : memref<64x128xf32, #tpu.memory_space<vmem>>, vector<1x16xf32>,
          %parallel_loop3A_361 = vector.shape_cast %parallel_loop3A_360 : vector<1x16xf32> to vector<16xf32>
          %parallel_loop3A_362 = arith.addf %parallel_loop3A_357, %parallel_loop3A_361 : vector<16xf32>
          %parallel_loop3A_363 = arith.constant 0.000000e+00 : f32
          %parallel_loop3A_364 = vector.broadcast %parallel_loop3A_363 : f32 to vector<16xf32>
          %parallel_loop3A_365 = arith.maximumf %parallel_loop3A_362, %parallel_loop3A_364 : vector<16xf32>
          %parallel_loop3A_366 = arith.index_cast %parallel_loop3A_234 : i32 to index
          %parallel_loop3A_367 = arith.constant 112 : index
          %parallel_loop3A_368 = tpu.vector_load %arg18[%parallel_loop3A_366, %parallel_loop3A_367] {strides = array<i32>} : memref<64x128xf32, #tpu.memory_space<vmem>>, vector<1x16xf32>,
          %parallel_loop3A_369 = vector.shape_cast %parallel_loop3A_368 : vector<1x16xf32> to vector<16xf32>
          %parallel_loop3A_370 = vector.shape_cast %parallel_loop3A_365 : vector<16xf32> to vector<1x16xf32>
          tpu.vector_store %arg18[%parallel_loop3A_366, %parallel_loop3A_367], %parallel_loop3A_370 {strides = array<i32>} : memref<64x128xf32, #tpu.memory_space<vmem>>, vector<1x16xf32>,
        } {sc.loop_unroll_factor = 1 : i64, sc.parallel_access}
        %dma_wait3A_227 = arith.constant 0 : i32
        %dma_wait3A_228 = tpu.memref_slice %arg5[%dma_wait3A_227] : memref<320000xi32, #tpu.memory_space<hbm>> -> memref<64xi32, #tpu.memory_space<hbm>>
        %dma_wait3A_229 = arith.constant 0 : i32
        %dma_wait3A_230 = tpu.memref_slice %arg5[%dma_wait3A_229] : memref<320000xi32, #tpu.memory_space<hbm>> -> memref<64xi32, #tpu.memory_space<hbm>>
        tpu.wait_dma2 semaphore(%arg25 : memref<!tpu.dma_semaphore, #tpu.memory_space<semaphore_mem>>) src(%dma_wait3A_230 : memref<64xi32, #tpu.memory_space<hbm>>) dst(%arg12 : memref<64xi32, #tpu.memory_space<vmem>>)
        %dma_start3A_231 = arith.constant 0 : i32
        %dma_start3A_232 = arith.constant 0 : i32
        %dma_start3A_233 = tpu.memref_slice %arg19[%dma_start3A_231, %dma_start3A_232] : memref<10000x128xf32, #tpu.memory_space<vmem_shared>> -> memref<10000x128xf32, #tpu.memory_space<vmem_shared>>
        tpu.enqueue_indirect_dma source(%arg18 : memref<64x128xf32, #tpu.memory_space<vmem>>) target(%dma_start3A_233 : memref<10000x128xf32, #tpu.memory_space<vmem_shared>>) offsets(%arg12 : memref<64xi32, #tpu.memory_space<vmem>>) semaphore(%arg34 : memref<!tpu.dma_semaphore, #tpu.memory_space<semaphore_mem>>) {add = true}
      } else {
      }
      %scan3A_212 = arith.constant 0 : i32
      scf.yield %scan3A_212 : i32
    }
    %scan3A_92 = arith.constant 53 : i32
    %dma_wait3A_93 = arith.constant 0 : i32
    %dma_wait3A_94 = arith.constant 0 : i32
    %dma_wait3A_95 = tpu.memref_slice %arg19[%dma_wait3A_93, %dma_wait3A_94] : memref<10000x128xf32, #tpu.memory_space<vmem_shared>> -> memref<64x128xf32, #tpu.memory_space<vmem_shared>>
    %dma_wait3A_96 = arith.constant 0 : i32
    %dma_wait3A_97 = arith.constant 0 : i32
    %dma_wait3A_98 = tpu.memref_slice %arg19[%dma_wait3A_96, %dma_wait3A_97] : memref<10000x128xf32, #tpu.memory_space<vmem_shared>> -> memref<64x128xf32, #tpu.memory_space<vmem_shared>>
    tpu.wait_dma2 semaphore(%arg32 : memref<!tpu.dma_semaphore, #tpu.memory_space<semaphore_mem>>) src(%arg16 : memref<64x128xf32, #tpu.memory_space<vmem>>) dst(%dma_wait3A_98 : memref<64x128xf32, #tpu.memory_space<vmem_shared>>)
    %dma_wait3A_99 = arith.constant 0 : i32
    %dma_wait3A_100 = arith.constant 0 : i32
    %dma_wait3A_101 = tpu.memref_slice %arg19[%dma_wait3A_99, %dma_wait3A_100] : memref<10000x128xf32, #tpu.memory_space<vmem_shared>> -> memref<64x128xf32, #tpu.memory_space<vmem_shared>>
    %dma_wait3A_102 = arith.constant 0 : i32
    %dma_wait3A_103 = arith.constant 0 : i32
    %dma_wait3A_104 = tpu.memref_slice %arg19[%dma_wait3A_102, %dma_wait3A_103] : memref<10000x128xf32, #tpu.memory_space<vmem_shared>> -> memref<64x128xf32, #tpu.memory_space<vmem_shared>>
    tpu.wait_dma2 semaphore(%arg33 : memref<!tpu.dma_semaphore, #tpu.memory_space<semaphore_mem>>) src(%arg17 : memref<64x128xf32, #tpu.memory_space<vmem>>) dst(%dma_wait3A_104 : memref<64x128xf32, #tpu.memory_space<vmem_shared>>)
    %dma_wait3A_105 = arith.constant 0 : i32
    %dma_wait3A_106 = arith.constant 0 : i32
    %dma_wait3A_107 = tpu.memref_slice %arg19[%dma_wait3A_105, %dma_wait3A_106] : memref<10000x128xf32, #tpu.memory_space<vmem_shared>> -> memref<64x128xf32, #tpu.memory_space<vmem_shared>>
    %dma_wait3A_108 = arith.constant 0 : i32
    %dma_wait3A_109 = arith.constant 0 : i32
    %dma_wait3A_110 = tpu.memref_slice %arg19[%dma_wait3A_108, %dma_wait3A_109] : memref<10000x128xf32, #tpu.memory_space<vmem_shared>> -> memref<64x128xf32, #tpu.memory_space<vmem_shared>>
    tpu.wait_dma2 semaphore(%arg34 : memref<!tpu.dma_semaphore, #tpu.memory_space<semaphore_mem>>) src(%arg18 : memref<64x128xf32, #tpu.memory_space<vmem>>) dst(%dma_wait3A_110 : memref<64x128xf32, #tpu.memory_space<vmem_shared>>)
    %barrier3A_111 = arith.constant 0 : index
    tpu.barrier barrier_id(%barrier3A_111)
    %mul3A_112 = arith.constant 624 : i32
    %mul3A_113 = arith.muli %arg1, %mul3A_112 : i32
    %mul3A_114 = arith.constant 10000 : i32
    %mul3A_115 = arith.muli %arg0, %mul3A_114 : i32
    %add3A_116 = arith.addi %mul3A_115, %mul3A_113 : i32
    "tpu.region"() ({
      %run_scoped3A = tpu.sem_alloc : memref<!tpu.dma_semaphore, #tpu.memory_space<semaphore_mem>>
      %dma_start3A_122 = arith.constant 0 : i32
      %dma_start3A_123 = tpu.memref_slice %arg6[%add3A_116, %dma_start3A_122] : memref<20000x128xf32, #tpu.memory_space<hbm>> -> memref<624x128xf32, #tpu.memory_space<hbm>>
      %dma_start3A_124 = arith.constant 0 : i32
      %dma_start3A_125 = tpu.memref_slice %arg19[%mul3A_113, %dma_start3A_124] : memref<10000x128xf32, #tpu.memory_space<vmem_shared>> -> memref<624x128xf32, #tpu.memory_space<vmem_shared>>
      tpu.enqueue_dma source(%dma_start3A_125 : memref<624x128xf32, #tpu.memory_space<vmem_shared>>) target(%dma_start3A_123 : memref<624x128xf32, #tpu.memory_space<hbm>>) target_semaphore(%run_scoped3A : memref<!tpu.dma_semaphore, #tpu.memory_space<semaphore_mem>>)
      %dma_wait3A_126 = arith.constant 0 : i32
      %dma_wait3A_127 = tpu.memref_slice %arg6[%add3A_116, %dma_wait3A_126] : memref<20000x128xf32, #tpu.memory_space<hbm>> -> memref<624x128xf32, #tpu.memory_space<hbm>>
      %dma_wait3A_128 = arith.constant 0 : i32
      %dma_wait3A_129 = tpu.memref_slice %arg19[%mul3A_113, %dma_wait3A_128] : memref<10000x128xf32, #tpu.memory_space<vmem_shared>> -> memref<624x128xf32, #tpu.memory_space<vmem_shared>>
      tpu.wait_dma2 semaphore(%run_scoped3A : memref<!tpu.dma_semaphore, #tpu.memory_space<semaphore_mem>>) src(%dma_wait3A_129 : memref<624x128xf32, #tpu.memory_space<vmem_shared>>) dst(%dma_wait3A_127 : memref<624x128xf32, #tpu.memory_space<hbm>>)
      tpu.yield
    }) : () -> ()
    %eq3A_117 = arith.constant 15 : i32
    %eq3A_118 = arith.cmpi eq, %arg1, %eq3A_117 : i32
    %convert_element_type3A_119 = arith.extui %eq3A_118 : i1 to i32
    %cond3A_120 = arith.constant 0 : i32
    %cond3A_121 = arith.cmpi ne, %convert_element_type3A_119, %cond3A_120 : i32
    scf.if %cond3A_121 {
      %mul3A_122 = arith.constant 10000 : i32
      %mul3A_123 = arith.muli %arg0, %mul3A_122 : i32
      %add3A_124 = arith.constant 9984 : i32
      %add3A_125 = arith.addi %mul3A_123, %add3A_124 : i32
      "tpu.region"() ({
        %run_scoped3A = tpu.sem_alloc : memref<!tpu.dma_semaphore, #tpu.memory_space<semaphore_mem>>
        %dma_start3A_126 = arith.constant 0 : i32
        %dma_start3A_127 = tpu.memref_slice %arg6[%add3A_125, %dma_start3A_126] : memref<20000x128xf32, #tpu.memory_space<hbm>> -> memref<16x128xf32, #tpu.memory_space<hbm>>
        %dma_start3A_128 = arith.constant 9984 : i32
        %dma_start3A_129 = arith.constant 0 : i32
        %dma_start3A_130 = tpu.memref_slice %arg19[%dma_start3A_128, %dma_start3A_129] : memref<10000x128xf32, #tpu.memory_space<vmem_shared>> -> memref<16x128xf32, #tpu.memory_space<vmem_shared>>
        tpu.enqueue_dma source(%dma_start3A_130 : memref<16x128xf32, #tpu.memory_space<vmem_shared>>) target(%dma_start3A_127 : memref<16x128xf32, #tpu.memory_space<hbm>>) target_semaphore(%run_scoped3A : memref<!tpu.dma_semaphore, #tpu.memory_space<semaphore_mem>>)
        %dma_wait3A_131 = arith.constant 0 : i32
        %dma_wait3A_132 = tpu.memref_slice %arg6[%add3A_125, %dma_wait3A_131] : memref<20000x128xf32, #tpu.memory_space<hbm>> -> memref<16x128xf32, #tpu.memory_space<hbm>>
        %dma_wait3A_133 = arith.constant 9984 : i32
        %dma_wait3A_134 = arith.constant 0 : i32
        %dma_wait3A_135 = tpu.memref_slice %arg19[%dma_wait3A_133, %dma_wait3A_134] : memref<10000x128xf32, #tpu.memory_space<vmem_shared>> -> memref<16x128xf32, #tpu.memory_space<vmem_shared>>
        tpu.wait_dma2 semaphore(%run_scoped3A : memref<!tpu.dma_semaphore, #tpu.memory_space<semaphore_mem>>) src(%dma_wait3A_135 : memref<16x128xf32, #tpu.memory_space<vmem_shared>>) dst(%dma_wait3A_132 : memref<16x128xf32, #tpu.memory_space<hbm>>)
        tpu.yield
      }) : () -> ()
    } else {
    }
    return
  }
}

#map = affine_map<(d0, d1) -> (0, 0)>
#map1 = affine_map<(d0, d1) -> (0)>
module attributes {stable_mosaic.version = 14 : i64} {
  func.func @_sc_edge_body(%arg0: i32, %arg1: i32, %arg2: memref<10000x128xf32, #tpu.memory_space<hbm>>, %arg3: memref<320000x128xf32, #tpu.memory_space<hbm>>, %arg4: memref<320000xi32, #tpu.memory_space<hbm>>, %arg5: memref<320000xi32, #tpu.memory_space<hbm>>, %arg6: memref<20000x128xf32, #tpu.memory_space<hbm>>, %arg7: memref<64xi32, #tpu.memory_space<vmem>>, %arg8: memref<64xi32, #tpu.memory_space<vmem>>, %arg9: memref<64xi32, #tpu.memory_space<vmem>>, %arg10: memref<64xi32, #tpu.memory_space<vmem>>, %arg11: memref<64xi32, #tpu.memory_space<vmem>>, %arg12: memref<64xi32, #tpu.memory_space<vmem>>, %arg13: memref<64x128xf32, #tpu.memory_space<vmem>>, %arg14: memref<64x128xf32, #tpu.memory_space<vmem>>, %arg15: memref<64x128xf32, #tpu.memory_space<vmem>>, %arg16: memref<64x128xf32, #tpu.memory_space<vmem>>, %arg17: memref<64x128xf32, #tpu.memory_space<vmem>>, %arg18: memref<64x128xf32, #tpu.memory_space<vmem>>, %arg19: memref<10000x128xf32, #tpu.memory_space<vmem_shared>>, %arg20: memref<!tpu.dma_semaphore, #tpu.memory_space<semaphore_mem>>, %arg21: memref<!tpu.dma_semaphore, #tpu.memory_space<semaphore_mem>>, %arg22: memref<!tpu.dma_semaphore, #tpu.memory_space<semaphore_mem>>, %arg23: memref<!tpu.dma_semaphore, #tpu.memory_space<semaphore_mem>>, %arg24: memref<!tpu.dma_semaphore, #tpu.memory_space<semaphore_mem>>, %arg25: memref<!tpu.dma_semaphore, #tpu.memory_space<semaphore_mem>>, %arg26: memref<!tpu.dma_semaphore, #tpu.memory_space<semaphore_mem>>, %arg27: memref<!tpu.dma_semaphore, #tpu.memory_space<semaphore_mem>>, %arg28: memref<!tpu.dma_semaphore, #tpu.memory_space<semaphore_mem>>, %arg29: memref<!tpu.dma_semaphore, #tpu.memory_space<semaphore_mem>>, %arg30: memref<!tpu.dma_semaphore, #tpu.memory_space<semaphore_mem>>, %arg31: memref<!tpu.dma_semaphore, #tpu.memory_space<semaphore_mem>>, %arg32: memref<!tpu.dma_semaphore, #tpu.memory_space<semaphore_mem>>, %arg33: memref<!tpu.dma_semaphore, #tpu.memory_space<semaphore_mem>>, %arg34: memref<!tpu.dma_semaphore, #tpu.memory_space<semaphore_mem>>) attributes {dimension_semantics = [#tpu.dimension_semantics<core_parallel>, #tpu.dimension_semantics<subcore_parallel>], iteration_bounds = array<i64: 2, 16>, scalar_prefetch = 0 : i64, scratch_operands = 28 : i64, tpu.core_type = #tpu.core_type<sc_vector_subcore>, window_params = [{transform_indices = #map}, {transform_indices = #map}, {transform_indices = #map1}, {transform_indices = #map1}, {transform_indices = #map}]} {
    %mul3A = arith.constant 2 : i32
    %mul3A_0 = arith.muli %arg1, %mul3A : i32
    %add3A = arith.addi %mul3A_0, %arg0 : i32
    %scan3A = arith.constant 0 : i32
    %scan3A_1 = arith.constant 0 : i32
    %scan3A_2 = arith.constant 64 : i32
    %scan3A_3 = arith.addi %scan3A_1, %scan3A_2 : i32
    %scan3A_4 = arith.constant 1 : i32
    %scan3A_5 = scf.for %scan3A_122 = %scan3A_1 to %scan3A_3 step %scan3A_4 iter_args(%scan3A_123 = %scan3A) -> (i32)  : i32 {
      %broadcast_in_dim3A = arith.constant 0.000000e+00 : f32
      %broadcast_in_dim3A_124 = vector.broadcast %broadcast_in_dim3A : f32 to vector<16xf32>
      %swap3A = arith.index_cast %scan3A_122 : i32 to index
      %swap3A_125 = arith.constant 0 : index
      %swap3A_126 = tpu.vector_load %arg13[%swap3A, %swap3A_125] {strides = array<i32>} : memref<64x128xf32, #tpu.memory_space<vmem>>, vector<1x16xf32>,
      %swap3A_127 = vector.shape_cast %swap3A_126 : vector<1x16xf32> to vector<16xf32>
      %swap3A_128 = vector.shape_cast %broadcast_in_dim3A_124 : vector<16xf32> to vector<1x16xf32>
      tpu.vector_store %arg13[%swap3A, %swap3A_125], %swap3A_128 {strides = array<i32>} : memref<64x128xf32, #tpu.memory_space<vmem>>, vector<1x16xf32>,
      %broadcast_in_dim3A_129 = arith.constant 0.000000e+00 : f32
      %broadcast_in_dim3A_130 = vector.broadcast %broadcast_in_dim3A_129 : f32 to vector<16xf32>
      %swap3A_131 = arith.index_cast %scan3A_122 : i32 to index
      %swap3A_132 = arith.constant 16 : index
      %swap3A_133 = tpu.vector_load %arg13[%swap3A_131, %swap3A_132] {strides = array<i32>} : memref<64x128xf32, #tpu.memory_space<vmem>>, vector<1x16xf32>,
      %swap3A_134 = vector.shape_cast %swap3A_133 : vector<1x16xf32> to vector<16xf32>
      %swap3A_135 = vector.shape_cast %broadcast_in_dim3A_130 : vector<16xf32> to vector<1x16xf32>
      tpu.vector_store %arg13[%swap3A_131, %swap3A_132], %swap3A_135 {strides = array<i32>} : memref<64x128xf32, #tpu.memory_space<vmem>>, vector<1x16xf32>,
      %broadcast_in_dim3A_136 = arith.constant 0.000000e+00 : f32
      %broadcast_in_dim3A_137 = vector.broadcast %broadcast_in_dim3A_136 : f32 to vector<16xf32>
      %swap3A_138 = arith.index_cast %scan3A_122 : i32 to index
      %swap3A_139 = arith.constant 32 : index
      %swap3A_140 = tpu.vector_load %arg13[%swap3A_138, %swap3A_139] {strides = array<i32>} : memref<64x128xf32, #tpu.memory_space<vmem>>, vector<1x16xf32>,
      %swap3A_141 = vector.shape_cast %swap3A_140 : vector<1x16xf32> to vector<16xf32>
      %swap3A_142 = vector.shape_cast %broadcast_in_dim3A_137 : vector<16xf32> to vector<1x16xf32>
      tpu.vector_store %arg13[%swap3A_138, %swap3A_139], %swap3A_142 {strides = array<i32>} : memref<64x128xf32, #tpu.memory_space<vmem>>, vector<1x16xf32>,
      %broadcast_in_dim3A_143 = arith.constant 0.000000e+00 : f32
      %broadcast_in_dim3A_144 = vector.broadcast %broadcast_in_dim3A_143 : f32 to vector<16xf32>
      %swap3A_145 = arith.index_cast %scan3A_122 : i32 to index
      %swap3A_146 = arith.constant 48 : index
      %swap3A_147 = tpu.vector_load %arg13[%swap3A_145, %swap3A_146] {strides = array<i32>} : memref<64x128xf32, #tpu.memory_space<vmem>>, vector<1x16xf32>,
      %swap3A_148 = vector.shape_cast %swap3A_147 : vector<1x16xf32> to vector<16xf32>
      %swap3A_149 = vector.shape_cast %broadcast_in_dim3A_144 : vector<16xf32> to vector<1x16xf32>
      tpu.vector_store %arg13[%swap3A_145, %swap3A_146], %swap3A_149 {strides = array<i32>} : memref<64x128xf32, #tpu.memory_space<vmem>>, vector<1x16xf32>,
      %broadcast_in_dim3A_150 = arith.constant 0.000000e+00 : f32
      %broadcast_in_dim3A_151 = vector.broadcast %broadcast_in_dim3A_150 : f32 to vector<16xf32>
      %swap3A_152 = arith.index_cast %scan3A_122 : i32 to index
      %swap3A_153 = arith.constant 64 : index
      %swap3A_154 = tpu.vector_load %arg13[%swap3A_152, %swap3A_153] {strides = array<i32>} : memref<64x128xf32, #tpu.memory_space<vmem>>, vector<1x16xf32>,
      %swap3A_155 = vector.shape_cast %swap3A_154 : vector<1x16xf32> to vector<16xf32>
      %swap3A_156 = vector.shape_cast %broadcast_in_dim3A_151 : vector<16xf32> to vector<1x16xf32>
      tpu.vector_store %arg13[%swap3A_152, %swap3A_153], %swap3A_156 {strides = array<i32>} : memref<64x128xf32, #tpu.memory_space<vmem>>, vector<1x16xf32>,
      %broadcast_in_dim3A_157 = arith.constant 0.000000e+00 : f32
      %broadcast_in_dim3A_158 = vector.broadcast %broadcast_in_dim3A_157 : f32 to vector<16xf32>
      %swap3A_159 = arith.index_cast %scan3A_122 : i32 to index
      %swap3A_160 = arith.constant 80 : index
      %swap3A_161 = tpu.vector_load %arg13[%swap3A_159, %swap3A_160] {strides = array<i32>} : memref<64x128xf32, #tpu.memory_space<vmem>>, vector<1x16xf32>,
      %swap3A_162 = vector.shape_cast %swap3A_161 : vector<1x16xf32> to vector<16xf32>
      %swap3A_163 = vector.shape_cast %broadcast_in_dim3A_158 : vector<16xf32> to vector<1x16xf32>
      tpu.vector_store %arg13[%swap3A_159, %swap3A_160], %swap3A_163 {strides = array<i32>} : memref<64x128xf32, #tpu.memory_space<vmem>>, vector<1x16xf32>,
      %broadcast_in_dim3A_164 = arith.constant 0.000000e+00 : f32
      %broadcast_in_dim3A_165 = vector.broadcast %broadcast_in_dim3A_164 : f32 to vector<16xf32>
      %swap3A_166 = arith.index_cast %scan3A_122 : i32 to index
      %swap3A_167 = arith.constant 96 : index
      %swap3A_168 = tpu.vector_load %arg13[%swap3A_166, %swap3A_167] {strides = array<i32>} : memref<64x128xf32, #tpu.memory_space<vmem>>, vector<1x16xf32>,
      %swap3A_169 = vector.shape_cast %swap3A_168 : vector<1x16xf32> to vector<16xf32>
      %swap3A_170 = vector.shape_cast %broadcast_in_dim3A_165 : vector<16xf32> to vector<1x16xf32>
      tpu.vector_store %arg13[%swap3A_166, %swap3A_167], %swap3A_170 {strides = array<i32>} : memref<64x128xf32, #tpu.memory_space<vmem>>, vector<1x16xf32>,
      %broadcast_in_dim3A_171 = arith.constant 0.000000e+00 : f32
      %broadcast_in_dim3A_172 = vector.broadcast %broadcast_in_dim3A_171 : f32 to vector<16xf32>
      %swap3A_173 = arith.index_cast %scan3A_122 : i32 to index
      %swap3A_174 = arith.constant 112 : index
      %swap3A_175 = tpu.vector_load %arg13[%swap3A_173, %swap3A_174] {strides = array<i32>} : memref<64x128xf32, #tpu.memory_space<vmem>>, vector<1x16xf32>,
      %swap3A_176 = vector.shape_cast %swap3A_175 : vector<1x16xf32> to vector<16xf32>
      %swap3A_177 = vector.shape_cast %broadcast_in_dim3A_172 : vector<16xf32> to vector<1x16xf32>
      tpu.vector_store %arg13[%swap3A_173, %swap3A_174], %swap3A_177 {strides = array<i32>} : memref<64x128xf32, #tpu.memory_space<vmem>>, vector<1x16xf32>,
      %scan3A_178 = arith.constant 0 : i32
      scf.yield %scan3A_178 : i32
    }
    %scan3A_6 = arith.constant 64 : i32
    %mul3A_7 = arith.constant 624 : i32
    %mul3A_8 = arith.muli %arg1, %mul3A_7 : i32
    %add3A_9 = arith.constant 0 : i32
    %add3A_10 = arith.addi %mul3A_8, %add3A_9 : i32
    "tpu.region"() ({
      %run_scoped3A = tpu.sem_alloc : memref<!tpu.dma_semaphore, #tpu.memory_space<semaphore_mem>>
      %dma_start3A_122 = arith.constant 0 : i32
      %dma_start3A_123 = tpu.memref_slice %arg19[%add3A_10, %dma_start3A_122] : memref<10000x128xf32, #tpu.memory_space<vmem_shared>> -> memref<64x128xf32, #tpu.memory_space<vmem_shared>>
      %dma_start3A_124 = arith.constant 0 : i32
      %dma_start3A_125 = tpu.memref_slice %arg19[%add3A_10, %dma_start3A_124] : memref<10000x128xf32, #tpu.memory_space<vmem_shared>> -> memref<64x128xf32, #tpu.memory_space<vmem_shared>>
      tpu.enqueue_dma source(%arg13 : memref<64x128xf32, #tpu.memory_space<vmem>>) target(%dma_start3A_125 : memref<64x128xf32, #tpu.memory_space<vmem_shared>>) target_semaphore(%run_scoped3A : memref<!tpu.dma_semaphore, #tpu.memory_space<semaphore_mem>>)
      %dma_wait3A_126 = arith.constant 0 : i32
      %dma_wait3A_127 = tpu.memref_slice %arg19[%add3A_10, %dma_wait3A_126] : memref<10000x128xf32, #tpu.memory_space<vmem_shared>> -> memref<64x128xf32, #tpu.memory_space<vmem_shared>>
      %dma_wait3A_128 = arith.constant 0 : i32
      %dma_wait3A_129 = tpu.memref_slice %arg19[%add3A_10, %dma_wait3A_128] : memref<10000x128xf32, #tpu.memory_space<vmem_shared>> -> memref<64x128xf32, #tpu.memory_space<vmem_shared>>
      tpu.wait_dma2 semaphore(%run_scoped3A : memref<!tpu.dma_semaphore, #tpu.memory_space<semaphore_mem>>) src(%arg13 : memref<64x128xf32, #tpu.memory_space<vmem>>) dst(%dma_wait3A_129 : memref<64x128xf32, #tpu.memory_space<vmem_shared>>)
      tpu.yield
    }) : () -> ()
    %mul3A_11 = arith.constant 624 : i32
    %mul3A_12 = arith.muli %arg1, %mul3A_11 : i32
    %add3A_13 = arith.constant 64 : i32
    %add3A_14 = arith.addi %mul3A_12, %add3A_13 : i32
    "tpu.region"() ({
      %run_scoped3A = tpu.sem_alloc : memref<!tpu.dma_semaphore, #tpu.memory_space<semaphore_mem>>
      %dma_start3A_122 = arith.constant 0 : i32
      %dma_start3A_123 = tpu.memref_slice %arg19[%add3A_14, %dma_start3A_122] : memref<10000x128xf32, #tpu.memory_space<vmem_shared>> -> memref<64x128xf32, #tpu.memory_space<vmem_shared>>
      %dma_start3A_124 = arith.constant 0 : i32
      %dma_start3A_125 = tpu.memref_slice %arg19[%add3A_14, %dma_start3A_124] : memref<10000x128xf32, #tpu.memory_space<vmem_shared>> -> memref<64x128xf32, #tpu.memory_space<vmem_shared>>
      tpu.enqueue_dma source(%arg13 : memref<64x128xf32, #tpu.memory_space<vmem>>) target(%dma_start3A_125 : memref<64x128xf32, #tpu.memory_space<vmem_shared>>) target_semaphore(%run_scoped3A : memref<!tpu.dma_semaphore, #tpu.memory_space<semaphore_mem>>)
      %dma_wait3A_126 = arith.constant 0 : i32
      %dma_wait3A_127 = tpu.memref_slice %arg19[%add3A_14, %dma_wait3A_126] : memref<10000x128xf32, #tpu.memory_space<vmem_shared>> -> memref<64x128xf32, #tpu.memory_space<vmem_shared>>
      %dma_wait3A_128 = arith.constant 0 : i32
      %dma_wait3A_129 = tpu.memref_slice %arg19[%add3A_14, %dma_wait3A_128] : memref<10000x128xf32, #tpu.memory_space<vmem_shared>> -> memref<64x128xf32, #tpu.memory_space<vmem_shared>>
      tpu.wait_dma2 semaphore(%run_scoped3A : memref<!tpu.dma_semaphore, #tpu.memory_space<semaphore_mem>>) src(%arg13 : memref<64x128xf32, #tpu.memory_space<vmem>>) dst(%dma_wait3A_129 : memref<64x128xf32, #tpu.memory_space<vmem_shared>>)
      tpu.yield
    }) : () -> ()
    %mul3A_15 = arith.constant 624 : i32
    %mul3A_16 = arith.muli %arg1, %mul3A_15 : i32
    %add3A_17 = arith.constant 128 : i32
    %add3A_18 = arith.addi %mul3A_16, %add3A_17 : i32
    "tpu.region"() ({
      %run_scoped3A = tpu.sem_alloc : memref<!tpu.dma_semaphore, #tpu.memory_space<semaphore_mem>>
      %dma_start3A_122 = arith.constant 0 : i32
      %dma_start3A_123 = tpu.memref_slice %arg19[%add3A_18, %dma_start3A_122] : memref<10000x128xf32, #tpu.memory_space<vmem_shared>> -> memref<64x128xf32, #tpu.memory_space<vmem_shared>>
      %dma_start3A_124 = arith.constant 0 : i32
      %dma_start3A_125 = tpu.memref_slice %arg19[%add3A_18, %dma_start3A_124] : memref<10000x128xf32, #tpu.memory_space<vmem_shared>> -> memref<64x128xf32, #tpu.memory_space<vmem_shared>>
      tpu.enqueue_dma source(%arg13 : memref<64x128xf32, #tpu.memory_space<vmem>>) target(%dma_start3A_125 : memref<64x128xf32, #tpu.memory_space<vmem_shared>>) target_semaphore(%run_scoped3A : memref<!tpu.dma_semaphore, #tpu.memory_space<semaphore_mem>>)
      %dma_wait3A_126 = arith.constant 0 : i32
      %dma_wait3A_127 = tpu.memref_slice %arg19[%add3A_18, %dma_wait3A_126] : memref<10000x128xf32, #tpu.memory_space<vmem_shared>> -> memref<64x128xf32, #tpu.memory_space<vmem_shared>>
      %dma_wait3A_128 = arith.constant 0 : i32
      %dma_wait3A_129 = tpu.memref_slice %arg19[%add3A_18, %dma_wait3A_128] : memref<10000x128xf32, #tpu.memory_space<vmem_shared>> -> memref<64x128xf32, #tpu.memory_space<vmem_shared>>
      tpu.wait_dma2 semaphore(%run_scoped3A : memref<!tpu.dma_semaphore, #tpu.memory_space<semaphore_mem>>) src(%arg13 : memref<64x128xf32, #tpu.memory_space<vmem>>) dst(%dma_wait3A_129 : memref<64x128xf32, #tpu.memory_space<vmem_shared>>)
      tpu.yield
    }) : () -> ()
    %mul3A_19 = arith.constant 624 : i32
    %mul3A_20 = arith.muli %arg1, %mul3A_19 : i32
    %add3A_21 = arith.constant 192 : i32
    %add3A_22 = arith.addi %mul3A_20, %add3A_21 : i32
    "tpu.region"() ({
      %run_scoped3A = tpu.sem_alloc : memref<!tpu.dma_semaphore, #tpu.memory_space<semaphore_mem>>
      %dma_start3A_122 = arith.constant 0 : i32
      %dma_start3A_123 = tpu.memref_slice %arg19[%add3A_22, %dma_start3A_122] : memref<10000x128xf32, #tpu.memory_space<vmem_shared>> -> memref<64x128xf32, #tpu.memory_space<vmem_shared>>
      %dma_start3A_124 = arith.constant 0 : i32
      %dma_start3A_125 = tpu.memref_slice %arg19[%add3A_22, %dma_start3A_124] : memref<10000x128xf32, #tpu.memory_space<vmem_shared>> -> memref<64x128xf32, #tpu.memory_space<vmem_shared>>
      tpu.enqueue_dma source(%arg13 : memref<64x128xf32, #tpu.memory_space<vmem>>) target(%dma_start3A_125 : memref<64x128xf32, #tpu.memory_space<vmem_shared>>) target_semaphore(%run_scoped3A : memref<!tpu.dma_semaphore, #tpu.memory_space<semaphore_mem>>)
      %dma_wait3A_126 = arith.constant 0 : i32
      %dma_wait3A_127 = tpu.memref_slice %arg19[%add3A_22, %dma_wait3A_126] : memref<10000x128xf32, #tpu.memory_space<vmem_shared>> -> memref<64x128xf32, #tpu.memory_space<vmem_shared>>
      %dma_wait3A_128 = arith.constant 0 : i32
      %dma_wait3A_129 = tpu.memref_slice %arg19[%add3A_22, %dma_wait3A_128] : memref<10000x128xf32, #tpu.memory_space<vmem_shared>> -> memref<64x128xf32, #tpu.memory_space<vmem_shared>>
      tpu.wait_dma2 semaphore(%run_scoped3A : memref<!tpu.dma_semaphore, #tpu.memory_space<semaphore_mem>>) src(%arg13 : memref<64x128xf32, #tpu.memory_space<vmem>>) dst(%dma_wait3A_129 : memref<64x128xf32, #tpu.memory_space<vmem_shared>>)
      tpu.yield
    }) : () -> ()
    %mul3A_23 = arith.constant 624 : i32
    %mul3A_24 = arith.muli %arg1, %mul3A_23 : i32
    %add3A_25 = arith.constant 256 : i32
    %add3A_26 = arith.addi %mul3A_24, %add3A_25 : i32
    "tpu.region"() ({
      %run_scoped3A = tpu.sem_alloc : memref<!tpu.dma_semaphore, #tpu.memory_space<semaphore_mem>>
      %dma_start3A_122 = arith.constant 0 : i32
      %dma_start3A_123 = tpu.memref_slice %arg19[%add3A_26, %dma_start3A_122] : memref<10000x128xf32, #tpu.memory_space<vmem_shared>> -> memref<64x128xf32, #tpu.memory_space<vmem_shared>>
      %dma_start3A_124 = arith.constant 0 : i32
      %dma_start3A_125 = tpu.memref_slice %arg19[%add3A_26, %dma_start3A_124] : memref<10000x128xf32, #tpu.memory_space<vmem_shared>> -> memref<64x128xf32, #tpu.memory_space<vmem_shared>>
      tpu.enqueue_dma source(%arg13 : memref<64x128xf32, #tpu.memory_space<vmem>>) target(%dma_start3A_125 : memref<64x128xf32, #tpu.memory_space<vmem_shared>>) target_semaphore(%run_scoped3A : memref<!tpu.dma_semaphore, #tpu.memory_space<semaphore_mem>>)
      %dma_wait3A_126 = arith.constant 0 : i32
      %dma_wait3A_127 = tpu.memref_slice %arg19[%add3A_26, %dma_wait3A_126] : memref<10000x128xf32, #tpu.memory_space<vmem_shared>> -> memref<64x128xf32, #tpu.memory_space<vmem_shared>>
      %dma_wait3A_128 = arith.constant 0 : i32
      %dma_wait3A_129 = tpu.memref_slice %arg19[%add3A_26, %dma_wait3A_128] : memref<10000x128xf32, #tpu.memory_space<vmem_shared>> -> memref<64x128xf32, #tpu.memory_space<vmem_shared>>
      tpu.wait_dma2 semaphore(%run_scoped3A : memref<!tpu.dma_semaphore, #tpu.memory_space<semaphore_mem>>) src(%arg13 : memref<64x128xf32, #tpu.memory_space<vmem>>) dst(%dma_wait3A_129 : memref<64x128xf32, #tpu.memory_space<vmem_shared>>)
      tpu.yield
    }) : () -> ()
    %mul3A_27 = arith.constant 624 : i32
    %mul3A_28 = arith.muli %arg1, %mul3A_27 : i32
    %add3A_29 = arith.constant 320 : i32
    %add3A_30 = arith.addi %mul3A_28, %add3A_29 : i32
    "tpu.region"() ({
      %run_scoped3A = tpu.sem_alloc : memref<!tpu.dma_semaphore, #tpu.memory_space<semaphore_mem>>
      %dma_start3A_122 = arith.constant 0 : i32
      %dma_start3A_123 = tpu.memref_slice %arg19[%add3A_30, %dma_start3A_122] : memref<10000x128xf32, #tpu.memory_space<vmem_shared>> -> memref<64x128xf32, #tpu.memory_space<vmem_shared>>
      %dma_start3A_124 = arith.constant 0 : i32
      %dma_start3A_125 = tpu.memref_slice %arg19[%add3A_30, %dma_start3A_124] : memref<10000x128xf32, #tpu.memory_space<vmem_shared>> -> memref<64x128xf32, #tpu.memory_space<vmem_shared>>
      tpu.enqueue_dma source(%arg13 : memref<64x128xf32, #tpu.memory_space<vmem>>) target(%dma_start3A_125 : memref<64x128xf32, #tpu.memory_space<vmem_shared>>) target_semaphore(%run_scoped3A : memref<!tpu.dma_semaphore, #tpu.memory_space<semaphore_mem>>)
      %dma_wait3A_126 = arith.constant 0 : i32
      %dma_wait3A_127 = tpu.memref_slice %arg19[%add3A_30, %dma_wait3A_126] : memref<10000x128xf32, #tpu.memory_space<vmem_shared>> -> memref<64x128xf32, #tpu.memory_space<vmem_shared>>
      %dma_wait3A_128 = arith.constant 0 : i32
      %dma_wait3A_129 = tpu.memref_slice %arg19[%add3A_30, %dma_wait3A_128] : memref<10000x128xf32, #tpu.memory_space<vmem_shared>> -> memref<64x128xf32, #tpu.memory_space<vmem_shared>>
      tpu.wait_dma2 semaphore(%run_scoped3A : memref<!tpu.dma_semaphore, #tpu.memory_space<semaphore_mem>>) src(%arg13 : memref<64x128xf32, #tpu.memory_space<vmem>>) dst(%dma_wait3A_129 : memref<64x128xf32, #tpu.memory_space<vmem_shared>>)
      tpu.yield
    }) : () -> ()
    %mul3A_31 = arith.constant 624 : i32
    %mul3A_32 = arith.muli %arg1, %mul3A_31 : i32
    %add3A_33 = arith.constant 384 : i32
    %add3A_34 = arith.addi %mul3A_32, %add3A_33 : i32
    "tpu.region"() ({
      %run_scoped3A = tpu.sem_alloc : memref<!tpu.dma_semaphore, #tpu.memory_space<semaphore_mem>>
      %dma_start3A_122 = arith.constant 0 : i32
      %dma_start3A_123 = tpu.memref_slice %arg19[%add3A_34, %dma_start3A_122] : memref<10000x128xf32, #tpu.memory_space<vmem_shared>> -> memref<64x128xf32, #tpu.memory_space<vmem_shared>>
      %dma_start3A_124 = arith.constant 0 : i32
      %dma_start3A_125 = tpu.memref_slice %arg19[%add3A_34, %dma_start3A_124] : memref<10000x128xf32, #tpu.memory_space<vmem_shared>> -> memref<64x128xf32, #tpu.memory_space<vmem_shared>>
      tpu.enqueue_dma source(%arg13 : memref<64x128xf32, #tpu.memory_space<vmem>>) target(%dma_start3A_125 : memref<64x128xf32, #tpu.memory_space<vmem_shared>>) target_semaphore(%run_scoped3A : memref<!tpu.dma_semaphore, #tpu.memory_space<semaphore_mem>>)
      %dma_wait3A_126 = arith.constant 0 : i32
      %dma_wait3A_127 = tpu.memref_slice %arg19[%add3A_34, %dma_wait3A_126] : memref<10000x128xf32, #tpu.memory_space<vmem_shared>> -> memref<64x128xf32, #tpu.memory_space<vmem_shared>>
      %dma_wait3A_128 = arith.constant 0 : i32
      %dma_wait3A_129 = tpu.memref_slice %arg19[%add3A_34, %dma_wait3A_128] : memref<10000x128xf32, #tpu.memory_space<vmem_shared>> -> memref<64x128xf32, #tpu.memory_space<vmem_shared>>
      tpu.wait_dma2 semaphore(%run_scoped3A : memref<!tpu.dma_semaphore, #tpu.memory_space<semaphore_mem>>) src(%arg13 : memref<64x128xf32, #tpu.memory_space<vmem>>) dst(%dma_wait3A_129 : memref<64x128xf32, #tpu.memory_space<vmem_shared>>)
      tpu.yield
    }) : () -> ()
    %mul3A_35 = arith.constant 624 : i32
    %mul3A_36 = arith.muli %arg1, %mul3A_35 : i32
    %add3A_37 = arith.constant 448 : i32
    %add3A_38 = arith.addi %mul3A_36, %add3A_37 : i32
    "tpu.region"() ({
      %run_scoped3A = tpu.sem_alloc : memref<!tpu.dma_semaphore, #tpu.memory_space<semaphore_mem>>
      %dma_start3A_122 = arith.constant 0 : i32
      %dma_start3A_123 = tpu.memref_slice %arg19[%add3A_38, %dma_start3A_122] : memref<10000x128xf32, #tpu.memory_space<vmem_shared>> -> memref<64x128xf32, #tpu.memory_space<vmem_shared>>
      %dma_start3A_124 = arith.constant 0 : i32
      %dma_start3A_125 = tpu.memref_slice %arg19[%add3A_38, %dma_start3A_124] : memref<10000x128xf32, #tpu.memory_space<vmem_shared>> -> memref<64x128xf32, #tpu.memory_space<vmem_shared>>
      tpu.enqueue_dma source(%arg13 : memref<64x128xf32, #tpu.memory_space<vmem>>) target(%dma_start3A_125 : memref<64x128xf32, #tpu.memory_space<vmem_shared>>) target_semaphore(%run_scoped3A : memref<!tpu.dma_semaphore, #tpu.memory_space<semaphore_mem>>)
      %dma_wait3A_126 = arith.constant 0 : i32
      %dma_wait3A_127 = tpu.memref_slice %arg19[%add3A_38, %dma_wait3A_126] : memref<10000x128xf32, #tpu.memory_space<vmem_shared>> -> memref<64x128xf32, #tpu.memory_space<vmem_shared>>
      %dma_wait3A_128 = arith.constant 0 : i32
      %dma_wait3A_129 = tpu.memref_slice %arg19[%add3A_38, %dma_wait3A_128] : memref<10000x128xf32, #tpu.memory_space<vmem_shared>> -> memref<64x128xf32, #tpu.memory_space<vmem_shared>>
      tpu.wait_dma2 semaphore(%run_scoped3A : memref<!tpu.dma_semaphore, #tpu.memory_space<semaphore_mem>>) src(%arg13 : memref<64x128xf32, #tpu.memory_space<vmem>>) dst(%dma_wait3A_129 : memref<64x128xf32, #tpu.memory_space<vmem_shared>>)
      tpu.yield
    }) : () -> ()
    %mul3A_39 = arith.constant 624 : i32
    %mul3A_40 = arith.muli %arg1, %mul3A_39 : i32
    %add3A_41 = arith.constant 512 : i32
    %add3A_42 = arith.addi %mul3A_40, %add3A_41 : i32
    "tpu.region"() ({
      %run_scoped3A = tpu.sem_alloc : memref<!tpu.dma_semaphore, #tpu.memory_space<semaphore_mem>>
      %dma_start3A_122 = arith.constant 0 : i32
      %dma_start3A_123 = tpu.memref_slice %arg19[%add3A_42, %dma_start3A_122] : memref<10000x128xf32, #tpu.memory_space<vmem_shared>> -> memref<64x128xf32, #tpu.memory_space<vmem_shared>>
      %dma_start3A_124 = arith.constant 0 : i32
      %dma_start3A_125 = tpu.memref_slice %arg19[%add3A_42, %dma_start3A_124] : memref<10000x128xf32, #tpu.memory_space<vmem_shared>> -> memref<64x128xf32, #tpu.memory_space<vmem_shared>>
      tpu.enqueue_dma source(%arg13 : memref<64x128xf32, #tpu.memory_space<vmem>>) target(%dma_start3A_125 : memref<64x128xf32, #tpu.memory_space<vmem_shared>>) target_semaphore(%run_scoped3A : memref<!tpu.dma_semaphore, #tpu.memory_space<semaphore_mem>>)
      %dma_wait3A_126 = arith.constant 0 : i32
      %dma_wait3A_127 = tpu.memref_slice %arg19[%add3A_42, %dma_wait3A_126] : memref<10000x128xf32, #tpu.memory_space<vmem_shared>> -> memref<64x128xf32, #tpu.memory_space<vmem_shared>>
      %dma_wait3A_128 = arith.constant 0 : i32
      %dma_wait3A_129 = tpu.memref_slice %arg19[%add3A_42, %dma_wait3A_128] : memref<10000x128xf32, #tpu.memory_space<vmem_shared>> -> memref<64x128xf32, #tpu.memory_space<vmem_shared>>
      tpu.wait_dma2 semaphore(%run_scoped3A : memref<!tpu.dma_semaphore, #tpu.memory_space<semaphore_mem>>) src(%arg13 : memref<64x128xf32, #tpu.memory_space<vmem>>) dst(%dma_wait3A_129 : memref<64x128xf32, #tpu.memory_space<vmem_shared>>)
      tpu.yield
    }) : () -> ()
    %mul3A_43 = arith.constant 624 : i32
    %mul3A_44 = arith.muli %arg1, %mul3A_43 : i32
    %add3A_45 = arith.constant 576 : i32
    %add3A_46 = arith.addi %mul3A_44, %add3A_45 : i32
    "tpu.region"() ({
      %run_scoped3A = tpu.sem_alloc : memref<!tpu.dma_semaphore, #tpu.memory_space<semaphore_mem>>
      %dma_start3A_122 = arith.constant 0 : i32
      %dma_start3A_123 = arith.constant 0 : i32
      %dma_start3A_124 = tpu.memref_slice %arg13[%dma_start3A_122, %dma_start3A_123] : memref<64x128xf32, #tpu.memory_space<vmem>> -> memref<48x128xf32, #tpu.memory_space<vmem>>
      %dma_start3A_125 = arith.constant 0 : i32
      %dma_start3A_126 = tpu.memref_slice %arg19[%add3A_46, %dma_start3A_125] : memref<10000x128xf32, #tpu.memory_space<vmem_shared>> -> memref<48x128xf32, #tpu.memory_space<vmem_shared>>
      %dma_start3A_127 = arith.constant 0 : i32
      %dma_start3A_128 = tpu.memref_slice %arg19[%add3A_46, %dma_start3A_127] : memref<10000x128xf32, #tpu.memory_space<vmem_shared>> -> memref<48x128xf32, #tpu.memory_space<vmem_shared>>
      %dma_start3A_129 = arith.constant 0 : i32
      %dma_start3A_130 = arith.constant 0 : i32
      %dma_start3A_131 = tpu.memref_slice %arg13[%dma_start3A_129, %dma_start3A_130] : memref<64x128xf32, #tpu.memory_space<vmem>> -> memref<48x128xf32, #tpu.memory_space<vmem>>
      tpu.enqueue_dma source(%dma_start3A_131 : memref<48x128xf32, #tpu.memory_space<vmem>>) target(%dma_start3A_128 : memref<48x128xf32, #tpu.memory_space<vmem_shared>>) target_semaphore(%run_scoped3A : memref<!tpu.dma_semaphore, #tpu.memory_space<semaphore_mem>>)
      %dma_wait3A_132 = arith.constant 0 : i32
      %dma_wait3A_133 = arith.constant 0 : i32
      %dma_wait3A_134 = tpu.memref_slice %arg13[%dma_wait3A_132, %dma_wait3A_133] : memref<64x128xf32, #tpu.memory_space<vmem>> -> memref<48x128xf32, #tpu.memory_space<vmem>>
      %dma_wait3A_135 = arith.constant 0 : i32
      %dma_wait3A_136 = tpu.memref_slice %arg19[%add3A_46, %dma_wait3A_135] : memref<10000x128xf32, #tpu.memory_space<vmem_shared>> -> memref<48x128xf32, #tpu.memory_space<vmem_shared>>
      %dma_wait3A_137 = arith.constant 0 : i32
      %dma_wait3A_138 = tpu.memref_slice %arg19[%add3A_46, %dma_wait3A_137] : memref<10000x128xf32, #tpu.memory_space<vmem_shared>> -> memref<48x128xf32, #tpu.memory_space<vmem_shared>>
      %dma_wait3A_139 = arith.constant 0 : i32
      %dma_wait3A_140 = arith.constant 0 : i32
      %dma_wait3A_141 = tpu.memref_slice %arg13[%dma_wait3A_139, %dma_wait3A_140] : memref<64x128xf32, #tpu.memory_space<vmem>> -> memref<48x128xf32, #tpu.memory_space<vmem>>
      tpu.wait_dma2 semaphore(%run_scoped3A : memref<!tpu.dma_semaphore, #tpu.memory_space<semaphore_mem>>) src(%dma_wait3A_141 : memref<48x128xf32, #tpu.memory_space<vmem>>) dst(%dma_wait3A_138 : memref<48x128xf32, #tpu.memory_space<vmem_shared>>)
      tpu.yield
    }) : () -> ()
    %eq3A = arith.constant 15 : i32
    %eq3A_47 = arith.cmpi eq, %arg1, %eq3A : i32
    %convert_element_type3A = arith.extui %eq3A_47 : i1 to i32
    %cond3A = arith.constant 0 : i32
    %cond3A_48 = arith.cmpi ne, %convert_element_type3A, %cond3A : i32
    scf.if %cond3A_48 {
      "tpu.region"() ({
        %run_scoped3A = tpu.sem_alloc : memref<!tpu.dma_semaphore, #tpu.memory_space<semaphore_mem>>
        %dma_start3A_122 = arith.constant 0 : i32
        %dma_start3A_123 = arith.constant 0 : i32
        %dma_start3A_124 = tpu.memref_slice %arg13[%dma_start3A_122, %dma_start3A_123] : memref<64x128xf32, #tpu.memory_space<vmem>> -> memref<16x128xf32, #tpu.memory_space<vmem>>
        %dma_start3A_125 = arith.constant 9984 : i32
        %dma_start3A_126 = arith.constant 0 : i32
        %dma_start3A_127 = tpu.memref_slice %arg19[%dma_start3A_125, %dma_start3A_126] : memref<10000x128xf32, #tpu.memory_space<vmem_shared>> -> memref<16x128xf32, #tpu.memory_space<vmem_shared>>
        %dma_start3A_128 = arith.constant 9984 : i32
        %dma_start3A_129 = arith.constant 0 : i32
        %dma_start3A_130 = tpu.memref_slice %arg19[%dma_start3A_128, %dma_start3A_129] : memref<10000x128xf32, #tpu.memory_space<vmem_shared>> -> memref<16x128xf32, #tpu.memory_space<vmem_shared>>
        %dma_start3A_131 = arith.constant 0 : i32
        %dma_start3A_132 = arith.constant 0 : i32
        %dma_start3A_133 = tpu.memref_slice %arg13[%dma_start3A_131, %dma_start3A_132] : memref<64x128xf32, #tpu.memory_space<vmem>> -> memref<16x128xf32, #tpu.memory_space<vmem>>
        tpu.enqueue_dma source(%dma_start3A_133 : memref<16x128xf32, #tpu.memory_space<vmem>>) target(%dma_start3A_130 : memref<16x128xf32, #tpu.memory_space<vmem_shared>>) target_semaphore(%run_scoped3A : memref<!tpu.dma_semaphore, #tpu.memory_space<semaphore_mem>>)
        %dma_wait3A_134 = arith.constant 0 : i32
        %dma_wait3A_135 = arith.constant 0 : i32
        %dma_wait3A_136 = tpu.memref_slice %arg13[%dma_wait3A_134, %dma_wait3A_135] : memref<64x128xf32, #tpu.memory_space<vmem>> -> memref<16x128xf32, #tpu.memory_space<vmem>>
        %dma_wait3A_137 = arith.constant 9984 : i32
        %dma_wait3A_138 = arith.constant 0 : i32
        %dma_wait3A_139 = tpu.memref_slice %arg19[%dma_wait3A_137, %dma_wait3A_138] : memref<10000x128xf32, #tpu.memory_space<vmem_shared>> -> memref<16x128xf32, #tpu.memory_space<vmem_shared>>
        %dma_wait3A_140 = arith.constant 9984 : i32
        %dma_wait3A_141 = arith.constant 0 : i32
        %dma_wait3A_142 = tpu.memref_slice %arg19[%dma_wait3A_140, %dma_wait3A_141] : memref<10000x128xf32, #tpu.memory_space<vmem_shared>> -> memref<16x128xf32, #tpu.memory_space<vmem_shared>>
        %dma_wait3A_143 = arith.constant 0 : i32
        %dma_wait3A_144 = arith.constant 0 : i32
        %dma_wait3A_145 = tpu.memref_slice %arg13[%dma_wait3A_143, %dma_wait3A_144] : memref<64x128xf32, #tpu.memory_space<vmem>> -> memref<16x128xf32, #tpu.memory_space<vmem>>
        tpu.wait_dma2 semaphore(%run_scoped3A : memref<!tpu.dma_semaphore, #tpu.memory_space<semaphore_mem>>) src(%dma_wait3A_145 : memref<16x128xf32, #tpu.memory_space<vmem>>) dst(%dma_wait3A_142 : memref<16x128xf32, #tpu.memory_space<vmem_shared>>)
        tpu.yield
      }) : () -> ()
    } else {
    }
    %barrier3A = arith.constant 0 : index
    tpu.barrier barrier_id(%barrier3A)
    %lt3A = arith.constant 8 : i32
    %lt3A_49 = arith.cmpi slt, %add3A, %lt3A : i32
    %jit3A = arith.constant 1 : i32
    %jit3A_50 = arith.constant 0 : i32
    %select_n3A = arith.select %lt3A_49, %jit3A, %jit3A_50 : i32
    %add3A_51 = arith.constant 156 : i32
    %add3A_52 = arith.addi %add3A_51, %select_n3A : i32
    %mul3A_53 = arith.constant 0 : i32
    %mul3A_54 = arith.constant 32 : i32
    %mul3A_55 = arith.muli %mul3A_53, %mul3A_54 : i32
    %add3A_56 = arith.addi %mul3A_55, %add3A : i32
    %mul3A_57 = arith.constant 64 : i32
    %mul3A_58 = arith.muli %add3A_56, %mul3A_57 : i32
    %dma_start3A = tpu.memref_slice %arg4[%mul3A_58] : memref<320000xi32, #tpu.memory_space<hbm>> -> memref<64xi32, #tpu.memory_space<hbm>>
    %dma_start3A_59 = tpu.memref_slice %arg4[%mul3A_58] : memref<320000xi32, #tpu.memory_space<hbm>> -> memref<64xi32, #tpu.memory_space<hbm>>
    tpu.enqueue_dma source(%dma_start3A_59 : memref<64xi32, #tpu.memory_space<hbm>>) target(%arg7 : memref<64xi32, #tpu.memory_space<vmem>>) target_semaphore(%arg20 : memref<!tpu.dma_semaphore, #tpu.memory_space<semaphore_mem>>)
    %dma_start3A_60 = tpu.memref_slice %arg5[%mul3A_58] : memref<320000xi32, #tpu.memory_space<hbm>> -> memref<64xi32, #tpu.memory_space<hbm>>
    %dma_start3A_61 = tpu.memref_slice %arg5[%mul3A_58] : memref<320000xi32, #tpu.memory_space<hbm>> -> memref<64xi32, #tpu.memory_space<hbm>>
    tpu.enqueue_dma source(%dma_start3A_61 : memref<64xi32, #tpu.memory_space<hbm>>) target(%arg10 : memref<64xi32, #tpu.memory_space<vmem>>) target_semaphore(%arg23 : memref<!tpu.dma_semaphore, #tpu.memory_space<semaphore_mem>>)
    %dma_start3A_62 = arith.constant 0 : i32
    %dma_start3A_63 = tpu.memref_slice %arg3[%mul3A_58, %dma_start3A_62] : memref<320000x128xf32, #tpu.memory_space<hbm>> -> memref<64x128xf32, #tpu.memory_space<hbm>>
    %dma_start3A_64 = arith.constant 0 : i32
    %dma_start3A_65 = tpu.memref_slice %arg3[%mul3A_58, %dma_start3A_64] : memref<320000x128xf32, #tpu.memory_space<hbm>> -> memref<64x128xf32, #tpu.memory_space<hbm>>
    tpu.enqueue_dma source(%dma_start3A_65 : memref<64x128xf32, #tpu.memory_space<hbm>>) target(%arg16 : memref<64x128xf32, #tpu.memory_space<vmem>>) target_semaphore(%arg29 : memref<!tpu.dma_semaphore, #tpu.memory_space<semaphore_mem>>)
    %mul3A_66 = arith.constant 1 : i32
    %mul3A_67 = arith.constant 32 : i32
    %mul3A_68 = arith.muli %mul3A_66, %mul3A_67 : i32
    %add3A_69 = arith.addi %mul3A_68, %add3A : i32
    %mul3A_70 = arith.constant 64 : i32
    %mul3A_71 = arith.muli %add3A_69, %mul3A_70 : i32
    %dma_start3A_72 = tpu.memref_slice %arg4[%mul3A_71] : memref<320000xi32, #tpu.memory_space<hbm>> -> memref<64xi32, #tpu.memory_space<hbm>>
    %dma_start3A_73 = tpu.memref_slice %arg4[%mul3A_71] : memref<320000xi32, #tpu.memory_space<hbm>> -> memref<64xi32, #tpu.memory_space<hbm>>
    tpu.enqueue_dma source(%dma_start3A_73 : memref<64xi32, #tpu.memory_space<hbm>>) target(%arg8 : memref<64xi32, #tpu.memory_space<vmem>>) target_semaphore(%arg21 : memref<!tpu.dma_semaphore, #tpu.memory_space<semaphore_mem>>)
    %dma_start3A_74 = tpu.memref_slice %arg5[%mul3A_71] : memref<320000xi32, #tpu.memory_space<hbm>> -> memref<64xi32, #tpu.memory_space<hbm>>
    %dma_start3A_75 = tpu.memref_slice %arg5[%mul3A_71] : memref<320000xi32, #tpu.memory_space<hbm>> -> memref<64xi32, #tpu.memory_space<hbm>>
    tpu.enqueue_dma source(%dma_start3A_75 : memref<64xi32, #tpu.memory_space<hbm>>) target(%arg11 : memref<64xi32, #tpu.memory_space<vmem>>) target_semaphore(%arg24 : memref<!tpu.dma_semaphore, #tpu.memory_space<semaphore_mem>>)
    %dma_start3A_76 = arith.constant 0 : i32
    %dma_start3A_77 = tpu.memref_slice %arg3[%mul3A_71, %dma_start3A_76] : memref<320000x128xf32, #tpu.memory_space<hbm>> -> memref<64x128xf32, #tpu.memory_space<hbm>>
    %dma_start3A_78 = arith.constant 0 : i32
    %dma_start3A_79 = tpu.memref_slice %arg3[%mul3A_71, %dma_start3A_78] : memref<320000x128xf32, #tpu.memory_space<hbm>> -> memref<64x128xf32, #tpu.memory_space<hbm>>
    tpu.enqueue_dma source(%dma_start3A_79 : memref<64x128xf32, #tpu.memory_space<hbm>>) target(%arg17 : memref<64x128xf32, #tpu.memory_space<vmem>>) target_semaphore(%arg30 : memref<!tpu.dma_semaphore, #tpu.memory_space<semaphore_mem>>)
    %dma_wait3A = arith.constant 0 : i32
    %dma_wait3A_80 = tpu.memref_slice %arg4[%dma_wait3A] : memref<320000xi32, #tpu.memory_space<hbm>> -> memref<64xi32, #tpu.memory_space<hbm>>
    %dma_wait3A_81 = arith.constant 0 : i32
    %dma_wait3A_82 = tpu.memref_slice %arg4[%dma_wait3A_81] : memref<320000xi32, #tpu.memory_space<hbm>> -> memref<64xi32, #tpu.memory_space<hbm>>
    tpu.wait_dma2 semaphore(%arg20 : memref<!tpu.dma_semaphore, #tpu.memory_space<semaphore_mem>>) src(%dma_wait3A_82 : memref<64xi32, #tpu.memory_space<hbm>>) dst(%arg7 : memref<64xi32, #tpu.memory_space<vmem>>)
    %dma_start3A_83 = arith.constant 0 : i32
    %dma_start3A_84 = arith.constant 0 : i32
    %dma_start3A_85 = tpu.memref_slice %arg2[%dma_start3A_83, %dma_start3A_84] : memref<10000x128xf32, #tpu.memory_space<hbm>> -> memref<10000x128xf32, #tpu.memory_space<hbm>>
    tpu.enqueue_indirect_dma source(%dma_start3A_85 : memref<10000x128xf32, #tpu.memory_space<hbm>>) target(%arg13 : memref<64x128xf32, #tpu.memory_space<vmem>>) offsets(%arg7 : memref<64xi32, #tpu.memory_space<vmem>>) semaphore(%arg26 : memref<!tpu.dma_semaphore, #tpu.memory_space<semaphore_mem>>)
    %scan3A_86 = arith.constant 0 : i32
    %scan3A_87 = arith.constant 0 : i32
    %scan3A_88 = arith.constant 53 : i32
    %scan3A_89 = arith.addi %scan3A_87, %scan3A_88 : i32
    %scan3A_90 = arith.constant 1 : i32
    %scan3A_91 = scf.for %scan3A_122 = %scan3A_87 to %scan3A_89 step %scan3A_90 iter_args(%scan3A_123 = %scan3A_86) -> (i32)  : i32 {
      %mul3A_124 = arith.constant 3 : i32
      %mul3A_125 = arith.muli %scan3A_122, %mul3A_124 : i32
      %add3A_126 = arith.constant 0 : i32
      %add3A_127 = arith.addi %mul3A_125, %add3A_126 : i32
      %add3A_128 = arith.constant 2 : i32
      %add3A_129 = arith.addi %add3A_127, %add3A_128 : i32
      %ge3A = arith.constant 1 : i32
      %ge3A_130 = arith.cmpi sge, %add3A_127, %ge3A : i32
      %lt3A_131 = arith.cmpi slt, %add3A_129, %add3A_52 : i32
      %and3A = arith.andi %ge3A_130, %lt3A_131 : i1
      %convert_element_type3A_132 = arith.extui %and3A : i1 to i32
      %cond3A_133 = arith.constant 0 : i32
      %cond3A_134 = arith.cmpi ne, %convert_element_type3A_132, %cond3A_133 : i32
      scf.if %cond3A_134 {
        %dma_wait3A_213 = arith.constant 0 : i32
        %dma_wait3A_214 = arith.constant 0 : i32
        %dma_wait3A_215 = tpu.memref_slice %arg19[%dma_wait3A_213, %dma_wait3A_214] : memref<10000x128xf32, #tpu.memory_space<vmem_shared>> -> memref<64x128xf32, #tpu.memory_space<vmem_shared>>
        %dma_wait3A_216 = arith.constant 0 : i32
        %dma_wait3A_217 = arith.constant 0 : i32
        %dma_wait3A_218 = tpu.memref_slice %arg19[%dma_wait3A_216, %dma_wait3A_217] : memref<10000x128xf32, #tpu.memory_space<vmem_shared>> -> memref<64x128xf32, #tpu.memory_space<vmem_shared>>
        tpu.wait_dma2 semaphore(%arg34 : memref<!tpu.dma_semaphore, #tpu.memory_space<semaphore_mem>>) src(%arg18 : memref<64x128xf32, #tpu.memory_space<vmem>>) dst(%dma_wait3A_218 : memref<64x128xf32, #tpu.memory_space<vmem_shared>>)
        %mul3A_219 = arith.constant 32 : i32
        %mul3A_220 = arith.muli %add3A_129, %mul3A_219 : i32
        %add3A_221 = arith.addi %mul3A_220, %add3A : i32
        %mul3A_222 = arith.constant 64 : i32
        %mul3A_223 = arith.muli %add3A_221, %mul3A_222 : i32
        %dma_start3A_224 = tpu.memref_slice %arg4[%mul3A_223] : memref<320000xi32, #tpu.memory_space<hbm>> -> memref<64xi32, #tpu.memory_space<hbm>>
        %dma_start3A_225 = tpu.memref_slice %arg4[%mul3A_223] : memref<320000xi32, #tpu.memory_space<hbm>> -> memref<64xi32, #tpu.memory_space<hbm>>
        tpu.enqueue_dma source(%dma_start3A_225 : memref<64xi32, #tpu.memory_space<hbm>>) target(%arg9 : memref<64xi32, #tpu.memory_space<vmem>>) target_semaphore(%arg22 : memref<!tpu.dma_semaphore, #tpu.memory_space<semaphore_mem>>)
        %dma_start3A_226 = tpu.memref_slice %arg5[%mul3A_223] : memref<320000xi32, #tpu.memory_space<hbm>> -> memref<64xi32, #tpu.memory_space<hbm>>
        %dma_start3A_227 = tpu.memref_slice %arg5[%mul3A_223] : memref<320000xi32, #tpu.memory_space<hbm>> -> memref<64xi32, #tpu.memory_space<hbm>>
        tpu.enqueue_dma source(%dma_start3A_227 : memref<64xi32, #tpu.memory_space<hbm>>) target(%arg12 : memref<64xi32, #tpu.memory_space<vmem>>) target_semaphore(%arg25 : memref<!tpu.dma_semaphore, #tpu.memory_space<semaphore_mem>>)
        %dma_start3A_228 = arith.constant 0 : i32
        %dma_start3A_229 = tpu.memref_slice %arg3[%mul3A_223, %dma_start3A_228] : memref<320000x128xf32, #tpu.memory_space<hbm>> -> memref<64x128xf32, #tpu.memory_space<hbm>>
        %dma_start3A_230 = arith.constant 0 : i32
        %dma_start3A_231 = tpu.memref_slice %arg3[%mul3A_223, %dma_start3A_230] : memref<320000x128xf32, #tpu.memory_space<hbm>> -> memref<64x128xf32, #tpu.memory_space<hbm>>
        tpu.enqueue_dma source(%dma_start3A_231 : memref<64x128xf32, #tpu.memory_space<hbm>>) target(%arg18 : memref<64x128xf32, #tpu.memory_space<vmem>>) target_semaphore(%arg31 : memref<!tpu.dma_semaphore, #tpu.memory_space<semaphore_mem>>)
      } else {
      }
      %eq3A_135 = arith.constant 0 : i32
      %eq3A_136 = arith.cmpi eq, %add3A_127, %eq3A_135 : i32
      %lt3A_137 = arith.cmpi slt, %add3A_129, %add3A_52 : i32
      %and3A_138 = arith.andi %eq3A_136, %lt3A_137 : i1
      %convert_element_type3A_139 = arith.extui %and3A_138 : i1 to i32
      %cond3A_140 = arith.constant 0 : i32
      %cond3A_141 = arith.cmpi ne, %convert_element_type3A_139, %cond3A_140 : i32
      scf.if %cond3A_141 {
        %mul3A_213 = arith.constant 32 : i32
        %mul3A_214 = arith.muli %add3A_129, %mul3A_213 : i32
        %add3A_215 = arith.addi %mul3A_214, %add3A : i32
        %mul3A_216 = arith.constant 64 : i32
        %mul3A_217 = arith.muli %add3A_215, %mul3A_216 : i32
        %dma_start3A_218 = tpu.memref_slice %arg4[%mul3A_217] : memref<320000xi32, #tpu.memory_space<hbm>> -> memref<64xi32, #tpu.memory_space<hbm>>
        %dma_start3A_219 = tpu.memref_slice %arg4[%mul3A_217] : memref<320000xi32, #tpu.memory_space<hbm>> -> memref<64xi32, #tpu.memory_space<hbm>>
        tpu.enqueue_dma source(%dma_start3A_219 : memref<64xi32, #tpu.memory_space<hbm>>) target(%arg9 : memref<64xi32, #tpu.memory_space<vmem>>) target_semaphore(%arg22 : memref<!tpu.dma_semaphore, #tpu.memory_space<semaphore_mem>>)
        %dma_start3A_220 = tpu.memref_slice %arg5[%mul3A_217] : memref<320000xi32, #tpu.memory_space<hbm>> -> memref<64xi32, #tpu.memory_space<hbm>>
        %dma_start3A_221 = tpu.memref_slice %arg5[%mul3A_217] : memref<320000xi32, #tpu.memory_space<hbm>> -> memref<64xi32, #tpu.memory_space<hbm>>
        tpu.enqueue_dma source(%dma_start3A_221 : memref<64xi32, #tpu.memory_space<hbm>>) target(%arg12 : memref<64xi32, #tpu.memory_space<vmem>>) target_semaphore(%arg25 : memref<!tpu.dma_semaphore, #tpu.memory_space<semaphore_mem>>)
        %dma_start3A_222 = arith.constant 0 : i32
        %dma_start3A_223 = tpu.memref_slice %arg3[%mul3A_217, %dma_start3A_222] : memref<320000x128xf32, #tpu.memory_space<hbm>> -> memref<64x128xf32, #tpu.memory_space<hbm>>
        %dma_start3A_224 = arith.constant 0 : i32
        %dma_start3A_225 = tpu.memref_slice %arg3[%mul3A_217, %dma_start3A_224] : memref<320000x128xf32, #tpu.memory_space<hbm>> -> memref<64x128xf32, #tpu.memory_space<hbm>>
        tpu.enqueue_dma source(%dma_start3A_225 : memref<64x128xf32, #tpu.memory_space<hbm>>) target(%arg18 : memref<64x128xf32, #tpu.memory_space<vmem>>) target_semaphore(%arg31 : memref<!tpu.dma_semaphore, #tpu.memory_space<semaphore_mem>>)
      } else {
      }
      %add3A_142 = arith.constant 1 : i32
      %add3A_143 = arith.addi %add3A_127, %add3A_142 : i32
      %lt3A_144 = arith.cmpi slt, %add3A_143, %add3A_52 : i32
      %convert_element_type3A_145 = arith.extui %lt3A_144 : i1 to i32
      %cond3A_146 = arith.constant 0 : i32
      %cond3A_147 = arith.cmpi ne, %convert_element_type3A_145, %cond3A_146 : i32
      scf.if %cond3A_147 {
        %dma_wait3A_213 = arith.constant 0 : i32
        %dma_wait3A_214 = tpu.memref_slice %arg4[%dma_wait3A_213] : memref<320000xi32, #tpu.memory_space<hbm>> -> memref<64xi32, #tpu.memory_space<hbm>>
        %dma_wait3A_215 = arith.constant 0 : i32
        %dma_wait3A_216 = tpu.memref_slice %arg4[%dma_wait3A_215] : memref<320000xi32, #tpu.memory_space<hbm>> -> memref<64xi32, #tpu.memory_space<hbm>>
        tpu.wait_dma2 semaphore(%arg21 : memref<!tpu.dma_semaphore, #tpu.memory_space<semaphore_mem>>) src(%dma_wait3A_216 : memref<64xi32, #tpu.memory_space<hbm>>) dst(%arg8 : memref<64xi32, #tpu.memory_space<vmem>>)
        %dma_start3A_217 = arith.constant 0 : i32
        %dma_start3A_218 = arith.constant 0 : i32
        %dma_start3A_219 = tpu.memref_slice %arg2[%dma_start3A_217, %dma_start3A_218] : memref<10000x128xf32, #tpu.memory_space<hbm>> -> memref<10000x128xf32, #tpu.memory_space<hbm>>
        tpu.enqueue_indirect_dma source(%dma_start3A_219 : memref<10000x128xf32, #tpu.memory_space<hbm>>) target(%arg14 : memref<64x128xf32, #tpu.memory_space<vmem>>) offsets(%arg8 : memref<64xi32, #tpu.memory_space<vmem>>) semaphore(%arg27 : memref<!tpu.dma_semaphore, #tpu.memory_space<semaphore_mem>>)
      } else {
      }
      %lt3A_148 = arith.cmpi slt, %add3A_127, %add3A_52 : i32
      %convert_element_type3A_149 = arith.extui %lt3A_148 : i1 to i32
      %cond3A_150 = arith.constant 0 : i32
      %cond3A_151 = arith.cmpi ne, %convert_element_type3A_149, %cond3A_150 : i32
      scf.if %cond3A_151 {
        %dma_wait3A_213 = arith.constant 0 : i32
        %dma_wait3A_214 = arith.constant 0 : i32
        %dma_wait3A_215 = tpu.memref_slice %arg2[%dma_wait3A_213, %dma_wait3A_214] : memref<10000x128xf32, #tpu.memory_space<hbm>> -> memref<64x128xf32, #tpu.memory_space<hbm>>
        %dma_wait3A_216 = arith.constant 0 : i32
        %dma_wait3A_217 = arith.constant 0 : i32
        %dma_wait3A_218 = tpu.memref_slice %arg2[%dma_wait3A_216, %dma_wait3A_217] : memref<10000x128xf32, #tpu.memory_space<hbm>> -> memref<64x128xf32, #tpu.memory_space<hbm>>
        tpu.wait_dma2 semaphore(%arg26 : memref<!tpu.dma_semaphore, #tpu.memory_space<semaphore_mem>>) src(%dma_wait3A_218 : memref<64x128xf32, #tpu.memory_space<hbm>>) dst(%arg13 : memref<64x128xf32, #tpu.memory_space<vmem>>)
        %dma_wait3A_219 = arith.constant 0 : i32
        %dma_wait3A_220 = arith.constant 0 : i32
        %dma_wait3A_221 = tpu.memref_slice %arg3[%dma_wait3A_219, %dma_wait3A_220] : memref<320000x128xf32, #tpu.memory_space<hbm>> -> memref<64x128xf32, #tpu.memory_space<hbm>>
        %dma_wait3A_222 = arith.constant 0 : i32
        %dma_wait3A_223 = arith.constant 0 : i32
        %dma_wait3A_224 = tpu.memref_slice %arg3[%dma_wait3A_222, %dma_wait3A_223] : memref<320000x128xf32, #tpu.memory_space<hbm>> -> memref<64x128xf32, #tpu.memory_space<hbm>>
        tpu.wait_dma2 semaphore(%arg29 : memref<!tpu.dma_semaphore, #tpu.memory_space<semaphore_mem>>) src(%dma_wait3A_224 : memref<64x128xf32, #tpu.memory_space<hbm>>) dst(%arg16 : memref<64x128xf32, #tpu.memory_space<vmem>>)
        %parallel_loop3A = arith.constant 0 : i32
        %parallel_loop3A_225 = arith.constant 64 : i32
        %parallel_loop3A_226 = arith.constant 1 : i32
        scf.for %parallel_loop3A_234 = %parallel_loop3A to %parallel_loop3A_225 step %parallel_loop3A_226  : i32 {
          %parallel_loop3A_235 = arith.index_cast %parallel_loop3A_234 : i32 to index
          %parallel_loop3A_236 = arith.constant 0 : index
          %parallel_loop3A_237 = tpu.vector_load %arg16[%parallel_loop3A_235, %parallel_loop3A_236] {strides = array<i32>} : memref<64x128xf32, #tpu.memory_space<vmem>>, vector<1x16xf32>,
          %parallel_loop3A_238 = vector.shape_cast %parallel_loop3A_237 : vector<1x16xf32> to vector<16xf32>
          %parallel_loop3A_239 = arith.index_cast %parallel_loop3A_234 : i32 to index
          %parallel_loop3A_240 = arith.constant 0 : index
          %parallel_loop3A_241 = tpu.vector_load %arg13[%parallel_loop3A_239, %parallel_loop3A_240] {strides = array<i32>} : memref<64x128xf32, #tpu.memory_space<vmem>>, vector<1x16xf32>,
          %parallel_loop3A_242 = vector.shape_cast %parallel_loop3A_241 : vector<1x16xf32> to vector<16xf32>
          %parallel_loop3A_243 = arith.addf %parallel_loop3A_238, %parallel_loop3A_242 : vector<16xf32>
          %parallel_loop3A_244 = arith.constant 0.000000e+00 : f32
          %parallel_loop3A_245 = vector.broadcast %parallel_loop3A_244 : f32 to vector<16xf32>
          %parallel_loop3A_246 = arith.maximumf %parallel_loop3A_243, %parallel_loop3A_245 : vector<16xf32>
          %parallel_loop3A_247 = arith.index_cast %parallel_loop3A_234 : i32 to index
          %parallel_loop3A_248 = arith.constant 0 : index
          %parallel_loop3A_249 = tpu.vector_load %arg16[%parallel_loop3A_247, %parallel_loop3A_248] {strides = array<i32>} : memref<64x128xf32, #tpu.memory_space<vmem>>, vector<1x16xf32>,
          %parallel_loop3A_250 = vector.shape_cast %parallel_loop3A_249 : vector<1x16xf32> to vector<16xf32>
          %parallel_loop3A_251 = vector.shape_cast %parallel_loop3A_246 : vector<16xf32> to vector<1x16xf32>
          tpu.vector_store %arg16[%parallel_loop3A_247, %parallel_loop3A_248], %parallel_loop3A_251 {strides = array<i32>} : memref<64x128xf32, #tpu.memory_space<vmem>>, vector<1x16xf32>,
          %parallel_loop3A_252 = arith.index_cast %parallel_loop3A_234 : i32 to index
          %parallel_loop3A_253 = arith.constant 16 : index
          %parallel_loop3A_254 = tpu.vector_load %arg16[%parallel_loop3A_252, %parallel_loop3A_253] {strides = array<i32>} : memref<64x128xf32, #tpu.memory_space<vmem>>, vector<1x16xf32>,
          %parallel_loop3A_255 = vector.shape_cast %parallel_loop3A_254 : vector<1x16xf32> to vector<16xf32>
          %parallel_loop3A_256 = arith.index_cast %parallel_loop3A_234 : i32 to index
          %parallel_loop3A_257 = arith.constant 16 : index
          %parallel_loop3A_258 = tpu.vector_load %arg13[%parallel_loop3A_256, %parallel_loop3A_257] {strides = array<i32>} : memref<64x128xf32, #tpu.memory_space<vmem>>, vector<1x16xf32>,
          %parallel_loop3A_259 = vector.shape_cast %parallel_loop3A_258 : vector<1x16xf32> to vector<16xf32>
          %parallel_loop3A_260 = arith.addf %parallel_loop3A_255, %parallel_loop3A_259 : vector<16xf32>
          %parallel_loop3A_261 = arith.constant 0.000000e+00 : f32
          %parallel_loop3A_262 = vector.broadcast %parallel_loop3A_261 : f32 to vector<16xf32>
          %parallel_loop3A_263 = arith.maximumf %parallel_loop3A_260, %parallel_loop3A_262 : vector<16xf32>
          %parallel_loop3A_264 = arith.index_cast %parallel_loop3A_234 : i32 to index
          %parallel_loop3A_265 = arith.constant 16 : index
          %parallel_loop3A_266 = tpu.vector_load %arg16[%parallel_loop3A_264, %parallel_loop3A_265] {strides = array<i32>} : memref<64x128xf32, #tpu.memory_space<vmem>>, vector<1x16xf32>,
          %parallel_loop3A_267 = vector.shape_cast %parallel_loop3A_266 : vector<1x16xf32> to vector<16xf32>
          %parallel_loop3A_268 = vector.shape_cast %parallel_loop3A_263 : vector<16xf32> to vector<1x16xf32>
          tpu.vector_store %arg16[%parallel_loop3A_264, %parallel_loop3A_265], %parallel_loop3A_268 {strides = array<i32>} : memref<64x128xf32, #tpu.memory_space<vmem>>, vector<1x16xf32>,
          %parallel_loop3A_269 = arith.index_cast %parallel_loop3A_234 : i32 to index
          %parallel_loop3A_270 = arith.constant 32 : index
          %parallel_loop3A_271 = tpu.vector_load %arg16[%parallel_loop3A_269, %parallel_loop3A_270] {strides = array<i32>} : memref<64x128xf32, #tpu.memory_space<vmem>>, vector<1x16xf32>,
          %parallel_loop3A_272 = vector.shape_cast %parallel_loop3A_271 : vector<1x16xf32> to vector<16xf32>
          %parallel_loop3A_273 = arith.index_cast %parallel_loop3A_234 : i32 to index
          %parallel_loop3A_274 = arith.constant 32 : index
          %parallel_loop3A_275 = tpu.vector_load %arg13[%parallel_loop3A_273, %parallel_loop3A_274] {strides = array<i32>} : memref<64x128xf32, #tpu.memory_space<vmem>>, vector<1x16xf32>,
          %parallel_loop3A_276 = vector.shape_cast %parallel_loop3A_275 : vector<1x16xf32> to vector<16xf32>
          %parallel_loop3A_277 = arith.addf %parallel_loop3A_272, %parallel_loop3A_276 : vector<16xf32>
          %parallel_loop3A_278 = arith.constant 0.000000e+00 : f32
          %parallel_loop3A_279 = vector.broadcast %parallel_loop3A_278 : f32 to vector<16xf32>
          %parallel_loop3A_280 = arith.maximumf %parallel_loop3A_277, %parallel_loop3A_279 : vector<16xf32>
          %parallel_loop3A_281 = arith.index_cast %parallel_loop3A_234 : i32 to index
          %parallel_loop3A_282 = arith.constant 32 : index
          %parallel_loop3A_283 = tpu.vector_load %arg16[%parallel_loop3A_281, %parallel_loop3A_282] {strides = array<i32>} : memref<64x128xf32, #tpu.memory_space<vmem>>, vector<1x16xf32>,
          %parallel_loop3A_284 = vector.shape_cast %parallel_loop3A_283 : vector<1x16xf32> to vector<16xf32>
          %parallel_loop3A_285 = vector.shape_cast %parallel_loop3A_280 : vector<16xf32> to vector<1x16xf32>
          tpu.vector_store %arg16[%parallel_loop3A_281, %parallel_loop3A_282], %parallel_loop3A_285 {strides = array<i32>} : memref<64x128xf32, #tpu.memory_space<vmem>>, vector<1x16xf32>,
          %parallel_loop3A_286 = arith.index_cast %parallel_loop3A_234 : i32 to index
          %parallel_loop3A_287 = arith.constant 48 : index
          %parallel_loop3A_288 = tpu.vector_load %arg16[%parallel_loop3A_286, %parallel_loop3A_287] {strides = array<i32>} : memref<64x128xf32, #tpu.memory_space<vmem>>, vector<1x16xf32>,
          %parallel_loop3A_289 = vector.shape_cast %parallel_loop3A_288 : vector<1x16xf32> to vector<16xf32>
          %parallel_loop3A_290 = arith.index_cast %parallel_loop3A_234 : i32 to index
          %parallel_loop3A_291 = arith.constant 48 : index
          %parallel_loop3A_292 = tpu.vector_load %arg13[%parallel_loop3A_290, %parallel_loop3A_291] {strides = array<i32>} : memref<64x128xf32, #tpu.memory_space<vmem>>, vector<1x16xf32>,
          %parallel_loop3A_293 = vector.shape_cast %parallel_loop3A_292 : vector<1x16xf32> to vector<16xf32>
          %parallel_loop3A_294 = arith.addf %parallel_loop3A_289, %parallel_loop3A_293 : vector<16xf32>
          %parallel_loop3A_295 = arith.constant 0.000000e+00 : f32
          %parallel_loop3A_296 = vector.broadcast %parallel_loop3A_295 : f32 to vector<16xf32>
          %parallel_loop3A_297 = arith.maximumf %parallel_loop3A_294, %parallel_loop3A_296 : vector<16xf32>
          %parallel_loop3A_298 = arith.index_cast %parallel_loop3A_234 : i32 to index
          %parallel_loop3A_299 = arith.constant 48 : index
          %parallel_loop3A_300 = tpu.vector_load %arg16[%parallel_loop3A_298, %parallel_loop3A_299] {strides = array<i32>} : memref<64x128xf32, #tpu.memory_space<vmem>>, vector<1x16xf32>,
          %parallel_loop3A_301 = vector.shape_cast %parallel_loop3A_300 : vector<1x16xf32> to vector<16xf32>
          %parallel_loop3A_302 = vector.shape_cast %parallel_loop3A_297 : vector<16xf32> to vector<1x16xf32>
          tpu.vector_store %arg16[%parallel_loop3A_298, %parallel_loop3A_299], %parallel_loop3A_302 {strides = array<i32>} : memref<64x128xf32, #tpu.memory_space<vmem>>, vector<1x16xf32>,
          %parallel_loop3A_303 = arith.index_cast %parallel_loop3A_234 : i32 to index
          %parallel_loop3A_304 = arith.constant 64 : index
          %parallel_loop3A_305 = tpu.vector_load %arg16[%parallel_loop3A_303, %parallel_loop3A_304] {strides = array<i32>} : memref<64x128xf32, #tpu.memory_space<vmem>>, vector<1x16xf32>,
          %parallel_loop3A_306 = vector.shape_cast %parallel_loop3A_305 : vector<1x16xf32> to vector<16xf32>
          %parallel_loop3A_307 = arith.index_cast %parallel_loop3A_234 : i32 to index
          %parallel_loop3A_308 = arith.constant 64 : index
          %parallel_loop3A_309 = tpu.vector_load %arg13[%parallel_loop3A_307, %parallel_loop3A_308] {strides = array<i32>} : memref<64x128xf32, #tpu.memory_space<vmem>>, vector<1x16xf32>,
          %parallel_loop3A_310 = vector.shape_cast %parallel_loop3A_309 : vector<1x16xf32> to vector<16xf32>
          %parallel_loop3A_311 = arith.addf %parallel_loop3A_306, %parallel_loop3A_310 : vector<16xf32>
          %parallel_loop3A_312 = arith.constant 0.000000e+00 : f32
          %parallel_loop3A_313 = vector.broadcast %parallel_loop3A_312 : f32 to vector<16xf32>
          %parallel_loop3A_314 = arith.maximumf %parallel_loop3A_311, %parallel_loop3A_313 : vector<16xf32>
          %parallel_loop3A_315 = arith.index_cast %parallel_loop3A_234 : i32 to index
          %parallel_loop3A_316 = arith.constant 64 : index
          %parallel_loop3A_317 = tpu.vector_load %arg16[%parallel_loop3A_315, %parallel_loop3A_316] {strides = array<i32>} : memref<64x128xf32, #tpu.memory_space<vmem>>, vector<1x16xf32>,
          %parallel_loop3A_318 = vector.shape_cast %parallel_loop3A_317 : vector<1x16xf32> to vector<16xf32>
          %parallel_loop3A_319 = vector.shape_cast %parallel_loop3A_314 : vector<16xf32> to vector<1x16xf32>
          tpu.vector_store %arg16[%parallel_loop3A_315, %parallel_loop3A_316], %parallel_loop3A_319 {strides = array<i32>} : memref<64x128xf32, #tpu.memory_space<vmem>>, vector<1x16xf32>,
          %parallel_loop3A_320 = arith.index_cast %parallel_loop3A_234 : i32 to index
          %parallel_loop3A_321 = arith.constant 80 : index
          %parallel_loop3A_322 = tpu.vector_load %arg16[%parallel_loop3A_320, %parallel_loop3A_321] {strides = array<i32>} : memref<64x128xf32, #tpu.memory_space<vmem>>, vector<1x16xf32>,
          %parallel_loop3A_323 = vector.shape_cast %parallel_loop3A_322 : vector<1x16xf32> to vector<16xf32>
          %parallel_loop3A_324 = arith.index_cast %parallel_loop3A_234 : i32 to index
          %parallel_loop3A_325 = arith.constant 80 : index
          %parallel_loop3A_326 = tpu.vector_load %arg13[%parallel_loop3A_324, %parallel_loop3A_325] {strides = array<i32>} : memref<64x128xf32, #tpu.memory_space<vmem>>, vector<1x16xf32>,
          %parallel_loop3A_327 = vector.shape_cast %parallel_loop3A_326 : vector<1x16xf32> to vector<16xf32>
          %parallel_loop3A_328 = arith.addf %parallel_loop3A_323, %parallel_loop3A_327 : vector<16xf32>
          %parallel_loop3A_329 = arith.constant 0.000000e+00 : f32
          %parallel_loop3A_330 = vector.broadcast %parallel_loop3A_329 : f32 to vector<16xf32>
          %parallel_loop3A_331 = arith.maximumf %parallel_loop3A_328, %parallel_loop3A_330 : vector<16xf32>
          %parallel_loop3A_332 = arith.index_cast %parallel_loop3A_234 : i32 to index
          %parallel_loop3A_333 = arith.constant 80 : index
          %parallel_loop3A_334 = tpu.vector_load %arg16[%parallel_loop3A_332, %parallel_loop3A_333] {strides = array<i32>} : memref<64x128xf32, #tpu.memory_space<vmem>>, vector<1x16xf32>,
          %parallel_loop3A_335 = vector.shape_cast %parallel_loop3A_334 : vector<1x16xf32> to vector<16xf32>
          %parallel_loop3A_336 = vector.shape_cast %parallel_loop3A_331 : vector<16xf32> to vector<1x16xf32>
          tpu.vector_store %arg16[%parallel_loop3A_332, %parallel_loop3A_333], %parallel_loop3A_336 {strides = array<i32>} : memref<64x128xf32, #tpu.memory_space<vmem>>, vector<1x16xf32>,
          %parallel_loop3A_337 = arith.index_cast %parallel_loop3A_234 : i32 to index
          %parallel_loop3A_338 = arith.constant 96 : index
          %parallel_loop3A_339 = tpu.vector_load %arg16[%parallel_loop3A_337, %parallel_loop3A_338] {strides = array<i32>} : memref<64x128xf32, #tpu.memory_space<vmem>>, vector<1x16xf32>,
          %parallel_loop3A_340 = vector.shape_cast %parallel_loop3A_339 : vector<1x16xf32> to vector<16xf32>
          %parallel_loop3A_341 = arith.index_cast %parallel_loop3A_234 : i32 to index
          %parallel_loop3A_342 = arith.constant 96 : index
          %parallel_loop3A_343 = tpu.vector_load %arg13[%parallel_loop3A_341, %parallel_loop3A_342] {strides = array<i32>} : memref<64x128xf32, #tpu.memory_space<vmem>>, vector<1x16xf32>,
          %parallel_loop3A_344 = vector.shape_cast %parallel_loop3A_343 : vector<1x16xf32> to vector<16xf32>
          %parallel_loop3A_345 = arith.addf %parallel_loop3A_340, %parallel_loop3A_344 : vector<16xf32>
          %parallel_loop3A_346 = arith.constant 0.000000e+00 : f32
          %parallel_loop3A_347 = vector.broadcast %parallel_loop3A_346 : f32 to vector<16xf32>
          %parallel_loop3A_348 = arith.maximumf %parallel_loop3A_345, %parallel_loop3A_347 : vector<16xf32>
          %parallel_loop3A_349 = arith.index_cast %parallel_loop3A_234 : i32 to index
          %parallel_loop3A_350 = arith.constant 96 : index
          %parallel_loop3A_351 = tpu.vector_load %arg16[%parallel_loop3A_349, %parallel_loop3A_350] {strides = array<i32>} : memref<64x128xf32, #tpu.memory_space<vmem>>, vector<1x16xf32>,
          %parallel_loop3A_352 = vector.shape_cast %parallel_loop3A_351 : vector<1x16xf32> to vector<16xf32>
          %parallel_loop3A_353 = vector.shape_cast %parallel_loop3A_348 : vector<16xf32> to vector<1x16xf32>
          tpu.vector_store %arg16[%parallel_loop3A_349, %parallel_loop3A_350], %parallel_loop3A_353 {strides = array<i32>} : memref<64x128xf32, #tpu.memory_space<vmem>>, vector<1x16xf32>,
          %parallel_loop3A_354 = arith.index_cast %parallel_loop3A_234 : i32 to index
          %parallel_loop3A_355 = arith.constant 112 : index
          %parallel_loop3A_356 = tpu.vector_load %arg16[%parallel_loop3A_354, %parallel_loop3A_355] {strides = array<i32>} : memref<64x128xf32, #tpu.memory_space<vmem>>, vector<1x16xf32>,
          %parallel_loop3A_357 = vector.shape_cast %parallel_loop3A_356 : vector<1x16xf32> to vector<16xf32>
          %parallel_loop3A_358 = arith.index_cast %parallel_loop3A_234 : i32 to index
          %parallel_loop3A_359 = arith.constant 112 : index
          %parallel_loop3A_360 = tpu.vector_load %arg13[%parallel_loop3A_358, %parallel_loop3A_359] {strides = array<i32>} : memref<64x128xf32, #tpu.memory_space<vmem>>, vector<1x16xf32>,
          %parallel_loop3A_361 = vector.shape_cast %parallel_loop3A_360 : vector<1x16xf32> to vector<16xf32>
          %parallel_loop3A_362 = arith.addf %parallel_loop3A_357, %parallel_loop3A_361 : vector<16xf32>
          %parallel_loop3A_363 = arith.constant 0.000000e+00 : f32
          %parallel_loop3A_364 = vector.broadcast %parallel_loop3A_363 : f32 to vector<16xf32>
          %parallel_loop3A_365 = arith.maximumf %parallel_loop3A_362, %parallel_loop3A_364 : vector<16xf32>
          %parallel_loop3A_366 = arith.index_cast %parallel_loop3A_234 : i32 to index
          %parallel_loop3A_367 = arith.constant 112 : index
          %parallel_loop3A_368 = tpu.vector_load %arg16[%parallel_loop3A_366, %parallel_loop3A_367] {strides = array<i32>} : memref<64x128xf32, #tpu.memory_space<vmem>>, vector<1x16xf32>,
          %parallel_loop3A_369 = vector.shape_cast %parallel_loop3A_368 : vector<1x16xf32> to vector<16xf32>
          %parallel_loop3A_370 = vector.shape_cast %parallel_loop3A_365 : vector<16xf32> to vector<1x16xf32>
          tpu.vector_store %arg16[%parallel_loop3A_366, %parallel_loop3A_367], %parallel_loop3A_370 {strides = array<i32>} : memref<64x128xf32, #tpu.memory_space<vmem>>, vector<1x16xf32>,
        } {sc.loop_unroll_factor = 1 : i64, sc.parallel_access}
        %dma_wait3A_227 = arith.constant 0 : i32
        %dma_wait3A_228 = tpu.memref_slice %arg5[%dma_wait3A_227] : memref<320000xi32, #tpu.memory_space<hbm>> -> memref<64xi32, #tpu.memory_space<hbm>>
        %dma_wait3A_229 = arith.constant 0 : i32
        %dma_wait3A_230 = tpu.memref_slice %arg5[%dma_wait3A_229] : memref<320000xi32, #tpu.memory_space<hbm>> -> memref<64xi32, #tpu.memory_space<hbm>>
        tpu.wait_dma2 semaphore(%arg23 : memref<!tpu.dma_semaphore, #tpu.memory_space<semaphore_mem>>) src(%dma_wait3A_230 : memref<64xi32, #tpu.memory_space<hbm>>) dst(%arg10 : memref<64xi32, #tpu.memory_space<vmem>>)
        %dma_start3A_231 = arith.constant 0 : i32
        %dma_start3A_232 = arith.constant 0 : i32
        %dma_start3A_233 = tpu.memref_slice %arg19[%dma_start3A_231, %dma_start3A_232] : memref<10000x128xf32, #tpu.memory_space<vmem_shared>> -> memref<10000x128xf32, #tpu.memory_space<vmem_shared>>
        tpu.enqueue_indirect_dma source(%arg16 : memref<64x128xf32, #tpu.memory_space<vmem>>) target(%dma_start3A_233 : memref<10000x128xf32, #tpu.memory_space<vmem_shared>>) offsets(%arg10 : memref<64xi32, #tpu.memory_space<vmem>>) semaphore(%arg32 : memref<!tpu.dma_semaphore, #tpu.memory_space<semaphore_mem>>) {add = true}
      } else {
      }
      %mul3A_152 = arith.constant 3 : i32
      %mul3A_153 = arith.muli %scan3A_122, %mul3A_152 : i32
      %add3A_154 = arith.constant 1 : i32
      %add3A_155 = arith.addi %mul3A_153, %add3A_154 : i32
      %add3A_156 = arith.constant 2 : i32
      %add3A_157 = arith.addi %add3A_155, %add3A_156 : i32
      %ge3A_158 = arith.constant 1 : i32
      %ge3A_159 = arith.cmpi sge, %add3A_155, %ge3A_158 : i32
      %lt3A_160 = arith.cmpi slt, %add3A_157, %add3A_52 : i32
      %and3A_161 = arith.andi %ge3A_159, %lt3A_160 : i1
      %convert_element_type3A_162 = arith.extui %and3A_161 : i1 to i32
      %cond3A_163 = arith.constant 0 : i32
      %cond3A_164 = arith.cmpi ne, %convert_element_type3A_162, %cond3A_163 : i32
      scf.if %cond3A_164 {
        %dma_wait3A_213 = arith.constant 0 : i32
        %dma_wait3A_214 = arith.constant 0 : i32
        %dma_wait3A_215 = tpu.memref_slice %arg19[%dma_wait3A_213, %dma_wait3A_214] : memref<10000x128xf32, #tpu.memory_space<vmem_shared>> -> memref<64x128xf32, #tpu.memory_space<vmem_shared>>
        %dma_wait3A_216 = arith.constant 0 : i32
        %dma_wait3A_217 = arith.constant 0 : i32
        %dma_wait3A_218 = tpu.memref_slice %arg19[%dma_wait3A_216, %dma_wait3A_217] : memref<10000x128xf32, #tpu.memory_space<vmem_shared>> -> memref<64x128xf32, #tpu.memory_space<vmem_shared>>
        tpu.wait_dma2 semaphore(%arg32 : memref<!tpu.dma_semaphore, #tpu.memory_space<semaphore_mem>>) src(%arg16 : memref<64x128xf32, #tpu.memory_space<vmem>>) dst(%dma_wait3A_218 : memref<64x128xf32, #tpu.memory_space<vmem_shared>>)
        %mul3A_219 = arith.constant 32 : i32
        %mul3A_220 = arith.muli %add3A_157, %mul3A_219 : i32
        %add3A_221 = arith.addi %mul3A_220, %add3A : i32
        %mul3A_222 = arith.constant 64 : i32
        %mul3A_223 = arith.muli %add3A_221, %mul3A_222 : i32
        %dma_start3A_224 = tpu.memref_slice %arg4[%mul3A_223] : memref<320000xi32, #tpu.memory_space<hbm>> -> memref<64xi32, #tpu.memory_space<hbm>>
        %dma_start3A_225 = tpu.memref_slice %arg4[%mul3A_223] : memref<320000xi32, #tpu.memory_space<hbm>> -> memref<64xi32, #tpu.memory_space<hbm>>
        tpu.enqueue_dma source(%dma_start3A_225 : memref<64xi32, #tpu.memory_space<hbm>>) target(%arg7 : memref<64xi32, #tpu.memory_space<vmem>>) target_semaphore(%arg20 : memref<!tpu.dma_semaphore, #tpu.memory_space<semaphore_mem>>)
        %dma_start3A_226 = tpu.memref_slice %arg5[%mul3A_223] : memref<320000xi32, #tpu.memory_space<hbm>> -> memref<64xi32, #tpu.memory_space<hbm>>
        %dma_start3A_227 = tpu.memref_slice %arg5[%mul3A_223] : memref<320000xi32, #tpu.memory_space<hbm>> -> memref<64xi32, #tpu.memory_space<hbm>>
        tpu.enqueue_dma source(%dma_start3A_227 : memref<64xi32, #tpu.memory_space<hbm>>) target(%arg10 : memref<64xi32, #tpu.memory_space<vmem>>) target_semaphore(%arg23 : memref<!tpu.dma_semaphore, #tpu.memory_space<semaphore_mem>>)
        %dma_start3A_228 = arith.constant 0 : i32
        %dma_start3A_229 = tpu.memref_slice %arg3[%mul3A_223, %dma_start3A_228] : memref<320000x128xf32, #tpu.memory_space<hbm>> -> memref<64x128xf32, #tpu.memory_space<hbm>>
        %dma_start3A_230 = arith.constant 0 : i32
        %dma_start3A_231 = tpu.memref_slice %arg3[%mul3A_223, %dma_start3A_230] : memref<320000x128xf32, #tpu.memory_space<hbm>> -> memref<64x128xf32, #tpu.memory_space<hbm>>
        tpu.enqueue_dma source(%dma_start3A_231 : memref<64x128xf32, #tpu.memory_space<hbm>>) target(%arg16 : memref<64x128xf32, #tpu.memory_space<vmem>>) target_semaphore(%arg29 : memref<!tpu.dma_semaphore, #tpu.memory_space<semaphore_mem>>)
      } else {
      }
      %eq3A_165 = arith.constant 0 : i32
      %eq3A_166 = arith.cmpi eq, %add3A_155, %eq3A_165 : i32
      %lt3A_167 = arith.cmpi slt, %add3A_157, %add3A_52 : i32
      %and3A_168 = arith.andi %eq3A_166, %lt3A_167 : i1
      %convert_element_type3A_169 = arith.extui %and3A_168 : i1 to i32
      %cond3A_170 = arith.constant 0 : i32
      %cond3A_171 = arith.cmpi ne, %convert_element_type3A_169, %cond3A_170 : i32
      scf.if %cond3A_171 {
        %mul3A_213 = arith.constant 32 : i32
        %mul3A_214 = arith.muli %add3A_157, %mul3A_213 : i32
        %add3A_215 = arith.addi %mul3A_214, %add3A : i32
        %mul3A_216 = arith.constant 64 : i32
        %mul3A_217 = arith.muli %add3A_215, %mul3A_216 : i32
        %dma_start3A_218 = tpu.memref_slice %arg4[%mul3A_217] : memref<320000xi32, #tpu.memory_space<hbm>> -> memref<64xi32, #tpu.memory_space<hbm>>
        %dma_start3A_219 = tpu.memref_slice %arg4[%mul3A_217] : memref<320000xi32, #tpu.memory_space<hbm>> -> memref<64xi32, #tpu.memory_space<hbm>>
        tpu.enqueue_dma source(%dma_start3A_219 : memref<64xi32, #tpu.memory_space<hbm>>) target(%arg7 : memref<64xi32, #tpu.memory_space<vmem>>) target_semaphore(%arg20 : memref<!tpu.dma_semaphore, #tpu.memory_space<semaphore_mem>>)
        %dma_start3A_220 = tpu.memref_slice %arg5[%mul3A_217] : memref<320000xi32, #tpu.memory_space<hbm>> -> memref<64xi32, #tpu.memory_space<hbm>>
        %dma_start3A_221 = tpu.memref_slice %arg5[%mul3A_217] : memref<320000xi32, #tpu.memory_space<hbm>> -> memref<64xi32, #tpu.memory_space<hbm>>
        tpu.enqueue_dma source(%dma_start3A_221 : memref<64xi32, #tpu.memory_space<hbm>>) target(%arg10 : memref<64xi32, #tpu.memory_space<vmem>>) target_semaphore(%arg23 : memref<!tpu.dma_semaphore, #tpu.memory_space<semaphore_mem>>)
        %dma_start3A_222 = arith.constant 0 : i32
        %dma_start3A_223 = tpu.memref_slice %arg3[%mul3A_217, %dma_start3A_222] : memref<320000x128xf32, #tpu.memory_space<hbm>> -> memref<64x128xf32, #tpu.memory_space<hbm>>
        %dma_start3A_224 = arith.constant 0 : i32
        %dma_start3A_225 = tpu.memref_slice %arg3[%mul3A_217, %dma_start3A_224] : memref<320000x128xf32, #tpu.memory_space<hbm>> -> memref<64x128xf32, #tpu.memory_space<hbm>>
        tpu.enqueue_dma source(%dma_start3A_225 : memref<64x128xf32, #tpu.memory_space<hbm>>) target(%arg16 : memref<64x128xf32, #tpu.memory_space<vmem>>) target_semaphore(%arg29 : memref<!tpu.dma_semaphore, #tpu.memory_space<semaphore_mem>>)
      } else {
      }
      %add3A_172 = arith.constant 1 : i32
      %add3A_173 = arith.addi %add3A_155, %add3A_172 : i32
      %lt3A_174 = arith.cmpi slt, %add3A_173, %add3A_52 : i32
      %convert_element_type3A_175 = arith.extui %lt3A_174 : i1 to i32
      %cond3A_176 = arith.constant 0 : i32
      %cond3A_177 = arith.cmpi ne, %convert_element_type3A_175, %cond3A_176 : i32
      scf.if %cond3A_177 {
        %dma_wait3A_213 = arith.constant 0 : i32
        %dma_wait3A_214 = tpu.memref_slice %arg4[%dma_wait3A_213] : memref<320000xi32, #tpu.memory_space<hbm>> -> memref<64xi32, #tpu.memory_space<hbm>>
        %dma_wait3A_215 = arith.constant 0 : i32
        %dma_wait3A_216 = tpu.memref_slice %arg4[%dma_wait3A_215] : memref<320000xi32, #tpu.memory_space<hbm>> -> memref<64xi32, #tpu.memory_space<hbm>>
        tpu.wait_dma2 semaphore(%arg22 : memref<!tpu.dma_semaphore, #tpu.memory_space<semaphore_mem>>) src(%dma_wait3A_216 : memref<64xi32, #tpu.memory_space<hbm>>) dst(%arg9 : memref<64xi32, #tpu.memory_space<vmem>>)
        %dma_start3A_217 = arith.constant 0 : i32
        %dma_start3A_218 = arith.constant 0 : i32
        %dma_start3A_219 = tpu.memref_slice %arg2[%dma_start3A_217, %dma_start3A_218] : memref<10000x128xf32, #tpu.memory_space<hbm>> -> memref<10000x128xf32, #tpu.memory_space<hbm>>
        tpu.enqueue_indirect_dma source(%dma_start3A_219 : memref<10000x128xf32, #tpu.memory_space<hbm>>) target(%arg15 : memref<64x128xf32, #tpu.memory_space<vmem>>) offsets(%arg9 : memref<64xi32, #tpu.memory_space<vmem>>) semaphore(%arg28 : memref<!tpu.dma_semaphore, #tpu.memory_space<semaphore_mem>>)
      } else {
      }
      %lt3A_178 = arith.cmpi slt, %add3A_155, %add3A_52 : i32
      %convert_element_type3A_179 = arith.extui %lt3A_178 : i1 to i32
      %cond3A_180 = arith.constant 0 : i32
      %cond3A_181 = arith.cmpi ne, %convert_element_type3A_179, %cond3A_180 : i32
      scf.if %cond3A_181 {
        %dma_wait3A_213 = arith.constant 0 : i32
        %dma_wait3A_214 = arith.constant 0 : i32
        %dma_wait3A_215 = tpu.memref_slice %arg2[%dma_wait3A_213, %dma_wait3A_214] : memref<10000x128xf32, #tpu.memory_space<hbm>> -> memref<64x128xf32, #tpu.memory_space<hbm>>
        %dma_wait3A_216 = arith.constant 0 : i32
        %dma_wait3A_217 = arith.constant 0 : i32
        %dma_wait3A_218 = tpu.memref_slice %arg2[%dma_wait3A_216, %dma_wait3A_217] : memref<10000x128xf32, #tpu.memory_space<hbm>> -> memref<64x128xf32, #tpu.memory_space<hbm>>
        tpu.wait_dma2 semaphore(%arg27 : memref<!tpu.dma_semaphore, #tpu.memory_space<semaphore_mem>>) src(%dma_wait3A_218 : memref<64x128xf32, #tpu.memory_space<hbm>>) dst(%arg14 : memref<64x128xf32, #tpu.memory_space<vmem>>)
        %dma_wait3A_219 = arith.constant 0 : i32
        %dma_wait3A_220 = arith.constant 0 : i32
        %dma_wait3A_221 = tpu.memref_slice %arg3[%dma_wait3A_219, %dma_wait3A_220] : memref<320000x128xf32, #tpu.memory_space<hbm>> -> memref<64x128xf32, #tpu.memory_space<hbm>>
        %dma_wait3A_222 = arith.constant 0 : i32
        %dma_wait3A_223 = arith.constant 0 : i32
        %dma_wait3A_224 = tpu.memref_slice %arg3[%dma_wait3A_222, %dma_wait3A_223] : memref<320000x128xf32, #tpu.memory_space<hbm>> -> memref<64x128xf32, #tpu.memory_space<hbm>>
        tpu.wait_dma2 semaphore(%arg30 : memref<!tpu.dma_semaphore, #tpu.memory_space<semaphore_mem>>) src(%dma_wait3A_224 : memref<64x128xf32, #tpu.memory_space<hbm>>) dst(%arg17 : memref<64x128xf32, #tpu.memory_space<vmem>>)
        %parallel_loop3A = arith.constant 0 : i32
        %parallel_loop3A_225 = arith.constant 64 : i32
        %parallel_loop3A_226 = arith.constant 1 : i32
        scf.for %parallel_loop3A_234 = %parallel_loop3A to %parallel_loop3A_225 step %parallel_loop3A_226  : i32 {
          %parallel_loop3A_235 = arith.index_cast %parallel_loop3A_234 : i32 to index
          %parallel_loop3A_236 = arith.constant 0 : index
          %parallel_loop3A_237 = tpu.vector_load %arg17[%parallel_loop3A_235, %parallel_loop3A_236] {strides = array<i32>} : memref<64x128xf32, #tpu.memory_space<vmem>>, vector<1x16xf32>,
          %parallel_loop3A_238 = vector.shape_cast %parallel_loop3A_237 : vector<1x16xf32> to vector<16xf32>
          %parallel_loop3A_239 = arith.index_cast %parallel_loop3A_234 : i32 to index
          %parallel_loop3A_240 = arith.constant 0 : index
          %parallel_loop3A_241 = tpu.vector_load %arg14[%parallel_loop3A_239, %parallel_loop3A_240] {strides = array<i32>} : memref<64x128xf32, #tpu.memory_space<vmem>>, vector<1x16xf32>,
          %parallel_loop3A_242 = vector.shape_cast %parallel_loop3A_241 : vector<1x16xf32> to vector<16xf32>
          %parallel_loop3A_243 = arith.addf %parallel_loop3A_238, %parallel_loop3A_242 : vector<16xf32>
          %parallel_loop3A_244 = arith.constant 0.000000e+00 : f32
          %parallel_loop3A_245 = vector.broadcast %parallel_loop3A_244 : f32 to vector<16xf32>
          %parallel_loop3A_246 = arith.maximumf %parallel_loop3A_243, %parallel_loop3A_245 : vector<16xf32>
          %parallel_loop3A_247 = arith.index_cast %parallel_loop3A_234 : i32 to index
          %parallel_loop3A_248 = arith.constant 0 : index
          %parallel_loop3A_249 = tpu.vector_load %arg17[%parallel_loop3A_247, %parallel_loop3A_248] {strides = array<i32>} : memref<64x128xf32, #tpu.memory_space<vmem>>, vector<1x16xf32>,
          %parallel_loop3A_250 = vector.shape_cast %parallel_loop3A_249 : vector<1x16xf32> to vector<16xf32>
          %parallel_loop3A_251 = vector.shape_cast %parallel_loop3A_246 : vector<16xf32> to vector<1x16xf32>
          tpu.vector_store %arg17[%parallel_loop3A_247, %parallel_loop3A_248], %parallel_loop3A_251 {strides = array<i32>} : memref<64x128xf32, #tpu.memory_space<vmem>>, vector<1x16xf32>,
          %parallel_loop3A_252 = arith.index_cast %parallel_loop3A_234 : i32 to index
          %parallel_loop3A_253 = arith.constant 16 : index
          %parallel_loop3A_254 = tpu.vector_load %arg17[%parallel_loop3A_252, %parallel_loop3A_253] {strides = array<i32>} : memref<64x128xf32, #tpu.memory_space<vmem>>, vector<1x16xf32>,
          %parallel_loop3A_255 = vector.shape_cast %parallel_loop3A_254 : vector<1x16xf32> to vector<16xf32>
          %parallel_loop3A_256 = arith.index_cast %parallel_loop3A_234 : i32 to index
          %parallel_loop3A_257 = arith.constant 16 : index
          %parallel_loop3A_258 = tpu.vector_load %arg14[%parallel_loop3A_256, %parallel_loop3A_257] {strides = array<i32>} : memref<64x128xf32, #tpu.memory_space<vmem>>, vector<1x16xf32>,
          %parallel_loop3A_259 = vector.shape_cast %parallel_loop3A_258 : vector<1x16xf32> to vector<16xf32>
          %parallel_loop3A_260 = arith.addf %parallel_loop3A_255, %parallel_loop3A_259 : vector<16xf32>
          %parallel_loop3A_261 = arith.constant 0.000000e+00 : f32
          %parallel_loop3A_262 = vector.broadcast %parallel_loop3A_261 : f32 to vector<16xf32>
          %parallel_loop3A_263 = arith.maximumf %parallel_loop3A_260, %parallel_loop3A_262 : vector<16xf32>
          %parallel_loop3A_264 = arith.index_cast %parallel_loop3A_234 : i32 to index
          %parallel_loop3A_265 = arith.constant 16 : index
          %parallel_loop3A_266 = tpu.vector_load %arg17[%parallel_loop3A_264, %parallel_loop3A_265] {strides = array<i32>} : memref<64x128xf32, #tpu.memory_space<vmem>>, vector<1x16xf32>,
          %parallel_loop3A_267 = vector.shape_cast %parallel_loop3A_266 : vector<1x16xf32> to vector<16xf32>
          %parallel_loop3A_268 = vector.shape_cast %parallel_loop3A_263 : vector<16xf32> to vector<1x16xf32>
          tpu.vector_store %arg17[%parallel_loop3A_264, %parallel_loop3A_265], %parallel_loop3A_268 {strides = array<i32>} : memref<64x128xf32, #tpu.memory_space<vmem>>, vector<1x16xf32>,
          %parallel_loop3A_269 = arith.index_cast %parallel_loop3A_234 : i32 to index
          %parallel_loop3A_270 = arith.constant 32 : index
          %parallel_loop3A_271 = tpu.vector_load %arg17[%parallel_loop3A_269, %parallel_loop3A_270] {strides = array<i32>} : memref<64x128xf32, #tpu.memory_space<vmem>>, vector<1x16xf32>,
          %parallel_loop3A_272 = vector.shape_cast %parallel_loop3A_271 : vector<1x16xf32> to vector<16xf32>
          %parallel_loop3A_273 = arith.index_cast %parallel_loop3A_234 : i32 to index
          %parallel_loop3A_274 = arith.constant 32 : index
          %parallel_loop3A_275 = tpu.vector_load %arg14[%parallel_loop3A_273, %parallel_loop3A_274] {strides = array<i32>} : memref<64x128xf32, #tpu.memory_space<vmem>>, vector<1x16xf32>,
          %parallel_loop3A_276 = vector.shape_cast %parallel_loop3A_275 : vector<1x16xf32> to vector<16xf32>
          %parallel_loop3A_277 = arith.addf %parallel_loop3A_272, %parallel_loop3A_276 : vector<16xf32>
          %parallel_loop3A_278 = arith.constant 0.000000e+00 : f32
          %parallel_loop3A_279 = vector.broadcast %parallel_loop3A_278 : f32 to vector<16xf32>
          %parallel_loop3A_280 = arith.maximumf %parallel_loop3A_277, %parallel_loop3A_279 : vector<16xf32>
          %parallel_loop3A_281 = arith.index_cast %parallel_loop3A_234 : i32 to index
          %parallel_loop3A_282 = arith.constant 32 : index
          %parallel_loop3A_283 = tpu.vector_load %arg17[%parallel_loop3A_281, %parallel_loop3A_282] {strides = array<i32>} : memref<64x128xf32, #tpu.memory_space<vmem>>, vector<1x16xf32>,
          %parallel_loop3A_284 = vector.shape_cast %parallel_loop3A_283 : vector<1x16xf32> to vector<16xf32>
          %parallel_loop3A_285 = vector.shape_cast %parallel_loop3A_280 : vector<16xf32> to vector<1x16xf32>
          tpu.vector_store %arg17[%parallel_loop3A_281, %parallel_loop3A_282], %parallel_loop3A_285 {strides = array<i32>} : memref<64x128xf32, #tpu.memory_space<vmem>>, vector<1x16xf32>,
          %parallel_loop3A_286 = arith.index_cast %parallel_loop3A_234 : i32 to index
          %parallel_loop3A_287 = arith.constant 48 : index
          %parallel_loop3A_288 = tpu.vector_load %arg17[%parallel_loop3A_286, %parallel_loop3A_287] {strides = array<i32>} : memref<64x128xf32, #tpu.memory_space<vmem>>, vector<1x16xf32>,
          %parallel_loop3A_289 = vector.shape_cast %parallel_loop3A_288 : vector<1x16xf32> to vector<16xf32>
          %parallel_loop3A_290 = arith.index_cast %parallel_loop3A_234 : i32 to index
          %parallel_loop3A_291 = arith.constant 48 : index
          %parallel_loop3A_292 = tpu.vector_load %arg14[%parallel_loop3A_290, %parallel_loop3A_291] {strides = array<i32>} : memref<64x128xf32, #tpu.memory_space<vmem>>, vector<1x16xf32>,
          %parallel_loop3A_293 = vector.shape_cast %parallel_loop3A_292 : vector<1x16xf32> to vector<16xf32>
          %parallel_loop3A_294 = arith.addf %parallel_loop3A_289, %parallel_loop3A_293 : vector<16xf32>
          %parallel_loop3A_295 = arith.constant 0.000000e+00 : f32
          %parallel_loop3A_296 = vector.broadcast %parallel_loop3A_295 : f32 to vector<16xf32>
          %parallel_loop3A_297 = arith.maximumf %parallel_loop3A_294, %parallel_loop3A_296 : vector<16xf32>
          %parallel_loop3A_298 = arith.index_cast %parallel_loop3A_234 : i32 to index
          %parallel_loop3A_299 = arith.constant 48 : index
          %parallel_loop3A_300 = tpu.vector_load %arg17[%parallel_loop3A_298, %parallel_loop3A_299] {strides = array<i32>} : memref<64x128xf32, #tpu.memory_space<vmem>>, vector<1x16xf32>,
          %parallel_loop3A_301 = vector.shape_cast %parallel_loop3A_300 : vector<1x16xf32> to vector<16xf32>
          %parallel_loop3A_302 = vector.shape_cast %parallel_loop3A_297 : vector<16xf32> to vector<1x16xf32>
          tpu.vector_store %arg17[%parallel_loop3A_298, %parallel_loop3A_299], %parallel_loop3A_302 {strides = array<i32>} : memref<64x128xf32, #tpu.memory_space<vmem>>, vector<1x16xf32>,
          %parallel_loop3A_303 = arith.index_cast %parallel_loop3A_234 : i32 to index
          %parallel_loop3A_304 = arith.constant 64 : index
          %parallel_loop3A_305 = tpu.vector_load %arg17[%parallel_loop3A_303, %parallel_loop3A_304] {strides = array<i32>} : memref<64x128xf32, #tpu.memory_space<vmem>>, vector<1x16xf32>,
          %parallel_loop3A_306 = vector.shape_cast %parallel_loop3A_305 : vector<1x16xf32> to vector<16xf32>
          %parallel_loop3A_307 = arith.index_cast %parallel_loop3A_234 : i32 to index
          %parallel_loop3A_308 = arith.constant 64 : index
          %parallel_loop3A_309 = tpu.vector_load %arg14[%parallel_loop3A_307, %parallel_loop3A_308] {strides = array<i32>} : memref<64x128xf32, #tpu.memory_space<vmem>>, vector<1x16xf32>,
          %parallel_loop3A_310 = vector.shape_cast %parallel_loop3A_309 : vector<1x16xf32> to vector<16xf32>
          %parallel_loop3A_311 = arith.addf %parallel_loop3A_306, %parallel_loop3A_310 : vector<16xf32>
          %parallel_loop3A_312 = arith.constant 0.000000e+00 : f32
          %parallel_loop3A_313 = vector.broadcast %parallel_loop3A_312 : f32 to vector<16xf32>
          %parallel_loop3A_314 = arith.maximumf %parallel_loop3A_311, %parallel_loop3A_313 : vector<16xf32>
          %parallel_loop3A_315 = arith.index_cast %parallel_loop3A_234 : i32 to index
          %parallel_loop3A_316 = arith.constant 64 : index
          %parallel_loop3A_317 = tpu.vector_load %arg17[%parallel_loop3A_315, %parallel_loop3A_316] {strides = array<i32>} : memref<64x128xf32, #tpu.memory_space<vmem>>, vector<1x16xf32>,
          %parallel_loop3A_318 = vector.shape_cast %parallel_loop3A_317 : vector<1x16xf32> to vector<16xf32>
          %parallel_loop3A_319 = vector.shape_cast %parallel_loop3A_314 : vector<16xf32> to vector<1x16xf32>
          tpu.vector_store %arg17[%parallel_loop3A_315, %parallel_loop3A_316], %parallel_loop3A_319 {strides = array<i32>} : memref<64x128xf32, #tpu.memory_space<vmem>>, vector<1x16xf32>,
          %parallel_loop3A_320 = arith.index_cast %parallel_loop3A_234 : i32 to index
          %parallel_loop3A_321 = arith.constant 80 : index
          %parallel_loop3A_322 = tpu.vector_load %arg17[%parallel_loop3A_320, %parallel_loop3A_321] {strides = array<i32>} : memref<64x128xf32, #tpu.memory_space<vmem>>, vector<1x16xf32>,
          %parallel_loop3A_323 = vector.shape_cast %parallel_loop3A_322 : vector<1x16xf32> to vector<16xf32>
          %parallel_loop3A_324 = arith.index_cast %parallel_loop3A_234 : i32 to index
          %parallel_loop3A_325 = arith.constant 80 : index
          %parallel_loop3A_326 = tpu.vector_load %arg14[%parallel_loop3A_324, %parallel_loop3A_325] {strides = array<i32>} : memref<64x128xf32, #tpu.memory_space<vmem>>, vector<1x16xf32>,
          %parallel_loop3A_327 = vector.shape_cast %parallel_loop3A_326 : vector<1x16xf32> to vector<16xf32>
          %parallel_loop3A_328 = arith.addf %parallel_loop3A_323, %parallel_loop3A_327 : vector<16xf32>
          %parallel_loop3A_329 = arith.constant 0.000000e+00 : f32
          %parallel_loop3A_330 = vector.broadcast %parallel_loop3A_329 : f32 to vector<16xf32>
          %parallel_loop3A_331 = arith.maximumf %parallel_loop3A_328, %parallel_loop3A_330 : vector<16xf32>
          %parallel_loop3A_332 = arith.index_cast %parallel_loop3A_234 : i32 to index
          %parallel_loop3A_333 = arith.constant 80 : index
          %parallel_loop3A_334 = tpu.vector_load %arg17[%parallel_loop3A_332, %parallel_loop3A_333] {strides = array<i32>} : memref<64x128xf32, #tpu.memory_space<vmem>>, vector<1x16xf32>,
          %parallel_loop3A_335 = vector.shape_cast %parallel_loop3A_334 : vector<1x16xf32> to vector<16xf32>
          %parallel_loop3A_336 = vector.shape_cast %parallel_loop3A_331 : vector<16xf32> to vector<1x16xf32>
          tpu.vector_store %arg17[%parallel_loop3A_332, %parallel_loop3A_333], %parallel_loop3A_336 {strides = array<i32>} : memref<64x128xf32, #tpu.memory_space<vmem>>, vector<1x16xf32>,
          %parallel_loop3A_337 = arith.index_cast %parallel_loop3A_234 : i32 to index
          %parallel_loop3A_338 = arith.constant 96 : index
          %parallel_loop3A_339 = tpu.vector_load %arg17[%parallel_loop3A_337, %parallel_loop3A_338] {strides = array<i32>} : memref<64x128xf32, #tpu.memory_space<vmem>>, vector<1x16xf32>,
          %parallel_loop3A_340 = vector.shape_cast %parallel_loop3A_339 : vector<1x16xf32> to vector<16xf32>
          %parallel_loop3A_341 = arith.index_cast %parallel_loop3A_234 : i32 to index
          %parallel_loop3A_342 = arith.constant 96 : index
          %parallel_loop3A_343 = tpu.vector_load %arg14[%parallel_loop3A_341, %parallel_loop3A_342] {strides = array<i32>} : memref<64x128xf32, #tpu.memory_space<vmem>>, vector<1x16xf32>,
          %parallel_loop3A_344 = vector.shape_cast %parallel_loop3A_343 : vector<1x16xf32> to vector<16xf32>
          %parallel_loop3A_345 = arith.addf %parallel_loop3A_340, %parallel_loop3A_344 : vector<16xf32>
          %parallel_loop3A_346 = arith.constant 0.000000e+00 : f32
          %parallel_loop3A_347 = vector.broadcast %parallel_loop3A_346 : f32 to vector<16xf32>
          %parallel_loop3A_348 = arith.maximumf %parallel_loop3A_345, %parallel_loop3A_347 : vector<16xf32>
          %parallel_loop3A_349 = arith.index_cast %parallel_loop3A_234 : i32 to index
          %parallel_loop3A_350 = arith.constant 96 : index
          %parallel_loop3A_351 = tpu.vector_load %arg17[%parallel_loop3A_349, %parallel_loop3A_350] {strides = array<i32>} : memref<64x128xf32, #tpu.memory_space<vmem>>, vector<1x16xf32>,
          %parallel_loop3A_352 = vector.shape_cast %parallel_loop3A_351 : vector<1x16xf32> to vector<16xf32>
          %parallel_loop3A_353 = vector.shape_cast %parallel_loop3A_348 : vector<16xf32> to vector<1x16xf32>
          tpu.vector_store %arg17[%parallel_loop3A_349, %parallel_loop3A_350], %parallel_loop3A_353 {strides = array<i32>} : memref<64x128xf32, #tpu.memory_space<vmem>>, vector<1x16xf32>,
          %parallel_loop3A_354 = arith.index_cast %parallel_loop3A_234 : i32 to index
          %parallel_loop3A_355 = arith.constant 112 : index
          %parallel_loop3A_356 = tpu.vector_load %arg17[%parallel_loop3A_354, %parallel_loop3A_355] {strides = array<i32>} : memref<64x128xf32, #tpu.memory_space<vmem>>, vector<1x16xf32>,
          %parallel_loop3A_357 = vector.shape_cast %parallel_loop3A_356 : vector<1x16xf32> to vector<16xf32>
          %parallel_loop3A_358 = arith.index_cast %parallel_loop3A_234 : i32 to index
          %parallel_loop3A_359 = arith.constant 112 : index
          %parallel_loop3A_360 = tpu.vector_load %arg14[%parallel_loop3A_358, %parallel_loop3A_359] {strides = array<i32>} : memref<64x128xf32, #tpu.memory_space<vmem>>, vector<1x16xf32>,
          %parallel_loop3A_361 = vector.shape_cast %parallel_loop3A_360 : vector<1x16xf32> to vector<16xf32>
          %parallel_loop3A_362 = arith.addf %parallel_loop3A_357, %parallel_loop3A_361 : vector<16xf32>
          %parallel_loop3A_363 = arith.constant 0.000000e+00 : f32
          %parallel_loop3A_364 = vector.broadcast %parallel_loop3A_363 : f32 to vector<16xf32>
          %parallel_loop3A_365 = arith.maximumf %parallel_loop3A_362, %parallel_loop3A_364 : vector<16xf32>
          %parallel_loop3A_366 = arith.index_cast %parallel_loop3A_234 : i32 to index
          %parallel_loop3A_367 = arith.constant 112 : index
          %parallel_loop3A_368 = tpu.vector_load %arg17[%parallel_loop3A_366, %parallel_loop3A_367] {strides = array<i32>} : memref<64x128xf32, #tpu.memory_space<vmem>>, vector<1x16xf32>,
          %parallel_loop3A_369 = vector.shape_cast %parallel_loop3A_368 : vector<1x16xf32> to vector<16xf32>
          %parallel_loop3A_370 = vector.shape_cast %parallel_loop3A_365 : vector<16xf32> to vector<1x16xf32>
          tpu.vector_store %arg17[%parallel_loop3A_366, %parallel_loop3A_367], %parallel_loop3A_370 {strides = array<i32>} : memref<64x128xf32, #tpu.memory_space<vmem>>, vector<1x16xf32>,
        } {sc.loop_unroll_factor = 1 : i64, sc.parallel_access}
        %dma_wait3A_227 = arith.constant 0 : i32
        %dma_wait3A_228 = tpu.memref_slice %arg5[%dma_wait3A_227] : memref<320000xi32, #tpu.memory_space<hbm>> -> memref<64xi32, #tpu.memory_space<hbm>>
        %dma_wait3A_229 = arith.constant 0 : i32
        %dma_wait3A_230 = tpu.memref_slice %arg5[%dma_wait3A_229] : memref<320000xi32, #tpu.memory_space<hbm>> -> memref<64xi32, #tpu.memory_space<hbm>>
        tpu.wait_dma2 semaphore(%arg24 : memref<!tpu.dma_semaphore, #tpu.memory_space<semaphore_mem>>) src(%dma_wait3A_230 : memref<64xi32, #tpu.memory_space<hbm>>) dst(%arg11 : memref<64xi32, #tpu.memory_space<vmem>>)
        %dma_start3A_231 = arith.constant 0 : i32
        %dma_start3A_232 = arith.constant 0 : i32
        %dma_start3A_233 = tpu.memref_slice %arg19[%dma_start3A_231, %dma_start3A_232] : memref<10000x128xf32, #tpu.memory_space<vmem_shared>> -> memref<10000x128xf32, #tpu.memory_space<vmem_shared>>
        tpu.enqueue_indirect_dma source(%arg17 : memref<64x128xf32, #tpu.memory_space<vmem>>) target(%dma_start3A_233 : memref<10000x128xf32, #tpu.memory_space<vmem_shared>>) offsets(%arg11 : memref<64xi32, #tpu.memory_space<vmem>>) semaphore(%arg33 : memref<!tpu.dma_semaphore, #tpu.memory_space<semaphore_mem>>) {add = true}
      } else {
      }
      %mul3A_182 = arith.constant 3 : i32
      %mul3A_183 = arith.muli %scan3A_122, %mul3A_182 : i32
      %add3A_184 = arith.constant 2 : i32
      %add3A_185 = arith.addi %mul3A_183, %add3A_184 : i32
      %add3A_186 = arith.constant 2 : i32
      %add3A_187 = arith.addi %add3A_185, %add3A_186 : i32
      %ge3A_188 = arith.constant 1 : i32
      %ge3A_189 = arith.cmpi sge, %add3A_185, %ge3A_188 : i32
      %lt3A_190 = arith.cmpi slt, %add3A_187, %add3A_52 : i32
      %and3A_191 = arith.andi %ge3A_189, %lt3A_190 : i1
      %convert_element_type3A_192 = arith.extui %and3A_191 : i1 to i32
      %cond3A_193 = arith.constant 0 : i32
      %cond3A_194 = arith.cmpi ne, %convert_element_type3A_192, %cond3A_193 : i32
      scf.if %cond3A_194 {
        %dma_wait3A_213 = arith.constant 0 : i32
        %dma_wait3A_214 = arith.constant 0 : i32
        %dma_wait3A_215 = tpu.memref_slice %arg19[%dma_wait3A_213, %dma_wait3A_214] : memref<10000x128xf32, #tpu.memory_space<vmem_shared>> -> memref<64x128xf32, #tpu.memory_space<vmem_shared>>
        %dma_wait3A_216 = arith.constant 0 : i32
        %dma_wait3A_217 = arith.constant 0 : i32
        %dma_wait3A_218 = tpu.memref_slice %arg19[%dma_wait3A_216, %dma_wait3A_217] : memref<10000x128xf32, #tpu.memory_space<vmem_shared>> -> memref<64x128xf32, #tpu.memory_space<vmem_shared>>
        tpu.wait_dma2 semaphore(%arg33 : memref<!tpu.dma_semaphore, #tpu.memory_space<semaphore_mem>>) src(%arg17 : memref<64x128xf32, #tpu.memory_space<vmem>>) dst(%dma_wait3A_218 : memref<64x128xf32, #tpu.memory_space<vmem_shared>>)
        %mul3A_219 = arith.constant 32 : i32
        %mul3A_220 = arith.muli %add3A_187, %mul3A_219 : i32
        %add3A_221 = arith.addi %mul3A_220, %add3A : i32
        %mul3A_222 = arith.constant 64 : i32
        %mul3A_223 = arith.muli %add3A_221, %mul3A_222 : i32
        %dma_start3A_224 = tpu.memref_slice %arg4[%mul3A_223] : memref<320000xi32, #tpu.memory_space<hbm>> -> memref<64xi32, #tpu.memory_space<hbm>>
        %dma_start3A_225 = tpu.memref_slice %arg4[%mul3A_223] : memref<320000xi32, #tpu.memory_space<hbm>> -> memref<64xi32, #tpu.memory_space<hbm>>
        tpu.enqueue_dma source(%dma_start3A_225 : memref<64xi32, #tpu.memory_space<hbm>>) target(%arg8 : memref<64xi32, #tpu.memory_space<vmem>>) target_semaphore(%arg21 : memref<!tpu.dma_semaphore, #tpu.memory_space<semaphore_mem>>)
        %dma_start3A_226 = tpu.memref_slice %arg5[%mul3A_223] : memref<320000xi32, #tpu.memory_space<hbm>> -> memref<64xi32, #tpu.memory_space<hbm>>
        %dma_start3A_227 = tpu.memref_slice %arg5[%mul3A_223] : memref<320000xi32, #tpu.memory_space<hbm>> -> memref<64xi32, #tpu.memory_space<hbm>>
        tpu.enqueue_dma source(%dma_start3A_227 : memref<64xi32, #tpu.memory_space<hbm>>) target(%arg11 : memref<64xi32, #tpu.memory_space<vmem>>) target_semaphore(%arg24 : memref<!tpu.dma_semaphore, #tpu.memory_space<semaphore_mem>>)
        %dma_start3A_228 = arith.constant 0 : i32
        %dma_start3A_229 = tpu.memref_slice %arg3[%mul3A_223, %dma_start3A_228] : memref<320000x128xf32, #tpu.memory_space<hbm>> -> memref<64x128xf32, #tpu.memory_space<hbm>>
        %dma_start3A_230 = arith.constant 0 : i32
        %dma_start3A_231 = tpu.memref_slice %arg3[%mul3A_223, %dma_start3A_230] : memref<320000x128xf32, #tpu.memory_space<hbm>> -> memref<64x128xf32, #tpu.memory_space<hbm>>
        tpu.enqueue_dma source(%dma_start3A_231 : memref<64x128xf32, #tpu.memory_space<hbm>>) target(%arg17 : memref<64x128xf32, #tpu.memory_space<vmem>>) target_semaphore(%arg30 : memref<!tpu.dma_semaphore, #tpu.memory_space<semaphore_mem>>)
      } else {
      }
      %eq3A_195 = arith.constant 0 : i32
      %eq3A_196 = arith.cmpi eq, %add3A_185, %eq3A_195 : i32
      %lt3A_197 = arith.cmpi slt, %add3A_187, %add3A_52 : i32
      %and3A_198 = arith.andi %eq3A_196, %lt3A_197 : i1
      %convert_element_type3A_199 = arith.extui %and3A_198 : i1 to i32
      %cond3A_200 = arith.constant 0 : i32
      %cond3A_201 = arith.cmpi ne, %convert_element_type3A_199, %cond3A_200 : i32
      scf.if %cond3A_201 {
        %mul3A_213 = arith.constant 32 : i32
        %mul3A_214 = arith.muli %add3A_187, %mul3A_213 : i32
        %add3A_215 = arith.addi %mul3A_214, %add3A : i32
        %mul3A_216 = arith.constant 64 : i32
        %mul3A_217 = arith.muli %add3A_215, %mul3A_216 : i32
        %dma_start3A_218 = tpu.memref_slice %arg4[%mul3A_217] : memref<320000xi32, #tpu.memory_space<hbm>> -> memref<64xi32, #tpu.memory_space<hbm>>
        %dma_start3A_219 = tpu.memref_slice %arg4[%mul3A_217] : memref<320000xi32, #tpu.memory_space<hbm>> -> memref<64xi32, #tpu.memory_space<hbm>>
        tpu.enqueue_dma source(%dma_start3A_219 : memref<64xi32, #tpu.memory_space<hbm>>) target(%arg8 : memref<64xi32, #tpu.memory_space<vmem>>) target_semaphore(%arg21 : memref<!tpu.dma_semaphore, #tpu.memory_space<semaphore_mem>>)
        %dma_start3A_220 = tpu.memref_slice %arg5[%mul3A_217] : memref<320000xi32, #tpu.memory_space<hbm>> -> memref<64xi32, #tpu.memory_space<hbm>>
        %dma_start3A_221 = tpu.memref_slice %arg5[%mul3A_217] : memref<320000xi32, #tpu.memory_space<hbm>> -> memref<64xi32, #tpu.memory_space<hbm>>
        tpu.enqueue_dma source(%dma_start3A_221 : memref<64xi32, #tpu.memory_space<hbm>>) target(%arg11 : memref<64xi32, #tpu.memory_space<vmem>>) target_semaphore(%arg24 : memref<!tpu.dma_semaphore, #tpu.memory_space<semaphore_mem>>)
        %dma_start3A_222 = arith.constant 0 : i32
        %dma_start3A_223 = tpu.memref_slice %arg3[%mul3A_217, %dma_start3A_222] : memref<320000x128xf32, #tpu.memory_space<hbm>> -> memref<64x128xf32, #tpu.memory_space<hbm>>
        %dma_start3A_224 = arith.constant 0 : i32
        %dma_start3A_225 = tpu.memref_slice %arg3[%mul3A_217, %dma_start3A_224] : memref<320000x128xf32, #tpu.memory_space<hbm>> -> memref<64x128xf32, #tpu.memory_space<hbm>>
        tpu.enqueue_dma source(%dma_start3A_225 : memref<64x128xf32, #tpu.memory_space<hbm>>) target(%arg17 : memref<64x128xf32, #tpu.memory_space<vmem>>) target_semaphore(%arg30 : memref<!tpu.dma_semaphore, #tpu.memory_space<semaphore_mem>>)
      } else {
      }
      %add3A_202 = arith.constant 1 : i32
      %add3A_203 = arith.addi %add3A_185, %add3A_202 : i32
      %lt3A_204 = arith.cmpi slt, %add3A_203, %add3A_52 : i32
      %convert_element_type3A_205 = arith.extui %lt3A_204 : i1 to i32
      %cond3A_206 = arith.constant 0 : i32
      %cond3A_207 = arith.cmpi ne, %convert_element_type3A_205, %cond3A_206 : i32
      scf.if %cond3A_207 {
        %dma_wait3A_213 = arith.constant 0 : i32
        %dma_wait3A_214 = tpu.memref_slice %arg4[%dma_wait3A_213] : memref<320000xi32, #tpu.memory_space<hbm>> -> memref<64xi32, #tpu.memory_space<hbm>>
        %dma_wait3A_215 = arith.constant 0 : i32
        %dma_wait3A_216 = tpu.memref_slice %arg4[%dma_wait3A_215] : memref<320000xi32, #tpu.memory_space<hbm>> -> memref<64xi32, #tpu.memory_space<hbm>>
        tpu.wait_dma2 semaphore(%arg20 : memref<!tpu.dma_semaphore, #tpu.memory_space<semaphore_mem>>) src(%dma_wait3A_216 : memref<64xi32, #tpu.memory_space<hbm>>) dst(%arg7 : memref<64xi32, #tpu.memory_space<vmem>>)
        %dma_start3A_217 = arith.constant 0 : i32
        %dma_start3A_218 = arith.constant 0 : i32
        %dma_start3A_219 = tpu.memref_slice %arg2[%dma_start3A_217, %dma_start3A_218] : memref<10000x128xf32, #tpu.memory_space<hbm>> -> memref<10000x128xf32, #tpu.memory_space<hbm>>
        tpu.enqueue_indirect_dma source(%dma_start3A_219 : memref<10000x128xf32, #tpu.memory_space<hbm>>) target(%arg13 : memref<64x128xf32, #tpu.memory_space<vmem>>) offsets(%arg7 : memref<64xi32, #tpu.memory_space<vmem>>) semaphore(%arg26 : memref<!tpu.dma_semaphore, #tpu.memory_space<semaphore_mem>>)
      } else {
      }
      %lt3A_208 = arith.cmpi slt, %add3A_185, %add3A_52 : i32
      %convert_element_type3A_209 = arith.extui %lt3A_208 : i1 to i32
      %cond3A_210 = arith.constant 0 : i32
      %cond3A_211 = arith.cmpi ne, %convert_element_type3A_209, %cond3A_210 : i32
      scf.if %cond3A_211 {
        %dma_wait3A_213 = arith.constant 0 : i32
        %dma_wait3A_214 = arith.constant 0 : i32
        %dma_wait3A_215 = tpu.memref_slice %arg2[%dma_wait3A_213, %dma_wait3A_214] : memref<10000x128xf32, #tpu.memory_space<hbm>> -> memref<64x128xf32, #tpu.memory_space<hbm>>
        %dma_wait3A_216 = arith.constant 0 : i32
        %dma_wait3A_217 = arith.constant 0 : i32
        %dma_wait3A_218 = tpu.memref_slice %arg2[%dma_wait3A_216, %dma_wait3A_217] : memref<10000x128xf32, #tpu.memory_space<hbm>> -> memref<64x128xf32, #tpu.memory_space<hbm>>
        tpu.wait_dma2 semaphore(%arg28 : memref<!tpu.dma_semaphore, #tpu.memory_space<semaphore_mem>>) src(%dma_wait3A_218 : memref<64x128xf32, #tpu.memory_space<hbm>>) dst(%arg15 : memref<64x128xf32, #tpu.memory_space<vmem>>)
        %dma_wait3A_219 = arith.constant 0 : i32
        %dma_wait3A_220 = arith.constant 0 : i32
        %dma_wait3A_221 = tpu.memref_slice %arg3[%dma_wait3A_219, %dma_wait3A_220] : memref<320000x128xf32, #tpu.memory_space<hbm>> -> memref<64x128xf32, #tpu.memory_space<hbm>>
        %dma_wait3A_222 = arith.constant 0 : i32
        %dma_wait3A_223 = arith.constant 0 : i32
        %dma_wait3A_224 = tpu.memref_slice %arg3[%dma_wait3A_222, %dma_wait3A_223] : memref<320000x128xf32, #tpu.memory_space<hbm>> -> memref<64x128xf32, #tpu.memory_space<hbm>>
        tpu.wait_dma2 semaphore(%arg31 : memref<!tpu.dma_semaphore, #tpu.memory_space<semaphore_mem>>) src(%dma_wait3A_224 : memref<64x128xf32, #tpu.memory_space<hbm>>) dst(%arg18 : memref<64x128xf32, #tpu.memory_space<vmem>>)
        %parallel_loop3A = arith.constant 0 : i32
        %parallel_loop3A_225 = arith.constant 64 : i32
        %parallel_loop3A_226 = arith.constant 1 : i32
        scf.for %parallel_loop3A_234 = %parallel_loop3A to %parallel_loop3A_225 step %parallel_loop3A_226  : i32 {
          %parallel_loop3A_235 = arith.index_cast %parallel_loop3A_234 : i32 to index
          %parallel_loop3A_236 = arith.constant 0 : index
          %parallel_loop3A_237 = tpu.vector_load %arg18[%parallel_loop3A_235, %parallel_loop3A_236] {strides = array<i32>} : memref<64x128xf32, #tpu.memory_space<vmem>>, vector<1x16xf32>,
          %parallel_loop3A_238 = vector.shape_cast %parallel_loop3A_237 : vector<1x16xf32> to vector<16xf32>
          %parallel_loop3A_239 = arith.index_cast %parallel_loop3A_234 : i32 to index
          %parallel_loop3A_240 = arith.constant 0 : index
          %parallel_loop3A_241 = tpu.vector_load %arg15[%parallel_loop3A_239, %parallel_loop3A_240] {strides = array<i32>} : memref<64x128xf32, #tpu.memory_space<vmem>>, vector<1x16xf32>,
          %parallel_loop3A_242 = vector.shape_cast %parallel_loop3A_241 : vector<1x16xf32> to vector<16xf32>
          %parallel_loop3A_243 = arith.addf %parallel_loop3A_238, %parallel_loop3A_242 : vector<16xf32>
          %parallel_loop3A_244 = arith.constant 0.000000e+00 : f32
          %parallel_loop3A_245 = vector.broadcast %parallel_loop3A_244 : f32 to vector<16xf32>
          %parallel_loop3A_246 = arith.maximumf %parallel_loop3A_243, %parallel_loop3A_245 : vector<16xf32>
          %parallel_loop3A_247 = arith.index_cast %parallel_loop3A_234 : i32 to index
          %parallel_loop3A_248 = arith.constant 0 : index
          %parallel_loop3A_249 = tpu.vector_load %arg18[%parallel_loop3A_247, %parallel_loop3A_248] {strides = array<i32>} : memref<64x128xf32, #tpu.memory_space<vmem>>, vector<1x16xf32>,
          %parallel_loop3A_250 = vector.shape_cast %parallel_loop3A_249 : vector<1x16xf32> to vector<16xf32>
          %parallel_loop3A_251 = vector.shape_cast %parallel_loop3A_246 : vector<16xf32> to vector<1x16xf32>
          tpu.vector_store %arg18[%parallel_loop3A_247, %parallel_loop3A_248], %parallel_loop3A_251 {strides = array<i32>} : memref<64x128xf32, #tpu.memory_space<vmem>>, vector<1x16xf32>,
          %parallel_loop3A_252 = arith.index_cast %parallel_loop3A_234 : i32 to index
          %parallel_loop3A_253 = arith.constant 16 : index
          %parallel_loop3A_254 = tpu.vector_load %arg18[%parallel_loop3A_252, %parallel_loop3A_253] {strides = array<i32>} : memref<64x128xf32, #tpu.memory_space<vmem>>, vector<1x16xf32>,
          %parallel_loop3A_255 = vector.shape_cast %parallel_loop3A_254 : vector<1x16xf32> to vector<16xf32>
          %parallel_loop3A_256 = arith.index_cast %parallel_loop3A_234 : i32 to index
          %parallel_loop3A_257 = arith.constant 16 : index
          %parallel_loop3A_258 = tpu.vector_load %arg15[%parallel_loop3A_256, %parallel_loop3A_257] {strides = array<i32>} : memref<64x128xf32, #tpu.memory_space<vmem>>, vector<1x16xf32>,
          %parallel_loop3A_259 = vector.shape_cast %parallel_loop3A_258 : vector<1x16xf32> to vector<16xf32>
          %parallel_loop3A_260 = arith.addf %parallel_loop3A_255, %parallel_loop3A_259 : vector<16xf32>
          %parallel_loop3A_261 = arith.constant 0.000000e+00 : f32
          %parallel_loop3A_262 = vector.broadcast %parallel_loop3A_261 : f32 to vector<16xf32>
          %parallel_loop3A_263 = arith.maximumf %parallel_loop3A_260, %parallel_loop3A_262 : vector<16xf32>
          %parallel_loop3A_264 = arith.index_cast %parallel_loop3A_234 : i32 to index
          %parallel_loop3A_265 = arith.constant 16 : index
          %parallel_loop3A_266 = tpu.vector_load %arg18[%parallel_loop3A_264, %parallel_loop3A_265] {strides = array<i32>} : memref<64x128xf32, #tpu.memory_space<vmem>>, vector<1x16xf32>,
          %parallel_loop3A_267 = vector.shape_cast %parallel_loop3A_266 : vector<1x16xf32> to vector<16xf32>
          %parallel_loop3A_268 = vector.shape_cast %parallel_loop3A_263 : vector<16xf32> to vector<1x16xf32>
          tpu.vector_store %arg18[%parallel_loop3A_264, %parallel_loop3A_265], %parallel_loop3A_268 {strides = array<i32>} : memref<64x128xf32, #tpu.memory_space<vmem>>, vector<1x16xf32>,
          %parallel_loop3A_269 = arith.index_cast %parallel_loop3A_234 : i32 to index
          %parallel_loop3A_270 = arith.constant 32 : index
          %parallel_loop3A_271 = tpu.vector_load %arg18[%parallel_loop3A_269, %parallel_loop3A_270] {strides = array<i32>} : memref<64x128xf32, #tpu.memory_space<vmem>>, vector<1x16xf32>,
          %parallel_loop3A_272 = vector.shape_cast %parallel_loop3A_271 : vector<1x16xf32> to vector<16xf32>
          %parallel_loop3A_273 = arith.index_cast %parallel_loop3A_234 : i32 to index
          %parallel_loop3A_274 = arith.constant 32 : index
          %parallel_loop3A_275 = tpu.vector_load %arg15[%parallel_loop3A_273, %parallel_loop3A_274] {strides = array<i32>} : memref<64x128xf32, #tpu.memory_space<vmem>>, vector<1x16xf32>,
          %parallel_loop3A_276 = vector.shape_cast %parallel_loop3A_275 : vector<1x16xf32> to vector<16xf32>
          %parallel_loop3A_277 = arith.addf %parallel_loop3A_272, %parallel_loop3A_276 : vector<16xf32>
          %parallel_loop3A_278 = arith.constant 0.000000e+00 : f32
          %parallel_loop3A_279 = vector.broadcast %parallel_loop3A_278 : f32 to vector<16xf32>
          %parallel_loop3A_280 = arith.maximumf %parallel_loop3A_277, %parallel_loop3A_279 : vector<16xf32>
          %parallel_loop3A_281 = arith.index_cast %parallel_loop3A_234 : i32 to index
          %parallel_loop3A_282 = arith.constant 32 : index
          %parallel_loop3A_283 = tpu.vector_load %arg18[%parallel_loop3A_281, %parallel_loop3A_282] {strides = array<i32>} : memref<64x128xf32, #tpu.memory_space<vmem>>, vector<1x16xf32>,
          %parallel_loop3A_284 = vector.shape_cast %parallel_loop3A_283 : vector<1x16xf32> to vector<16xf32>
          %parallel_loop3A_285 = vector.shape_cast %parallel_loop3A_280 : vector<16xf32> to vector<1x16xf32>
          tpu.vector_store %arg18[%parallel_loop3A_281, %parallel_loop3A_282], %parallel_loop3A_285 {strides = array<i32>} : memref<64x128xf32, #tpu.memory_space<vmem>>, vector<1x16xf32>,
          %parallel_loop3A_286 = arith.index_cast %parallel_loop3A_234 : i32 to index
          %parallel_loop3A_287 = arith.constant 48 : index
          %parallel_loop3A_288 = tpu.vector_load %arg18[%parallel_loop3A_286, %parallel_loop3A_287] {strides = array<i32>} : memref<64x128xf32, #tpu.memory_space<vmem>>, vector<1x16xf32>,
          %parallel_loop3A_289 = vector.shape_cast %parallel_loop3A_288 : vector<1x16xf32> to vector<16xf32>
          %parallel_loop3A_290 = arith.index_cast %parallel_loop3A_234 : i32 to index
          %parallel_loop3A_291 = arith.constant 48 : index
          %parallel_loop3A_292 = tpu.vector_load %arg15[%parallel_loop3A_290, %parallel_loop3A_291] {strides = array<i32>} : memref<64x128xf32, #tpu.memory_space<vmem>>, vector<1x16xf32>,
          %parallel_loop3A_293 = vector.shape_cast %parallel_loop3A_292 : vector<1x16xf32> to vector<16xf32>
          %parallel_loop3A_294 = arith.addf %parallel_loop3A_289, %parallel_loop3A_293 : vector<16xf32>
          %parallel_loop3A_295 = arith.constant 0.000000e+00 : f32
          %parallel_loop3A_296 = vector.broadcast %parallel_loop3A_295 : f32 to vector<16xf32>
          %parallel_loop3A_297 = arith.maximumf %parallel_loop3A_294, %parallel_loop3A_296 : vector<16xf32>
          %parallel_loop3A_298 = arith.index_cast %parallel_loop3A_234 : i32 to index
          %parallel_loop3A_299 = arith.constant 48 : index
          %parallel_loop3A_300 = tpu.vector_load %arg18[%parallel_loop3A_298, %parallel_loop3A_299] {strides = array<i32>} : memref<64x128xf32, #tpu.memory_space<vmem>>, vector<1x16xf32>,
          %parallel_loop3A_301 = vector.shape_cast %parallel_loop3A_300 : vector<1x16xf32> to vector<16xf32>
          %parallel_loop3A_302 = vector.shape_cast %parallel_loop3A_297 : vector<16xf32> to vector<1x16xf32>
          tpu.vector_store %arg18[%parallel_loop3A_298, %parallel_loop3A_299], %parallel_loop3A_302 {strides = array<i32>} : memref<64x128xf32, #tpu.memory_space<vmem>>, vector<1x16xf32>,
          %parallel_loop3A_303 = arith.index_cast %parallel_loop3A_234 : i32 to index
          %parallel_loop3A_304 = arith.constant 64 : index
          %parallel_loop3A_305 = tpu.vector_load %arg18[%parallel_loop3A_303, %parallel_loop3A_304] {strides = array<i32>} : memref<64x128xf32, #tpu.memory_space<vmem>>, vector<1x16xf32>,
          %parallel_loop3A_306 = vector.shape_cast %parallel_loop3A_305 : vector<1x16xf32> to vector<16xf32>
          %parallel_loop3A_307 = arith.index_cast %parallel_loop3A_234 : i32 to index
          %parallel_loop3A_308 = arith.constant 64 : index
          %parallel_loop3A_309 = tpu.vector_load %arg15[%parallel_loop3A_307, %parallel_loop3A_308] {strides = array<i32>} : memref<64x128xf32, #tpu.memory_space<vmem>>, vector<1x16xf32>,
          %parallel_loop3A_310 = vector.shape_cast %parallel_loop3A_309 : vector<1x16xf32> to vector<16xf32>
          %parallel_loop3A_311 = arith.addf %parallel_loop3A_306, %parallel_loop3A_310 : vector<16xf32>
          %parallel_loop3A_312 = arith.constant 0.000000e+00 : f32
          %parallel_loop3A_313 = vector.broadcast %parallel_loop3A_312 : f32 to vector<16xf32>
          %parallel_loop3A_314 = arith.maximumf %parallel_loop3A_311, %parallel_loop3A_313 : vector<16xf32>
          %parallel_loop3A_315 = arith.index_cast %parallel_loop3A_234 : i32 to index
          %parallel_loop3A_316 = arith.constant 64 : index
          %parallel_loop3A_317 = tpu.vector_load %arg18[%parallel_loop3A_315, %parallel_loop3A_316] {strides = array<i32>} : memref<64x128xf32, #tpu.memory_space<vmem>>, vector<1x16xf32>,
          %parallel_loop3A_318 = vector.shape_cast %parallel_loop3A_317 : vector<1x16xf32> to vector<16xf32>
          %parallel_loop3A_319 = vector.shape_cast %parallel_loop3A_314 : vector<16xf32> to vector<1x16xf32>
          tpu.vector_store %arg18[%parallel_loop3A_315, %parallel_loop3A_316], %parallel_loop3A_319 {strides = array<i32>} : memref<64x128xf32, #tpu.memory_space<vmem>>, vector<1x16xf32>,
          %parallel_loop3A_320 = arith.index_cast %parallel_loop3A_234 : i32 to index
          %parallel_loop3A_321 = arith.constant 80 : index
          %parallel_loop3A_322 = tpu.vector_load %arg18[%parallel_loop3A_320, %parallel_loop3A_321] {strides = array<i32>} : memref<64x128xf32, #tpu.memory_space<vmem>>, vector<1x16xf32>,
          %parallel_loop3A_323 = vector.shape_cast %parallel_loop3A_322 : vector<1x16xf32> to vector<16xf32>
          %parallel_loop3A_324 = arith.index_cast %parallel_loop3A_234 : i32 to index
          %parallel_loop3A_325 = arith.constant 80 : index
          %parallel_loop3A_326 = tpu.vector_load %arg15[%parallel_loop3A_324, %parallel_loop3A_325] {strides = array<i32>} : memref<64x128xf32, #tpu.memory_space<vmem>>, vector<1x16xf32>,
          %parallel_loop3A_327 = vector.shape_cast %parallel_loop3A_326 : vector<1x16xf32> to vector<16xf32>
          %parallel_loop3A_328 = arith.addf %parallel_loop3A_323, %parallel_loop3A_327 : vector<16xf32>
          %parallel_loop3A_329 = arith.constant 0.000000e+00 : f32
          %parallel_loop3A_330 = vector.broadcast %parallel_loop3A_329 : f32 to vector<16xf32>
          %parallel_loop3A_331 = arith.maximumf %parallel_loop3A_328, %parallel_loop3A_330 : vector<16xf32>
          %parallel_loop3A_332 = arith.index_cast %parallel_loop3A_234 : i32 to index
          %parallel_loop3A_333 = arith.constant 80 : index
          %parallel_loop3A_334 = tpu.vector_load %arg18[%parallel_loop3A_332, %parallel_loop3A_333] {strides = array<i32>} : memref<64x128xf32, #tpu.memory_space<vmem>>, vector<1x16xf32>,
          %parallel_loop3A_335 = vector.shape_cast %parallel_loop3A_334 : vector<1x16xf32> to vector<16xf32>
          %parallel_loop3A_336 = vector.shape_cast %parallel_loop3A_331 : vector<16xf32> to vector<1x16xf32>
          tpu.vector_store %arg18[%parallel_loop3A_332, %parallel_loop3A_333], %parallel_loop3A_336 {strides = array<i32>} : memref<64x128xf32, #tpu.memory_space<vmem>>, vector<1x16xf32>,
          %parallel_loop3A_337 = arith.index_cast %parallel_loop3A_234 : i32 to index
          %parallel_loop3A_338 = arith.constant 96 : index
          %parallel_loop3A_339 = tpu.vector_load %arg18[%parallel_loop3A_337, %parallel_loop3A_338] {strides = array<i32>} : memref<64x128xf32, #tpu.memory_space<vmem>>, vector<1x16xf32>,
          %parallel_loop3A_340 = vector.shape_cast %parallel_loop3A_339 : vector<1x16xf32> to vector<16xf32>
          %parallel_loop3A_341 = arith.index_cast %parallel_loop3A_234 : i32 to index
          %parallel_loop3A_342 = arith.constant 96 : index
          %parallel_loop3A_343 = tpu.vector_load %arg15[%parallel_loop3A_341, %parallel_loop3A_342] {strides = array<i32>} : memref<64x128xf32, #tpu.memory_space<vmem>>, vector<1x16xf32>,
          %parallel_loop3A_344 = vector.shape_cast %parallel_loop3A_343 : vector<1x16xf32> to vector<16xf32>
          %parallel_loop3A_345 = arith.addf %parallel_loop3A_340, %parallel_loop3A_344 : vector<16xf32>
          %parallel_loop3A_346 = arith.constant 0.000000e+00 : f32
          %parallel_loop3A_347 = vector.broadcast %parallel_loop3A_346 : f32 to vector<16xf32>
          %parallel_loop3A_348 = arith.maximumf %parallel_loop3A_345, %parallel_loop3A_347 : vector<16xf32>
          %parallel_loop3A_349 = arith.index_cast %parallel_loop3A_234 : i32 to index
          %parallel_loop3A_350 = arith.constant 96 : index
          %parallel_loop3A_351 = tpu.vector_load %arg18[%parallel_loop3A_349, %parallel_loop3A_350] {strides = array<i32>} : memref<64x128xf32, #tpu.memory_space<vmem>>, vector<1x16xf32>,
          %parallel_loop3A_352 = vector.shape_cast %parallel_loop3A_351 : vector<1x16xf32> to vector<16xf32>
          %parallel_loop3A_353 = vector.shape_cast %parallel_loop3A_348 : vector<16xf32> to vector<1x16xf32>
          tpu.vector_store %arg18[%parallel_loop3A_349, %parallel_loop3A_350], %parallel_loop3A_353 {strides = array<i32>} : memref<64x128xf32, #tpu.memory_space<vmem>>, vector<1x16xf32>,
          %parallel_loop3A_354 = arith.index_cast %parallel_loop3A_234 : i32 to index
          %parallel_loop3A_355 = arith.constant 112 : index
          %parallel_loop3A_356 = tpu.vector_load %arg18[%parallel_loop3A_354, %parallel_loop3A_355] {strides = array<i32>} : memref<64x128xf32, #tpu.memory_space<vmem>>, vector<1x16xf32>,
          %parallel_loop3A_357 = vector.shape_cast %parallel_loop3A_356 : vector<1x16xf32> to vector<16xf32>
          %parallel_loop3A_358 = arith.index_cast %parallel_loop3A_234 : i32 to index
          %parallel_loop3A_359 = arith.constant 112 : index
          %parallel_loop3A_360 = tpu.vector_load %arg15[%parallel_loop3A_358, %parallel_loop3A_359] {strides = array<i32>} : memref<64x128xf32, #tpu.memory_space<vmem>>, vector<1x16xf32>,
          %parallel_loop3A_361 = vector.shape_cast %parallel_loop3A_360 : vector<1x16xf32> to vector<16xf32>
          %parallel_loop3A_362 = arith.addf %parallel_loop3A_357, %parallel_loop3A_361 : vector<16xf32>
          %parallel_loop3A_363 = arith.constant 0.000000e+00 : f32
          %parallel_loop3A_364 = vector.broadcast %parallel_loop3A_363 : f32 to vector<16xf32>
          %parallel_loop3A_365 = arith.maximumf %parallel_loop3A_362, %parallel_loop3A_364 : vector<16xf32>
          %parallel_loop3A_366 = arith.index_cast %parallel_loop3A_234 : i32 to index
          %parallel_loop3A_367 = arith.constant 112 : index
          %parallel_loop3A_368 = tpu.vector_load %arg18[%parallel_loop3A_366, %parallel_loop3A_367] {strides = array<i32>} : memref<64x128xf32, #tpu.memory_space<vmem>>, vector<1x16xf32>,
          %parallel_loop3A_369 = vector.shape_cast %parallel_loop3A_368 : vector<1x16xf32> to vector<16xf32>
          %parallel_loop3A_370 = vector.shape_cast %parallel_loop3A_365 : vector<16xf32> to vector<1x16xf32>
          tpu.vector_store %arg18[%parallel_loop3A_366, %parallel_loop3A_367], %parallel_loop3A_370 {strides = array<i32>} : memref<64x128xf32, #tpu.memory_space<vmem>>, vector<1x16xf32>,
        } {sc.loop_unroll_factor = 1 : i64, sc.parallel_access}
        %dma_wait3A_227 = arith.constant 0 : i32
        %dma_wait3A_228 = tpu.memref_slice %arg5[%dma_wait3A_227] : memref<320000xi32, #tpu.memory_space<hbm>> -> memref<64xi32, #tpu.memory_space<hbm>>
        %dma_wait3A_229 = arith.constant 0 : i32
        %dma_wait3A_230 = tpu.memref_slice %arg5[%dma_wait3A_229] : memref<320000xi32, #tpu.memory_space<hbm>> -> memref<64xi32, #tpu.memory_space<hbm>>
        tpu.wait_dma2 semaphore(%arg25 : memref<!tpu.dma_semaphore, #tpu.memory_space<semaphore_mem>>) src(%dma_wait3A_230 : memref<64xi32, #tpu.memory_space<hbm>>) dst(%arg12 : memref<64xi32, #tpu.memory_space<vmem>>)
        %dma_start3A_231 = arith.constant 0 : i32
        %dma_start3A_232 = arith.constant 0 : i32
        %dma_start3A_233 = tpu.memref_slice %arg19[%dma_start3A_231, %dma_start3A_232] : memref<10000x128xf32, #tpu.memory_space<vmem_shared>> -> memref<10000x128xf32, #tpu.memory_space<vmem_shared>>
        tpu.enqueue_indirect_dma source(%arg18 : memref<64x128xf32, #tpu.memory_space<vmem>>) target(%dma_start3A_233 : memref<10000x128xf32, #tpu.memory_space<vmem_shared>>) offsets(%arg12 : memref<64xi32, #tpu.memory_space<vmem>>) semaphore(%arg34 : memref<!tpu.dma_semaphore, #tpu.memory_space<semaphore_mem>>) {add = true}
      } else {
      }
      %scan3A_212 = arith.constant 0 : i32
      scf.yield %scan3A_212 : i32
    }
    %scan3A_92 = arith.constant 53 : i32
    %dma_wait3A_93 = arith.constant 0 : i32
    %dma_wait3A_94 = arith.constant 0 : i32
    %dma_wait3A_95 = tpu.memref_slice %arg19[%dma_wait3A_93, %dma_wait3A_94] : memref<10000x128xf32, #tpu.memory_space<vmem_shared>> -> memref<64x128xf32, #tpu.memory_space<vmem_shared>>
    %dma_wait3A_96 = arith.constant 0 : i32
    %dma_wait3A_97 = arith.constant 0 : i32
    %dma_wait3A_98 = tpu.memref_slice %arg19[%dma_wait3A_96, %dma_wait3A_97] : memref<10000x128xf32, #tpu.memory_space<vmem_shared>> -> memref<64x128xf32, #tpu.memory_space<vmem_shared>>
    tpu.wait_dma2 semaphore(%arg32 : memref<!tpu.dma_semaphore, #tpu.memory_space<semaphore_mem>>) src(%arg16 : memref<64x128xf32, #tpu.memory_space<vmem>>) dst(%dma_wait3A_98 : memref<64x128xf32, #tpu.memory_space<vmem_shared>>)
    %dma_wait3A_99 = arith.constant 0 : i32
    %dma_wait3A_100 = arith.constant 0 : i32
    %dma_wait3A_101 = tpu.memref_slice %arg19[%dma_wait3A_99, %dma_wait3A_100] : memref<10000x128xf32, #tpu.memory_space<vmem_shared>> -> memref<64x128xf32, #tpu.memory_space<vmem_shared>>
    %dma_wait3A_102 = arith.constant 0 : i32
    %dma_wait3A_103 = arith.constant 0 : i32
    %dma_wait3A_104 = tpu.memref_slice %arg19[%dma_wait3A_102, %dma_wait3A_103] : memref<10000x128xf32, #tpu.memory_space<vmem_shared>> -> memref<64x128xf32, #tpu.memory_space<vmem_shared>>
    tpu.wait_dma2 semaphore(%arg33 : memref<!tpu.dma_semaphore, #tpu.memory_space<semaphore_mem>>) src(%arg17 : memref<64x128xf32, #tpu.memory_space<vmem>>) dst(%dma_wait3A_104 : memref<64x128xf32, #tpu.memory_space<vmem_shared>>)
    %dma_wait3A_105 = arith.constant 0 : i32
    %dma_wait3A_106 = arith.constant 0 : i32
    %dma_wait3A_107 = tpu.memref_slice %arg19[%dma_wait3A_105, %dma_wait3A_106] : memref<10000x128xf32, #tpu.memory_space<vmem_shared>> -> memref<64x128xf32, #tpu.memory_space<vmem_shared>>
    %dma_wait3A_108 = arith.constant 0 : i32
    %dma_wait3A_109 = arith.constant 0 : i32
    %dma_wait3A_110 = tpu.memref_slice %arg19[%dma_wait3A_108, %dma_wait3A_109] : memref<10000x128xf32, #tpu.memory_space<vmem_shared>> -> memref<64x128xf32, #tpu.memory_space<vmem_shared>>
    tpu.wait_dma2 semaphore(%arg34 : memref<!tpu.dma_semaphore, #tpu.memory_space<semaphore_mem>>) src(%arg18 : memref<64x128xf32, #tpu.memory_space<vmem>>) dst(%dma_wait3A_110 : memref<64x128xf32, #tpu.memory_space<vmem_shared>>)
    %barrier3A_111 = arith.constant 0 : index
    tpu.barrier barrier_id(%barrier3A_111)
    %mul3A_112 = arith.constant 624 : i32
    %mul3A_113 = arith.muli %arg1, %mul3A_112 : i32
    %mul3A_114 = arith.constant 10000 : i32
    %mul3A_115 = arith.muli %arg0, %mul3A_114 : i32
    %add3A_116 = arith.addi %mul3A_115, %mul3A_113 : i32
    "tpu.region"() ({
      %run_scoped3A = tpu.sem_alloc : memref<!tpu.dma_semaphore, #tpu.memory_space<semaphore_mem>>
      %dma_start3A_122 = arith.constant 0 : i32
      %dma_start3A_123 = tpu.memref_slice %arg6[%add3A_116, %dma_start3A_122] : memref<20000x128xf32, #tpu.memory_space<hbm>> -> memref<624x128xf32, #tpu.memory_space<hbm>>
      %dma_start3A_124 = arith.constant 0 : i32
      %dma_start3A_125 = tpu.memref_slice %arg19[%mul3A_113, %dma_start3A_124] : memref<10000x128xf32, #tpu.memory_space<vmem_shared>> -> memref<624x128xf32, #tpu.memory_space<vmem_shared>>
      tpu.enqueue_dma source(%dma_start3A_125 : memref<624x128xf32, #tpu.memory_space<vmem_shared>>) target(%dma_start3A_123 : memref<624x128xf32, #tpu.memory_space<hbm>>) target_semaphore(%run_scoped3A : memref<!tpu.dma_semaphore, #tpu.memory_space<semaphore_mem>>)
      %dma_wait3A_126 = arith.constant 0 : i32
      %dma_wait3A_127 = tpu.memref_slice %arg6[%add3A_116, %dma_wait3A_126] : memref<20000x128xf32, #tpu.memory_space<hbm>> -> memref<624x128xf32, #tpu.memory_space<hbm>>
      %dma_wait3A_128 = arith.constant 0 : i32
      %dma_wait3A_129 = tpu.memref_slice %arg19[%mul3A_113, %dma_wait3A_128] : memref<10000x128xf32, #tpu.memory_space<vmem_shared>> -> memref<624x128xf32, #tpu.memory_space<vmem_shared>>
      tpu.wait_dma2 semaphore(%run_scoped3A : memref<!tpu.dma_semaphore, #tpu.memory_space<semaphore_mem>>) src(%dma_wait3A_129 : memref<624x128xf32, #tpu.memory_space<vmem_shared>>) dst(%dma_wait3A_127 : memref<624x128xf32, #tpu.memory_space<hbm>>)
      tpu.yield
    }) : () -> ()
    %eq3A_117 = arith.constant 15 : i32
    %eq3A_118 = arith.cmpi eq, %arg1, %eq3A_117 : i32
    %convert_element_type3A_119 = arith.extui %eq3A_118 : i1 to i32
    %cond3A_120 = arith.constant 0 : i32
    %cond3A_121 = arith.cmpi ne, %convert_element_type3A_119, %cond3A_120 : i32
    scf.if %cond3A_121 {
      %mul3A_122 = arith.constant 10000 : i32
      %mul3A_123 = arith.muli %arg0, %mul3A_122 : i32
      %add3A_124 = arith.constant 9984 : i32
      %add3A_125 = arith.addi %mul3A_123, %add3A_124 : i32
      "tpu.region"() ({
        %run_scoped3A = tpu.sem_alloc : memref<!tpu.dma_semaphore, #tpu.memory_space<semaphore_mem>>
        %dma_start3A_126 = arith.constant 0 : i32
        %dma_start3A_127 = tpu.memref_slice %arg6[%add3A_125, %dma_start3A_126] : memref<20000x128xf32, #tpu.memory_space<hbm>> -> memref<16x128xf32, #tpu.memory_space<hbm>>
        %dma_start3A_128 = arith.constant 9984 : i32
        %dma_start3A_129 = arith.constant 0 : i32
        %dma_start3A_130 = tpu.memref_slice %arg19[%dma_start3A_128, %dma_start3A_129] : memref<10000x128xf32, #tpu.memory_space<vmem_shared>> -> memref<16x128xf32, #tpu.memory_space<vmem_shared>>
        tpu.enqueue_dma source(%dma_start3A_130 : memref<16x128xf32, #tpu.memory_space<vmem_shared>>) target(%dma_start3A_127 : memref<16x128xf32, #tpu.memory_space<hbm>>) target_semaphore(%run_scoped3A : memref<!tpu.dma_semaphore, #tpu.memory_space<semaphore_mem>>)
        %dma_wait3A_131 = arith.constant 0 : i32
        %dma_wait3A_132 = tpu.memref_slice %arg6[%add3A_125, %dma_wait3A_131] : memref<20000x128xf32, #tpu.memory_space<hbm>> -> memref<16x128xf32, #tpu.memory_space<hbm>>
        %dma_wait3A_133 = arith.constant 9984 : i32
        %dma_wait3A_134 = arith.constant 0 : i32
        %dma_wait3A_135 = tpu.memref_slice %arg19[%dma_wait3A_133, %dma_wait3A_134] : memref<10000x128xf32, #tpu.memory_space<vmem_shared>> -> memref<16x128xf32, #tpu.memory_space<vmem_shared>>
        tpu.wait_dma2 semaphore(%run_scoped3A : memref<!tpu.dma_semaphore, #tpu.memory_space<semaphore_mem>>) src(%dma_wait3A_135 : memref<16x128xf32, #tpu.memory_space<vmem_shared>>) dst(%dma_wait3A_132 : memref<16x128xf32, #tpu.memory_space<hbm>>)
        tpu.yield
      }) : () -> ()
    } else {
    }
    return
  }
}

module attributes {stable_mosaic.version = 14 : i64} {
  func.func @_edge_mlp_body(%arg0: i32, %arg1: memref<2000x16xf32, #tpu.memory_space<vmem>>, %arg2: memref<16x128xf32, #tpu.memory_space<vmem>>, %arg3: memref<1x128xf32, #tpu.memory_space<vmem>>, %arg4: memref<16x128xf32, #tpu.memory_space<vmem>>, %arg5: memref<1x128xf32, #tpu.memory_space<vmem>>, %arg6: memref<16x128xf32, #tpu.memory_space<vmem>>, %arg7: memref<1x128xf32, #tpu.memory_space<vmem>>, %arg8: memref<2000x128xf32, #tpu.memory_space<vmem>>, %arg9: memref<2000x128xf32, #tpu.memory_space<vmem>>, %arg10: memref<2000x128xf32, #tpu.memory_space<vmem>>) attributes {dimension_semantics = [#tpu.dimension_semantics<arbitrary>], iteration_bounds = array<i64: 160>, scalar_prefetch = 0 : i64, scratch_operands = 0 : i64, tpu.core_type = #tpu.core_type<tc>, window_params = [{transform_indices = @transform_0, window_bounds = array<i64: 2000, 16>}, {pipeline_mode = #tpu.pipeline_mode<synchronous>, transform_indices = @transform_1, window_bounds = array<i64: 16, 128>}, {pipeline_mode = #tpu.pipeline_mode<synchronous>, transform_indices = @transform_2, window_bounds = array<i64: 1, 128>}, {pipeline_mode = #tpu.pipeline_mode<synchronous>, transform_indices = @transform_3, window_bounds = array<i64: 16, 128>}, {pipeline_mode = #tpu.pipeline_mode<synchronous>, transform_indices = @transform_4, window_bounds = array<i64: 1, 128>}, {pipeline_mode = #tpu.pipeline_mode<synchronous>, transform_indices = @transform_5, window_bounds = array<i64: 16, 128>}, {pipeline_mode = #tpu.pipeline_mode<synchronous>, transform_indices = @transform_6, window_bounds = array<i64: 1, 128>}, {transform_indices = @transform_7, window_bounds = array<i64: 2000, 128>}, {transform_indices = @transform_8, window_bounds = array<i64: 2000, 128>}, {transform_indices = @transform_9, window_bounds = array<i64: 2000, 128>}]} {
    %get3A = arith.constant 0 : index
    %get3A_0 = arith.constant 0 : index
    %get3A_1 = vector.load %arg1[%get3A, %get3A_0] : memref<2000x16xf32, #tpu.memory_space<vmem>>, vector<2000x16xf32>
    %get3A_2 = arith.constant 0 : index
    %get3A_3 = arith.constant 0 : index
    %get3A_4 = vector.load %arg2[%get3A_2, %get3A_3] : memref<16x128xf32, #tpu.memory_space<vmem>>, vector<16x128xf32>
    %dot_general3A = arith.constant dense<0.000000e+00> : vector<2000x128xf32>
    %dot_general3A_5 = tpu.matmul %get3A_1, %get3A_4, %dot_general3A {dimension_numbers = #tpu.dot_dimension_numbers<[1], [0], [0], [1], [0, 0, 1, 1], [], []>, transpose_lhs_hint = false} : vector<2000x16xf32>, vector<16x128xf32>, vector<2000x128xf32> -> vector<2000x128xf32>
    %get3A_6 = arith.constant 0 : index
    %get3A_7 = arith.constant 0 : index
    %get3A_8 = vector.load %arg3[%get3A_6, %get3A_7] : memref<1x128xf32, #tpu.memory_space<vmem>>, vector<1x128xf32>
    %add3A = vector.broadcast %get3A_8 : vector<1x128xf32> to vector<2000x128xf32>
    %add3A_9 = arith.addf %dot_general3A_5, %add3A : vector<2000x128xf32>
    %swap3A = arith.constant 0 : index
    %swap3A_10 = arith.constant 0 : index
    %swap3A_11 = vector.load %arg8[%swap3A, %swap3A_10] : memref<2000x128xf32, #tpu.memory_space<vmem>>, vector<2000x128xf32>
    tpu.vector_store %arg8[%swap3A, %swap3A_10], %add3A_9 {strides = array<i32>} : memref<2000x128xf32, #tpu.memory_space<vmem>>, vector<2000x128xf32>,
    %get3A_12 = arith.constant 0 : index
    %get3A_13 = arith.constant 0 : index
    %get3A_14 = vector.load %arg4[%get3A_12, %get3A_13] : memref<16x128xf32, #tpu.memory_space<vmem>>, vector<16x128xf32>
    %dot_general3A_15 = arith.constant dense<0.000000e+00> : vector<2000x128xf32>
    %dot_general3A_16 = tpu.matmul %get3A_1, %get3A_14, %dot_general3A_15 {dimension_numbers = #tpu.dot_dimension_numbers<[1], [0], [0], [1], [0, 0, 1, 1], [], []>, transpose_lhs_hint = false} : vector<2000x16xf32>, vector<16x128xf32>, vector<2000x128xf32> -> vector<2000x128xf32>
    %get3A_17 = arith.constant 0 : index
    %get3A_18 = arith.constant 0 : index
    %get3A_19 = vector.load %arg5[%get3A_17, %get3A_18] : memref<1x128xf32, #tpu.memory_space<vmem>>, vector<1x128xf32>
    %add3A_20 = vector.broadcast %get3A_19 : vector<1x128xf32> to vector<2000x128xf32>
    %add3A_21 = arith.addf %dot_general3A_16, %add3A_20 : vector<2000x128xf32>
    %swap3A_22 = arith.constant 0 : index
    %swap3A_23 = arith.constant 0 : index
    %swap3A_24 = vector.load %arg9[%swap3A_22, %swap3A_23] : memref<2000x128xf32, #tpu.memory_space<vmem>>, vector<2000x128xf32>
    tpu.vector_store %arg9[%swap3A_22, %swap3A_23], %add3A_21 {strides = array<i32>} : memref<2000x128xf32, #tpu.memory_space<vmem>>, vector<2000x128xf32>,
    %get3A_25 = arith.constant 0 : index
    %get3A_26 = arith.constant 0 : index
    %get3A_27 = vector.load %arg6[%get3A_25, %get3A_26] : memref<16x128xf32, #tpu.memory_space<vmem>>, vector<16x128xf32>
    %dot_general3A_28 = arith.constant dense<0.000000e+00> : vector<2000x128xf32>
    %dot_general3A_29 = tpu.matmul %get3A_1, %get3A_27, %dot_general3A_28 {dimension_numbers = #tpu.dot_dimension_numbers<[1], [0], [0], [1], [0, 0, 1, 1], [], []>, transpose_lhs_hint = false} : vector<2000x16xf32>, vector<16x128xf32>, vector<2000x128xf32> -> vector<2000x128xf32>
    %get3A_30 = arith.constant 0 : index
    %get3A_31 = arith.constant 0 : index
    %get3A_32 = vector.load %arg7[%get3A_30, %get3A_31] : memref<1x128xf32, #tpu.memory_space<vmem>>, vector<1x128xf32>
    %add3A_33 = vector.broadcast %get3A_32 : vector<1x128xf32> to vector<2000x128xf32>
    %add3A_34 = arith.addf %dot_general3A_29, %add3A_33 : vector<2000x128xf32>
    %swap3A_35 = arith.constant 0 : index
    %swap3A_36 = arith.constant 0 : index
    %swap3A_37 = vector.load %arg10[%swap3A_35, %swap3A_36] : memref<2000x128xf32, #tpu.memory_space<vmem>>, vector<2000x128xf32>
    tpu.vector_store %arg10[%swap3A_35, %swap3A_36], %add3A_34 {strides = array<i32>} : memref<2000x128xf32, #tpu.memory_space<vmem>>, vector<2000x128xf32>,
    return
  }
  func.func @transform_0(%arg0: i32) -> (i32, i32) {
    %c0_i32 = arith.constant 0 : i32
    %c0_i32_0 = arith.constant 0 : i32
    return %arg0, %c0_i32 : i32, i32
  }
  func.func @transform_1(%arg0: i32) -> (i32, i32) {
    %c0_i32 = arith.constant 0 : i32
    %c0_i32_0 = arith.constant 0 : i32
    %c0_i32_1 = arith.constant 0 : i32
    return %c0_i32, %c0_i32_0 : i32, i32
  }
  func.func @transform_2(%arg0: i32) -> (i32, i32) {
    %c0_i32 = arith.constant 0 : i32
    %c0_i32_0 = arith.constant 0 : i32
    %c0_i32_1 = arith.constant 0 : i32
    return %c0_i32, %c0_i32_0 : i32, i32
  }
  func.func @transform_3(%arg0: i32) -> (i32, i32) {
    %c0_i32 = arith.constant 0 : i32
    %c0_i32_0 = arith.constant 0 : i32
    %c0_i32_1 = arith.constant 0 : i32
    return %c0_i32, %c0_i32_0 : i32, i32
  }
  func.func @transform_4(%arg0: i32) -> (i32, i32) {
    %c0_i32 = arith.constant 0 : i32
    %c0_i32_0 = arith.constant 0 : i32
    %c0_i32_1 = arith.constant 0 : i32
    return %c0_i32, %c0_i32_0 : i32, i32
  }
  func.func @transform_5(%arg0: i32) -> (i32, i32) {
    %c0_i32 = arith.constant 0 : i32
    %c0_i32_0 = arith.constant 0 : i32
    %c0_i32_1 = arith.constant 0 : i32
    return %c0_i32, %c0_i32_0 : i32, i32
  }
  func.func @transform_6(%arg0: i32) -> (i32, i32) {
    %c0_i32 = arith.constant 0 : i32
    %c0_i32_0 = arith.constant 0 : i32
    %c0_i32_1 = arith.constant 0 : i32
    return %c0_i32, %c0_i32_0 : i32, i32
  }
  func.func @transform_7(%arg0: i32) -> (i32, i32) {
    %c0_i32 = arith.constant 0 : i32
    %c0_i32_0 = arith.constant 0 : i32
    return %arg0, %c0_i32 : i32, i32
  }
  func.func @transform_8(%arg0: i32) -> (i32, i32) {
    %c0_i32 = arith.constant 0 : i32
    %c0_i32_0 = arith.constant 0 : i32
    return %arg0, %c0_i32 : i32, i32
  }
  func.func @transform_9(%arg0: i32) -> (i32, i32) {
    %c0_i32 = arith.constant 0 : i32
    %c0_i32_0 = arith.constant 0 : i32
    return %arg0, %c0_i32 : i32, i32
  }
}

module attributes {stable_mosaic.version = 14 : i64} {
  func.func @_node_body(%arg0: memref<10000x128xf32, #tpu.memory_space<vmem>>, %arg1: memref<20000x128xf32, #tpu.memory_space<vmem>>, %arg2: memref<128x128xf32, #tpu.memory_space<vmem>>, %arg3: memref<1x128xf32, #tpu.memory_space<vmem>>, %arg4: memref<1x128xf32, #tpu.memory_space<vmem>>, %arg5: memref<1x128xf32, #tpu.memory_space<vmem>>, %arg6: memref<10000x128xf32, #tpu.memory_space<vmem>>) attributes {dimension_semantics = [], scalar_prefetch = 0 : i64, scratch_operands = 0 : i64, tpu.core_type = #tpu.core_type<tc>} {
    %get3A = arith.constant 0 : index
    %get3A_0 = arith.constant 0 : index
    %get3A_1 = vector.load %arg0[%get3A, %get3A_0] : memref<10000x128xf32, #tpu.memory_space<vmem>>, vector<10000x128xf32>
    %get3A_2 = arith.constant 0 : index
    %get3A_3 = arith.constant 0 : index
    %get3A_4 = vector.load %arg1[%get3A_2, %get3A_3] : memref<20000x128xf32, #tpu.memory_space<vmem>>, vector<10000x128xf32>
    %add3A = arith.addf %get3A_1, %get3A_4 : vector<10000x128xf32>
    %get3A_5 = arith.constant 10000 : index
    %get3A_6 = arith.constant 0 : index
    %get3A_7 = vector.load %arg1[%get3A_5, %get3A_6] : memref<20000x128xf32, #tpu.memory_space<vmem>>, vector<10000x128xf32>
    %add3A_8 = arith.addf %add3A, %get3A_7 : vector<10000x128xf32>
    %get3A_9 = arith.constant 0 : index
    %get3A_10 = arith.constant 0 : index
    %get3A_11 = vector.load %arg2[%get3A_9, %get3A_10] : memref<128x128xf32, #tpu.memory_space<vmem>>, vector<128x128xf32>
    %dot_general3A = arith.constant dense<0.000000e+00> : vector<10000x128xf32>
    %dot_general3A_12 = tpu.matmul %add3A_8, %get3A_11, %dot_general3A {dimension_numbers = #tpu.dot_dimension_numbers<[1], [0], [0], [1], [0, 0, 1, 1], [], []>, transpose_lhs_hint = false} : vector<10000x128xf32>, vector<128x128xf32>, vector<10000x128xf32> -> vector<10000x128xf32>
    %get3A_13 = arith.constant 0 : index
    %get3A_14 = arith.constant 0 : index
    %get3A_15 = vector.load %arg3[%get3A_13, %get3A_14] : memref<1x128xf32, #tpu.memory_space<vmem>>, vector<1x128xf32>
    %add3A_16 = vector.broadcast %get3A_15 : vector<1x128xf32> to vector<10000x128xf32>
    %add3A_17 = arith.addf %dot_general3A_12, %add3A_16 : vector<10000x128xf32>
    %reduce_sum3A = arith.constant dense<0.000000e+00> : vector<128xf32>
    %reduce_sum3A_18 = vector.multi_reduction <add>, %add3A_17, %reduce_sum3A [0] : vector<10000x128xf32> to vector<128xf32>
    %broadcast_in_dim3A = vector.shape_cast %reduce_sum3A_18 : vector<128xf32> to vector<1x128xf32>
    %div3A = arith.constant 1.000000e+04 : f32
    %div3A_19 = vector.broadcast %div3A : f32 to vector<1x128xf32>
    %div3A_20 = arith.divf %broadcast_in_dim3A, %div3A_19 : vector<1x128xf32>
    %mul3A = arith.mulf %add3A_17, %add3A_17 : vector<10000x128xf32>
    %reduce_sum3A_21 = arith.constant dense<0.000000e+00> : vector<128xf32>
    %reduce_sum3A_22 = vector.multi_reduction <add>, %mul3A, %reduce_sum3A_21 [0] : vector<10000x128xf32> to vector<128xf32>
    %broadcast_in_dim3A_23 = vector.shape_cast %reduce_sum3A_22 : vector<128xf32> to vector<1x128xf32>
    %div3A_24 = arith.constant 1.000000e+04 : f32
    %div3A_25 = vector.broadcast %div3A_24 : f32 to vector<1x128xf32>
    %div3A_26 = arith.divf %broadcast_in_dim3A_23, %div3A_25 : vector<1x128xf32>
    %mul3A_27 = arith.mulf %div3A_20, %div3A_20 : vector<1x128xf32>
    %sub3A = arith.subf %div3A_26, %mul3A_27 : vector<1x128xf32>
    %sub3A_28 = vector.broadcast %div3A_20 : vector<1x128xf32> to vector<10000x128xf32>
    %sub3A_29 = arith.subf %add3A_17, %sub3A_28 : vector<10000x128xf32>
    %add3A_30 = arith.constant 9.99999974E-6 : f32
    %add3A_31 = vector.broadcast %add3A_30 : f32 to vector<1x128xf32>
    %add3A_32 = arith.addf %sub3A, %add3A_31 : vector<1x128xf32>
    %rsqrt3A = math.rsqrt %add3A_32 : vector<1x128xf32>
    %mul3A_33 = vector.broadcast %rsqrt3A : vector<1x128xf32> to vector<10000x128xf32>
    %mul3A_34 = arith.mulf %sub3A_29, %mul3A_33 : vector<10000x128xf32>
    %get3A_35 = arith.constant 0 : index
    %get3A_36 = arith.constant 0 : index
    %get3A_37 = vector.load %arg4[%get3A_35, %get3A_36] : memref<1x128xf32, #tpu.memory_space<vmem>>, vector<1x128xf32>
    %mul3A_38 = vector.broadcast %get3A_37 : vector<1x128xf32> to vector<10000x128xf32>
    %mul3A_39 = arith.mulf %mul3A_34, %mul3A_38 : vector<10000x128xf32>
    %get3A_40 = arith.constant 0 : index
    %get3A_41 = arith.constant 0 : index
    %get3A_42 = vector.load %arg5[%get3A_40, %get3A_41] : memref<1x128xf32, #tpu.memory_space<vmem>>, vector<1x128xf32>
    %add3A_43 = vector.broadcast %get3A_42 : vector<1x128xf32> to vector<10000x128xf32>
    %add3A_44 = arith.addf %mul3A_39, %add3A_43 : vector<10000x128xf32>
    %ge3A = arith.constant 0.000000e+00 : f32
    %ge3A_45 = vector.broadcast %ge3A : f32 to vector<10000x128xf32>
    %ge3A_46 = arith.cmpf oge, %add3A_44, %ge3A_45 : vector<10000x128xf32>
    %mul3A_47 = arith.constant 0.00999999977 : f32
    %mul3A_48 = vector.broadcast %mul3A_47 : f32 to vector<10000x128xf32>
    %mul3A_49 = arith.mulf %mul3A_48, %add3A_44 : vector<10000x128xf32>
    %select_n3A = arith.select %ge3A_46, %add3A_44, %mul3A_49 : vector<10000x128xi1>, vector<10000x128xf32>
    %swap3A = arith.constant 0 : index
    %swap3A_50 = arith.constant 0 : index
    %swap3A_51 = vector.load %arg6[%swap3A, %swap3A_50] : memref<10000x128xf32, #tpu.memory_space<vmem>>, vector<10000x128xf32>
    tpu.vector_store %arg6[%swap3A, %swap3A_50], %select_n3A {strides = array<i32>} : memref<10000x128xf32, #tpu.memory_space<vmem>>, vector<10000x128xf32>,
    return
  }
}

module attributes {stable_mosaic.version = 14 : i64} {
  func.func @_final_body(%arg0: memref<10000x128xf32, #tpu.memory_space<vmem>>, %arg1: memref<10000x128xf32, #tpu.memory_space<vmem>>, %arg2: memref<10000x128xf32, #tpu.memory_space<vmem>>, %arg3: memref<1x10000xi32, #tpu.memory_space<vmem>>, %arg4: memref<10000x1xi32, #tpu.memory_space<vmem>>, %arg5: memref<512x1xf32, #tpu.memory_space<vmem>>, %arg6: memref<1x1xf32, #tpu.memory_space<vmem>>, %arg7: memref<10000x1xf32, #tpu.memory_space<vmem>>) attributes {dimension_semantics = [], scalar_prefetch = 0 : i64, scratch_operands = 0 : i64, tpu.core_type = #tpu.core_type<tc>} {
    %get3A = arith.constant 0 : index
    %get3A_0 = arith.constant 0 : index
    %get3A_1 = vector.load %arg5[%get3A, %get3A_0] : memref<512x1xf32, #tpu.memory_space<vmem>>, vector<128x1xf32>
    %get3A_2 = arith.constant 128 : index
    %get3A_3 = arith.constant 0 : index
    %get3A_4 = vector.load %arg5[%get3A_2, %get3A_3] : memref<512x1xf32, #tpu.memory_space<vmem>>, vector<128x1xf32>
    %get3A_5 = arith.constant 256 : index
    %get3A_6 = arith.constant 0 : index
    %get3A_7 = vector.load %arg5[%get3A_5, %get3A_6] : memref<512x1xf32, #tpu.memory_space<vmem>>, vector<128x1xf32>
    %get3A_8 = arith.constant 384 : index
    %get3A_9 = arith.constant 0 : index
    %get3A_10 = vector.load %arg5[%get3A_8, %get3A_9] : memref<512x1xf32, #tpu.memory_space<vmem>>, vector<128x1xf32>
    %get3A_11 = arith.constant 0 : index
    %get3A_12 = arith.constant 0 : index
    %get3A_13 = vector.load %arg2[%get3A_11, %get3A_12] : memref<10000x128xf32, #tpu.memory_space<vmem>>, vector<10000x128xf32>
    %get3A_14 = arith.constant 0 : index
    %get3A_15 = arith.constant 0 : index
    %get3A_16 = vector.load %arg0[%get3A_14, %get3A_15] : memref<10000x128xf32, #tpu.memory_space<vmem>>, vector<10000x128xf32>
    %dot_general3A = arith.constant dense<0.000000e+00> : vector<10000x1xf32>
    %dot_general3A_17 = tpu.matmul %get3A_16, %get3A_1, %dot_general3A {dimension_numbers = #tpu.dot_dimension_numbers<[1], [0], [0], [1], [0, 0, 1, 1], [], []>, transpose_lhs_hint = false} : vector<10000x128xf32>, vector<128x1xf32>, vector<10000x1xf32> -> vector<10000x1xf32>
    %get3A_18 = arith.constant 0 : index
    %get3A_19 = arith.constant 0 : index
    %get3A_20 = vector.load %arg1[%get3A_18, %get3A_19] : memref<10000x128xf32, #tpu.memory_space<vmem>>, vector<10000x128xf32>
    %dot_general3A_21 = arith.constant dense<0.000000e+00> : vector<10000x1xf32>
    %dot_general3A_22 = tpu.matmul %get3A_20, %get3A_4, %dot_general3A_21 {dimension_numbers = #tpu.dot_dimension_numbers<[1], [0], [0], [1], [0, 0, 1, 1], [], []>, transpose_lhs_hint = false} : vector<10000x128xf32>, vector<128x1xf32>, vector<10000x1xf32> -> vector<10000x1xf32>
    %add3A = arith.addf %dot_general3A_17, %dot_general3A_22 : vector<10000x1xf32>
    %dot_general3A_23 = arith.constant dense<0.000000e+00> : vector<10000x1xf32>
    %dot_general3A_24 = tpu.matmul %get3A_13, %get3A_7, %dot_general3A_23 {dimension_numbers = #tpu.dot_dimension_numbers<[1], [0], [0], [1], [0, 0, 1, 1], [], []>, transpose_lhs_hint = false} : vector<10000x128xf32>, vector<128x1xf32>, vector<10000x1xf32> -> vector<10000x1xf32>
    %add3A_25 = arith.addf %add3A, %dot_general3A_24 : vector<10000x1xf32>
    %iota3A = tpu.iota {dimensions = array<i32: 0>} : vector<64x10000xi32>
    %get3A_26 = arith.constant 0 : index
    %get3A_27 = arith.constant 0 : index
    %get3A_28 = vector.load %arg3[%get3A_26, %get3A_27] : memref<1x10000xi32, #tpu.memory_space<vmem>>, vector<1x10000xi32>
    %eq3A = vector.broadcast %get3A_28 : vector<1x10000xi32> to vector<64x10000xi32>
    %eq3A_29 = arith.cmpi eq, %iota3A, %eq3A : vector<64x10000xi32>
    %convert_element_type3A = arith.extui %eq3A_29 : vector<64x10000xi1> to vector<64x10000xi32>
    %convert_element_type3A_30 = arith.sitofp %convert_element_type3A : vector<64x10000xi32> to vector<64x10000xf32>
    %dot_general3A_31 = arith.constant dense<0.000000e+00> : vector<64x128xf32>
    %dot_general3A_32 = tpu.matmul %convert_element_type3A_30, %get3A_13, %dot_general3A_31 {dimension_numbers = #tpu.dot_dimension_numbers<[1], [0], [0], [1], [0, 0, 1, 1], [], []>, transpose_lhs_hint = false} : vector<64x10000xf32>, vector<10000x128xf32>, vector<64x128xf32> -> vector<64x128xf32>
    %dot_general3A_33 = arith.constant dense<0.000000e+00> : vector<64x1xf32>
    %dot_general3A_34 = tpu.matmul %dot_general3A_32, %get3A_10, %dot_general3A_33 {dimension_numbers = #tpu.dot_dimension_numbers<[1], [0], [0], [1], [0, 0, 1, 1], [], []>, transpose_lhs_hint = false} : vector<64x128xf32>, vector<128x1xf32>, vector<64x1xf32> -> vector<64x1xf32>
    %iota3A_35 = tpu.iota {dimensions = array<i32: 1>} : vector<10000x64xi32>
    %get3A_36 = arith.constant 0 : index
    %get3A_37 = arith.constant 0 : index
    %get3A_38 = vector.load %arg4[%get3A_36, %get3A_37] : memref<10000x1xi32, #tpu.memory_space<vmem>>, vector<10000x1xi32>
    %eq3A_39 = vector.broadcast %get3A_38 : vector<10000x1xi32> to vector<10000x64xi32>
    %eq3A_40 = arith.cmpi eq, %iota3A_35, %eq3A_39 : vector<10000x64xi32>
    %convert_element_type3A_41 = arith.extui %eq3A_40 : vector<10000x64xi1> to vector<10000x64xi32>
    %convert_element_type3A_42 = arith.sitofp %convert_element_type3A_41 : vector<10000x64xi32> to vector<10000x64xf32>
    %dot_general3A_43 = arith.constant dense<0.000000e+00> : vector<10000x1xf32>
    %dot_general3A_44 = tpu.matmul %convert_element_type3A_42, %dot_general3A_34, %dot_general3A_43 {dimension_numbers = #tpu.dot_dimension_numbers<[1], [0], [0], [1], [0, 0, 1, 1], [], []>, transpose_lhs_hint = false} : vector<10000x64xf32>, vector<64x1xf32>, vector<10000x1xf32> -> vector<10000x1xf32>
    %add3A_45 = arith.addf %add3A_25, %dot_general3A_44 : vector<10000x1xf32>
    %get3A_46 = arith.constant 0 : index
    %get3A_47 = arith.constant 0 : index
    %get3A_48 = vector.load %arg6[%get3A_46, %get3A_47] : memref<1x1xf32, #tpu.memory_space<vmem>>, vector<1x1xf32>
    %add3A_49 = vector.broadcast %get3A_48 : vector<1x1xf32> to vector<10000x1xf32>
    %add3A_50 = arith.addf %add3A_45, %add3A_49 : vector<10000x1xf32>
    %neg3A = arith.constant 0.000000e+00 : f32
    %neg3A_51 = vector.broadcast %neg3A : f32 to vector<10000x1xf32>
    %neg3A_52 = arith.subf %neg3A_51, %add3A_50 : vector<10000x1xf32>
    %exp3A = math.exp %neg3A_52 : vector<10000x1xf32>
    %add3A_53 = arith.constant 1.000000e+00 : f32
    %add3A_54 = vector.broadcast %add3A_53 : f32 to vector<10000x1xf32>
    %add3A_55 = arith.addf %add3A_54, %exp3A : vector<10000x1xf32>
    %div3A = arith.constant 1.000000e+00 : f32
    %div3A_56 = vector.broadcast %div3A : f32 to vector<10000x1xf32>
    %div3A_57 = arith.divf %div3A_56, %add3A_55 : vector<10000x1xf32>
    %swap3A = arith.constant 0 : index
    %swap3A_58 = arith.constant 0 : index
    %swap3A_59 = vector.load %arg7[%swap3A, %swap3A_58] : memref<10000x1xf32, #tpu.memory_space<vmem>>, vector<10000x1xf32>
    tpu.vector_store %arg7[%swap3A, %swap3A_58], %div3A_57 {strides = array<i32>} : memref<10000x1xf32, #tpu.memory_space<vmem>>, vector<10000x1xf32>,
    return
  }
}

</mosaic_0001>

<sc_bundles>
// kernel: kernel.10.cloned.1.call-start
scs
__scs_entry_jumppad:
0x0: {  	(pc) =	sbr.rel $0x88, $3  }
0x1: {  	(tag) =	ssettag $0x0;
	lr =	simm.s32 $0x1  }
0x2: {  	[smem:$0x3F89] =	sst lr;
	_ =	strace $0xD0000000  }
0x3: {  	_ = 	snop  }
0x4: {  	_ = 	snop  }
0x5: {  	_ = 	snop  }
0x6: {  	_ = 	snop  }
0x7: {  	_ = 	snop  }
__scs_overlays_trampoline_lowered:
0x8: {  	[smem:$0x3F98] =	sst s0  }
0x9: {  	[smem:$0x3F99] =	sst s1  }
0xa: {  	[smem:$0x3F9A] =	sst s2  }
0xb: {  	[smem:$0x3F9B] =	sst s3  }
0xc: {  	[smem:$0x3F9C] =	sst s4  }
0xd: {  	[smem:$0x3F9D] =	sst s5  }
0xe: {  	[smem:$0x3F9E] =	sst s6  }
0xf: {  	[smem:$0x3F9F] =	sst s7  }
0x10: {  	[smem:$0x3FA0] =	sst s8  }
0x11: {  	[smem:$0x3FA1] =	sst s9;
	s0 =	simm.s32 @!p0 $0x0  }
0x12: {  	s1 =	sld [smem:$0x3F87];
	s0 =	simm.s32 @p0 $0x1  }
0x13: {  	[smem:$0x3FA2] =	sst s0;
	s0 =	simm.s32 @!p1 $0x0  }
0x14: {  	s2 =	sld [smem:$0x3F86];
	s0 =	simm.s32 @p1 $0x1  }
0x15: {  	[smem:$0x3FA3] =	sst s0;
	s0 =	simm.s32 @!p2 $0x0  }
0x16: {  	s3 =	sld [smem:$0x3FDB];
	s0 =	simm.s32 @p2 $0x1  }
0x17: {  	s4 =	simm.s32 $0x1BF5;
	[smem:$0x3FA5] =	sst s0  }
0x18: {  	s0 =	sld [smem:$0x3F88];
	_ =	swait.ge [sflag:s4], $0x0  }
0x19: {  	s7 =	sld [smem:$0x3F89]  }
0x1a: {  	s8 =	sadd.s32 $0xFFFFE003, lr  }
0x1b: {  	s9 =	sadd.s32 $0xFFFFFEF7, lr;
	s5 =	simm.s32 $0xFFFFFFFF;
	p2 =	slt.u32 s8, $0xFFFFF086  }
0x1c: {  	p1 =	slt.u32 s9, $0xF7A;
	s5 =	simm.s32 @!p2 $0x0  }
0x1d: {  	s5 =	simm.s32 @p1 $0x1;
	p0 =	seq.s32 s7, s2  }
0x1e: {  	s7 =	smul.u32 @!p0 $0xF7A, s2;
	p2 =	seq.s32 @!p0 s5, $0x0  }
0x1f: {  	s9 =	smul.u32 $0xF7A, s1;
	s8 =	simm.s32 @!p0 $0x1BF5;
	p2 =	por !p2, p0  }
0x20: {  	[sflag:s8] =	ssyncset.s32 @!p0 $0xFFFFF086;
	s6 =	sadd.s32 @!p0 s3, s7;
	s7 =	simm.s32 @!p0 $0x108  }
0x21: {  	s3 =	sadd.s32 s3, s9;
	s6 =	sadd.s32 @!p0 $0x88, s6;
	s7 =	simm.s32 @p2 $0x1082  }
0x22: {  	[simem:s7], [sflag:s8] =	dma.local @!p0 [hbm:s6], $0xF7A  }
0x23: {  	s9 =	sor.u32 $0xD0000000, s2;
	s6 =	simm.s32 $0x108;
	_ =	swait.ge @!p0 [sflag:s8], $0x0  }
0x24: {  	s3 =	sadd.s32 $0x88, s3;
	s6 =	simm.s32 @!p1 $0x1082;
	[sflag:s4] =	ssyncset.s32 $0xFFFFF086  }
0x25: {  	[simem:s6], [sflag:s4] =	dma.local [hbm:s3], $0xF7A  }
0x26: {  	[smem:$0x3F89] =	sst s1;
	(tag) =	ssettag s2;
	_ =	strace s9  }
0x27: {  	s1 =	sld [smem:$0x3F99]  }
0x28: {  	s2 =	sld [smem:$0x3F9A]  }
0x29: {  	s4 =	sld [smem:$0x3F9C]  }
0x2a: {  	p0 =	seq.s32 s5, $0x0;
	s5 =	sld [smem:$0x3F9D]  }
0x2b: {  	s6 =	sld [smem:$0x3F9E]  }
0x2c: {  	s7 =	sld [smem:$0x3F9F]  }
0x2d: {  	s3 =	simm.s32 $0x108;
	s8 =	sld [smem:$0x3FA0]  }
0x2e: {  	s3 =	simm.s32 @!p0 $0x1082;
	s9 =	sld [smem:$0x3FA1]  }
0x2f: {  	lr =	sadd.s32 s0, s3;
	s0 =	sld [smem:$0x3F98]  }
0x30: {  	s3 =	sld [smem:$0x3F9B]  }
0x31: {  	[smem:$0x3FA4] =	sst s10  }
0x32: {  	s10 =	sld [smem:$0x3FA2];
	_ =	sdelay $0x3  }
0x33: {  	p0 =	seq.s32 s10, $0x1;
	s10 =	sld [smem:$0x3FA4];
	_ =	sdelay $0x3  }
0x34: {  	[smem:$0x3FA4] =	sst s10  }
0x35: {  	s10 =	sld [smem:$0x3FA3];
	_ =	sdelay $0x3  }
0x36: {  	p1 =	seq.s32 s10, $0x1;
	s10 =	sld [smem:$0x3FA4];
	_ =	sdelay $0x3  }
0x37: {  	[smem:$0x3FA4] =	sst s10  }
0x38: {  	s10 =	sld [smem:$0x3FA5]  }
0x39: {  	_ = 	snop;
	(pc) =	sbr.ind lr, $3  }
0x3a: {  	_ = 	snop  }
0x3b: {  	_ = 	snop  }
0x3c: {  	p2 =	seq.s32 s10, $0x1;
	s10 =	sld [smem:$0x3FA4]  }
0x3d: {  	_ =	shalt  }
0x3e: {  	_ =	shalt  }
0x3f: {  	_ =	shalt  }
0x40: {  	_ =	shalt  }
0x41: {  	_ =	shalt  }
0x42: {  	_ =	shalt  }
0x43: {  	_ =	shalt  }
0x44: {  	_ =	shalt  }
0x45: {  	_ =	shalt  }
0x46: {  	_ =	shalt  }
0x47: {  	_ =	shalt  }
0x48: {  	_ =	shalt  }
0x49: {  	_ =	shalt  }
0x4a: {  	_ =	shalt  }
0x4b: {  	_ =	shalt  }
0x4c: {  	_ =	shalt  }
0x4d: {  	_ =	shalt  }
0x4e: {  	_ =	shalt  }
0x4f: {  	_ =	shalt  }
0x50: {  	_ =	shalt  }
0x51: {  	_ =	shalt  }
0x52: {  	_ =	shalt  }
0x53: {  	_ =	shalt  }
0x54: {  	_ =	shalt  }
0x55: {  	_ =	shalt  }
0x56: {  	_ =	shalt  }
0x57: {  	_ =	shalt  }
0x58: {  	_ =	shalt  }
0x59: {  	_ =	shalt  }
0x5a: {  	_ =	shalt  }
0x5b: {  	_ =	shalt  }
0x5c: {  	_ =	shalt  }
0x5d: {  	_ =	shalt  }
0x5e: {  	_ =	shalt  }
0x5f: {  	_ =	shalt  }
0x60: {  	_ =	shalt  }
0x61: {  	_ =	shalt  }
0x62: {  	_ =	shalt  }
0x63: {  	_ =	shalt  }
0x64: {  	_ =	shalt  }
0x65: {  	_ =	shalt  }
0x66: {  	_ =	shalt  }
0x67: {  	_ =	shalt  }
0x68: {  	_ =	shalt  }
0x69: {  	_ =	shalt  }
0x6a: {  	_ =	shalt  }
0x6b: {  	_ =	shalt  }
0x6c: {  	_ =	shalt  }
0x6d: {  	_ =	shalt  }
0x6e: {  	_ =	shalt  }
0x6f: {  	_ =	shalt  }
0x70: {  	_ =	shalt  }
0x71: {  	_ =	shalt  }
0x72: {  	_ =	shalt  }
0x73: {  	_ =	shalt  }
0x74: {  	_ =	shalt  }
0x75: {  	_ =	shalt  }
0x76: {  	_ =	shalt  }
0x77: {  	_ =	shalt  }
0x78: {  	_ =	shalt  }
0x79: {  	_ =	shalt  }
0x7a: {  	_ =	shalt  }
0x7b: {  	_ =	shalt  }
0x7c: {  	_ =	shalt  }
0x7d: {  	_ =	shalt  }
0x7e: {  	_ =	shalt  }
0x7f: {  	_ =	shalt  }
0x80: {  	_ =	shalt  }
0x81: {  	_ =	shalt  }
0x82: {  	_ =	shalt  }
0x83: {  	_ =	shalt  }
0x84: {  	_ =	shalt  }
0x85: {  	_ =	shalt  }
0x86: {  	_ =	shalt  }
0x87: {  	_ =	shalt  }
.Lfunc_end0:
.L_simem_size_0:
called_computation_lowered:
.L_overlay_start_0:
0x88: {  	s2 =	sld [smem:$0x3FD9]  }
0x89: {  	s3 =	sld [smem:$0x3FFE];
	_ =	sdelay $0x1  }
0x8a: {  	s1 =	srdreg.scid  }
0x8b: {  	s0 =	sand.u32 $0x1, s1  }
0x8c: {  	s17 =	sshll.u32 s0, $0xA;
	s2 =	sadd.s32 s3, s2  }
0x8d: {  	s2 =	sadd.s32 s2, s17  }
0x8e: {  	[smem:$0x3FB0] =	sst s2  }
0x8f: {  	_ = 	snop  }
0x90: {  	s2 =	sld [smem:$0x3FC9];
	(tm) =	ssettm $0x1  }
0x91: {  	s18 =	sld [smem:$0x3FFB];
	_ =	sdelay $0x3  }
0x92: {  	_ =	strace s18  }
0x93: {  	s3 =	sld [smem:$0x3FFC];
	_ =	sdelay $0x3  }
0x94: {  	_ =	strace s3  }
0x95: {  	s3 =	sld [smem:$0x3FFD];
	_ =	sdelay $0x3  }
0x96: {  	_ =	strace s3  }
0x97: {  	_ =	strace $0x8FFFFFFF  }
0x98: {  	s19 =	sld [smem:$0x3FDB];
	_ =	sdelay $0x1  }
0x99: {  	s4 =	simm.s32 $_scs_section_size  }
0x9a: {  	s5 =	simm.s32 $_size__tile_overlayer_lowered;
	s6 =	simm.s32 $_tile_overlayer_lowered  }
0x9b: {  	s22 =	simm.s32 $0x1BFF;
	s21 =	sshll.u32 s6, $0x1;
	s3 =	sadd.s32 s4, s19  }
0x9c: {  	s7 =	simm.s32 $0x0;
	s20 =	sshll.u32 s5, $0x1;
	s5 =	sadd.s32 s21, s3  }
0x9d: {  	[timem:s7], [sflag:s22] =	dma.local [hbm:s5], s20  }
0x9e: {  	_ =	swait.ge [sflag:s22], s20  }
0x9f: {  	s4 =	ssub.s32 $0x0, s20;
	[sflag:s22] =	ssyncset.done $0x0  }
0xa0: {  	[sflag:s22] =	ssyncadd.s32 s4;
	_ =	sdelay $0x1  }
0xa1: {  	s23 =	simm.s32 $0x1B8B  }
0xa2: {  	_ =	swait.ge [sflag:s23], $0x1  }
0xa3: {  	[sflag:s23] =	ssyncset.done $0x0  }
0xa4: {  	s25 =	simm.s32 $0x1B8E;
	s24 =	sld [smem:$0x3FFE];
	[sflag:s23] =	ssyncadd.s32 $0xFFFFFFFF  }
0xa5: {  	s26 =	simm.s32 $execute0_lowered;
	[smem:$0x3FD2] =	sst s25  }
0xa6: {  	s5 =	sshll.u32 s26, $0x1;
	_ =	strace $0x80000046;
	[dreg:$0x1] =	wrdreg $0xFFFFFFFF  }
0xa7: {  	s28 =	simm.s32 $_size_execute0_lowered;
	s3 =	sadd.s32 s3, s5;
	[dreg:$0x0] =	wrdreg $0x0  }
0xa8: {  	s5 =	sshll.u32 s28, $0x1;
	[dreg:$0x2] =	wrdreg s3  }
0xa9: {  	[dreg:$0x3] =	wrdreg s5  }
0xaa: {  	[dreg:$0x4] =	wrdreg $0xC0  }
0xab: {  	_ =	task [dreg:s7], $0x5FFFF  }
0xac: {  	[dreg:$0x1] =	wrdreg $0xFFFFFFFF  }
0xad: {  	[dreg:$0x0] =	wrdreg $0x60  }
0xae: {  	[dreg:$0x2] =	wrdreg s2  }
0xaf: {  	[dreg:$0x3] =	wrdreg s24  }
0xb0: {  	[dreg:$0x4] =	wrdreg $0xC3000  }
0xb1: {  	[dreg:$0x5] =	wrdreg $0x9  }
0xb2: {  	_ =	task.clear_ibuf [dreg:s7], $0x6FFFF;
	_ =	strace $0x90000046  }
0xb3: {  	s29 =	simm.s32 $0x9;
	_ =	strace $0x80000048  }
0xb4: {  	_ =	swait.ge [sflag:s29], $0x1  }
0xb5: {  	[sflag:s29] =	ssyncadd.s32 $0xFFFFFFFF  }
0xb6: {  	_ =	strace $0x90000048  }
0xb7: {  	_ =	sfence  }
0xb8: {  	s30 =	sld [smem:$0x0];
	_ =	sdelay $0x2  }
0xb9: {  	s31 =	sshll.u32 s1, $0xD;
	s1 =	sshrl.u32 s1, $0x2  }
0xba: {  	s3 =	sand.u32 $0x4000, s31;
	s1 =	sadd.s32 s1, s30  }
0xbb: {  	s0 =	sor.u32 s3, s0;
	s1 =	sshll.u32 s1, $0x11  }
0xbc: {  	s0 =	sor.u32 s1, s0  }
0xbd: {  	s0 =	sadd.s32 $0x8F2B, s0  }
0xbe: {  	[sflag:s0] =	ssyncadd.remote.s32 $0x1  }
0xbf: {  	_ =	sfence.sel $0xFFFF  }
0xc0: {  	[dreg:$0x0] =	wrdreg $0xFFFFFFFF;
	(pc) =	sbr.abs _section_cstart, $3  }
0xc1: {  	[dreg:$0x1] =	wrdreg $0xFFFFFFFF  }
0xc2: {  	_ =	task.clear_ibuf [dreg:s7], $0x2FFFF;
	_ =	strace $0x9FFFFFFF  }
0xc3: {  	(tm) =	ssettm $0x7FFFFFFF  }
tec
execute0_lowered:
.L_overlay_start_1:
0x0: {  	(tag) =	ssettag $0x1  }
0x1: {  	s1 =	rddreg [dreg:$0x0]  }
0x2: {  	s0 =	rddreg [dreg:$0x1]  }
0x3: {  	s2 =	rddreg [dreg:$0x2];
	s3 =	simm.s32 $0x0  }
0x4: {  	s4 =	srdreg.scid;
	s14 =	stileid.u32;
	s15 =	simm.s32 $0x9D  }
0x5: {  	s30 =	simm.s32 $0xB;
	s31 =	simm.s32 $0x9;
	[smem:$0x7FF] =	sst s3  }
0x6: {  	s28 =	simm.s32 $0x8;
	s5 =	sadd.s32 $0x4FA400, s0;
	s6 =	sadd.s32 $0x4F0600, s0  }
0x7: {  	s4 =	sand.u32 $0x1, s4;
	s9 =	smul.u32 $0x4E000, s14;
	s7 =	sadd.s32 $0x4E6800, s0  }
0x8: {  	s0 =	sadd.s32 $0x4800, s0;
	s20 =	sshll.u32 s14, $0x1;
	s11 =	smul.u32 $0x2700, s14  }
0x9: {  	p0 =	slt.u32 s14, $0x4;
	_ =	strace $0x80000047;
	s8 =	ssub.s32 $0x2, s4  }
0xa: {  	s15 =	simm.s32 @!p0 $0x9C;
	s29 =	smul.u32 $0x27100, s4;
	s9 =	sshrl.u32 s9, $0x2  }
0xb: {  	p0 =	sne.s32 s14, $0xF;
	s10 =	sshrl.u32 s8, $0x1;
	s16 =	sadd.s32 s9, s2  }
0xc: {  	s8 =	ssub.s32 s8, s10;
	s9 =	sadd.s32 $0x2000, s16;
	[dreg:$0x4] =	wrdreg s16  }
0xd: {  	s10 =	sor.u32 s4, s20;
	s21 =	sadd.s32 $0x4000, s16;
	[dreg:$0x5] =	wrdreg s9  }
0xe: {  	s4 =	smul.u32 $0x138800, s4;
	s22 =	sadd.s32 $0x6000, s16;
	[dreg:$0x6] =	wrdreg s21  }
0xf: {  	s18 =	sadd.s32 s11, s29;
	s23 =	sadd.s32 $0x8000, s16;
	[dreg:$0x7] =	wrdreg s22  }
0x10: {  	s11 =	simm.s32 $0x10;
	s24 =	sadd.s32 $0xA000, s16;
	[dreg:$0x8] =	wrdreg s23  }
0x11: {  	s25 =	sadd.s32 $0xC000, s16;
	s26 =	sshll.u32 s10, $0x3;
	[dreg:$0x9] =	wrdreg s24  }
0x12: {  	s13 =	sshll.u32 s10, $0xA;
	s29 =	sadd.s32 $0x12000, s16;
	[dreg:$0xa] =	wrdreg s25  }
0x13: {  	s17 =	sshll.u32 s10, $0x6;
	s12 =	sadd.s32 s6, s26;
	[dreg:$0x17] =	wrdreg s29  }
0x14: {  	s9 =	sadd.s32 s7, s26;
	s10 =	sadd.s32 s5, s13;
	[dreg:$0xb] =	wrdreg s12  }
0x15: {  	s13 =	sor.u32 $0x800, s17;
	s4 =	sshrl.u32 s4, $0x3;
	[dreg:$0xc] =	wrdreg s9  }
0x16: {  	s23 =	smax.u32 s8, $0x1;
	s24 =	sadd.s32 $0xE000, s16;
	[dreg:$0xd] =	wrdreg s10  }
0x17: {  	s25 =	sadd.s32 $0x10000, s16;
	s26 =	sor.u32 $0x1000, s17;
	[dreg:$0x13] =	wrdreg s23  }
0x18: {  	s8 =	simm.s32 $0xC;
	s19 =	sshrl.u32 s13, $0x3;
	[dreg:$0x14] =	wrdreg s24  }
0x19: {  	s9 =	sshll.u32 s13, $0x4;
	s10 =	sadd.s32 s0, s18;
	[dreg:$0x15] =	wrdreg s25  }
0x1a: {  	s0 =	sadd.s32 s0, s4;
	s13 =	sadd.s32 $0x138000, s2;
	[dreg:$0x16] =	wrdreg s26  }
0x1b: {  	s4 =	sadd.s32 $0xFFFFFFFF, s15;
	s23 =	simm.s32 $0xA300;
	s24 =	simm.s32 $0x7  }
0x1c: {  	s25 =	simm.s32 $0xA;
	s18 =	simm.s32 $0x5;
	[dreg:$0xe] =	wrdreg s10  }
0x1d: {  	s12 =	simm.s32 $0x0;
	s20 =	sadd.s32 s6, s19;
	[dreg:$0x18] =	wrdreg s13  }
0x1e: {  	s21 =	sadd.s32 s7, s19;
	s22 =	sadd.s32 s5, s9;
	[dreg:$0xf] =	wrdreg s20  }
.Ltmp0:
0x1f: {  	s0 =	sadd.s32 $0x27000, s0;
	[dreg:$0x10] =	wrdreg s21;
	(pc) =	sbr.rel .LBB2_1-.Ltmp0, $4  }
0x20: {  	s19 =	simm.s32 $0x40;
	s9 =	simm.s32 $0x6;
	[dreg:$0x11] =	wrdreg s22  }
0x21: {  	[dreg:$0x12] =	wrdreg s0;
	s0 =	sshrl.u32 s26, $0x3;
	s20 =	simm.s32 $0xF  }
0x22: {  	s21 =	simm.s32 $0x100;
	[dreg:$0x19] =	wrdreg s0;
	s0 =	sadd.s32 s6, s0  }
0x23: {  	v0 =	vimm.f32 $0.0e+00;
	s22 =	simm.s32 $0x280;
	s26 =	simm.s32 $0x4;
	[dreg:$0x1a] =	wrdreg s0  }
.LBB2_22:
0x24: {  	s0 =	simm.s32 $0xD  }
0x25: {  	_ =	swait.ge [sflag:s0], $0x2000  }
0x26: {  	[sflag:s0] =	ssyncset.done $0x0  }
0x27: {  	s13 =	simm.s32 $0xE;
	[sflag:s0] =	ssyncadd.s32 $0xFFFFE000  }
0x28: {  	_ =	swait.ge [sflag:s13], $0x2000  }
0x29: {  	[sflag:s13] =	ssyncset.done $0x0  }
0x2a: {  	[sflag:s13] =	ssyncadd.s32 $0xFFFFE000  }
0x2b: {  	_ =	swait.ge [sflag:s20], $0x2000  }
0x2c: {  	[sflag:s20] =	ssyncset.done $0x0  }
0x2d: {  	[sflag:s20] =	ssyncadd.s32 $0xFFFFE000  }
0x2e: {  	s14 =	stileid.u32;
	[bflag:$0x0] =	sbarrier.arrive $0xFFFF  }
0x2f: {  	s0 =	sshll.u32 s14, $0x6;
	s10 =	rddreg [dreg:$0x4]  }
0x30: {  	s0 =	sor.u32 $0x1C10, s0;
	s12 =	rddreg [dreg:$0xe];
	s10 =	sshrl.u32 s10, $0x3  }
0x31: {  	[hbm:s12], [sflag:s0] =	dma.local [spmem:s10], $0x2700  }
0x32: {  	_ =	swait.ge [sflag:s11], $0x2700  }
0x33: {  	[sflag:s11] =	ssyncset.done $0x0;
	s13 =	rddreg [dreg:$0x18]  }
0x34: {  	s12 =	rddreg [dreg:$0x12];
	[sflag:s11] =	ssyncadd.s32 $0xFFFFD900;
	s10 =	sshrl.u32 @!p0 s13, $0x3  }
0x35: {  	[hbm:s12], [sflag:s0] =	dma.local @!p0 [spmem:s10], $0x100  }
0x36: {  	s0 =	simm.s32 @!p0 $0x10  }
0x37: {  	_ =	swait.ge @!p0 [sflag:s0], $0x100  }
0x38: {  	s16 =	rddreg [dreg:$0x1b]  }
0x39: {  	s29 =	rddreg [dreg:$0x13];
	s12 =	sadd.s32 $0x1, s16  }
0x3a: {  	p1 =	sne.s32 s12, s29  }
.Ltmp1:
0x3b: {  	_ = 	snop;
	(pc) =	sbr.rel @!p1 .LBB2_23-.Ltmp1, $3  }
0x3c: {  	_ =	sdelay $0x1  }
0x3d: {  	[sflag:s0] =	ssyncset.done @!p0 $0x0  }
0x3e: {  	[sflag:s0] =	ssyncadd.s32 @!p0 $0xFFFFFF00  }
.LBB2_1:
0x3f: {  	[dreg:$0x1b] =	wrdreg s12;
	s0 =	simm.s32 $0x0;
	s10 =	simm.s32 $0x200  }
.LBB2_2:
0x40: {  	p1 =	sne.s32 s10, $0x7E00;
	[tilespmem:s0+$0x370] =	vst v0  }
0x41: {  	[tilespmem:s0+$0x300] =	vst v0  }
0x42: {  	[tilespmem:s0+$0x310] =	vst v0  }
.Ltmp2:
0x43: {  	[tilespmem:s0+$0x320] =	vst v0;
	(pc) =	sbr.rel @p1 .LBB2_2-.Ltmp2, $4  }
0x44: {  	[tilespmem:s0+$0x330] =	vst v0  }
0x45: {  	[tilespmem:s0+$0x340] =	vst v0  }
0x46: {  	[tilespmem:s0+$0x350] =	vst v0  }
0x47: {  	[tilespmem:s0+$0x360] =	vst v0;
	s0 =	sshra.s32 s10, $0x2;
	s10 =	sadd.s32 $0x200, s10  }
0x48: {  	[tilespmem:s0+$0x370] =	vst v0  }
0x49: {  	[tilespmem:s0+$0x300] =	vst v0  }
0x4a: {  	[tilespmem:s0+$0x310] =	vst v0  }
0x4b: {  	[tilespmem:s0+$0x320] =	vst v0  }
0x4c: {  	[tilespmem:s0+$0x330] =	vst v0  }
0x4d: {  	[tilespmem:s0+$0x340] =	vst v0  }
0x4e: {  	[tilespmem:s0+$0x350] =	vst v0  }
0x4f: {  	[tilespmem:s0+$0x360] =	vst v0;
	s29 =	rddreg [dreg:$0x4];
	s12 =	simm.s32 $0x300  }
0x50: {  	[spmem:s29] =	stream.linear.scatter [tilespmem:s12], [sflag:$0x10], $0x2000, $0x38;
	[tilespmem:$0x1FB80] =	vst v63  }
0x51: {  	_ =	swait.ge [sflag:s11], $0x2000  }
0x52: {  	[sflag:s11] =	ssyncset.done $0x0  }
0x53: {  	s10 =	rddreg [dreg:$0x5];
	[sflag:s11] =	ssyncadd.s32 $0xFFFFE000  }
0x54: {  	[spmem:s10] =	stream.linear.scatter [tilespmem:s12], [sflag:$0x10], $0x2000, $0x38;
	[tilespmem:$0x1FB80] =	vst v63  }
0x55: {  	_ =	swait.ge [sflag:s11], $0x2000  }
0x56: {  	[sflag:s11] =	ssyncset.done $0x0  }
0x57: {  	s14 =	rddreg [dreg:$0x6];
	[sflag:s11] =	ssyncadd.s32 $0xFFFFE000  }
0x58: {  	[spmem:s14] =	stream.linear.scatter [tilespmem:s12], [sflag:$0x10], $0x2000, $0x38;
	[tilespmem:$0x1FB80] =	vst v63  }
0x59: {  	_ =	swait.ge [sflag:s11], $0x2000  }
0x5a: {  	[sflag:s11] =	ssyncset.done $0x0  }
0x5b: {  	s16 =	rddreg [dreg:$0x7];
	[sflag:s11] =	ssyncadd.s32 $0xFFFFE000  }
0x5c: {  	[spmem:s16] =	stream.linear.scatter [tilespmem:s12], [sflag:$0x10], $0x2000, $0x38;
	[tilespmem:$0x1FB80] =	vst v63  }
0x5d: {  	_ =	swait.ge [sflag:s11], $0x2000  }
0x5e: {  	[sflag:s11] =	ssyncset.done $0x0  }
0x5f: {  	s29 =	rddreg [dreg:$0x8];
	[sflag:s11] =	ssyncadd.s32 $0xFFFFE000  }
0x60: {  	[spmem:s29] =	stream.linear.scatter [tilespmem:s12], [sflag:$0x10], $0x2000, $0x38;
	[tilespmem:$0x1FB80] =	vst v63  }
0x61: {  	_ =	swait.ge [sflag:s11], $0x2000  }
0x62: {  	[sflag:s11] =	ssyncset.done $0x0  }
0x63: {  	s10 =	rddreg [dreg:$0x9];
	[sflag:s11] =	ssyncadd.s32 $0xFFFFE000  }
0x64: {  	[spmem:s10] =	stream.linear.scatter [tilespmem:s12], [sflag:$0x10], $0x2000, $0x38;
	[tilespmem:$0x1FB80] =	vst v63  }
0x65: {  	_ =	swait.ge [sflag:s11], $0x2000  }
0x66: {  	[sflag:s11] =	ssyncset.done $0x0  }
0x67: {  	s14 =	rddreg [dreg:$0xa];
	[sflag:s11] =	ssyncadd.s32 $0xFFFFE000  }
0x68: {  	[spmem:s14] =	stream.linear.scatter [tilespmem:s12], [sflag:$0x10], $0x2000, $0x38;
	[tilespmem:$0x1FB80] =	vst v63  }
0x69: {  	_ =	swait.ge [sflag:s11], $0x2000  }
0x6a: {  	[sflag:s11] =	ssyncset.done $0x0  }
0x6b: {  	s16 =	rddreg [dreg:$0x14];
	[sflag:s11] =	ssyncadd.s32 $0xFFFFE000  }
0x6c: {  	[spmem:s16] =	stream.linear.scatter [tilespmem:s12], [sflag:$0x10], $0x2000, $0x38;
	[tilespmem:$0x1FB80] =	vst v63  }
0x6d: {  	_ =	swait.ge [sflag:s11], $0x2000  }
0x6e: {  	[sflag:s11] =	ssyncset.done $0x0  }
0x6f: {  	s29 =	rddreg [dreg:$0x15];
	[sflag:s11] =	ssyncadd.s32 $0xFFFFE000  }
0x70: {  	[spmem:s29] =	stream.linear.scatter [tilespmem:s12], [sflag:$0x10], $0x2000, $0x38;
	[tilespmem:$0x1FB80] =	vst v63  }
0x71: {  	_ =	swait.ge [sflag:s11], $0x2000  }
0x72: {  	[sflag:s11] =	ssyncset.done $0x0  }
0x73: {  	s10 =	rddreg [dreg:$0x17];
	[sflag:s11] =	ssyncadd.s32 $0xFFFFE000  }
0x74: {  	[spmem:s10] =	stream.linear.scatter [tilespmem:s12], [sflag:$0x10], $0x1800, $0x38;
	[tilespmem:$0x1FB80] =	vst v63  }
0x75: {  	_ =	swait.ge [sflag:s11], $0x1800  }
0x76: {  	[sflag:s11] =	ssyncset.done $0x0  }
0x77: {  	s0 =	simm.s32 @!p0 $0x300;
	[sflag:s11] =	ssyncadd.s32 $0xFFFFE800  }
0x78: {  	[spmem:s13] =	stream.linear.scatter @!p0 [tilespmem:s0], [sflag:$0x10], $0x800, $0x38;
	[tilespmem:$0x1FB80] =	vst v63  }
0x79: {  	s0 =	simm.s32 @!p0 $0x10  }
0x7a: {  	_ =	swait.ge @!p0 [sflag:s0], $0x800  }
0x7b: {  	[sflag:s0] =	ssyncset.done @!p0 $0x0  }
0x7c: {  	[sflag:s0] =	ssyncadd.s32 @!p0 $0xFFFFF800  }
0x7d: {  	[bflag:$0x0] =	sbarrier.arrive $0xFFFF  }
0x7e: {  	s0 =	simm.s32 $0x0;
	s10 =	rddreg [dreg:$0xb]  }
0x7f: {  	[tilespmem:s0], [sflag:$0x1] =	stream.linear.gather [hbm4b:s10+s0], $0x40, $0x38;
	[tilespmem:$0x1FB80] =	vst v63  }
0x80: {  	s14 =	simm.s32 $0x180;
	s13 =	rddreg [dreg:$0xc]  }
0x81: {  	[tilespmem:s14], [sflag:$0x4] =	stream.linear.gather [hbm4b:s13+s0], $0x40, $0x38;
	[tilespmem:$0x1FB80] =	vst v63  }
0x82: {  	s29 =	simm.s32 $0x6300;
	s16 =	rddreg [dreg:$0xd]  }
0x83: {  	[tilespmem:s29], [sflag:$0xA] =	stream.linear.gather [hbm4b:s16+s0], $0x2000, $0x38;
	[tilespmem:$0x1FB80] =	vst v63  }
0x84: {  	s13 =	rddreg [dreg:$0xf];
	s14 =	simm.s32 $0x80  }
0x85: {  	[tilespmem:s14], [sflag:$0x2] =	stream.linear.gather [hbm4b:s13+s0], $0x40, $0x38;
	[tilespmem:$0x1FB80] =	vst v63  }
0x86: {  	s16 =	rddreg [dreg:$0x10];
	s29 =	simm.s32 $0x200  }
0x87: {  	[tilespmem:s29], [sflag:$0x5] =	stream.linear.gather [hbm4b:s16+s0], $0x40, $0x38;
	[tilespmem:$0x1FB80] =	vst v63  }
0x88: {  	s14 =	rddreg [dreg:$0x11];
	s16 =	simm.s32 $0x8300  }
0x89: {  	[tilespmem:s16], [sflag:$0xB] =	stream.linear.gather [hbm4b:s14+s0], $0x2000, $0x38;
	[tilespmem:$0x1FB80] =	vst v63  }
.Ltmp3:
0x8a: {  	s29 =	simm.s32 $0x1;
	(pc) =	sbr.rel .LBB2_4-.Ltmp3, $4  }
0x8b: {  	_ =	swait.ge [sflag:s29], $0x40  }
0x8c: {  	[sflag:s29] =	ssyncset.done $0x0  }
0x8d: {  	[sflag:s29] =	ssyncadd.s32 $0xFFFFFFC0  }
0x8e: {  	[tilespmem:s12], [sflag:$0x7] =	stream.indirect.gather [hbm4b:s1+s19], $0x80, s0, s19, $0xb8;
	[tilespmem:$0x1FB80] =	vst v63  }
.LBB2_21:
0x8f: {  	s0 =	sadd.s32 $0x1, s0  }
0x90: {  	p1 =	sne.s32 s0, $0x35  }
.Ltmp4:
0x91: {  	_ = 	snop;
	(pc) =	sbr.rel @!p1 .LBB2_22-.Ltmp4, $1  }
0x92: {  	_ =	sdelay $0x3  }
.LBB2_4:
0x93: {  	s10 =	smul.u32 $0x3, s0;
	_ =	sdelay $0x1  }
0x94: {  	p1 =	seq.s32 s0, $0x0;
	s29 =	sadd.s32 $0x2, s10  }
0x95: {  	p2 =	sge.u32 @!p1 s29, s15  }
0x96: {  	p1 =	por p1, p2  }
.Ltmp5:
0x97: {  	_ = 	snop;
	(pc) =	sbr.rel @p1 .LBB2_6-.Ltmp5, $1  }
0x98: {  	_ =	sdelay $0x3  }
0x99: {  	s12 =	sshll.u32 s29, $0xB  }
0x9a: {  	_ =	swait.ge [sflag:s20], $0x2000;
	s12 =	sor.u32 s17, s12  }
0x9b: {  	[sflag:s20] =	ssyncset.done $0x0;
	s13 =	sshrl.u32 s12, $0x3  }
0x9c: {  	[sflag:s20] =	ssyncadd.s32 $0xFFFFE000;
	s14 =	sadd.s32 s6, s13  }
0x9d: {  	[tilespmem:s21], [sflag:$0x3] =	stream.linear.gather [hbm4b:s14+s3], $0x40, $0x38;
	[tilespmem:$0x1FB80] =	vst v63  }
.LBB2_8:
.Ltmp6:
0x9e: {  	(pc) =	sbr.rel .LBB2_9-.Ltmp6, $4  }
0x9f: {  	s13 =	sadd.s32 s7, s13;
	s12 =	sshll.u32 s12, $0x4  }
0xa0: {  	[tilespmem:s22], [sflag:$0x6] =	stream.linear.gather [hbm4b:s13+s3], $0x40, $0x38;
	[tilespmem:$0x1FB80] =	vst v63  }
0xa1: {  	s12 =	sadd.s32 s5, s12  }
0xa2: {  	[tilespmem:s23], [sflag:$0xC] =	stream.linear.gather [hbm4b:s12+s3], $0x2000, $0x38;
	[tilespmem:$0x1FB80] =	vst v63  }
.LBB2_6:
0xa3: {  	p1 =	sne.s32 s0, $0x0  }
.Ltmp7:
0xa4: {  	_ = 	snop;
	(pc) =	sbr.rel @!p1 .LBB2_7-.Ltmp7, $1  }
0xa5: {  	_ =	sdelay $0x3  }
.LBB2_9:
0xa6: {  	p2 =	sge.u32 s10, s4;
	p1 =	sge.u32 s10, s15  }
.Ltmp8:
0xa7: {  	s12 =	simm.s32 @!p2 $0x2;
	(pc) =	sbr.rel @p1 .LBB2_13-.Ltmp8, $4  }
0xa8: {  	_ =	swait.ge @!p2 [sflag:s12], $0x40  }
0xa9: {  	s13 =	simm.s32 @!p2 $0x80;
	[sflag:s12] =	ssyncset.done @!p2 $0x0  }
0xaa: {  	s14 =	simm.s32 @!p2 $0x2300;
	[sflag:s12] =	ssyncadd.s32 @!p2 $0xFFFFFFC0;
	s12 =	simm.s32 @!p2 $0x40  }
0xab: {  	[tilespmem:s14], [sflag:$0x8] =	stream.indirect.gather @!p2 [hbm4b:s1+s12], $0x80, s13, s12, $0xb8;
	[tilespmem:$0x1FB80] =	vst v63  }
0xac: {  	_ =	swait.ge [sflag:s24], $0x2000  }
0xad: {  	[sflag:s24] =	ssyncset.done $0x0  }
0xae: {  	[sflag:s24] =	ssyncadd.s32 $0xFFFFE000  }
0xaf: {  	_ =	swait.ge [sflag:s25], $0x2000  }
0xb0: {  	[sflag:s25] =	ssyncset.done $0x0  }
0xb1: {  	s12 =	simm.s32 $0x0;
	[sflag:s25] =	ssyncadd.s32 $0xFFFFE000  }
0xb2: {  	v1 =	vld [tilespmem:s12+$0x6370]  }
0xb3: {  	v2 =	vld [tilespmem:s12+$0x370]  }
0xb4: {  	v3 =	vld [tilespmem:s12+$0x6300]  }
0xb5: {  	v4 =	vld [tilespmem:s12+$0x300]  }
0xb6: {  	v5 =	vld [tilespmem:s12+$0x6310]  }
0xb7: {  	v6 =	vld [tilespmem:s12+$0x310]  }
0xb8: {  	v7 =	vld [tilespmem:s12+$0x6320]  }
0xb9: {  	v8 =	vld [tilespmem:s12+$0x6330];
	v1 =	vadd.f32 v2, v1  }
0xba: {  	v2 =	vld [tilespmem:s12+$0x320];
	v3 =	vadd.f32 v4, v3  }
0xbb: {  	v4 =	vld [tilespmem:s12+$0x330];
	v1 =	vmax.f32 v1, $0.0e+00  }
0xbc: {  	v9 =	vld [tilespmem:s12+$0x6340];
	[tilespmem:s12+$0x6370] =	vst v1;
	v1 =	vmax.f32 v3, $0.0e+00;
	v3 =	vadd.f32 v6, v5  }
0xbd: {  	v5 =	vld [tilespmem:s12+$0x340]  }
0xbe: {  	[tilespmem:s12+$0x6300] =	vst v1;
	v1 =	vld [tilespmem:s12+$0x6350];
	v3 =	vmax.f32 v3, $0.0e+00  }
0xbf: {  	v2 =	vadd.f32 v2, v7;
	[tilespmem:s12+$0x6310] =	vst v3;
	v3 =	vld [tilespmem:s12+$0x350]  }
0xc0: {  	v8 =	vadd.f32 v4, v8;
	v4 =	vld [tilespmem:s12+$0x360]  }
0xc1: {  	s13 =	simm.s32 $0x80;
	v6 =	vmax.f32 v2, $0.0e+00;
	v2 =	vld [tilespmem:s12+$0x6360]  }
0xc2: {  	s14 =	simm.s32 $0x400;
	v7 =	vld [tilespmem:s13+$0x6370];
	[tilespmem:s12+$0x6320] =	vst v6;
	v6 =	vmax.f32 v8, $0.0e+00;
	v5 =	vadd.f32 v5, v9  }
.LBB2_11:
0xc3: {  	p1 =	sne.s32 s14, $0x7E00;
	v8 =	vld [tilespmem:s13+$0x370];
	[tilespmem:s12+$0x6330] =	vst v6  }
0xc4: {  	v6 =	vld [tilespmem:s13+$0x6300];
	v5 =	vmax.f32 v5, $0.0e+00;
	v1 =	vadd.f32 v3, v1  }
0xc5: {  	v3 =	vld [tilespmem:s13+$0x300];
	[tilespmem:s12+$0x6340] =	vst v5  }
0xc6: {  	v5 =	vld [tilespmem:s13+$0x6310];
	v1 =	vmax.f32 v1, $0.0e+00;
	v2 =	vadd.f32 v4, v2  }
0xc7: {  	v4 =	vld [tilespmem:s13+$0x310];
	[tilespmem:s12+$0x6350] =	vst v1  }
0xc8: {  	v1 =	vld [tilespmem:s13+$0x6320];
	v7 =	vadd.f32 v8, v7;
	v2 =	vmax.f32 v2, $0.0e+00  }
0xc9: {  	v8 =	vld [tilespmem:s13+$0x320];
	[tilespmem:s12+$0x6360] =	vst v2;
	s12 =	smov.u32 s13  }
0xca: {  	v2 =	vadd.f32 v3, v6;
	v6 =	vld [tilespmem:s12+$0x6330];
	v3 =	vmax.f32 v7, $0.0e+00  }
0xcb: {  	v7 =	vld [tilespmem:s12+$0x330];
	[tilespmem:s12+$0x6370] =	vst v3  }
0xcc: {  	v2 =	vmax.f32 v2, $0.0e+00;
	v3 =	vadd.f32 v4, v5;
	v5 =	vld [tilespmem:s12+$0x6340]  }
0xcd: {  	[tilespmem:s12+$0x6300] =	vst v2;
	v9 =	vld [tilespmem:s12+$0x340]  }
.Ltmp9:
0xce: {  	v2 =	vmax.f32 v3, $0.0e+00;
	v4 =	vadd.f32 v8, v1;
	v1 =	vld [tilespmem:s12+$0x6350];
	(pc) =	sbr.rel @p1 .LBB2_11-.Ltmp9, $4  }
0xcf: {  	[tilespmem:s12+$0x6310] =	vst v2;
	v3 =	vld [tilespmem:s12+$0x350]  }
0xd0: {  	v4 =	vmax.f32 v4, $0.0e+00;
	v6 =	vadd.f32 v7, v6;
	v2 =	vld [tilespmem:s12+$0x6360]  }
0xd1: {  	s13 =	sshra.s32 s14, $0x2;
	[tilespmem:s12+$0x6320] =	vst v4;
	v4 =	vld [tilespmem:s12+$0x360]  }
0xd2: {  	s14 =	sadd.s32 $0x200, s14;
	v7 =	vld [tilespmem:s13+$0x6370];
	v6 =	vmax.f32 v6, $0.0e+00;
	v5 =	vadd.f32 v9, v5  }
0xd3: {  	v8 =	vld [tilespmem:s13+$0x370]  }
0xd4: {  	v9 =	vld [tilespmem:s13+$0x6300]  }
0xd5: {  	v10 =	vld [tilespmem:s13+$0x300]  }
0xd6: {  	v11 =	vld [tilespmem:s13+$0x6310]  }
0xd7: {  	v12 =	vld [tilespmem:s13+$0x310]  }
0xd8: {  	v13 =	vld [tilespmem:s13+$0x6320]  }
0xd9: {  	v53 =	vld [tilespmem:s13+$0x320]  }
0xda: {  	v14 =	vld [tilespmem:s13+$0x6330]  }
0xdb: {  	v54 =	vld [tilespmem:s13+$0x330]  }
0xdc: {  	v56 =	vld [tilespmem:s13+$0x6340]  }
0xdd: {  	v57 =	vld [tilespmem:s13+$0x340];
	v1 =	vadd.f32 v3, v1  }
0xde: {  	v58 =	vld [tilespmem:s13+$0x6350];
	[tilespmem:s12+$0x6330] =	vst v6;
	v61 =	vmax.f32 v5, $0.0e+00;
	v2 =	vadd.f32 v4, v2  }
0xdf: {  	v59 =	vld [tilespmem:s13+$0x350];
	[tilespmem:s12+$0x6340] =	vst v61;
	v1 =	vmax.f32 v1, $0.0e+00;
	v7 =	vadd.f32 v8, v7  }
0xe0: {  	v60 =	vld [tilespmem:s13+$0x6360];
	[tilespmem:s12+$0x6350] =	vst v1;
	v9 =	vadd.f32 v10, v9;
	v1 =	vmax.f32 v2, $0.0e+00  }
0xe1: {  	v3 =	vld [tilespmem:s13+$0x360];
	v11 =	vadd.f32 v12, v11;
	[tilespmem:s12+$0x6360] =	vst v1;
	v7 =	vmax.f32 v7, $0.0e+00  }
0xe2: {  	v8 =	vadd.f32 v53, v13;
	v55 =	vmax.f32 v9, $0.0e+00;
	[tilespmem:s13+$0x6370] =	vst v7  }
0xe3: {  	v62 =	vadd.f32 v54, v14;
	v11 =	vmax.f32 v11, $0.0e+00;
	[tilespmem:s13+$0x6300] =	vst v55  }
0xe4: {  	v2 =	vadd.f32 v57, v56;
	v8 =	vmax.f32 v8, $0.0e+00;
	[tilespmem:s13+$0x6310] =	vst v11  }
0xe5: {  	v63 =	vadd.f32 v59, v58;
	v1 =	vmax.f32 v62, $0.0e+00;
	[tilespmem:s13+$0x6320] =	vst v8  }
0xe6: {  	[tilespmem:s13+$0x6330] =	vst v1;
	v1 =	vmax.f32 v2, $0.0e+00;
	v2 =	vadd.f32 v3, v60  }
0xe7: {  	[tilespmem:s13+$0x6340] =	vst v1;
	v1 =	vmax.f32 v63, $0.0e+00  }
0xe8: {  	[tilespmem:s13+$0x6350] =	vst v1;
	v1 =	vmax.f32 v2, $0.0e+00  }
0xe9: {  	[tilespmem:s13+$0x6360] =	vst v1  }
0xea: {  	_ =	swait.ge [sflag:s26], $0x40  }
0xeb: {  	[sflag:s26] =	ssyncset.done $0x0  }
0xec: {  	s14 =	simm.s32 $0x180;
	s16 =	simm.s32 $0x6300;
	[sflag:s26] =	ssyncadd.s32 $0xFFFFFFC0  }
0xed: {  	[spmem:s2] =	stream.indirect.scatter.add.f32 [tilespmem:s16], [sflag:$0xD], $0x80, s14, s19, $0xb8;
	[tilespmem:$0x1FB80] =	vst v63  }
.LBB2_13:
0xee: {  	s12 =	sadd.s32 $0x3, s10  }
0xef: {  	p1 =	sge.u32 s12, s15  }
0xf0: {  	s13 =	simm.s32 @!p1 $0xD;
	s12 =	sshll.u32 @!p1 s12, $0xB  }
0xf1: {  	_ =	swait.ge @!p1 [sflag:s13], $0x2000;
	s14 =	sor.u32 @!p1 s17, s12  }
0xf2: {  	[sflag:s13] =	ssyncset.done @!p1 $0x0;
	s16 =	sshrl.u32 @!p1 s14, $0x3  }
0xf3: {  	s12 =	simm.s32 @!p1 $0x0;
	[sflag:s13] =	ssyncadd.s32 @!p1 $0xFFFFE000;
	s13 =	sadd.s32 @!p1 s6, s16  }
0xf4: {  	[tilespmem:s12], [sflag:$0x1] =	stream.linear.gather @!p1 [hbm4b:s13+s12], $0x40, $0x38;
	[tilespmem:$0x1FB80] =	vst v63  }
0xf5: {  	s13 =	sadd.s32 @!p1 s7, s16;
	s16 =	simm.s32 @!p1 $0x180  }
0xf6: {  	[tilespmem:s16], [sflag:$0x4] =	stream.linear.gather @!p1 [hbm4b:s13+s12], $0x40, $0x38;
	[tilespmem:$0x1FB80] =	vst v63  }
0xf7: {  	s13 =	sshll.u32 @!p1 s14, $0x4  }
0xf8: {  	p3 =	sge.u32 s29, s15;
	s14 =	simm.s32 @!p1 $0x6300;
	s13 =	sadd.s32 @!p1 s5, s13  }
0xf9: {  	[tilespmem:s14], [sflag:$0xA] =	stream.linear.gather @!p1 [hbm4b:s13+s12], $0x2000, $0x38;
	[tilespmem:$0x1FB80] =	vst v63  }
.Ltmp10:
0xfa: {  	s13 =	simm.s32 @!p3 $0x3;
	(pc) =	sbr.rel @p2 .LBB2_17-.Ltmp10, $4  }
0xfb: {  	_ =	swait.ge @!p3 [sflag:s13], $0x40  }
0xfc: {  	s16 =	simm.s32 @!p3 $0x4300;
	[sflag:s13] =	ssyncset.done @!p3 $0x0  }
0xfd: {  	s14 =	simm.s32 @!p3 $0x100;
	[sflag:s13] =	ssyncadd.s32 @!p3 $0xFFFFFFC0;
	s13 =	simm.s32 @!p3 $0x40  }
0xfe: {  	[tilespmem:s16], [sflag:$0x9] =	stream.indirect.gather @!p3 [hbm4b:s1+s13], $0x80, s14, s13, $0xb8;
	[tilespmem:$0x1FB80] =	vst v63  }
0xff: {  	_ =	swait.ge [sflag:s28], $0x2000  }
0x100: {  	[sflag:s28] =	ssyncset.done $0x0  }
0x101: {  	[sflag:s28] =	ssyncadd.s32 $0xFFFFE000  }
0x102: {  	_ =	swait.ge [sflag:s30], $0x2000  }
0x103: {  	[sflag:s30] =	ssyncset.done $0x0  }
0x104: {  	s29 =	simm.s32 $0x0;
	[sflag:s30] =	ssyncadd.s32 $0xFFFFE000  }
0x105: {  	v1 =	vld [tilespmem:s29+$0x8370]  }
0x106: {  	v2 =	vld [tilespmem:s29+$0x2370]  }
0x107: {  	v3 =	vld [tilespmem:s29+$0x8300]  }
0x108: {  	v4 =	vld [tilespmem:s29+$0x2300]  }
0x109: {  	v5 =	vld [tilespmem:s29+$0x8310]  }
0x10a: {  	v6 =	vld [tilespmem:s29+$0x2310]  }
0x10b: {  	v7 =	vld [tilespmem:s29+$0x8320]  }
0x10c: {  	v8 =	vld [tilespmem:s29+$0x8330];
	v1 =	vadd.f32 v2, v1  }
0x10d: {  	v2 =	vld [tilespmem:s29+$0x2320];
	v3 =	vadd.f32 v4, v3  }
0x10e: {  	v4 =	vld [tilespmem:s29+$0x2330];
	v1 =	vmax.f32 v1, $0.0e+00  }
0x10f: {  	v9 =	vld [tilespmem:s29+$0x8340];
	[tilespmem:s29+$0x8370] =	vst v1;
	v1 =	vmax.f32 v3, $0.0e+00;
	v3 =	vadd.f32 v6, v5  }
0x110: {  	v5 =	vld [tilespmem:s29+$0x2340]  }
0x111: {  	[tilespmem:s29+$0x8300] =	vst v1;
	v1 =	vld [tilespmem:s29+$0x8350];
	v3 =	vmax.f32 v3, $0.0e+00  }
0x112: {  	v2 =	vadd.f32 v2, v7;
	[tilespmem:s29+$0x8310] =	vst v3;
	v3 =	vld [tilespmem:s29+$0x2350]  }
0x113: {  	v8 =	vadd.f32 v4, v8;
	v4 =	vld [tilespmem:s29+$0x2360]  }
0x114: {  	s13 =	simm.s32 $0x80;
	v6 =	vmax.f32 v2, $0.0e+00;
	v2 =	vld [tilespmem:s29+$0x8360]  }
0x115: {  	s14 =	simm.s32 $0x400;
	v7 =	vld [tilespmem:s13+$0x8370];
	[tilespmem:s29+$0x8320] =	vst v6;
	v6 =	vmax.f32 v8, $0.0e+00;
	v5 =	vadd.f32 v5, v9  }
.LBB2_15:
0x116: {  	p2 =	sne.s32 s14, $0x7E00;
	v8 =	vld [tilespmem:s13+$0x2370];
	[tilespmem:s29+$0x8330] =	vst v6  }
0x117: {  	v6 =	vld [tilespmem:s13+$0x8300];
	v5 =	vmax.f32 v5, $0.0e+00;
	v1 =	vadd.f32 v3, v1  }
0x118: {  	v3 =	vld [tilespmem:s13+$0x2300];
	[tilespmem:s29+$0x8340] =	vst v5  }
0x119: {  	v5 =	vld [tilespmem:s13+$0x8310];
	v1 =	vmax.f32 v1, $0.0e+00;
	v2 =	vadd.f32 v4, v2  }
0x11a: {  	v4 =	vld [tilespmem:s13+$0x2310];
	[tilespmem:s29+$0x8350] =	vst v1  }
0x11b: {  	v1 =	vld [tilespmem:s13+$0x8320];
	v7 =	vadd.f32 v8, v7;
	v2 =	vmax.f32 v2, $0.0e+00  }
0x11c: {  	v8 =	vld [tilespmem:s13+$0x2320];
	[tilespmem:s29+$0x8360] =	vst v2;
	s29 =	smov.u32 s13  }
0x11d: {  	v2 =	vadd.f32 v3, v6;
	v6 =	vld [tilespmem:s29+$0x8330];
	v3 =	vmax.f32 v7, $0.0e+00  }
0x11e: {  	v7 =	vld [tilespmem:s29+$0x2330];
	[tilespmem:s29+$0x8370] =	vst v3  }
0x11f: {  	v2 =	vmax.f32 v2, $0.0e+00;
	v3 =	vadd.f32 v4, v5;
	v5 =	vld [tilespmem:s29+$0x8340]  }
0x120: {  	[tilespmem:s29+$0x8300] =	vst v2;
	v9 =	vld [tilespmem:s29+$0x2340]  }
.Ltmp11:
0x121: {  	v2 =	vmax.f32 v3, $0.0e+00;
	v4 =	vadd.f32 v8, v1;
	v1 =	vld [tilespmem:s29+$0x8350];
	(pc) =	sbr.rel @p2 .LBB2_15-.Ltmp11, $4  }
0x122: {  	[tilespmem:s29+$0x8310] =	vst v2;
	v3 =	vld [tilespmem:s29+$0x2350]  }
0x123: {  	v4 =	vmax.f32 v4, $0.0e+00;
	v6 =	vadd.f32 v7, v6;
	v2 =	vld [tilespmem:s29+$0x8360]  }
0x124: {  	s13 =	sshra.s32 s14, $0x2;
	[tilespmem:s29+$0x8320] =	vst v4;
	v4 =	vld [tilespmem:s29+$0x2360]  }
0x125: {  	s14 =	sadd.s32 $0x200, s14;
	v7 =	vld [tilespmem:s13+$0x8370];
	v6 =	vmax.f32 v6, $0.0e+00;
	v5 =	vadd.f32 v9, v5  }
0x126: {  	v8 =	vld [tilespmem:s13+$0x2370]  }
0x127: {  	v9 =	vld [tilespmem:s13+$0x8300]  }
0x128: {  	v10 =	vld [tilespmem:s13+$0x2300]  }
0x129: {  	v11 =	vld [tilespmem:s13+$0x8310]  }
0x12a: {  	v12 =	vld [tilespmem:s13+$0x2310]  }
0x12b: {  	v13 =	vld [tilespmem:s13+$0x8320]  }
0x12c: {  	v53 =	vld [tilespmem:s13+$0x2320]  }
0x12d: {  	v14 =	vld [tilespmem:s13+$0x8330]  }
0x12e: {  	v54 =	vld [tilespmem:s13+$0x2330]  }
0x12f: {  	v56 =	vld [tilespmem:s13+$0x8340]  }
0x130: {  	v57 =	vld [tilespmem:s13+$0x2340];
	v1 =	vadd.f32 v3, v1  }
0x131: {  	v58 =	vld [tilespmem:s13+$0x8350];
	[tilespmem:s29+$0x8330] =	vst v6;
	v61 =	vmax.f32 v5, $0.0e+00;
	v2 =	vadd.f32 v4, v2  }
0x132: {  	v59 =	vld [tilespmem:s13+$0x2350];
	[tilespmem:s29+$0x8340] =	vst v61;
	v1 =	vmax.f32 v1, $0.0e+00;
	v7 =	vadd.f32 v8, v7  }
0x133: {  	v60 =	vld [tilespmem:s13+$0x8360];
	[tilespmem:s29+$0x8350] =	vst v1;
	v9 =	vadd.f32 v10, v9;
	v1 =	vmax.f32 v2, $0.0e+00  }
0x134: {  	v3 =	vld [tilespmem:s13+$0x2360];
	v11 =	vadd.f32 v12, v11;
	[tilespmem:s29+$0x8360] =	vst v1;
	v7 =	vmax.f32 v7, $0.0e+00  }
0x135: {  	v8 =	vadd.f32 v53, v13;
	v55 =	vmax.f32 v9, $0.0e+00;
	[tilespmem:s13+$0x8370] =	vst v7  }
0x136: {  	v62 =	vadd.f32 v54, v14;
	v11 =	vmax.f32 v11, $0.0e+00;
	[tilespmem:s13+$0x8300] =	vst v55  }
0x137: {  	v2 =	vadd.f32 v57, v56;
	v8 =	vmax.f32 v8, $0.0e+00;
	[tilespmem:s13+$0x8310] =	vst v11  }
0x138: {  	v63 =	vadd.f32 v59, v58;
	v1 =	vmax.f32 v62, $0.0e+00;
	[tilespmem:s13+$0x8320] =	vst v8  }
0x139: {  	[tilespmem:s13+$0x8330] =	vst v1;
	v1 =	vmax.f32 v2, $0.0e+00;
	v2 =	vadd.f32 v3, v60  }
0x13a: {  	[tilespmem:s13+$0x8340] =	vst v1;
	v1 =	vmax.f32 v63, $0.0e+00  }
0x13b: {  	[tilespmem:s13+$0x8350] =	vst v1;
	v1 =	vmax.f32 v2, $0.0e+00  }
0x13c: {  	[tilespmem:s13+$0x8360] =	vst v1  }
0x13d: {  	_ =	swait.ge [sflag:s18], $0x40  }
0x13e: {  	[sflag:s18] =	ssyncset.done $0x0  }
0x13f: {  	s14 =	simm.s32 $0x8300;
	s29 =	simm.s32 $0x200;
	[sflag:s18] =	ssyncadd.s32 $0xFFFFFFC0  }
0x140: {  	[spmem:s2] =	stream.indirect.scatter.add.f32 [tilespmem:s14], [sflag:$0xE], $0x80, s29, s19, $0xb8;
	[tilespmem:$0x1FB80] =	vst v63  }
.LBB2_17:
0x141: {  	s10 =	sadd.s32 $0x4, s10  }
0x142: {  	p2 =	sge.u32 s10, s15  }
0x143: {  	s13 =	simm.s32 @!p2 $0xE  }
0x144: {  	s10 =	sshll.u32 @!p2 s10, $0xB;
	_ =	swait.ge @!p2 [sflag:s13], $0x2000  }
0x145: {  	s10 =	sor.u32 @!p2 s17, s10;
	[sflag:s13] =	ssyncset.done @!p2 $0x0  }
0x146: {  	[sflag:s13] =	ssyncadd.s32 @!p2 $0xFFFFE000;
	s13 =	sshrl.u32 @!p2 s10, $0x3  }
0x147: {  	s16 =	simm.s32 @!p2 $0x0;
	s29 =	simm.s32 @!p2 $0x80;
	s14 =	sadd.s32 @!p2 s6, s13  }
0x148: {  	[tilespmem:s29], [sflag:$0x2] =	stream.linear.gather @!p2 [hbm4b:s14+s16], $0x40, $0x38;
	[tilespmem:$0x1FB80] =	vst v63  }
0x149: {  	s10 =	sshll.u32 @!p2 s10, $0x4;
	s13 =	sadd.s32 @!p2 s7, s13;
	s14 =	simm.s32 @!p2 $0x200  }
0x14a: {  	[tilespmem:s14], [sflag:$0x5] =	stream.linear.gather @!p2 [hbm4b:s13+s16], $0x40, $0x38;
	[tilespmem:$0x1FB80] =	vst v63  }
0x14b: {  	s10 =	sadd.s32 @!p2 s5, s10;
	s13 =	simm.s32 @!p2 $0x8300  }
0x14c: {  	[tilespmem:s13], [sflag:$0xB] =	stream.linear.gather @!p2 [hbm4b:s10+s16], $0x2000, $0x38;
	[tilespmem:$0x1FB80] =	vst v63  }
.Ltmp12:
0x14d: {  	s10 =	simm.s32 @!p1 $0x1;
	(pc) =	sbr.rel @p3 .LBB2_21-.Ltmp12, $4  }
0x14e: {  	_ =	swait.ge @!p1 [sflag:s10], $0x40  }
0x14f: {  	[sflag:s10] =	ssyncset.done @!p1 $0x0  }
0x150: {  	s13 =	simm.s32 @!p1 $0x300;
	[sflag:s10] =	ssyncadd.s32 @!p1 $0xFFFFFFC0;
	s10 =	simm.s32 @!p1 $0x40  }
0x151: {  	[tilespmem:s13], [sflag:$0x7] =	stream.indirect.gather @!p1 [hbm4b:s1+s10], $0x80, s12, s10, $0xb8;
	[tilespmem:$0x1FB80] =	vst v63  }
0x152: {  	_ =	swait.ge [sflag:s31], $0x2000  }
0x153: {  	[sflag:s31] =	ssyncset.done $0x0  }
0x154: {  	[sflag:s31] =	ssyncadd.s32 $0xFFFFE000  }
0x155: {  	_ =	swait.ge [sflag:s8], $0x2000  }
0x156: {  	[sflag:s8] =	ssyncset.done $0x0  }
0x157: {  	s10 =	simm.s32 $0x0;
	[sflag:s8] =	ssyncadd.s32 $0xFFFFE000  }
0x158: {  	v1 =	vld [tilespmem:s10+$0xA370]  }
0x159: {  	v2 =	vld [tilespmem:s10+$0x4370]  }
0x15a: {  	v3 =	vld [tilespmem:s10+$0xA300]  }
0x15b: {  	v4 =	vld [tilespmem:s10+$0x4300]  }
0x15c: {  	v5 =	vld [tilespmem:s10+$0xA310]  }
0x15d: {  	v6 =	vld [tilespmem:s10+$0x4310]  }
0x15e: {  	v7 =	vld [tilespmem:s10+$0xA320]  }
0x15f: {  	v8 =	vld [tilespmem:s10+$0xA330];
	v1 =	vadd.f32 v2, v1  }
0x160: {  	v2 =	vld [tilespmem:s10+$0x4320];
	v3 =	vadd.f32 v4, v3  }
0x161: {  	v4 =	vld [tilespmem:s10+$0x4330];
	v1 =	vmax.f32 v1, $0.0e+00  }
0x162: {  	v9 =	vld [tilespmem:s10+$0xA340];
	[tilespmem:s10+$0xA370] =	vst v1;
	v1 =	vmax.f32 v3, $0.0e+00;
	v3 =	vadd.f32 v6, v5  }
0x163: {  	v5 =	vld [tilespmem:s10+$0x4340]  }
0x164: {  	[tilespmem:s10+$0xA300] =	vst v1;
	v1 =	vld [tilespmem:s10+$0xA350];
	v3 =	vmax.f32 v3, $0.0e+00  }
0x165: {  	v2 =	vadd.f32 v2, v7;
	[tilespmem:s10+$0xA310] =	vst v3;
	v3 =	vld [tilespmem:s10+$0x4350]  }
0x166: {  	v8 =	vadd.f32 v4, v8;
	v4 =	vld [tilespmem:s10+$0x4360]  }
0x167: {  	s12 =	simm.s32 $0x80;
	v6 =	vmax.f32 v2, $0.0e+00;
	v2 =	vld [tilespmem:s10+$0xA360]  }
0x168: {  	s13 =	simm.s32 $0x400;
	v7 =	vld [tilespmem:s12+$0xA370];
	[tilespmem:s10+$0xA320] =	vst v6;
	v6 =	vmax.f32 v8, $0.0e+00;
	v5 =	vadd.f32 v5, v9  }
.LBB2_19:
0x169: {  	p1 =	sne.s32 s13, $0x7E00;
	v8 =	vld [tilespmem:s12+$0x4370];
	[tilespmem:s10+$0xA330] =	vst v6  }
0x16a: {  	v6 =	vld [tilespmem:s12+$0xA300];
	v5 =	vmax.f32 v5, $0.0e+00;
	v1 =	vadd.f32 v3, v1  }
0x16b: {  	v3 =	vld [tilespmem:s12+$0x4300];
	[tilespmem:s10+$0xA340] =	vst v5  }
0x16c: {  	v5 =	vld [tilespmem:s12+$0xA310];
	v1 =	vmax.f32 v1, $0.0e+00;
	v2 =	vadd.f32 v4, v2  }
0x16d: {  	v4 =	vld [tilespmem:s12+$0x4310];
	[tilespmem:s10+$0xA350] =	vst v1  }
0x16e: {  	v1 =	vld [tilespmem:s12+$0xA320];
	v7 =	vadd.f32 v8, v7;
	v2 =	vmax.f32 v2, $0.0e+00  }
0x16f: {  	v8 =	vld [tilespmem:s12+$0x4320];
	[tilespmem:s10+$0xA360] =	vst v2;
	s10 =	smov.u32 s12  }
0x170: {  	v2 =	vadd.f32 v3, v6;
	v6 =	vld [tilespmem:s10+$0xA330];
	v3 =	vmax.f32 v7, $0.0e+00  }
0x171: {  	v7 =	vld [tilespmem:s10+$0x4330];
	[tilespmem:s10+$0xA370] =	vst v3  }
0x172: {  	v2 =	vmax.f32 v2, $0.0e+00;
	v3 =	vadd.f32 v4, v5;
	v5 =	vld [tilespmem:s10+$0xA340]  }
0x173: {  	[tilespmem:s10+$0xA300] =	vst v2;
	v9 =	vld [tilespmem:s10+$0x4340]  }
.Ltmp13:
0x174: {  	v2 =	vmax.f32 v3, $0.0e+00;
	v4 =	vadd.f32 v8, v1;
	v1 =	vld [tilespmem:s10+$0xA350];
	(pc) =	sbr.rel @p1 .LBB2_19-.Ltmp13, $4  }
0x175: {  	[tilespmem:s10+$0xA310] =	vst v2;
	v3 =	vld [tilespmem:s10+$0x4350]  }
0x176: {  	v4 =	vmax.f32 v4, $0.0e+00;
	v6 =	vadd.f32 v7, v6;
	v2 =	vld [tilespmem:s10+$0xA360]  }
0x177: {  	s12 =	sshra.s32 s13, $0x2;
	[tilespmem:s10+$0xA320] =	vst v4;
	v4 =	vld [tilespmem:s10+$0x4360]  }
0x178: {  	s13 =	sadd.s32 $0x200, s13;
	v7 =	vld [tilespmem:s12+$0xA370];
	v6 =	vmax.f32 v6, $0.0e+00;
	v5 =	vadd.f32 v9, v5  }
0x179: {  	v8 =	vld [tilespmem:s12+$0x4370]  }
0x17a: {  	v9 =	vld [tilespmem:s12+$0xA300]  }
0x17b: {  	v10 =	vld [tilespmem:s12+$0x4300]  }
0x17c: {  	v11 =	vld [tilespmem:s12+$0xA310]  }
0x17d: {  	v12 =	vld [tilespmem:s12+$0x4310]  }
0x17e: {  	v13 =	vld [tilespmem:s12+$0xA320]  }
0x17f: {  	v53 =	vld [tilespmem:s12+$0x4320]  }
0x180: {  	v14 =	vld [tilespmem:s12+$0xA330]  }
0x181: {  	v54 =	vld [tilespmem:s12+$0x4330]  }
0x182: {  	v56 =	vld [tilespmem:s12+$0xA340]  }
0x183: {  	v57 =	vld [tilespmem:s12+$0x4340];
	v1 =	vadd.f32 v3, v1  }
0x184: {  	v58 =	vld [tilespmem:s12+$0xA350];
	[tilespmem:s10+$0xA330] =	vst v6;
	v61 =	vmax.f32 v5, $0.0e+00;
	v2 =	vadd.f32 v4, v2  }
0x185: {  	v59 =	vld [tilespmem:s12+$0x4350];
	[tilespmem:s10+$0xA340] =	vst v61;
	v1 =	vmax.f32 v1, $0.0e+00;
	v7 =	vadd.f32 v8, v7  }
0x186: {  	v60 =	vld [tilespmem:s12+$0xA360];
	[tilespmem:s10+$0xA350] =	vst v1;
	v9 =	vadd.f32 v10, v9;
	v1 =	vmax.f32 v2, $0.0e+00  }
0x187: {  	v3 =	vld [tilespmem:s12+$0x4360];
	v11 =	vadd.f32 v12, v11;
	[tilespmem:s10+$0xA360] =	vst v1;
	v7 =	vmax.f32 v7, $0.0e+00  }
0x188: {  	v8 =	vadd.f32 v53, v13;
	v55 =	vmax.f32 v9, $0.0e+00;
	[tilespmem:s12+$0xA370] =	vst v7  }
0x189: {  	v62 =	vadd.f32 v54, v14;
	v11 =	vmax.f32 v11, $0.0e+00;
	[tilespmem:s12+$0xA300] =	vst v55  }
0x18a: {  	v2 =	vadd.f32 v57, v56;
	v8 =	vmax.f32 v8, $0.0e+00;
	[tilespmem:s12+$0xA310] =	vst v11  }
0x18b: {  	v63 =	vadd.f32 v59, v58;
	v1 =	vmax.f32 v62, $0.0e+00;
	[tilespmem:s12+$0xA320] =	vst v8  }
0x18c: {  	[tilespmem:s12+$0xA330] =	vst v1;
	v1 =	vmax.f32 v2, $0.0e+00;
	v2 =	vadd.f32 v3, v60  }
0x18d: {  	[tilespmem:s12+$0xA340] =	vst v1;
	v1 =	vmax.f32 v63, $0.0e+00  }
0x18e: {  	[tilespmem:s12+$0xA350] =	vst v1;
	v1 =	vmax.f32 v2, $0.0e+00  }
.Ltmp14:
0x18f: {  	[tilespmem:s12+$0xA360] =	vst v1;
	(pc) =	sbr.rel .LBB2_21-.Ltmp14, $4  }
0x190: {  	_ =	swait.ge [sflag:s9], $0x40  }
0x191: {  	[sflag:s9] =	ssyncset.done $0x0  }
0x192: {  	[sflag:s9] =	ssyncadd.s32 $0xFFFFFFC0  }
0x193: {  	[spmem:s2] =	stream.indirect.scatter.add.f32 [tilespmem:s23], [sflag:$0xF], $0x80, s22, s19, $0xb8;
	[tilespmem:$0x1FB80] =	vst v63  }
.LBB2_7:
.Ltmp15:
0x194: {  	(pc) =	sbr.rel .LBB2_8-.Ltmp15, $4  }
0x195: {  	s12 =	rddreg [dreg:$0x1a]  }
0x196: {  	s13 =	rddreg [dreg:$0x19]  }
0x197: {  	[tilespmem:s21], [sflag:$0x3] =	stream.linear.gather [hbm4b:s12+s3], $0x40, $0x38;
	[tilespmem:$0x1FB80] =	vst v63  }
0x198: {  	s12 =	rddreg [dreg:$0x16]  }
.LBB2_23:
0x199: {  	_ =	sfence.sel $0x180000  }
0x19a: {  	[bflag:$0x0] =	sbarrier.arrive $0xFFFF  }
0x19b: {  	_ =	strace $0x90000047  }
0x19c: {  	s0 =	stileid.u32;
	[bflag:$0x2] =	sbarrier.arrive $0xFFFF  }
0x19d: {  	p0 =	sne.s32 s0, $0x0;
	s0 =	rddreg [dreg:$0x3]  }
0x19e: {  	s0 =	sadd.s32 @!p0 $0x100000, s0  }
0x19f: {  	[sflag:s0] =	ssyncadd.tile.s32 @!p0 $0x1;
	_ =	shalt  }
.Lfunc_end2:
_tile_overlayer_lowered:
.L_overlay_start_2:
0x1a0: {  	(tag) =	ssettag $0x2  }
0x1a1: {  	s0 =	rddreg [dreg:$0x0];
	s2 =	stileid.u32  }
0x1a2: {  	s1 =	rddreg [dreg:$0x1];
	p0 =	sne.s32 s2, $0x0  }
0x1a3: {  	s3 =	rddreg [dreg:$0x2];
	[bflag:$0x3] =	sbarrier.arrive $0xFFFF;
	s2 =	simm.s32 @!p0 $0x1C10  }
0x1a4: {  	[timem:s3], [sflag:s2] =	dma.local @!p0 [hbm:s0], s1  }
0x1a5: {  	s0 =	simm.s32 @!p0 $0x10  }
0x1a6: {  	_ =	swait.ge @!p0 [sflag:s0], s1  }
0x1a7: {  	s1 =	ssub.s32 @!p0 $0x0, s1;
	[sflag:s0] =	ssyncset.done @!p0 $0x0  }
0x1a8: {  	[sflag:s0] =	ssyncadd.s32 @!p0 s1  }
0x1a9: {  	[bflag:$0x3] =	sbarrier.arrive $0xFFFF  }
0x1aa: {  	_ =	shalt  }

// kernel: kernel.13.cloned.1.call-start
scs
__scs_entry_jumppad:
0x0: {  	(pc) =	sbr.rel $0x88, $3  }
0x1: {  	(tag) =	ssettag $0x0;
	lr =	simm.s32 $0x1  }
0x2: {  	[smem:$0x3F89] =	sst lr;
	_ =	strace $0xD0000000  }
0x3: {  	_ = 	snop  }
0x4: {  	_ = 	snop  }
0x5: {  	_ = 	snop  }
0x6: {  	_ = 	snop  }
0x7: {  	_ = 	snop  }
__scs_overlays_trampoline_lowered:
0x8: {  	[smem:$0x3F98] =	sst s0  }
0x9: {  	[smem:$0x3F99] =	sst s1  }
0xa: {  	[smem:$0x3F9A] =	sst s2  }
0xb: {  	[smem:$0x3F9B] =	sst s3  }
0xc: {  	[smem:$0x3F9C] =	sst s4  }
0xd: {  	[smem:$0x3F9D] =	sst s5  }
0xe: {  	[smem:$0x3F9E] =	sst s6  }
0xf: {  	[smem:$0x3F9F] =	sst s7  }
0x10: {  	[smem:$0x3FA0] =	sst s8  }
0x11: {  	[smem:$0x3FA1] =	sst s9;
	s0 =	simm.s32 @!p0 $0x0  }
0x12: {  	s1 =	sld [smem:$0x3F87];
	s0 =	simm.s32 @p0 $0x1  }
0x13: {  	[smem:$0x3FA2] =	sst s0;
	s0 =	simm.s32 @!p1 $0x0  }
0x14: {  	s2 =	sld [smem:$0x3F86];
	s0 =	simm.s32 @p1 $0x1  }
0x15: {  	[smem:$0x3FA3] =	sst s0;
	s0 =	simm.s32 @!p2 $0x0  }
0x16: {  	s3 =	sld [smem:$0x3FDB];
	s0 =	simm.s32 @p2 $0x1  }
0x17: {  	s4 =	simm.s32 $0x1BF5;
	[smem:$0x3FA5] =	sst s0  }
0x18: {  	s0 =	sld [smem:$0x3F88];
	_ =	swait.ge [sflag:s4], $0x0  }
0x19: {  	s7 =	sld [smem:$0x3F89]  }
0x1a: {  	s8 =	sadd.s32 $0xFFFFE003, lr  }
0x1b: {  	s9 =	sadd.s32 $0xFFFFFEF7, lr;
	s5 =	simm.s32 $0xFFFFFFFF;
	p2 =	slt.u32 s8, $0xFFFFF086  }
0x1c: {  	p1 =	slt.u32 s9, $0xF7A;
	s5 =	simm.s32 @!p2 $0x0  }
0x1d: {  	s5 =	simm.s32 @p1 $0x1;
	p0 =	seq.s32 s7, s2  }
0x1e: {  	s7 =	smul.u32 @!p0 $0xF7A, s2;
	p2 =	seq.s32 @!p0 s5, $0x0  }
0x1f: {  	s9 =	smul.u32 $0xF7A, s1;
	s8 =	simm.s32 @!p0 $0x1BF5;
	p2 =	por !p2, p0  }
0x20: {  	[sflag:s8] =	ssyncset.s32 @!p0 $0xFFFFF086;
	s6 =	sadd.s32 @!p0 s3, s7;
	s7 =	simm.s32 @!p0 $0x108  }
0x21: {  	s3 =	sadd.s32 s3, s9;
	s6 =	sadd.s32 @!p0 $0x88, s6;
	s7 =	simm.s32 @p2 $0x1082  }
0x22: {  	[simem:s7], [sflag:s8] =	dma.local @!p0 [hbm:s6], $0xF7A  }
0x23: {  	s9 =	sor.u32 $0xD0000000, s2;
	s6 =	simm.s32 $0x108;
	_ =	swait.ge @!p0 [sflag:s8], $0x0  }
0x24: {  	s3 =	sadd.s32 $0x88, s3;
	s6 =	simm.s32 @!p1 $0x1082;
	[sflag:s4] =	ssyncset.s32 $0xFFFFF086  }
0x25: {  	[simem:s6], [sflag:s4] =	dma.local [hbm:s3], $0xF7A  }
0x26: {  	[smem:$0x3F89] =	sst s1;
	(tag) =	ssettag s2;
	_ =	strace s9  }
0x27: {  	s1 =	sld [smem:$0x3F99]  }
0x28: {  	s2 =	sld [smem:$0x3F9A]  }
0x29: {  	s4 =	sld [smem:$0x3F9C]  }
0x2a: {  	p0 =	seq.s32 s5, $0x0;
	s5 =	sld [smem:$0x3F9D]  }
0x2b: {  	s6 =	sld [smem:$0x3F9E]  }
0x2c: {  	s7 =	sld [smem:$0x3F9F]  }
0x2d: {  	s3 =	simm.s32 $0x108;
	s8 =	sld [smem:$0x3FA0]  }
0x2e: {  	s3 =	simm.s32 @!p0 $0x1082;
	s9 =	sld [smem:$0x3FA1]  }
0x2f: {  	lr =	sadd.s32 s0, s3;
	s0 =	sld [smem:$0x3F98]  }
0x30: {  	s3 =	sld [smem:$0x3F9B]  }
0x31: {  	[smem:$0x3FA4] =	sst s10  }
0x32: {  	s10 =	sld [smem:$0x3FA2];
	_ =	sdelay $0x3  }
0x33: {  	p0 =	seq.s32 s10, $0x1;
	s10 =	sld [smem:$0x3FA4];
	_ =	sdelay $0x3  }
0x34: {  	[smem:$0x3FA4] =	sst s10  }
0x35: {  	s10 =	sld [smem:$0x3FA3];
	_ =	sdelay $0x3  }
0x36: {  	p1 =	seq.s32 s10, $0x1;
	s10 =	sld [smem:$0x3FA4];
	_ =	sdelay $0x3  }
0x37: {  	[smem:$0x3FA4] =	sst s10  }
0x38: {  	s10 =	sld [smem:$0x3FA5]  }
0x39: {  	_ = 	snop;
	(pc) =	sbr.ind lr, $3  }
0x3a: {  	_ = 	snop  }
0x3b: {  	_ = 	snop  }
0x3c: {  	p2 =	seq.s32 s10, $0x1;
	s10 =	sld [smem:$0x3FA4]  }
0x3d: {  	_ =	shalt  }
0x3e: {  	_ =	shalt  }
0x3f: {  	_ =	shalt  }
0x40: {  	_ =	shalt  }
0x41: {  	_ =	shalt  }
0x42: {  	_ =	shalt  }
0x43: {  	_ =	shalt  }
0x44: {  	_ =	shalt  }
0x45: {  	_ =	shalt  }
0x46: {  	_ =	shalt  }
0x47: {  	_ =	shalt  }
0x48: {  	_ =	shalt  }
0x49: {  	_ =	shalt  }
0x4a: {  	_ =	shalt  }
0x4b: {  	_ =	shalt  }
0x4c: {  	_ =	shalt  }
0x4d: {  	_ =	shalt  }
0x4e: {  	_ =	shalt  }
0x4f: {  	_ =	shalt  }
0x50: {  	_ =	shalt  }
0x51: {  	_ =	shalt  }
0x52: {  	_ =	shalt  }
0x53: {  	_ =	shalt  }
0x54: {  	_ =	shalt  }
0x55: {  	_ =	shalt  }
0x56: {  	_ =	shalt  }
0x57: {  	_ =	shalt  }
0x58: {  	_ =	shalt  }
0x59: {  	_ =	shalt  }
0x5a: {  	_ =	shalt  }
0x5b: {  	_ =	shalt  }
0x5c: {  	_ =	shalt  }
0x5d: {  	_ =	shalt  }
0x5e: {  	_ =	shalt  }
0x5f: {  	_ =	shalt  }
0x60: {  	_ =	shalt  }
0x61: {  	_ =	shalt  }
0x62: {  	_ =	shalt  }
0x63: {  	_ =	shalt  }
0x64: {  	_ =	shalt  }
0x65: {  	_ =	shalt  }
0x66: {  	_ =	shalt  }
0x67: {  	_ =	shalt  }
0x68: {  	_ =	shalt  }
0x69: {  	_ =	shalt  }
0x6a: {  	_ =	shalt  }
0x6b: {  	_ =	shalt  }
0x6c: {  	_ =	shalt  }
0x6d: {  	_ =	shalt  }
0x6e: {  	_ =	shalt  }
0x6f: {  	_ =	shalt  }
0x70: {  	_ =	shalt  }
0x71: {  	_ =	shalt  }
0x72: {  	_ =	shalt  }
0x73: {  	_ =	shalt  }
0x74: {  	_ =	shalt  }
0x75: {  	_ =	shalt  }
0x76: {  	_ =	shalt  }
0x77: {  	_ =	shalt  }
0x78: {  	_ =	shalt  }
0x79: {  	_ =	shalt  }
0x7a: {  	_ =	shalt  }
0x7b: {  	_ =	shalt  }
0x7c: {  	_ =	shalt  }
0x7d: {  	_ =	shalt  }
0x7e: {  	_ =	shalt  }
0x7f: {  	_ =	shalt  }
0x80: {  	_ =	shalt  }
0x81: {  	_ =	shalt  }
0x82: {  	_ =	shalt  }
0x83: {  	_ =	shalt  }
0x84: {  	_ =	shalt  }
0x85: {  	_ =	shalt  }
0x86: {  	_ =	shalt  }
0x87: {  	_ =	shalt  }
.Lfunc_end0:
.L_simem_size_0:
called_computation.1_lowered:
.L_overlay_start_0:
0x88: {  	s2 =	sld [smem:$0x3FD9]  }
0x89: {  	s3 =	sld [smem:$0x3FFE];
	_ =	sdelay $0x1  }
0x8a: {  	s1 =	srdreg.scid  }
0x8b: {  	s0 =	sand.u32 $0x1, s1  }
0x8c: {  	s16 =	sshll.u32 s0, $0xA;
	s2 =	sadd.s32 s3, s2  }
0x8d: {  	s2 =	sadd.s32 s2, s16  }
0x8e: {  	[smem:$0x3FB0] =	sst s2  }
0x8f: {  	_ = 	snop  }
0x90: {  	(tm) =	ssettm $0x1  }
0x91: {  	s17 =	sld [smem:$0x3FFB];
	_ =	sdelay $0x3  }
0x92: {  	_ =	strace s17  }
0x93: {  	s2 =	sld [smem:$0x3FFC];
	_ =	sdelay $0x3  }
0x94: {  	_ =	strace s2  }
0x95: {  	s2 =	sld [smem:$0x3FFD];
	_ =	sdelay $0x3  }
0x96: {  	_ =	strace s2  }
0x97: {  	_ =	strace $0x8FFFFFFF  }
0x98: {  	s18 =	sld [smem:$0x3FDB];
	_ =	sdelay $0x1  }
0x99: {  	s19 =	simm.s32 $_scs_section_size  }
0x9a: {  	s4 =	simm.s32 $_size__tile_overlayer_lowered;
	s5 =	simm.s32 $_tile_overlayer_lowered  }
0x9b: {  	s22 =	simm.s32 $0x1BFF;
	s21 =	sshll.u32 s5, $0x1;
	s2 =	sadd.s32 s19, s18  }
0x9c: {  	s6 =	simm.s32 $0x0;
	s20 =	sshll.u32 s4, $0x1;
	s4 =	sadd.s32 s21, s2  }
0x9d: {  	[timem:s6], [sflag:s22] =	dma.local [hbm:s4], s20  }
0x9e: {  	_ =	swait.ge [sflag:s22], s20  }
0x9f: {  	s3 =	ssub.s32 $0x0, s20;
	[sflag:s22] =	ssyncset.done $0x0  }
0xa0: {  	[sflag:s22] =	ssyncadd.s32 s3;
	_ =	sdelay $0x1  }
0xa1: {  	s23 =	simm.s32 $0x1B8B  }
0xa2: {  	_ =	swait.ge [sflag:s23], $0x1  }
0xa3: {  	[sflag:s23] =	ssyncset.done $0x0  }
0xa4: {  	s25 =	simm.s32 $0x1B8E;
	s24 =	sld [smem:$0x3FFE];
	[sflag:s23] =	ssyncadd.s32 $0xFFFFFFFF  }
0xa5: {  	s26 =	simm.s32 $execute0_lowered;
	[smem:$0x3FD2] =	sst s25  }
0xa6: {  	s4 =	sshll.u32 s26, $0x1;
	_ =	strace $0x80000049;
	[dreg:$0x1] =	wrdreg $0xFFFFFFFF  }
0xa7: {  	s28 =	simm.s32 $_size_execute0_lowered;
	s2 =	sadd.s32 s2, s4;
	[dreg:$0x0] =	wrdreg $0x0  }
0xa8: {  	s4 =	sshll.u32 s28, $0x1;
	[dreg:$0x2] =	wrdreg s2  }
0xa9: {  	[dreg:$0x3] =	wrdreg s4  }
0xaa: {  	[dreg:$0x4] =	wrdreg $0xC0  }
0xab: {  	_ =	task [dreg:s6], $0x5FFFF  }
0xac: {  	[dreg:$0x1] =	wrdreg $0xFFFFFFFF  }
0xad: {  	[dreg:$0x0] =	wrdreg $0x60  }
0xae: {  	[dreg:$0x2] =	wrdreg s24  }
0xaf: {  	[dreg:$0x3] =	wrdreg $0xC3000  }
0xb0: {  	[dreg:$0x4] =	wrdreg $0x9  }
0xb1: {  	_ =	task.clear_ibuf [dreg:s6], $0x5FFFF;
	_ =	strace $0x90000049  }
0xb2: {  	s29 =	simm.s32 $0x9;
	_ =	strace $0x8000004B  }
0xb3: {  	_ =	swait.ge [sflag:s29], $0x1  }
0xb4: {  	[sflag:s29] =	ssyncadd.s32 $0xFFFFFFFF  }
0xb5: {  	_ =	strace $0x9000004B  }
0xb6: {  	_ =	sfence  }
0xb7: {  	s30 =	sld [smem:$0x0];
	_ =	sdelay $0x2  }
0xb8: {  	s31 =	sshll.u32 s1, $0xD;
	s1 =	sshrl.u32 s1, $0x2  }
0xb9: {  	s3 =	sand.u32 $0x4000, s31;
	s1 =	sadd.s32 s1, s30  }
0xba: {  	s0 =	sor.u32 s3, s0;
	s1 =	sshll.u32 s1, $0x11  }
0xbb: {  	s0 =	sor.u32 s1, s0  }
0xbc: {  	s0 =	sadd.s32 $0x8F2B, s0  }
0xbd: {  	[sflag:s0] =	ssyncadd.remote.s32 $0x1  }
0xbe: {  	_ =	sfence.sel $0xFFFF  }
0xbf: {  	[dreg:$0x0] =	wrdreg $0xFFFFFFFF;
	(pc) =	sbr.abs _section_cstart, $3  }
0xc0: {  	[dreg:$0x1] =	wrdreg $0xFFFFFFFF  }
0xc1: {  	_ =	task.clear_ibuf [dreg:s6], $0x2FFFF;
	_ =	strace $0x9FFFFFFF  }
0xc2: {  	(tm) =	ssettm $0x7FFFFFFF  }
0xc3: {  	_ =	shalt  }
tec
execute0_lowered:
.L_overlay_start_1:
0x0: {  	(tag) =	ssettag $0x1  }
0x1: {  	s0 =	rddreg [dreg:$0x0]  }
0x2: {  	s1 =	rddreg [dreg:$0x1];
	s2 =	simm.s32 $0x0;
	s3 =	srdreg.scid  }
0x3: {  	s14 =	stileid.u32;
	s15 =	simm.s32 $0x9D;
	s30 =	simm.s32 $0xB  }
0x4: {  	s31 =	simm.s32 $0x9;
	[smem:$0x7FF] =	sst s2;
	s4 =	sadd.s32 $0x4800, s0  }
0x5: {  	s28 =	simm.s32 $0x8;
	s5 =	sadd.s32 $0x9DC400, s0;
	s6 =	sadd.s32 $0x4F0600, s0  }
0x6: {  	s3 =	sand.u32 $0x1, s3;
	s9 =	smul.u32 $0x4E000, s14;
	s7 =	sadd.s32 $0x4E6800, s0  }
0x7: {  	s0 =	sadd.s32 $0x2BA00, s0;
	s20 =	sshll.u32 s14, $0x1;
	s11 =	smul.u32 $0x2700, s14  }
0x8: {  	p0 =	slt.u32 s14, $0x4;
	_ =	strace $0x8000004A;
	s8 =	ssub.s32 $0x2, s3  }
0x9: {  	s15 =	simm.s32 @!p0 $0x9C;
	s29 =	smul.u32 $0x27100, s3;
	s9 =	sshrl.u32 s9, $0x2  }
0xa: {  	p0 =	sne.s32 s14, $0xF;
	s10 =	sshrl.u32 s8, $0x1;
	s16 =	sadd.s32 s9, s1  }
0xb: {  	s8 =	ssub.s32 s8, s10;
	s9 =	sadd.s32 $0x2000, s16;
	[dreg:$0x3] =	wrdreg s16  }
0xc: {  	s10 =	sor.u32 s3, s20;
	s21 =	sadd.s32 $0x4000, s16;
	[dreg:$0x4] =	wrdreg s9  }
0xd: {  	s3 =	smul.u32 $0x138800, s3;
	s22 =	sadd.s32 $0x6000, s16;
	[dreg:$0x5] =	wrdreg s21  }
0xe: {  	s18 =	sadd.s32 s11, s29;
	s23 =	sadd.s32 $0x8000, s16;
	[dreg:$0x6] =	wrdreg s22  }
0xf: {  	s11 =	simm.s32 $0x10;
	s24 =	sadd.s32 $0xA000, s16;
	[dreg:$0x7] =	wrdreg s23  }
0x10: {  	s25 =	sadd.s32 $0xC000, s16;
	s26 =	sshll.u32 s10, $0x3;
	[dreg:$0x8] =	wrdreg s24  }
0x11: {  	s13 =	sshll.u32 s10, $0xA;
	s29 =	sadd.s32 $0x12000, s16;
	[dreg:$0x9] =	wrdreg s25  }
0x12: {  	s17 =	sshll.u32 s10, $0x6;
	s12 =	sadd.s32 s6, s26;
	[dreg:$0x16] =	wrdreg s29  }
0x13: {  	s9 =	sadd.s32 s7, s26;
	s10 =	sadd.s32 s5, s13;
	[dreg:$0xa] =	wrdreg s12  }
0x14: {  	s13 =	sor.u32 $0x800, s17;
	s3 =	sshrl.u32 s3, $0x3;
	[dreg:$0xb] =	wrdreg s9  }
0x15: {  	s23 =	smax.u32 s8, $0x1;
	s24 =	sadd.s32 $0xE000, s16;
	[dreg:$0xc] =	wrdreg s10  }
0x16: {  	s25 =	sadd.s32 $0x10000, s16;
	s26 =	sor.u32 $0x1000, s17;
	[dreg:$0x12] =	wrdreg s23  }
0x17: {  	s8 =	simm.s32 $0xC;
	s19 =	sshrl.u32 s13, $0x3;
	[dreg:$0x13] =	wrdreg s24  }
0x18: {  	s9 =	sshll.u32 s13, $0x4;
	s10 =	sadd.s32 s0, s18;
	[dreg:$0x14] =	wrdreg s25  }
0x19: {  	s0 =	sadd.s32 s0, s3;
	s13 =	sadd.s32 $0x138000, s1;
	[dreg:$0x15] =	wrdreg s26  }
0x1a: {  	s3 =	sadd.s32 $0xFFFFFFFF, s15;
	s23 =	simm.s32 $0xA300;
	s24 =	simm.s32 $0x7  }
0x1b: {  	s25 =	simm.s32 $0xA;
	s18 =	simm.s32 $0x5;
	[dreg:$0xd] =	wrdreg s10  }
0x1c: {  	s12 =	simm.s32 $0x0;
	s20 =	sadd.s32 s6, s19;
	[dreg:$0x17] =	wrdreg s13  }
0x1d: {  	s21 =	sadd.s32 s7, s19;
	s22 =	sadd.s32 s5, s9;
	[dreg:$0xe] =	wrdreg s20  }
.Ltmp0:
0x1e: {  	s0 =	sadd.s32 $0x27000, s0;
	[dreg:$0xf] =	wrdreg s21;
	(pc) =	sbr.rel .LBB2_1-.Ltmp0, $4  }
0x1f: {  	s19 =	simm.s32 $0x40;
	s9 =	simm.s32 $0x6;
	[dreg:$0x10] =	wrdreg s22  }
0x20: {  	[dreg:$0x11] =	wrdreg s0;
	s0 =	sshrl.u32 s26, $0x3;
	s20 =	simm.s32 $0xF  }
0x21: {  	s21 =	simm.s32 $0x100;
	[dreg:$0x18] =	wrdreg s0;
	s0 =	sadd.s32 s6, s0  }
0x22: {  	v0 =	vimm.f32 $0.0e+00;
	s22 =	simm.s32 $0x280;
	s26 =	simm.s32 $0x4;
	[dreg:$0x19] =	wrdreg s0  }
.LBB2_22:
0x23: {  	s0 =	simm.s32 $0xD  }
0x24: {  	_ =	swait.ge [sflag:s0], $0x2000  }
0x25: {  	[sflag:s0] =	ssyncset.done $0x0  }
0x26: {  	s13 =	simm.s32 $0xE;
	[sflag:s0] =	ssyncadd.s32 $0xFFFFE000  }
0x27: {  	_ =	swait.ge [sflag:s13], $0x2000  }
0x28: {  	[sflag:s13] =	ssyncset.done $0x0  }
0x29: {  	[sflag:s13] =	ssyncadd.s32 $0xFFFFE000  }
0x2a: {  	_ =	swait.ge [sflag:s20], $0x2000  }
0x2b: {  	[sflag:s20] =	ssyncset.done $0x0  }
0x2c: {  	[sflag:s20] =	ssyncadd.s32 $0xFFFFE000  }
0x2d: {  	s14 =	stileid.u32;
	[bflag:$0x0] =	sbarrier.arrive $0xFFFF  }
0x2e: {  	s0 =	sshll.u32 s14, $0x6;
	s10 =	rddreg [dreg:$0x3]  }
0x2f: {  	s0 =	sor.u32 $0x1C10, s0;
	s12 =	rddreg [dreg:$0xd];
	s10 =	sshrl.u32 s10, $0x3  }
0x30: {  	[hbm:s12], [sflag:s0] =	dma.local [spmem:s10], $0x2700  }
0x31: {  	_ =	swait.ge [sflag:s11], $0x2700  }
0x32: {  	[sflag:s11] =	ssyncset.done $0x0;
	s13 =	rddreg [dreg:$0x17]  }
0x33: {  	s12 =	rddreg [dreg:$0x11];
	[sflag:s11] =	ssyncadd.s32 $0xFFFFD900;
	s10 =	sshrl.u32 @!p0 s13, $0x3  }
0x34: {  	[hbm:s12], [sflag:s0] =	dma.local @!p0 [spmem:s10], $0x100  }
0x35: {  	s0 =	simm.s32 @!p0 $0x10  }
0x36: {  	_ =	swait.ge @!p0 [sflag:s0], $0x100  }
0x37: {  	s16 =	rddreg [dreg:$0x1a]  }
0x38: {  	s29 =	rddreg [dreg:$0x12];
	s12 =	sadd.s32 $0x1, s16  }
0x39: {  	p1 =	sne.s32 s12, s29  }
.Ltmp1:
0x3a: {  	_ = 	snop;
	(pc) =	sbr.rel @!p1 .LBB2_23-.Ltmp1, $3  }
0x3b: {  	_ =	sdelay $0x1  }
0x3c: {  	[sflag:s0] =	ssyncset.done @!p0 $0x0  }
0x3d: {  	[sflag:s0] =	ssyncadd.s32 @!p0 $0xFFFFFF00  }
.LBB2_1:
0x3e: {  	[dreg:$0x1a] =	wrdreg s12;
	s0 =	simm.s32 $0x0;
	s10 =	simm.s32 $0x200  }
.LBB2_2:
0x3f: {  	p1 =	sne.s32 s10, $0x7E00;
	[tilespmem:s0+$0x370] =	vst v0  }
0x40: {  	[tilespmem:s0+$0x300] =	vst v0  }
0x41: {  	[tilespmem:s0+$0x310] =	vst v0  }
.Ltmp2:
0x42: {  	[tilespmem:s0+$0x320] =	vst v0;
	(pc) =	sbr.rel @p1 .LBB2_2-.Ltmp2, $4  }
0x43: {  	[tilespmem:s0+$0x330] =	vst v0  }
0x44: {  	[tilespmem:s0+$0x340] =	vst v0  }
0x45: {  	[tilespmem:s0+$0x350] =	vst v0  }
0x46: {  	[tilespmem:s0+$0x360] =	vst v0;
	s0 =	sshra.s32 s10, $0x2;
	s10 =	sadd.s32 $0x200, s10  }
0x47: {  	[tilespmem:s0+$0x370] =	vst v0  }
0x48: {  	[tilespmem:s0+$0x300] =	vst v0  }
0x49: {  	[tilespmem:s0+$0x310] =	vst v0  }
0x4a: {  	[tilespmem:s0+$0x320] =	vst v0  }
0x4b: {  	[tilespmem:s0+$0x330] =	vst v0  }
0x4c: {  	[tilespmem:s0+$0x340] =	vst v0  }
0x4d: {  	[tilespmem:s0+$0x350] =	vst v0  }
0x4e: {  	[tilespmem:s0+$0x360] =	vst v0;
	s29 =	rddreg [dreg:$0x3];
	s12 =	simm.s32 $0x300  }
0x4f: {  	[spmem:s29] =	stream.linear.scatter [tilespmem:s12], [sflag:$0x10], $0x2000, $0x38;
	[tilespmem:$0x1FB80] =	vst v63  }
0x50: {  	_ =	swait.ge [sflag:s11], $0x2000  }
0x51: {  	[sflag:s11] =	ssyncset.done $0x0  }
0x52: {  	s10 =	rddreg [dreg:$0x4];
	[sflag:s11] =	ssyncadd.s32 $0xFFFFE000  }
0x53: {  	[spmem:s10] =	stream.linear.scatter [tilespmem:s12], [sflag:$0x10], $0x2000, $0x38;
	[tilespmem:$0x1FB80] =	vst v63  }
0x54: {  	_ =	swait.ge [sflag:s11], $0x2000  }
0x55: {  	[sflag:s11] =	ssyncset.done $0x0  }
0x56: {  	s14 =	rddreg [dreg:$0x5];
	[sflag:s11] =	ssyncadd.s32 $0xFFFFE000  }
0x57: {  	[spmem:s14] =	stream.linear.scatter [tilespmem:s12], [sflag:$0x10], $0x2000, $0x38;
	[tilespmem:$0x1FB80] =	vst v63  }
0x58: {  	_ =	swait.ge [sflag:s11], $0x2000  }
0x59: {  	[sflag:s11] =	ssyncset.done $0x0  }
0x5a: {  	s16 =	rddreg [dreg:$0x6];
	[sflag:s11] =	ssyncadd.s32 $0xFFFFE000  }
0x5b: {  	[spmem:s16] =	stream.linear.scatter [tilespmem:s12], [sflag:$0x10], $0x2000, $0x38;
	[tilespmem:$0x1FB80] =	vst v63  }
0x5c: {  	_ =	swait.ge [sflag:s11], $0x2000  }
0x5d: {  	[sflag:s11] =	ssyncset.done $0x0  }
0x5e: {  	s29 =	rddreg [dreg:$0x7];
	[sflag:s11] =	ssyncadd.s32 $0xFFFFE000  }
0x5f: {  	[spmem:s29] =	stream.linear.scatter [tilespmem:s12], [sflag:$0x10], $0x2000, $0x38;
	[tilespmem:$0x1FB80] =	vst v63  }
0x60: {  	_ =	swait.ge [sflag:s11], $0x2000  }
0x61: {  	[sflag:s11] =	ssyncset.done $0x0  }
0x62: {  	s10 =	rddreg [dreg:$0x8];
	[sflag:s11] =	ssyncadd.s32 $0xFFFFE000  }
0x63: {  	[spmem:s10] =	stream.linear.scatter [tilespmem:s12], [sflag:$0x10], $0x2000, $0x38;
	[tilespmem:$0x1FB80] =	vst v63  }
0x64: {  	_ =	swait.ge [sflag:s11], $0x2000  }
0x65: {  	[sflag:s11] =	ssyncset.done $0x0  }
0x66: {  	s14 =	rddreg [dreg:$0x9];
	[sflag:s11] =	ssyncadd.s32 $0xFFFFE000  }
0x67: {  	[spmem:s14] =	stream.linear.scatter [tilespmem:s12], [sflag:$0x10], $0x2000, $0x38;
	[tilespmem:$0x1FB80] =	vst v63  }
0x68: {  	_ =	swait.ge [sflag:s11], $0x2000  }
0x69: {  	[sflag:s11] =	ssyncset.done $0x0  }
0x6a: {  	s16 =	rddreg [dreg:$0x13];
	[sflag:s11] =	ssyncadd.s32 $0xFFFFE000  }
0x6b: {  	[spmem:s16] =	stream.linear.scatter [tilespmem:s12], [sflag:$0x10], $0x2000, $0x38;
	[tilespmem:$0x1FB80] =	vst v63  }
0x6c: {  	_ =	swait.ge [sflag:s11], $0x2000  }
0x6d: {  	[sflag:s11] =	ssyncset.done $0x0  }
0x6e: {  	s29 =	rddreg [dreg:$0x14];
	[sflag:s11] =	ssyncadd.s32 $0xFFFFE000  }
0x6f: {  	[spmem:s29] =	stream.linear.scatter [tilespmem:s12], [sflag:$0x10], $0x2000, $0x38;
	[tilespmem:$0x1FB80] =	vst v63  }
0x70: {  	_ =	swait.ge [sflag:s11], $0x2000  }
0x71: {  	[sflag:s11] =	ssyncset.done $0x0  }
0x72: {  	s10 =	rddreg [dreg:$0x16];
	[sflag:s11] =	ssyncadd.s32 $0xFFFFE000  }
0x73: {  	[spmem:s10] =	stream.linear.scatter [tilespmem:s12], [sflag:$0x10], $0x1800, $0x38;
	[tilespmem:$0x1FB80] =	vst v63  }
0x74: {  	_ =	swait.ge [sflag:s11], $0x1800  }
0x75: {  	[sflag:s11] =	ssyncset.done $0x0  }
0x76: {  	s0 =	simm.s32 @!p0 $0x300;
	[sflag:s11] =	ssyncadd.s32 $0xFFFFE800  }
0x77: {  	[spmem:s13] =	stream.linear.scatter @!p0 [tilespmem:s0], [sflag:$0x10], $0x800, $0x38;
	[tilespmem:$0x1FB80] =	vst v63  }
0x78: {  	s0 =	simm.s32 @!p0 $0x10  }
0x79: {  	_ =	swait.ge @!p0 [sflag:s0], $0x800  }
0x7a: {  	[sflag:s0] =	ssyncset.done @!p0 $0x0  }
0x7b: {  	[sflag:s0] =	ssyncadd.s32 @!p0 $0xFFFFF800  }
0x7c: {  	[bflag:$0x0] =	sbarrier.arrive $0xFFFF  }
0x7d: {  	s0 =	simm.s32 $0x0;
	s10 =	rddreg [dreg:$0xa]  }
0x7e: {  	[tilespmem:s0], [sflag:$0x1] =	stream.linear.gather [hbm4b:s10+s0], $0x40, $0x38;
	[tilespmem:$0x1FB80] =	vst v63  }
0x7f: {  	s14 =	simm.s32 $0x180;
	s13 =	rddreg [dreg:$0xb]  }
0x80: {  	[tilespmem:s14], [sflag:$0x4] =	stream.linear.gather [hbm4b:s13+s0], $0x40, $0x38;
	[tilespmem:$0x1FB80] =	vst v63  }
0x81: {  	s29 =	simm.s32 $0x6300;
	s16 =	rddreg [dreg:$0xc]  }
0x82: {  	[tilespmem:s29], [sflag:$0xA] =	stream.linear.gather [hbm4b:s16+s0], $0x2000, $0x38;
	[tilespmem:$0x1FB80] =	vst v63  }
0x83: {  	s13 =	rddreg [dreg:$0xe];
	s14 =	simm.s32 $0x80  }
0x84: {  	[tilespmem:s14], [sflag:$0x2] =	stream.linear.gather [hbm4b:s13+s0], $0x40, $0x38;
	[tilespmem:$0x1FB80] =	vst v63  }
0x85: {  	s16 =	rddreg [dreg:$0xf];
	s29 =	simm.s32 $0x200  }
0x86: {  	[tilespmem:s29], [sflag:$0x5] =	stream.linear.gather [hbm4b:s16+s0], $0x40, $0x38;
	[tilespmem:$0x1FB80] =	vst v63  }
0x87: {  	s14 =	rddreg [dreg:$0x10];
	s16 =	simm.s32 $0x8300  }
0x88: {  	[tilespmem:s16], [sflag:$0xB] =	stream.linear.gather [hbm4b:s14+s0], $0x2000, $0x38;
	[tilespmem:$0x1FB80] =	vst v63  }
.Ltmp3:
0x89: {  	s29 =	simm.s32 $0x1;
	(pc) =	sbr.rel .LBB2_4-.Ltmp3, $4  }
0x8a: {  	_ =	swait.ge [sflag:s29], $0x40  }
0x8b: {  	[sflag:s29] =	ssyncset.done $0x0  }
0x8c: {  	[sflag:s29] =	ssyncadd.s32 $0xFFFFFFC0  }
0x8d: {  	[tilespmem:s12], [sflag:$0x7] =	stream.indirect.gather [hbm4b:s4+s19], $0x80, s0, s19, $0xb8;
	[tilespmem:$0x1FB80] =	vst v63  }
.LBB2_21:
0x8e: {  	s0 =	sadd.s32 $0x1, s0  }
0x8f: {  	p1 =	sne.s32 s0, $0x35  }
.Ltmp4:
0x90: {  	_ = 	snop;
	(pc) =	sbr.rel @!p1 .LBB2_22-.Ltmp4, $1  }
0x91: {  	_ =	sdelay $0x3  }
.LBB2_4:
0x92: {  	s10 =	smul.u32 $0x3, s0;
	_ =	sdelay $0x1  }
0x93: {  	p1 =	seq.s32 s0, $0x0;
	s29 =	sadd.s32 $0x2, s10  }
0x94: {  	p2 =	sge.u32 @!p1 s29, s15  }
0x95: {  	p1 =	por p1, p2  }
.Ltmp5:
0x96: {  	_ = 	snop;
	(pc) =	sbr.rel @p1 .LBB2_6-.Ltmp5, $1  }
0x97: {  	_ =	sdelay $0x3  }
0x98: {  	s12 =	sshll.u32 s29, $0xB  }
0x99: {  	_ =	swait.ge [sflag:s20], $0x2000;
	s12 =	sor.u32 s17, s12  }
0x9a: {  	[sflag:s20] =	ssyncset.done $0x0;
	s13 =	sshrl.u32 s12, $0x3  }
0x9b: {  	[sflag:s20] =	ssyncadd.s32 $0xFFFFE000;
	s14 =	sadd.s32 s6, s13  }
0x9c: {  	[tilespmem:s21], [sflag:$0x3] =	stream.linear.gather [hbm4b:s14+s2], $0x40, $0x38;
	[tilespmem:$0x1FB80] =	vst v63  }
.LBB2_8:
.Ltmp6:
0x9d: {  	(pc) =	sbr.rel .LBB2_9-.Ltmp6, $4  }
0x9e: {  	s13 =	sadd.s32 s7, s13;
	s12 =	sshll.u32 s12, $0x4  }
0x9f: {  	[tilespmem:s22], [sflag:$0x6] =	stream.linear.gather [hbm4b:s13+s2], $0x40, $0x38;
	[tilespmem:$0x1FB80] =	vst v63  }
0xa0: {  	s12 =	sadd.s32 s5, s12  }
0xa1: {  	[tilespmem:s23], [sflag:$0xC] =	stream.linear.gather [hbm4b:s12+s2], $0x2000, $0x38;
	[tilespmem:$0x1FB80] =	vst v63  }
.LBB2_6:
0xa2: {  	p1 =	sne.s32 s0, $0x0  }
.Ltmp7:
0xa3: {  	_ = 	snop;
	(pc) =	sbr.rel @!p1 .LBB2_7-.Ltmp7, $1  }
0xa4: {  	_ =	sdelay $0x3  }
.LBB2_9:
0xa5: {  	p2 =	sge.u32 s10, s3;
	p1 =	sge.u32 s10, s15  }
.Ltmp8:
0xa6: {  	s12 =	simm.s32 @!p2 $0x2;
	(pc) =	sbr.rel @p1 .LBB2_13-.Ltmp8, $4  }
0xa7: {  	_ =	swait.ge @!p2 [sflag:s12], $0x40  }
0xa8: {  	s13 =	simm.s32 @!p2 $0x80;
	[sflag:s12] =	ssyncset.done @!p2 $0x0  }
0xa9: {  	s14 =	simm.s32 @!p2 $0x2300;
	[sflag:s12] =	ssyncadd.s32 @!p2 $0xFFFFFFC0;
	s12 =	simm.s32 @!p2 $0x40  }
0xaa: {  	[tilespmem:s14], [sflag:$0x8] =	stream.indirect.gather @!p2 [hbm4b:s4+s12], $0x80, s13, s12, $0xb8;
	[tilespmem:$0x1FB80] =	vst v63  }
0xab: {  	_ =	swait.ge [sflag:s24], $0x2000  }
0xac: {  	[sflag:s24] =	ssyncset.done $0x0  }
0xad: {  	[sflag:s24] =	ssyncadd.s32 $0xFFFFE000  }
0xae: {  	_ =	swait.ge [sflag:s25], $0x2000  }
0xaf: {  	[sflag:s25] =	ssyncset.done $0x0  }
0xb0: {  	s12 =	simm.s32 $0x0;
	[sflag:s25] =	ssyncadd.s32 $0xFFFFE000  }
0xb1: {  	v1 =	vld [tilespmem:s12+$0x6370]  }
0xb2: {  	v2 =	vld [tilespmem:s12+$0x370]  }
0xb3: {  	v3 =	vld [tilespmem:s12+$0x6300]  }
0xb4: {  	v4 =	vld [tilespmem:s12+$0x300]  }
0xb5: {  	v5 =	vld [tilespmem:s12+$0x6310]  }
0xb6: {  	v6 =	vld [tilespmem:s12+$0x310]  }
0xb7: {  	v7 =	vld [tilespmem:s12+$0x6320]  }
0xb8: {  	v8 =	vld [tilespmem:s12+$0x6330];
	v1 =	vadd.f32 v2, v1  }
0xb9: {  	v2 =	vld [tilespmem:s12+$0x320];
	v3 =	vadd.f32 v4, v3  }
0xba: {  	v4 =	vld [tilespmem:s12+$0x330];
	v1 =	vmax.f32 v1, $0.0e+00  }
0xbb: {  	v9 =	vld [tilespmem:s12+$0x6340];
	[tilespmem:s12+$0x6370] =	vst v1;
	v1 =	vmax.f32 v3, $0.0e+00;
	v3 =	vadd.f32 v6, v5  }
0xbc: {  	v5 =	vld [tilespmem:s12+$0x340]  }
0xbd: {  	[tilespmem:s12+$0x6300] =	vst v1;
	v1 =	vld [tilespmem:s12+$0x6350];
	v3 =	vmax.f32 v3, $0.0e+00  }
0xbe: {  	v2 =	vadd.f32 v2, v7;
	[tilespmem:s12+$0x6310] =	vst v3;
	v3 =	vld [tilespmem:s12+$0x350]  }
0xbf: {  	v8 =	vadd.f32 v4, v8;
	v4 =	vld [tilespmem:s12+$0x360]  }
0xc0: {  	s13 =	simm.s32 $0x80;
	v6 =	vmax.f32 v2, $0.0e+00;
	v2 =	vld [tilespmem:s12+$0x6360]  }
0xc1: {  	s14 =	simm.s32 $0x400;
	v7 =	vld [tilespmem:s13+$0x6370];
	[tilespmem:s12+$0x6320] =	vst v6;
	v6 =	vmax.f32 v8, $0.0e+00;
	v5 =	vadd.f32 v5, v9  }
.LBB2_11:
0xc2: {  	p1 =	sne.s32 s14, $0x7E00;
	v8 =	vld [tilespmem:s13+$0x370];
	[tilespmem:s12+$0x6330] =	vst v6  }
0xc3: {  	v6 =	vld [tilespmem:s13+$0x6300];
	v5 =	vmax.f32 v5, $0.0e+00;
	v1 =	vadd.f32 v3, v1  }
0xc4: {  	v3 =	vld [tilespmem:s13+$0x300];
	[tilespmem:s12+$0x6340] =	vst v5  }
0xc5: {  	v5 =	vld [tilespmem:s13+$0x6310];
	v1 =	vmax.f32 v1, $0.0e+00;
	v2 =	vadd.f32 v4, v2  }
0xc6: {  	v4 =	vld [tilespmem:s13+$0x310];
	[tilespmem:s12+$0x6350] =	vst v1  }
0xc7: {  	v1 =	vld [tilespmem:s13+$0x6320];
	v7 =	vadd.f32 v8, v7;
	v2 =	vmax.f32 v2, $0.0e+00  }
0xc8: {  	v8 =	vld [tilespmem:s13+$0x320];
	[tilespmem:s12+$0x6360] =	vst v2;
	s12 =	smov.u32 s13  }
0xc9: {  	v2 =	vadd.f32 v3, v6;
	v6 =	vld [tilespmem:s12+$0x6330];
	v3 =	vmax.f32 v7, $0.0e+00  }
0xca: {  	v7 =	vld [tilespmem:s12+$0x330];
	[tilespmem:s12+$0x6370] =	vst v3  }
0xcb: {  	v2 =	vmax.f32 v2, $0.0e+00;
	v3 =	vadd.f32 v4, v5;
	v5 =	vld [tilespmem:s12+$0x6340]  }
0xcc: {  	[tilespmem:s12+$0x6300] =	vst v2;
	v9 =	vld [tilespmem:s12+$0x340]  }
.Ltmp9:
0xcd: {  	v2 =	vmax.f32 v3, $0.0e+00;
	v4 =	vadd.f32 v8, v1;
	v1 =	vld [tilespmem:s12+$0x6350];
	(pc) =	sbr.rel @p1 .LBB2_11-.Ltmp9, $4  }
0xce: {  	[tilespmem:s12+$0x6310] =	vst v2;
	v3 =	vld [tilespmem:s12+$0x350]  }
0xcf: {  	v4 =	vmax.f32 v4, $0.0e+00;
	v6 =	vadd.f32 v7, v6;
	v2 =	vld [tilespmem:s12+$0x6360]  }
0xd0: {  	s13 =	sshra.s32 s14, $0x2;
	[tilespmem:s12+$0x6320] =	vst v4;
	v4 =	vld [tilespmem:s12+$0x360]  }
0xd1: {  	s14 =	sadd.s32 $0x200, s14;
	v7 =	vld [tilespmem:s13+$0x6370];
	v6 =	vmax.f32 v6, $0.0e+00;
	v5 =	vadd.f32 v9, v5  }
0xd2: {  	v8 =	vld [tilespmem:s13+$0x370]  }
0xd3: {  	v9 =	vld [tilespmem:s13+$0x6300]  }
0xd4: {  	v10 =	vld [tilespmem:s13+$0x300]  }
0xd5: {  	v11 =	vld [tilespmem:s13+$0x6310]  }
0xd6: {  	v12 =	vld [tilespmem:s13+$0x310]  }
0xd7: {  	v13 =	vld [tilespmem:s13+$0x6320]  }
0xd8: {  	v53 =	vld [tilespmem:s13+$0x320]  }
0xd9: {  	v14 =	vld [tilespmem:s13+$0x6330]  }
0xda: {  	v54 =	vld [tilespmem:s13+$0x330]  }
0xdb: {  	v56 =	vld [tilespmem:s13+$0x6340]  }
0xdc: {  	v57 =	vld [tilespmem:s13+$0x340];
	v1 =	vadd.f32 v3, v1  }
0xdd: {  	v58 =	vld [tilespmem:s13+$0x6350];
	[tilespmem:s12+$0x6330] =	vst v6;
	v61 =	vmax.f32 v5, $0.0e+00;
	v2 =	vadd.f32 v4, v2  }
0xde: {  	v59 =	vld [tilespmem:s13+$0x350];
	[tilespmem:s12+$0x6340] =	vst v61;
	v1 =	vmax.f32 v1, $0.0e+00;
	v7 =	vadd.f32 v8, v7  }
0xdf: {  	v60 =	vld [tilespmem:s13+$0x6360];
	[tilespmem:s12+$0x6350] =	vst v1;
	v9 =	vadd.f32 v10, v9;
	v1 =	vmax.f32 v2, $0.0e+00  }
0xe0: {  	v3 =	vld [tilespmem:s13+$0x360];
	v11 =	vadd.f32 v12, v11;
	[tilespmem:s12+$0x6360] =	vst v1;
	v7 =	vmax.f32 v7, $0.0e+00  }
0xe1: {  	v8 =	vadd.f32 v53, v13;
	v55 =	vmax.f32 v9, $0.0e+00;
	[tilespmem:s13+$0x6370] =	vst v7  }
0xe2: {  	v62 =	vadd.f32 v54, v14;
	v11 =	vmax.f32 v11, $0.0e+00;
	[tilespmem:s13+$0x6300] =	vst v55  }
0xe3: {  	v2 =	vadd.f32 v57, v56;
	v8 =	vmax.f32 v8, $0.0e+00;
	[tilespmem:s13+$0x6310] =	vst v11  }
0xe4: {  	v63 =	vadd.f32 v59, v58;
	v1 =	vmax.f32 v62, $0.0e+00;
	[tilespmem:s13+$0x6320] =	vst v8  }
0xe5: {  	[tilespmem:s13+$0x6330] =	vst v1;
	v1 =	vmax.f32 v2, $0.0e+00;
	v2 =	vadd.f32 v3, v60  }
0xe6: {  	[tilespmem:s13+$0x6340] =	vst v1;
	v1 =	vmax.f32 v63, $0.0e+00  }
0xe7: {  	[tilespmem:s13+$0x6350] =	vst v1;
	v1 =	vmax.f32 v2, $0.0e+00  }
0xe8: {  	[tilespmem:s13+$0x6360] =	vst v1  }
0xe9: {  	_ =	swait.ge [sflag:s26], $0x40  }
0xea: {  	[sflag:s26] =	ssyncset.done $0x0  }
0xeb: {  	s14 =	simm.s32 $0x180;
	s16 =	simm.s32 $0x6300;
	[sflag:s26] =	ssyncadd.s32 $0xFFFFFFC0  }
0xec: {  	[spmem:s1] =	stream.indirect.scatter.add.f32 [tilespmem:s16], [sflag:$0xD], $0x80, s14, s19, $0xb8;
	[tilespmem:$0x1FB80] =	vst v63  }
.LBB2_13:
0xed: {  	s12 =	sadd.s32 $0x3, s10  }
0xee: {  	p1 =	sge.u32 s12, s15  }
0xef: {  	s13 =	simm.s32 @!p1 $0xD;
	s12 =	sshll.u32 @!p1 s12, $0xB  }
0xf0: {  	_ =	swait.ge @!p1 [sflag:s13], $0x2000;
	s14 =	sor.u32 @!p1 s17, s12  }
0xf1: {  	[sflag:s13] =	ssyncset.done @!p1 $0x0;
	s16 =	sshrl.u32 @!p1 s14, $0x3  }
0xf2: {  	s12 =	simm.s32 @!p1 $0x0;
	[sflag:s13] =	ssyncadd.s32 @!p1 $0xFFFFE000;
	s13 =	sadd.s32 @!p1 s6, s16  }
0xf3: {  	[tilespmem:s12], [sflag:$0x1] =	stream.linear.gather @!p1 [hbm4b:s13+s12], $0x40, $0x38;
	[tilespmem:$0x1FB80] =	vst v63  }
0xf4: {  	s13 =	sadd.s32 @!p1 s7, s16;
	s16 =	simm.s32 @!p1 $0x180  }
0xf5: {  	[tilespmem:s16], [sflag:$0x4] =	stream.linear.gather @!p1 [hbm4b:s13+s12], $0x40, $0x38;
	[tilespmem:$0x1FB80] =	vst v63  }
0xf6: {  	s13 =	sshll.u32 @!p1 s14, $0x4  }
0xf7: {  	p3 =	sge.u32 s29, s15;
	s14 =	simm.s32 @!p1 $0x6300;
	s13 =	sadd.s32 @!p1 s5, s13  }
0xf8: {  	[tilespmem:s14], [sflag:$0xA] =	stream.linear.gather @!p1 [hbm4b:s13+s12], $0x2000, $0x38;
	[tilespmem:$0x1FB80] =	vst v63  }
.Ltmp10:
0xf9: {  	s13 =	simm.s32 @!p3 $0x3;
	(pc) =	sbr.rel @p2 .LBB2_17-.Ltmp10, $4  }
0xfa: {  	_ =	swait.ge @!p3 [sflag:s13], $0x40  }
0xfb: {  	s16 =	simm.s32 @!p3 $0x4300;
	[sflag:s13] =	ssyncset.done @!p3 $0x0  }
0xfc: {  	s14 =	simm.s32 @!p3 $0x100;
	[sflag:s13] =	ssyncadd.s32 @!p3 $0xFFFFFFC0;
	s13 =	simm.s32 @!p3 $0x40  }
0xfd: {  	[tilespmem:s16], [sflag:$0x9] =	stream.indirect.gather @!p3 [hbm4b:s4+s13], $0x80, s14, s13, $0xb8;
	[tilespmem:$0x1FB80] =	vst v63  }
0xfe: {  	_ =	swait.ge [sflag:s28], $0x2000  }
0xff: {  	[sflag:s28] =	ssyncset.done $0x0  }
0x100: {  	[sflag:s28] =	ssyncadd.s32 $0xFFFFE000  }
0x101: {  	_ =	swait.ge [sflag:s30], $0x2000  }
0x102: {  	[sflag:s30] =	ssyncset.done $0x0  }
0x103: {  	s29 =	simm.s32 $0x0;
	[sflag:s30] =	ssyncadd.s32 $0xFFFFE000  }
0x104: {  	v1 =	vld [tilespmem:s29+$0x8370]  }
0x105: {  	v2 =	vld [tilespmem:s29+$0x2370]  }
0x106: {  	v3 =	vld [tilespmem:s29+$0x8300]  }
0x107: {  	v4 =	vld [tilespmem:s29+$0x2300]  }
0x108: {  	v5 =	vld [tilespmem:s29+$0x8310]  }
0x109: {  	v6 =	vld [tilespmem:s29+$0x2310]  }
0x10a: {  	v7 =	vld [tilespmem:s29+$0x8320]  }
0x10b: {  	v8 =	vld [tilespmem:s29+$0x8330];
	v1 =	vadd.f32 v2, v1  }
0x10c: {  	v2 =	vld [tilespmem:s29+$0x2320];
	v3 =	vadd.f32 v4, v3  }
0x10d: {  	v4 =	vld [tilespmem:s29+$0x2330];
	v1 =	vmax.f32 v1, $0.0e+00  }
0x10e: {  	v9 =	vld [tilespmem:s29+$0x8340];
	[tilespmem:s29+$0x8370] =	vst v1;
	v1 =	vmax.f32 v3, $0.0e+00;
	v3 =	vadd.f32 v6, v5  }
0x10f: {  	v5 =	vld [tilespmem:s29+$0x2340]  }
0x110: {  	[tilespmem:s29+$0x8300] =	vst v1;
	v1 =	vld [tilespmem:s29+$0x8350];
	v3 =	vmax.f32 v3, $0.0e+00  }
0x111: {  	v2 =	vadd.f32 v2, v7;
	[tilespmem:s29+$0x8310] =	vst v3;
	v3 =	vld [tilespmem:s29+$0x2350]  }
0x112: {  	v8 =	vadd.f32 v4, v8;
	v4 =	vld [tilespmem:s29+$0x2360]  }
0x113: {  	s13 =	simm.s32 $0x80;
	v6 =	vmax.f32 v2, $0.0e+00;
	v2 =	vld [tilespmem:s29+$0x8360]  }
0x114: {  	s14 =	simm.s32 $0x400;
	v7 =	vld [tilespmem:s13+$0x8370];
	[tilespmem:s29+$0x8320] =	vst v6;
	v6 =	vmax.f32 v8, $0.0e+00;
	v5 =	vadd.f32 v5, v9  }
.LBB2_15:
0x115: {  	p2 =	sne.s32 s14, $0x7E00;
	v8 =	vld [tilespmem:s13+$0x2370];
	[tilespmem:s29+$0x8330] =	vst v6  }
0x116: {  	v6 =	vld [tilespmem:s13+$0x8300];
	v5 =	vmax.f32 v5, $0.0e+00;
	v1 =	vadd.f32 v3, v1  }
0x117: {  	v3 =	vld [tilespmem:s13+$0x2300];
	[tilespmem:s29+$0x8340] =	vst v5  }
0x118: {  	v5 =	vld [tilespmem:s13+$0x8310];
	v1 =	vmax.f32 v1, $0.0e+00;
	v2 =	vadd.f32 v4, v2  }
0x119: {  	v4 =	vld [tilespmem:s13+$0x2310];
	[tilespmem:s29+$0x8350] =	vst v1  }
0x11a: {  	v1 =	vld [tilespmem:s13+$0x8320];
	v7 =	vadd.f32 v8, v7;
	v2 =	vmax.f32 v2, $0.0e+00  }
0x11b: {  	v8 =	vld [tilespmem:s13+$0x2320];
	[tilespmem:s29+$0x8360] =	vst v2;
	s29 =	smov.u32 s13  }
0x11c: {  	v2 =	vadd.f32 v3, v6;
	v6 =	vld [tilespmem:s29+$0x8330];
	v3 =	vmax.f32 v7, $0.0e+00  }
0x11d: {  	v7 =	vld [tilespmem:s29+$0x2330];
	[tilespmem:s29+$0x8370] =	vst v3  }
0x11e: {  	v2 =	vmax.f32 v2, $0.0e+00;
	v3 =	vadd.f32 v4, v5;
	v5 =	vld [tilespmem:s29+$0x8340]  }
0x11f: {  	[tilespmem:s29+$0x8300] =	vst v2;
	v9 =	vld [tilespmem:s29+$0x2340]  }
.Ltmp11:
0x120: {  	v2 =	vmax.f32 v3, $0.0e+00;
	v4 =	vadd.f32 v8, v1;
	v1 =	vld [tilespmem:s29+$0x8350];
	(pc) =	sbr.rel @p2 .LBB2_15-.Ltmp11, $4  }
0x121: {  	[tilespmem:s29+$0x8310] =	vst v2;
	v3 =	vld [tilespmem:s29+$0x2350]  }
0x122: {  	v4 =	vmax.f32 v4, $0.0e+00;
	v6 =	vadd.f32 v7, v6;
	v2 =	vld [tilespmem:s29+$0x8360]  }
0x123: {  	s13 =	sshra.s32 s14, $0x2;
	[tilespmem:s29+$0x8320] =	vst v4;
	v4 =	vld [tilespmem:s29+$0x2360]  }
0x124: {  	s14 =	sadd.s32 $0x200, s14;
	v7 =	vld [tilespmem:s13+$0x8370];
	v6 =	vmax.f32 v6, $0.0e+00;
	v5 =	vadd.f32 v9, v5  }
0x125: {  	v8 =	vld [tilespmem:s13+$0x2370]  }
0x126: {  	v9 =	vld [tilespmem:s13+$0x8300]  }
0x127: {  	v10 =	vld [tilespmem:s13+$0x2300]  }
0x128: {  	v11 =	vld [tilespmem:s13+$0x8310]  }
0x129: {  	v12 =	vld [tilespmem:s13+$0x2310]  }
0x12a: {  	v13 =	vld [tilespmem:s13+$0x8320]  }
0x12b: {  	v53 =	vld [tilespmem:s13+$0x2320]  }
0x12c: {  	v14 =	vld [tilespmem:s13+$0x8330]  }
0x12d: {  	v54 =	vld [tilespmem:s13+$0x2330]  }
0x12e: {  	v56 =	vld [tilespmem:s13+$0x8340]  }
0x12f: {  	v57 =	vld [tilespmem:s13+$0x2340];
	v1 =	vadd.f32 v3, v1  }
0x130: {  	v58 =	vld [tilespmem:s13+$0x8350];
	[tilespmem:s29+$0x8330] =	vst v6;
	v61 =	vmax.f32 v5, $0.0e+00;
	v2 =	vadd.f32 v4, v2  }
0x131: {  	v59 =	vld [tilespmem:s13+$0x2350];
	[tilespmem:s29+$0x8340] =	vst v61;
	v1 =	vmax.f32 v1, $0.0e+00;
	v7 =	vadd.f32 v8, v7  }
0x132: {  	v60 =	vld [tilespmem:s13+$0x8360];
	[tilespmem:s29+$0x8350] =	vst v1;
	v9 =	vadd.f32 v10, v9;
	v1 =	vmax.f32 v2, $0.0e+00  }
0x133: {  	v3 =	vld [tilespmem:s13+$0x2360];
	v11 =	vadd.f32 v12, v11;
	[tilespmem:s29+$0x8360] =	vst v1;
	v7 =	vmax.f32 v7, $0.0e+00  }
0x134: {  	v8 =	vadd.f32 v53, v13;
	v55 =	vmax.f32 v9, $0.0e+00;
	[tilespmem:s13+$0x8370] =	vst v7  }
0x135: {  	v62 =	vadd.f32 v54, v14;
	v11 =	vmax.f32 v11, $0.0e+00;
	[tilespmem:s13+$0x8300] =	vst v55  }
0x136: {  	v2 =	vadd.f32 v57, v56;
	v8 =	vmax.f32 v8, $0.0e+00;
	[tilespmem:s13+$0x8310] =	vst v11  }
0x137: {  	v63 =	vadd.f32 v59, v58;
	v1 =	vmax.f32 v62, $0.0e+00;
	[tilespmem:s13+$0x8320] =	vst v8  }
0x138: {  	[tilespmem:s13+$0x8330] =	vst v1;
	v1 =	vmax.f32 v2, $0.0e+00;
	v2 =	vadd.f32 v3, v60  }
0x139: {  	[tilespmem:s13+$0x8340] =	vst v1;
	v1 =	vmax.f32 v63, $0.0e+00  }
0x13a: {  	[tilespmem:s13+$0x8350] =	vst v1;
	v1 =	vmax.f32 v2, $0.0e+00  }
0x13b: {  	[tilespmem:s13+$0x8360] =	vst v1  }
0x13c: {  	_ =	swait.ge [sflag:s18], $0x40  }
0x13d: {  	[sflag:s18] =	ssyncset.done $0x0  }
0x13e: {  	s14 =	simm.s32 $0x8300;
	s29 =	simm.s32 $0x200;
	[sflag:s18] =	ssyncadd.s32 $0xFFFFFFC0  }
0x13f: {  	[spmem:s1] =	stream.indirect.scatter.add.f32 [tilespmem:s14], [sflag:$0xE], $0x80, s29, s19, $0xb8;
	[tilespmem:$0x1FB80] =	vst v63  }
.LBB2_17:
0x140: {  	s10 =	sadd.s32 $0x4, s10  }
0x141: {  	p2 =	sge.u32 s10, s15  }
0x142: {  	s13 =	simm.s32 @!p2 $0xE  }
0x143: {  	s10 =	sshll.u32 @!p2 s10, $0xB;
	_ =	swait.ge @!p2 [sflag:s13], $0x2000  }
0x144: {  	s10 =	sor.u32 @!p2 s17, s10;
	[sflag:s13] =	ssyncset.done @!p2 $0x0  }
0x145: {  	[sflag:s13] =	ssyncadd.s32 @!p2 $0xFFFFE000;
	s13 =	sshrl.u32 @!p2 s10, $0x3  }
0x146: {  	s16 =	simm.s32 @!p2 $0x0;
	s29 =	simm.s32 @!p2 $0x80;
	s14 =	sadd.s32 @!p2 s6, s13  }
0x147: {  	[tilespmem:s29], [sflag:$0x2] =	stream.linear.gather @!p2 [hbm4b:s14+s16], $0x40, $0x38;
	[tilespmem:$0x1FB80] =	vst v63  }
0x148: {  	s10 =	sshll.u32 @!p2 s10, $0x4;
	s13 =	sadd.s32 @!p2 s7, s13;
	s14 =	simm.s32 @!p2 $0x200  }
0x149: {  	[tilespmem:s14], [sflag:$0x5] =	stream.linear.gather @!p2 [hbm4b:s13+s16], $0x40, $0x38;
	[tilespmem:$0x1FB80] =	vst v63  }
0x14a: {  	s10 =	sadd.s32 @!p2 s5, s10;
	s13 =	simm.s32 @!p2 $0x8300  }
0x14b: {  	[tilespmem:s13], [sflag:$0xB] =	stream.linear.gather @!p2 [hbm4b:s10+s16], $0x2000, $0x38;
	[tilespmem:$0x1FB80] =	vst v63  }
.Ltmp12:
0x14c: {  	s10 =	simm.s32 @!p1 $0x1;
	(pc) =	sbr.rel @p3 .LBB2_21-.Ltmp12, $4  }
0x14d: {  	_ =	swait.ge @!p1 [sflag:s10], $0x40  }
0x14e: {  	[sflag:s10] =	ssyncset.done @!p1 $0x0  }
0x14f: {  	s13 =	simm.s32 @!p1 $0x300;
	[sflag:s10] =	ssyncadd.s32 @!p1 $0xFFFFFFC0;
	s10 =	simm.s32 @!p1 $0x40  }
0x150: {  	[tilespmem:s13], [sflag:$0x7] =	stream.indirect.gather @!p1 [hbm4b:s4+s10], $0x80, s12, s10, $0xb8;
	[tilespmem:$0x1FB80] =	vst v63  }
0x151: {  	_ =	swait.ge [sflag:s31], $0x2000  }
0x152: {  	[sflag:s31] =	ssyncset.done $0x0  }
0x153: {  	[sflag:s31] =	ssyncadd.s32 $0xFFFFE000  }
0x154: {  	_ =	swait.ge [sflag:s8], $0x2000  }
0x155: {  	[sflag:s8] =	ssyncset.done $0x0  }
0x156: {  	s10 =	simm.s32 $0x0;
	[sflag:s8] =	ssyncadd.s32 $0xFFFFE000  }
0x157: {  	v1 =	vld [tilespmem:s10+$0xA370]  }
0x158: {  	v2 =	vld [tilespmem:s10+$0x4370]  }
0x159: {  	v3 =	vld [tilespmem:s10+$0xA300]  }
0x15a: {  	v4 =	vld [tilespmem:s10+$0x4300]  }
0x15b: {  	v5 =	vld [tilespmem:s10+$0xA310]  }
0x15c: {  	v6 =	vld [tilespmem:s10+$0x4310]  }
0x15d: {  	v7 =	vld [tilespmem:s10+$0xA320]  }
0x15e: {  	v8 =	vld [tilespmem:s10+$0xA330];
	v1 =	vadd.f32 v2, v1  }
0x15f: {  	v2 =	vld [tilespmem:s10+$0x4320];
	v3 =	vadd.f32 v4, v3  }
0x160: {  	v4 =	vld [tilespmem:s10+$0x4330];
	v1 =	vmax.f32 v1, $0.0e+00  }
0x161: {  	v9 =	vld [tilespmem:s10+$0xA340];
	[tilespmem:s10+$0xA370] =	vst v1;
	v1 =	vmax.f32 v3, $0.0e+00;
	v3 =	vadd.f32 v6, v5  }
0x162: {  	v5 =	vld [tilespmem:s10+$0x4340]  }
0x163: {  	[tilespmem:s10+$0xA300] =	vst v1;
	v1 =	vld [tilespmem:s10+$0xA350];
	v3 =	vmax.f32 v3, $0.0e+00  }
0x164: {  	v2 =	vadd.f32 v2, v7;
	[tilespmem:s10+$0xA310] =	vst v3;
	v3 =	vld [tilespmem:s10+$0x4350]  }
0x165: {  	v8 =	vadd.f32 v4, v8;
	v4 =	vld [tilespmem:s10+$0x4360]  }
0x166: {  	s12 =	simm.s32 $0x80;
	v6 =	vmax.f32 v2, $0.0e+00;
	v2 =	vld [tilespmem:s10+$0xA360]  }
0x167: {  	s13 =	simm.s32 $0x400;
	v7 =	vld [tilespmem:s12+$0xA370];
	[tilespmem:s10+$0xA320] =	vst v6;
	v6 =	vmax.f32 v8, $0.0e+00;
	v5 =	vadd.f32 v5, v9  }
.LBB2_19:
0x168: {  	p1 =	sne.s32 s13, $0x7E00;
	v8 =	vld [tilespmem:s12+$0x4370];
	[tilespmem:s10+$0xA330] =	vst v6  }
0x169: {  	v6 =	vld [tilespmem:s12+$0xA300];
	v5 =	vmax.f32 v5, $0.0e+00;
	v1 =	vadd.f32 v3, v1  }
0x16a: {  	v3 =	vld [tilespmem:s12+$0x4300];
	[tilespmem:s10+$0xA340] =	vst v5  }
0x16b: {  	v5 =	vld [tilespmem:s12+$0xA310];
	v1 =	vmax.f32 v1, $0.0e+00;
	v2 =	vadd.f32 v4, v2  }
0x16c: {  	v4 =	vld [tilespmem:s12+$0x4310];
	[tilespmem:s10+$0xA350] =	vst v1  }
0x16d: {  	v1 =	vld [tilespmem:s12+$0xA320];
	v7 =	vadd.f32 v8, v7;
	v2 =	vmax.f32 v2, $0.0e+00  }
0x16e: {  	v8 =	vld [tilespmem:s12+$0x4320];
	[tilespmem:s10+$0xA360] =	vst v2;
	s10 =	smov.u32 s12  }
0x16f: {  	v2 =	vadd.f32 v3, v6;
	v6 =	vld [tilespmem:s10+$0xA330];
	v3 =	vmax.f32 v7, $0.0e+00  }
0x170: {  	v7 =	vld [tilespmem:s10+$0x4330];
	[tilespmem:s10+$0xA370] =	vst v3  }
0x171: {  	v2 =	vmax.f32 v2, $0.0e+00;
	v3 =	vadd.f32 v4, v5;
	v5 =	vld [tilespmem:s10+$0xA340]  }
0x172: {  	[tilespmem:s10+$0xA300] =	vst v2;
	v9 =	vld [tilespmem:s10+$0x4340]  }
.Ltmp13:
0x173: {  	v2 =	vmax.f32 v3, $0.0e+00;
	v4 =	vadd.f32 v8, v1;
	v1 =	vld [tilespmem:s10+$0xA350];
	(pc) =	sbr.rel @p1 .LBB2_19-.Ltmp13, $4  }
0x174: {  	[tilespmem:s10+$0xA310] =	vst v2;
	v3 =	vld [tilespmem:s10+$0x4350]  }
0x175: {  	v4 =	vmax.f32 v4, $0.0e+00;
	v6 =	vadd.f32 v7, v6;
	v2 =	vld [tilespmem:s10+$0xA360]  }
0x176: {  	s12 =	sshra.s32 s13, $0x2;
	[tilespmem:s10+$0xA320] =	vst v4;
	v4 =	vld [tilespmem:s10+$0x4360]  }
0x177: {  	s13 =	sadd.s32 $0x200, s13;
	v7 =	vld [tilespmem:s12+$0xA370];
	v6 =	vmax.f32 v6, $0.0e+00;
	v5 =	vadd.f32 v9, v5  }
0x178: {  	v8 =	vld [tilespmem:s12+$0x4370]  }
0x179: {  	v9 =	vld [tilespmem:s12+$0xA300]  }
0x17a: {  	v10 =	vld [tilespmem:s12+$0x4300]  }
0x17b: {  	v11 =	vld [tilespmem:s12+$0xA310]  }
0x17c: {  	v12 =	vld [tilespmem:s12+$0x4310]  }
0x17d: {  	v13 =	vld [tilespmem:s12+$0xA320]  }
0x17e: {  	v53 =	vld [tilespmem:s12+$0x4320]  }
0x17f: {  	v14 =	vld [tilespmem:s12+$0xA330]  }
0x180: {  	v54 =	vld [tilespmem:s12+$0x4330]  }
0x181: {  	v56 =	vld [tilespmem:s12+$0xA340]  }
0x182: {  	v57 =	vld [tilespmem:s12+$0x4340];
	v1 =	vadd.f32 v3, v1  }
0x183: {  	v58 =	vld [tilespmem:s12+$0xA350];
	[tilespmem:s10+$0xA330] =	vst v6;
	v61 =	vmax.f32 v5, $0.0e+00;
	v2 =	vadd.f32 v4, v2  }
0x184: {  	v59 =	vld [tilespmem:s12+$0x4350];
	[tilespmem:s10+$0xA340] =	vst v61;
	v1 =	vmax.f32 v1, $0.0e+00;
	v7 =	vadd.f32 v8, v7  }
0x185: {  	v60 =	vld [tilespmem:s12+$0xA360];
	[tilespmem:s10+$0xA350] =	vst v1;
	v9 =	vadd.f32 v10, v9;
	v1 =	vmax.f32 v2, $0.0e+00  }
0x186: {  	v3 =	vld [tilespmem:s12+$0x4360];
	v11 =	vadd.f32 v12, v11;
	[tilespmem:s10+$0xA360] =	vst v1;
	v7 =	vmax.f32 v7, $0.0e+00  }
0x187: {  	v8 =	vadd.f32 v53, v13;
	v55 =	vmax.f32 v9, $0.0e+00;
	[tilespmem:s12+$0xA370] =	vst v7  }
0x188: {  	v62 =	vadd.f32 v54, v14;
	v11 =	vmax.f32 v11, $0.0e+00;
	[tilespmem:s12+$0xA300] =	vst v55  }
0x189: {  	v2 =	vadd.f32 v57, v56;
	v8 =	vmax.f32 v8, $0.0e+00;
	[tilespmem:s12+$0xA310] =	vst v11  }
0x18a: {  	v63 =	vadd.f32 v59, v58;
	v1 =	vmax.f32 v62, $0.0e+00;
	[tilespmem:s12+$0xA320] =	vst v8  }
0x18b: {  	[tilespmem:s12+$0xA330] =	vst v1;
	v1 =	vmax.f32 v2, $0.0e+00;
	v2 =	vadd.f32 v3, v60  }
0x18c: {  	[tilespmem:s12+$0xA340] =	vst v1;
	v1 =	vmax.f32 v63, $0.0e+00  }
0x18d: {  	[tilespmem:s12+$0xA350] =	vst v1;
	v1 =	vmax.f32 v2, $0.0e+00  }
.Ltmp14:
0x18e: {  	[tilespmem:s12+$0xA360] =	vst v1;
	(pc) =	sbr.rel .LBB2_21-.Ltmp14, $4  }
0x18f: {  	_ =	swait.ge [sflag:s9], $0x40  }
0x190: {  	[sflag:s9] =	ssyncset.done $0x0  }
0x191: {  	[sflag:s9] =	ssyncadd.s32 $0xFFFFFFC0  }
0x192: {  	[spmem:s1] =	stream.indirect.scatter.add.f32 [tilespmem:s23], [sflag:$0xF], $0x80, s22, s19, $0xb8;
	[tilespmem:$0x1FB80] =	vst v63  }
.LBB2_7:
.Ltmp15:
0x193: {  	(pc) =	sbr.rel .LBB2_8-.Ltmp15, $4  }
0x194: {  	s12 =	rddreg [dreg:$0x19]  }
0x195: {  	s13 =	rddreg [dreg:$0x18]  }
0x196: {  	[tilespmem:s21], [sflag:$0x3] =	stream.linear.gather [hbm4b:s12+s2], $0x40, $0x38;
	[tilespmem:$0x1FB80] =	vst v63  }
0x197: {  	s12 =	rddreg [dreg:$0x15]  }
.LBB2_23:
0x198: {  	_ =	sfence.sel $0x180000  }
0x199: {  	[bflag:$0x0] =	sbarrier.arrive $0xFFFF  }
0x19a: {  	_ =	strace $0x9000004A  }
0x19b: {  	s0 =	stileid.u32;
	[bflag:$0x2] =	sbarrier.arrive $0xFFFF  }
0x19c: {  	p0 =	sne.s32 s0, $0x0;
	s0 =	rddreg [dreg:$0x2]  }
0x19d: {  	s0 =	sadd.s32 @!p0 $0x100000, s0  }
0x19e: {  	[sflag:s0] =	ssyncadd.tile.s32 @!p0 $0x1;
	_ =	shalt  }
.Lfunc_end2:
_tile_overlayer_lowered:
.L_overlay_start_2:
0x19f: {  	(tag) =	ssettag $0x2  }
0x1a0: {  	s0 =	rddreg [dreg:$0x0];
	s2 =	stileid.u32  }
0x1a1: {  	s1 =	rddreg [dreg:$0x1];
	p0 =	sne.s32 s2, $0x0  }
0x1a2: {  	s3 =	rddreg [dreg:$0x2];
	[bflag:$0x3] =	sbarrier.arrive $0xFFFF;
	s2 =	simm.s32 @!p0 $0x1C10  }
0x1a3: {  	[timem:s3], [sflag:s2] =	dma.local @!p0 [hbm:s0], s1  }
0x1a4: {  	s0 =	simm.s32 @!p0 $0x10  }
0x1a5: {  	_ =	swait.ge @!p0 [sflag:s0], s1  }
0x1a6: {  	s1 =	ssub.s32 @!p0 $0x0, s1;
	[sflag:s0] =	ssyncset.done @!p0 $0x0  }
0x1a7: {  	[sflag:s0] =	ssyncadd.s32 @!p0 s1  }
0x1a8: {  	[bflag:$0x3] =	sbarrier.arrive $0xFFFF  }
0x1a9: {  	_ =	shalt  }

// kernel: kernel.16.cloned.1.call-start
scs
__scs_entry_jumppad:
0x0: {  	(pc) =	sbr.rel $0x88, $3  }
0x1: {  	(tag) =	ssettag $0x0;
	lr =	simm.s32 $0x1  }
0x2: {  	[smem:$0x3F89] =	sst lr;
	_ =	strace $0xD0000000  }
0x3: {  	_ = 	snop  }
0x4: {  	_ = 	snop  }
0x5: {  	_ = 	snop  }
0x6: {  	_ = 	snop  }
0x7: {  	_ = 	snop  }
__scs_overlays_trampoline_lowered:
0x8: {  	[smem:$0x3F98] =	sst s0  }
0x9: {  	[smem:$0x3F99] =	sst s1  }
0xa: {  	[smem:$0x3F9A] =	sst s2  }
0xb: {  	[smem:$0x3F9B] =	sst s3  }
0xc: {  	[smem:$0x3F9C] =	sst s4  }
0xd: {  	[smem:$0x3F9D] =	sst s5  }
0xe: {  	[smem:$0x3F9E] =	sst s6  }
0xf: {  	[smem:$0x3F9F] =	sst s7  }
0x10: {  	[smem:$0x3FA0] =	sst s8  }
0x11: {  	[smem:$0x3FA1] =	sst s9;
	s0 =	simm.s32 @!p0 $0x0  }
0x12: {  	s1 =	sld [smem:$0x3F87];
	s0 =	simm.s32 @p0 $0x1  }
0x13: {  	[smem:$0x3FA2] =	sst s0;
	s0 =	simm.s32 @!p1 $0x0  }
0x14: {  	s2 =	sld [smem:$0x3F86];
	s0 =	simm.s32 @p1 $0x1  }
0x15: {  	[smem:$0x3FA3] =	sst s0;
	s0 =	simm.s32 @!p2 $0x0  }
0x16: {  	s3 =	sld [smem:$0x3FDB];
	s0 =	simm.s32 @p2 $0x1  }
0x17: {  	s4 =	simm.s32 $0x1BF5;
	[smem:$0x3FA5] =	sst s0  }
0x18: {  	s0 =	sld [smem:$0x3F88];
	_ =	swait.ge [sflag:s4], $0x0  }
0x19: {  	s7 =	sld [smem:$0x3F89]  }
0x1a: {  	s8 =	sadd.s32 $0xFFFFE003, lr  }
0x1b: {  	s9 =	sadd.s32 $0xFFFFFEF7, lr;
	s5 =	simm.s32 $0xFFFFFFFF;
	p2 =	slt.u32 s8, $0xFFFFF086  }
0x1c: {  	p1 =	slt.u32 s9, $0xF7A;
	s5 =	simm.s32 @!p2 $0x0  }
0x1d: {  	s5 =	simm.s32 @p1 $0x1;
	p0 =	seq.s32 s7, s2  }
0x1e: {  	s7 =	smul.u32 @!p0 $0xF7A, s2;
	p2 =	seq.s32 @!p0 s5, $0x0  }
0x1f: {  	s9 =	smul.u32 $0xF7A, s1;
	s8 =	simm.s32 @!p0 $0x1BF5;
	p2 =	por !p2, p0  }
0x20: {  	[sflag:s8] =	ssyncset.s32 @!p0 $0xFFFFF086;
	s6 =	sadd.s32 @!p0 s3, s7;
	s7 =	simm.s32 @!p0 $0x108  }
0x21: {  	s3 =	sadd.s32 s3, s9;
	s6 =	sadd.s32 @!p0 $0x88, s6;
	s7 =	simm.s32 @p2 $0x1082  }
0x22: {  	[simem:s7], [sflag:s8] =	dma.local @!p0 [hbm:s6], $0xF7A  }
0x23: {  	s9 =	sor.u32 $0xD0000000, s2;
	s6 =	simm.s32 $0x108;
	_ =	swait.ge @!p0 [sflag:s8], $0x0  }
0x24: {  	s3 =	sadd.s32 $0x88, s3;
	s6 =	simm.s32 @!p1 $0x1082;
	[sflag:s4] =	ssyncset.s32 $0xFFFFF086  }
0x25: {  	[simem:s6], [sflag:s4] =	dma.local [hbm:s3], $0xF7A  }
0x26: {  	[smem:$0x3F89] =	sst s1;
	(tag) =	ssettag s2;
	_ =	strace s9  }
0x27: {  	s1 =	sld [smem:$0x3F99]  }
0x28: {  	s2 =	sld [smem:$0x3F9A]  }
0x29: {  	s4 =	sld [smem:$0x3F9C]  }
0x2a: {  	p0 =	seq.s32 s5, $0x0;
	s5 =	sld [smem:$0x3F9D]  }
0x2b: {  	s6 =	sld [smem:$0x3F9E]  }
0x2c: {  	s7 =	sld [smem:$0x3F9F]  }
0x2d: {  	s3 =	simm.s32 $0x108;
	s8 =	sld [smem:$0x3FA0]  }
0x2e: {  	s3 =	simm.s32 @!p0 $0x1082;
	s9 =	sld [smem:$0x3FA1]  }
0x2f: {  	lr =	sadd.s32 s0, s3;
	s0 =	sld [smem:$0x3F98]  }
0x30: {  	s3 =	sld [smem:$0x3F9B]  }
0x31: {  	[smem:$0x3FA4] =	sst s10  }
0x32: {  	s10 =	sld [smem:$0x3FA2];
	_ =	sdelay $0x3  }
0x33: {  	p0 =	seq.s32 s10, $0x1;
	s10 =	sld [smem:$0x3FA4];
	_ =	sdelay $0x3  }
0x34: {  	[smem:$0x3FA4] =	sst s10  }
0x35: {  	s10 =	sld [smem:$0x3FA3];
	_ =	sdelay $0x3  }
0x36: {  	p1 =	seq.s32 s10, $0x1;
	s10 =	sld [smem:$0x3FA4];
	_ =	sdelay $0x3  }
0x37: {  	[smem:$0x3FA4] =	sst s10  }
0x38: {  	s10 =	sld [smem:$0x3FA5]  }
0x39: {  	_ = 	snop;
	(pc) =	sbr.ind lr, $3  }
0x3a: {  	_ = 	snop  }
0x3b: {  	_ = 	snop  }
0x3c: {  	p2 =	seq.s32 s10, $0x1;
	s10 =	sld [smem:$0x3FA4]  }
0x3d: {  	_ =	shalt  }
0x3e: {  	_ =	shalt  }
0x3f: {  	_ =	shalt  }
0x40: {  	_ =	shalt  }
0x41: {  	_ =	shalt  }
0x42: {  	_ =	shalt  }
0x43: {  	_ =	shalt  }
0x44: {  	_ =	shalt  }
0x45: {  	_ =	shalt  }
0x46: {  	_ =	shalt  }
0x47: {  	_ =	shalt  }
0x48: {  	_ =	shalt  }
0x49: {  	_ =	shalt  }
0x4a: {  	_ =	shalt  }
0x4b: {  	_ =	shalt  }
0x4c: {  	_ =	shalt  }
0x4d: {  	_ =	shalt  }
0x4e: {  	_ =	shalt  }
0x4f: {  	_ =	shalt  }
0x50: {  	_ =	shalt  }
0x51: {  	_ =	shalt  }
0x52: {  	_ =	shalt  }
0x53: {  	_ =	shalt  }
0x54: {  	_ =	shalt  }
0x55: {  	_ =	shalt  }
0x56: {  	_ =	shalt  }
0x57: {  	_ =	shalt  }
0x58: {  	_ =	shalt  }
0x59: {  	_ =	shalt  }
0x5a: {  	_ =	shalt  }
0x5b: {  	_ =	shalt  }
0x5c: {  	_ =	shalt  }
0x5d: {  	_ =	shalt  }
0x5e: {  	_ =	shalt  }
0x5f: {  	_ =	shalt  }
0x60: {  	_ =	shalt  }
0x61: {  	_ =	shalt  }
0x62: {  	_ =	shalt  }
0x63: {  	_ =	shalt  }
0x64: {  	_ =	shalt  }
0x65: {  	_ =	shalt  }
0x66: {  	_ =	shalt  }
0x67: {  	_ =	shalt  }
0x68: {  	_ =	shalt  }
0x69: {  	_ =	shalt  }
0x6a: {  	_ =	shalt  }
0x6b: {  	_ =	shalt  }
0x6c: {  	_ =	shalt  }
0x6d: {  	_ =	shalt  }
0x6e: {  	_ =	shalt  }
0x6f: {  	_ =	shalt  }
0x70: {  	_ =	shalt  }
0x71: {  	_ =	shalt  }
0x72: {  	_ =	shalt  }
0x73: {  	_ =	shalt  }
0x74: {  	_ =	shalt  }
0x75: {  	_ =	shalt  }
0x76: {  	_ =	shalt  }
0x77: {  	_ =	shalt  }
0x78: {  	_ =	shalt  }
0x79: {  	_ =	shalt  }
0x7a: {  	_ =	shalt  }
0x7b: {  	_ =	shalt  }
0x7c: {  	_ =	shalt  }
0x7d: {  	_ =	shalt  }
0x7e: {  	_ =	shalt  }
0x7f: {  	_ =	shalt  }
0x80: {  	_ =	shalt  }
0x81: {  	_ =	shalt  }
0x82: {  	_ =	shalt  }
0x83: {  	_ =	shalt  }
0x84: {  	_ =	shalt  }
0x85: {  	_ =	shalt  }
0x86: {  	_ =	shalt  }
0x87: {  	_ =	shalt  }
.Lfunc_end0:
.L_simem_size_0:
called_computation.2_lowered:
.L_overlay_start_0:
0x88: {  	s2 =	sld [smem:$0x3FD9]  }
0x89: {  	s3 =	sld [smem:$0x3FFE];
	_ =	sdelay $0x1  }
0x8a: {  	s1 =	srdreg.scid  }
0x8b: {  	s0 =	sand.u32 $0x1, s1  }
0x8c: {  	s16 =	sshll.u32 s0, $0xA;
	s2 =	sadd.s32 s3, s2  }
0x8d: {  	s2 =	sadd.s32 s2, s16  }
0x8e: {  	[smem:$0x3FB0] =	sst s2  }
0x8f: {  	_ = 	snop  }
0x90: {  	(tm) =	ssettm $0x1  }
0x91: {  	s17 =	sld [smem:$0x3FFB];
	_ =	sdelay $0x3  }
0x92: {  	_ =	strace s17  }
0x93: {  	s2 =	sld [smem:$0x3FFC];
	_ =	sdelay $0x3  }
0x94: {  	_ =	strace s2  }
0x95: {  	s2 =	sld [smem:$0x3FFD];
	_ =	sdelay $0x3  }
0x96: {  	_ =	strace s2  }
0x97: {  	_ =	strace $0x8FFFFFFF  }
0x98: {  	s18 =	sld [smem:$0x3FDB];
	_ =	sdelay $0x1  }
0x99: {  	s19 =	simm.s32 $_scs_section_size  }
0x9a: {  	s4 =	simm.s32 $_size__tile_overlayer_lowered;
	s5 =	simm.s32 $_tile_overlayer_lowered  }
0x9b: {  	s22 =	simm.s32 $0x1BFF;
	s21 =	sshll.u32 s5, $0x1;
	s2 =	sadd.s32 s19, s18  }
0x9c: {  	s6 =	simm.s32 $0x0;
	s20 =	sshll.u32 s4, $0x1;
	s4 =	sadd.s32 s21, s2  }
0x9d: {  	[timem:s6], [sflag:s22] =	dma.local [hbm:s4], s20  }
0x9e: {  	_ =	swait.ge [sflag:s22], s20  }
0x9f: {  	s3 =	ssub.s32 $0x0, s20;
	[sflag:s22] =	ssyncset.done $0x0  }
0xa0: {  	[sflag:s22] =	ssyncadd.s32 s3;
	_ =	sdelay $0x1  }
0xa1: {  	s23 =	simm.s32 $0x1B8B  }
0xa2: {  	_ =	swait.ge [sflag:s23], $0x1  }
0xa3: {  	[sflag:s23] =	ssyncset.done $0x0  }
0xa4: {  	s25 =	simm.s32 $0x1B8E;
	s24 =	sld [smem:$0x3FFE];
	[sflag:s23] =	ssyncadd.s32 $0xFFFFFFFF  }
0xa5: {  	s26 =	simm.s32 $execute0_lowered;
	[smem:$0x3FD2] =	sst s25  }
0xa6: {  	s4 =	sshll.u32 s26, $0x1;
	_ =	strace $0x8000004C;
	[dreg:$0x1] =	wrdreg $0xFFFFFFFF  }
0xa7: {  	s28 =	simm.s32 $_size_execute0_lowered;
	s2 =	sadd.s32 s2, s4;
	[dreg:$0x0] =	wrdreg $0x0  }
0xa8: {  	s4 =	sshll.u32 s28, $0x1;
	[dreg:$0x2] =	wrdreg s2  }
0xa9: {  	[dreg:$0x3] =	wrdreg s4  }
0xaa: {  	[dreg:$0x4] =	wrdreg $0xC0  }
0xab: {  	_ =	task [dreg:s6], $0x5FFFF  }
0xac: {  	[dreg:$0x1] =	wrdreg $0xFFFFFFFF  }
0xad: {  	[dreg:$0x0] =	wrdreg $0x60  }
0xae: {  	[dreg:$0x2] =	wrdreg s24  }
0xaf: {  	[dreg:$0x3] =	wrdreg $0xC3000  }
0xb0: {  	[dreg:$0x4] =	wrdreg $0x9  }
0xb1: {  	_ =	task.clear_ibuf [dreg:s6], $0x5FFFF;
	_ =	strace $0x9000004C  }
0xb2: {  	s29 =	simm.s32 $0x9;
	_ =	strace $0x8000004E  }
0xb3: {  	_ =	swait.ge [sflag:s29], $0x1  }
0xb4: {  	[sflag:s29] =	ssyncadd.s32 $0xFFFFFFFF  }
0xb5: {  	_ =	strace $0x9000004E  }
0xb6: {  	_ =	sfence  }
0xb7: {  	s30 =	sld [smem:$0x0];
	_ =	sdelay $0x2  }
0xb8: {  	s31 =	sshll.u32 s1, $0xD;
	s1 =	sshrl.u32 s1, $0x2  }
0xb9: {  	s3 =	sand.u32 $0x4000, s31;
	s1 =	sadd.s32 s1, s30  }
0xba: {  	s0 =	sor.u32 s3, s0;
	s1 =	sshll.u32 s1, $0x11  }
0xbb: {  	s0 =	sor.u32 s1, s0  }
0xbc: {  	s0 =	sadd.s32 $0x8F2B, s0  }
0xbd: {  	[sflag:s0] =	ssyncadd.remote.s32 $0x1  }
0xbe: {  	_ =	sfence.sel $0xFFFF  }
0xbf: {  	[dreg:$0x0] =	wrdreg $0xFFFFFFFF;
	(pc) =	sbr.abs _section_cstart, $3  }
0xc0: {  	[dreg:$0x1] =	wrdreg $0xFFFFFFFF  }
0xc1: {  	_ =	task.clear_ibuf [dreg:s6], $0x2FFFF;
	_ =	strace $0x9FFFFFFF  }
0xc2: {  	(tm) =	ssettm $0x7FFFFFFF  }
0xc3: {  	_ =	shalt  }
tec
execute0_lowered:
.L_overlay_start_1:
0x0: {  	(tag) =	ssettag $0x1  }
0x1: {  	s0 =	rddreg [dreg:$0x0]  }
0x2: {  	s1 =	rddreg [dreg:$0x1];
	s2 =	simm.s32 $0x0;
	s3 =	srdreg.scid  }
0x3: {  	s14 =	stileid.u32;
	s15 =	simm.s32 $0x9D;
	s30 =	simm.s32 $0xB  }
0x4: {  	s31 =	simm.s32 $0x9;
	[smem:$0x7FF] =	sst s2;
	s4 =	sadd.s32 $0x2BA00, s0  }
0x5: {  	s28 =	simm.s32 $0x8;
	s5 =	sadd.s32 $0xEBE400, s0;
	s6 =	sadd.s32 $0x4F0600, s0  }
0x6: {  	s3 =	sand.u32 $0x1, s3;
	s9 =	smul.u32 $0x4E000, s14;
	s7 =	sadd.s32 $0x4E6800, s0  }
0x7: {  	s0 =	sadd.s32 $0x52C00, s0;
	s20 =	sshll.u32 s14, $0x1;
	s11 =	smul.u32 $0x2700, s14  }
0x8: {  	p0 =	slt.u32 s14, $0x4;
	_ =	strace $0x8000004D;
	s8 =	ssub.s32 $0x2, s3  }
0x9: {  	s15 =	simm.s32 @!p0 $0x9C;
	s29 =	smul.u32 $0x27100, s3;
	s9 =	sshrl.u32 s9, $0x2  }
0xa: {  	p0 =	sne.s32 s14, $0xF;
	s10 =	sshrl.u32 s8, $0x1;
	s16 =	sadd.s32 s9, s1  }
0xb: {  	s8 =	ssub.s32 s8, s10;
	s9 =	sadd.s32 $0x2000, s16;
	[dreg:$0x3] =	wrdreg s16  }
0xc: {  	s10 =	sor.u32 s3, s20;
	s21 =	sadd.s32 $0x4000, s16;
	[dreg:$0x4] =	wrdreg s9  }
0xd: {  	s3 =	smul.u32 $0x138800, s3;
	s22 =	sadd.s32 $0x6000, s16;
	[dreg:$0x5] =	wrdreg s21  }
0xe: {  	s18 =	sadd.s32 s11, s29;
	s23 =	sadd.s32 $0x8000, s16;
	[dreg:$0x6] =	wrdreg s22  }
0xf: {  	s11 =	simm.s32 $0x10;
	s24 =	sadd.s32 $0xA000, s16;
	[dreg:$0x7] =	wrdreg s23  }
0x10: {  	s25 =	sadd.s32 $0xC000, s16;
	s26 =	sshll.u32 s10, $0x3;
	[dreg:$0x8] =	wrdreg s24  }
0x11: {  	s13 =	sshll.u32 s10, $0xA;
	s29 =	sadd.s32 $0x12000, s16;
	[dreg:$0x9] =	wrdreg s25  }
0x12: {  	s17 =	sshll.u32 s10, $0x6;
	s12 =	sadd.s32 s6, s26;
	[dreg:$0x16] =	wrdreg s29  }
0x13: {  	s9 =	sadd.s32 s7, s26;
	s10 =	sadd.s32 s5, s13;
	[dreg:$0xa] =	wrdreg s12  }
0x14: {  	s13 =	sor.u32 $0x800, s17;
	s3 =	sshrl.u32 s3, $0x3;
	[dreg:$0xb] =	wrdreg s9  }
0x15: {  	s23 =	smax.u32 s8, $0x1;
	s24 =	sadd.s32 $0xE000, s16;
	[dreg:$0xc] =	wrdreg s10  }
0x16: {  	s25 =	sadd.s32 $0x10000, s16;
	s26 =	sor.u32 $0x1000, s17;
	[dreg:$0x12] =	wrdreg s23  }
0x17: {  	s8 =	simm.s32 $0xC;
	s19 =	sshrl.u32 s13, $0x3;
	[dreg:$0x13] =	wrdreg s24  }
0x18: {  	s9 =	sshll.u32 s13, $0x4;
	s10 =	sadd.s32 s0, s18;
	[dreg:$0x14] =	wrdreg s25  }
0x19: {  	s0 =	sadd.s32 s0, s3;
	s13 =	sadd.s32 $0x138000, s1;
	[dreg:$0x15] =	wrdreg s26  }
0x1a: {  	s3 =	sadd.s32 $0xFFFFFFFF, s15;
	s23 =	simm.s32 $0xA300;
	s24 =	simm.s32 $0x7  }
0x1b: {  	s25 =	simm.s32 $0xA;
	s18 =	simm.s32 $0x5;
	[dreg:$0xd] =	wrdreg s10  }
0x1c: {  	s12 =	simm.s32 $0x0;
	s20 =	sadd.s32 s6, s19;
	[dreg:$0x17] =	wrdreg s13  }
0x1d: {  	s21 =	sadd.s32 s7, s19;
	s22 =	sadd.s32 s5, s9;
	[dreg:$0xe] =	wrdreg s20  }
.Ltmp0:
0x1e: {  	s0 =	sadd.s32 $0x27000, s0;
	[dreg:$0xf] =	wrdreg s21;
	(pc) =	sbr.rel .LBB2_1-.Ltmp0, $4  }
0x1f: {  	s19 =	simm.s32 $0x40;
	s9 =	simm.s32 $0x6;
	[dreg:$0x10] =	wrdreg s22  }
0x20: {  	[dreg:$0x11] =	wrdreg s0;
	s0 =	sshrl.u32 s26, $0x3;
	s20 =	simm.s32 $0xF  }
0x21: {  	s21 =	simm.s32 $0x100;
	[dreg:$0x18] =	wrdreg s0;
	s0 =	sadd.s32 s6, s0  }
0x22: {  	v0 =	vimm.f32 $0.0e+00;
	s22 =	simm.s32 $0x280;
	s26 =	simm.s32 $0x4;
	[dreg:$0x19] =	wrdreg s0  }
.LBB2_22:
0x23: {  	s0 =	simm.s32 $0xD  }
0x24: {  	_ =	swait.ge [sflag:s0], $0x2000  }
0x25: {  	[sflag:s0] =	ssyncset.done $0x0  }
0x26: {  	s13 =	simm.s32 $0xE;
	[sflag:s0] =	ssyncadd.s32 $0xFFFFE000  }
0x27: {  	_ =	swait.ge [sflag:s13], $0x2000  }
0x28: {  	[sflag:s13] =	ssyncset.done $0x0  }
0x29: {  	[sflag:s13] =	ssyncadd.s32 $0xFFFFE000  }
0x2a: {  	_ =	swait.ge [sflag:s20], $0x2000  }
0x2b: {  	[sflag:s20] =	ssyncset.done $0x0  }
0x2c: {  	[sflag:s20] =	ssyncadd.s32 $0xFFFFE000  }
0x2d: {  	s14 =	stileid.u32;
	[bflag:$0x0] =	sbarrier.arrive $0xFFFF  }
0x2e: {  	s0 =	sshll.u32 s14, $0x6;
	s10 =	rddreg [dreg:$0x3]  }
0x2f: {  	s0 =	sor.u32 $0x1C10, s0;
	s12 =	rddreg [dreg:$0xd];
	s10 =	sshrl.u32 s10, $0x3  }
0x30: {  	[hbm:s12], [sflag:s0] =	dma.local [spmem:s10], $0x2700  }
0x31: {  	_ =	swait.ge [sflag:s11], $0x2700  }
0x32: {  	[sflag:s11] =	ssyncset.done $0x0;
	s13 =	rddreg [dreg:$0x17]  }
0x33: {  	s12 =	rddreg [dreg:$0x11];
	[sflag:s11] =	ssyncadd.s32 $0xFFFFD900;
	s10 =	sshrl.u32 @!p0 s13, $0x3  }
0x34: {  	[hbm:s12], [sflag:s0] =	dma.local @!p0 [spmem:s10], $0x100  }
0x35: {  	s0 =	simm.s32 @!p0 $0x10  }
0x36: {  	_ =	swait.ge @!p0 [sflag:s0], $0x100  }
0x37: {  	s16 =	rddreg [dreg:$0x1a]  }
0x38: {  	s29 =	rddreg [dreg:$0x12];
	s12 =	sadd.s32 $0x1, s16  }
0x39: {  	p1 =	sne.s32 s12, s29  }
.Ltmp1:
0x3a: {  	_ = 	snop;
	(pc) =	sbr.rel @!p1 .LBB2_23-.Ltmp1, $3  }
0x3b: {  	_ =	sdelay $0x1  }
0x3c: {  	[sflag:s0] =	ssyncset.done @!p0 $0x0  }
0x3d: {  	[sflag:s0] =	ssyncadd.s32 @!p0 $0xFFFFFF00  }
.LBB2_1:
0x3e: {  	[dreg:$0x1a] =	wrdreg s12;
	s0 =	simm.s32 $0x0;
	s10 =	simm.s32 $0x200  }
.LBB2_2:
0x3f: {  	p1 =	sne.s32 s10, $0x7E00;
	[tilespmem:s0+$0x370] =	vst v0  }
0x40: {  	[tilespmem:s0+$0x300] =	vst v0  }
0x41: {  	[tilespmem:s0+$0x310] =	vst v0  }
.Ltmp2:
0x42: {  	[tilespmem:s0+$0x320] =	vst v0;
	(pc) =	sbr.rel @p1 .LBB2_2-.Ltmp2, $4  }
0x43: {  	[tilespmem:s0+$0x330] =	vst v0  }
0x44: {  	[tilespmem:s0+$0x340] =	vst v0  }
0x45: {  	[tilespmem:s0+$0x350] =	vst v0  }
0x46: {  	[tilespmem:s0+$0x360] =	vst v0;
	s0 =	sshra.s32 s10, $0x2;
	s10 =	sadd.s32 $0x200, s10  }
0x47: {  	[tilespmem:s0+$0x370] =	vst v0  }
0x48: {  	[tilespmem:s0+$0x300] =	vst v0  }
0x49: {  	[tilespmem:s0+$0x310] =	vst v0  }
0x4a: {  	[tilespmem:s0+$0x320] =	vst v0  }
0x4b: {  	[tilespmem:s0+$0x330] =	vst v0  }
0x4c: {  	[tilespmem:s0+$0x340] =	vst v0  }
0x4d: {  	[tilespmem:s0+$0x350] =	vst v0  }
0x4e: {  	[tilespmem:s0+$0x360] =	vst v0;
	s29 =	rddreg [dreg:$0x3];
	s12 =	simm.s32 $0x300  }
0x4f: {  	[spmem:s29] =	stream.linear.scatter [tilespmem:s12], [sflag:$0x10], $0x2000, $0x38;
	[tilespmem:$0x1FB80] =	vst v63  }
0x50: {  	_ =	swait.ge [sflag:s11], $0x2000  }
0x51: {  	[sflag:s11] =	ssyncset.done $0x0  }
0x52: {  	s10 =	rddreg [dreg:$0x4];
	[sflag:s11] =	ssyncadd.s32 $0xFFFFE000  }
0x53: {  	[spmem:s10] =	stream.linear.scatter [tilespmem:s12], [sflag:$0x10], $0x2000, $0x38;
	[tilespmem:$0x1FB80] =	vst v63  }
0x54: {  	_ =	swait.ge [sflag:s11], $0x2000  }
0x55: {  	[sflag:s11] =	ssyncset.done $0x0  }
0x56: {  	s14 =	rddreg [dreg:$0x5];
	[sflag:s11] =	ssyncadd.s32 $0xFFFFE000  }
0x57: {  	[spmem:s14] =	stream.linear.scatter [tilespmem:s12], [sflag:$0x10], $0x2000, $0x38;
	[tilespmem:$0x1FB80] =	vst v63  }
0x58: {  	_ =	swait.ge [sflag:s11], $0x2000  }
0x59: {  	[sflag:s11] =	ssyncset.done $0x0  }
0x5a: {  	s16 =	rddreg [dreg:$0x6];
	[sflag:s11] =	ssyncadd.s32 $0xFFFFE000  }
0x5b: {  	[spmem:s16] =	stream.linear.scatter [tilespmem:s12], [sflag:$0x10], $0x2000, $0x38;
	[tilespmem:$0x1FB80] =	vst v63  }
0x5c: {  	_ =	swait.ge [sflag:s11], $0x2000  }
0x5d: {  	[sflag:s11] =	ssyncset.done $0x0  }
0x5e: {  	s29 =	rddreg [dreg:$0x7];
	[sflag:s11] =	ssyncadd.s32 $0xFFFFE000  }
0x5f: {  	[spmem:s29] =	stream.linear.scatter [tilespmem:s12], [sflag:$0x10], $0x2000, $0x38;
	[tilespmem:$0x1FB80] =	vst v63  }
0x60: {  	_ =	swait.ge [sflag:s11], $0x2000  }
0x61: {  	[sflag:s11] =	ssyncset.done $0x0  }
0x62: {  	s10 =	rddreg [dreg:$0x8];
	[sflag:s11] =	ssyncadd.s32 $0xFFFFE000  }
0x63: {  	[spmem:s10] =	stream.linear.scatter [tilespmem:s12], [sflag:$0x10], $0x2000, $0x38;
	[tilespmem:$0x1FB80] =	vst v63  }
0x64: {  	_ =	swait.ge [sflag:s11], $0x2000  }
0x65: {  	[sflag:s11] =	ssyncset.done $0x0  }
0x66: {  	s14 =	rddreg [dreg:$0x9];
	[sflag:s11] =	ssyncadd.s32 $0xFFFFE000  }
0x67: {  	[spmem:s14] =	stream.linear.scatter [tilespmem:s12], [sflag:$0x10], $0x2000, $0x38;
	[tilespmem:$0x1FB80] =	vst v63  }
0x68: {  	_ =	swait.ge [sflag:s11], $0x2000  }
0x69: {  	[sflag:s11] =	ssyncset.done $0x0  }
0x6a: {  	s16 =	rddreg [dreg:$0x13];
	[sflag:s11] =	ssyncadd.s32 $0xFFFFE000  }
0x6b: {  	[spmem:s16] =	stream.linear.scatter [tilespmem:s12], [sflag:$0x10], $0x2000, $0x38;
	[tilespmem:$0x1FB80] =	vst v63  }
0x6c: {  	_ =	swait.ge [sflag:s11], $0x2000  }
0x6d: {  	[sflag:s11] =	ssyncset.done $0x0  }
0x6e: {  	s29 =	rddreg [dreg:$0x14];
	[sflag:s11] =	ssyncadd.s32 $0xFFFFE000  }
0x6f: {  	[spmem:s29] =	stream.linear.scatter [tilespmem:s12], [sflag:$0x10], $0x2000, $0x38;
	[tilespmem:$0x1FB80] =	vst v63  }
0x70: {  	_ =	swait.ge [sflag:s11], $0x2000  }
0x71: {  	[sflag:s11] =	ssyncset.done $0x0  }
0x72: {  	s10 =	rddreg [dreg:$0x16];
	[sflag:s11] =	ssyncadd.s32 $0xFFFFE000  }
0x73: {  	[spmem:s10] =	stream.linear.scatter [tilespmem:s12], [sflag:$0x10], $0x1800, $0x38;
	[tilespmem:$0x1FB80] =	vst v63  }
0x74: {  	_ =	swait.ge [sflag:s11], $0x1800  }
0x75: {  	[sflag:s11] =	ssyncset.done $0x0  }
0x76: {  	s0 =	simm.s32 @!p0 $0x300;
	[sflag:s11] =	ssyncadd.s32 $0xFFFFE800  }
0x77: {  	[spmem:s13] =	stream.linear.scatter @!p0 [tilespmem:s0], [sflag:$0x10], $0x800, $0x38;
	[tilespmem:$0x1FB80] =	vst v63  }
0x78: {  	s0 =	simm.s32 @!p0 $0x10  }
0x79: {  	_ =	swait.ge @!p0 [sflag:s0], $0x800  }
0x7a: {  	[sflag:s0] =	ssyncset.done @!p0 $0x0  }
0x7b: {  	[sflag:s0] =	ssyncadd.s32 @!p0 $0xFFFFF800  }
0x7c: {  	[bflag:$0x0] =	sbarrier.arrive $0xFFFF  }
0x7d: {  	s0 =	simm.s32 $0x0;
	s10 =	rddreg [dreg:$0xa]  }
0x7e: {  	[tilespmem:s0], [sflag:$0x1] =	stream.linear.gather [hbm4b:s10+s0], $0x40, $0x38;
	[tilespmem:$0x1FB80] =	vst v63  }
0x7f: {  	s14 =	simm.s32 $0x180;
	s13 =	rddreg [dreg:$0xb]  }
0x80: {  	[tilespmem:s14], [sflag:$0x4] =	stream.linear.gather [hbm4b:s13+s0], $0x40, $0x38;
	[tilespmem:$0x1FB80] =	vst v63  }
0x81: {  	s29 =	simm.s32 $0x6300;
	s16 =	rddreg [dreg:$0xc]  }
0x82: {  	[tilespmem:s29], [sflag:$0xA] =	stream.linear.gather [hbm4b:s16+s0], $0x2000, $0x38;
	[tilespmem:$0x1FB80] =	vst v63  }
0x83: {  	s13 =	rddreg [dreg:$0xe];
	s14 =	simm.s32 $0x80  }
0x84: {  	[tilespmem:s14], [sflag:$0x2] =	stream.linear.gather [hbm4b:s13+s0], $0x40, $0x38;
	[tilespmem:$0x1FB80] =	vst v63  }
0x85: {  	s16 =	rddreg [dreg:$0xf];
	s29 =	simm.s32 $0x200  }
0x86: {  	[tilespmem:s29], [sflag:$0x5] =	stream.linear.gather [hbm4b:s16+s0], $0x40, $0x38;
	[tilespmem:$0x1FB80] =	vst v63  }
0x87: {  	s14 =	rddreg [dreg:$0x10];
	s16 =	simm.s32 $0x8300  }
0x88: {  	[tilespmem:s16], [sflag:$0xB] =	stream.linear.gather [hbm4b:s14+s0], $0x2000, $0x38;
	[tilespmem:$0x1FB80] =	vst v63  }
.Ltmp3:
0x89: {  	s29 =	simm.s32 $0x1;
	(pc) =	sbr.rel .LBB2_4-.Ltmp3, $4  }
0x8a: {  	_ =	swait.ge [sflag:s29], $0x40  }
0x8b: {  	[sflag:s29] =	ssyncset.done $0x0  }
0x8c: {  	[sflag:s29] =	ssyncadd.s32 $0xFFFFFFC0  }
0x8d: {  	[tilespmem:s12], [sflag:$0x7] =	stream.indirect.gather [hbm4b:s4+s19], $0x80, s0, s19, $0xb8;
	[tilespmem:$0x1FB80] =	vst v63  }
.LBB2_21:
0x8e: {  	s0 =	sadd.s32 $0x1, s0  }
0x8f: {  	p1 =	sne.s32 s0, $0x35  }
.Ltmp4:
0x90: {  	_ = 	snop;
	(pc) =	sbr.rel @!p1 .LBB2_22-.Ltmp4, $1  }
0x91: {  	_ =	sdelay $0x3  }
.LBB2_4:
0x92: {  	s10 =	smul.u32 $0x3, s0;
	_ =	sdelay $0x1  }
0x93: {  	p1 =	seq.s32 s0, $0x0;
	s29 =	sadd.s32 $0x2, s10  }
0x94: {  	p2 =	sge.u32 @!p1 s29, s15  }
0x95: {  	p1 =	por p1, p2  }
.Ltmp5:
0x96: {  	_ = 	snop;
	(pc) =	sbr.rel @p1 .LBB2_6-.Ltmp5, $1  }
0x97: {  	_ =	sdelay $0x3  }
0x98: {  	s12 =	sshll.u32 s29, $0xB  }
0x99: {  	_ =	swait.ge [sflag:s20], $0x2000;
	s12 =	sor.u32 s17, s12  }
0x9a: {  	[sflag:s20] =	ssyncset.done $0x0;
	s13 =	sshrl.u32 s12, $0x3  }
0x9b: {  	[sflag:s20] =	ssyncadd.s32 $0xFFFFE000;
	s14 =	sadd.s32 s6, s13  }
0x9c: {  	[tilespmem:s21], [sflag:$0x3] =	stream.linear.gather [hbm4b:s14+s2], $0x40, $0x38;
	[tilespmem:$0x1FB80] =	vst v63  }
.LBB2_8:
.Ltmp6:
0x9d: {  	(pc) =	sbr.rel .LBB2_9-.Ltmp6, $4  }
0x9e: {  	s13 =	sadd.s32 s7, s13;
	s12 =	sshll.u32 s12, $0x4  }
0x9f: {  	[tilespmem:s22], [sflag:$0x6] =	stream.linear.gather [hbm4b:s13+s2], $0x40, $0x38;
	[tilespmem:$0x1FB80] =	vst v63  }
0xa0: {  	s12 =	sadd.s32 s5, s12  }
0xa1: {  	[tilespmem:s23], [sflag:$0xC] =	stream.linear.gather [hbm4b:s12+s2], $0x2000, $0x38;
	[tilespmem:$0x1FB80] =	vst v63  }
.LBB2_6:
0xa2: {  	p1 =	sne.s32 s0, $0x0  }
.Ltmp7:
0xa3: {  	_ = 	snop;
	(pc) =	sbr.rel @!p1 .LBB2_7-.Ltmp7, $1  }
0xa4: {  	_ =	sdelay $0x3  }
.LBB2_9:
0xa5: {  	p2 =	sge.u32 s10, s3;
	p1 =	sge.u32 s10, s15  }
.Ltmp8:
0xa6: {  	s12 =	simm.s32 @!p2 $0x2;
	(pc) =	sbr.rel @p1 .LBB2_13-.Ltmp8, $4  }
0xa7: {  	_ =	swait.ge @!p2 [sflag:s12], $0x40  }
0xa8: {  	s13 =	simm.s32 @!p2 $0x80;
	[sflag:s12] =	ssyncset.done @!p2 $0x0  }
0xa9: {  	s14 =	simm.s32 @!p2 $0x2300;
	[sflag:s12] =	ssyncadd.s32 @!p2 $0xFFFFFFC0;
	s12 =	simm.s32 @!p2 $0x40  }
0xaa: {  	[tilespmem:s14], [sflag:$0x8] =	stream.indirect.gather @!p2 [hbm4b:s4+s12], $0x80, s13, s12, $0xb8;
	[tilespmem:$0x1FB80] =	vst v63  }
0xab: {  	_ =	swait.ge [sflag:s24], $0x2000  }
0xac: {  	[sflag:s24] =	ssyncset.done $0x0  }
0xad: {  	[sflag:s24] =	ssyncadd.s32 $0xFFFFE000  }
0xae: {  	_ =	swait.ge [sflag:s25], $0x2000  }
0xaf: {  	[sflag:s25] =	ssyncset.done $0x0  }
0xb0: {  	s12 =	simm.s32 $0x0;
	[sflag:s25] =	ssyncadd.s32 $0xFFFFE000  }
0xb1: {  	v1 =	vld [tilespmem:s12+$0x6370]  }
0xb2: {  	v2 =	vld [tilespmem:s12+$0x370]  }
0xb3: {  	v3 =	vld [tilespmem:s12+$0x6300]  }
0xb4: {  	v4 =	vld [tilespmem:s12+$0x300]  }
0xb5: {  	v5 =	vld [tilespmem:s12+$0x6310]  }
0xb6: {  	v6 =	vld [tilespmem:s12+$0x310]  }
0xb7: {  	v7 =	vld [tilespmem:s12+$0x6320]  }
0xb8: {  	v8 =	vld [tilespmem:s12+$0x6330];
	v1 =	vadd.f32 v2, v1  }
0xb9: {  	v2 =	vld [tilespmem:s12+$0x320];
	v3 =	vadd.f32 v4, v3  }
0xba: {  	v4 =	vld [tilespmem:s12+$0x330];
	v1 =	vmax.f32 v1, $0.0e+00  }
0xbb: {  	v9 =	vld [tilespmem:s12+$0x6340];
	[tilespmem:s12+$0x6370] =	vst v1;
	v1 =	vmax.f32 v3, $0.0e+00;
	v3 =	vadd.f32 v6, v5  }
0xbc: {  	v5 =	vld [tilespmem:s12+$0x340]  }
0xbd: {  	[tilespmem:s12+$0x6300] =	vst v1;
	v1 =	vld [tilespmem:s12+$0x6350];
	v3 =	vmax.f32 v3, $0.0e+00  }
0xbe: {  	v2 =	vadd.f32 v2, v7;
	[tilespmem:s12+$0x6310] =	vst v3;
	v3 =	vld [tilespmem:s12+$0x350]  }
0xbf: {  	v8 =	vadd.f32 v4, v8;
	v4 =	vld [tilespmem:s12+$0x360]  }
0xc0: {  	s13 =	simm.s32 $0x80;
	v6 =	vmax.f32 v2, $0.0e+00;
	v2 =	vld [tilespmem:s12+$0x6360]  }
0xc1: {  	s14 =	simm.s32 $0x400;
	v7 =	vld [tilespmem:s13+$0x6370];
	[tilespmem:s12+$0x6320] =	vst v6;
	v6 =	vmax.f32 v8, $0.0e+00;
	v5 =	vadd.f32 v5, v9  }
.LBB2_11:
0xc2: {  	p1 =	sne.s32 s14, $0x7E00;
	v8 =	vld [tilespmem:s13+$0x370];
	[tilespmem:s12+$0x6330] =	vst v6  }
0xc3: {  	v6 =	vld [tilespmem:s13+$0x6300];
	v5 =	vmax.f32 v5, $0.0e+00;
	v1 =	vadd.f32 v3, v1  }
0xc4: {  	v3 =	vld [tilespmem:s13+$0x300];
	[tilespmem:s12+$0x6340] =	vst v5  }
0xc5: {  	v5 =	vld [tilespmem:s13+$0x6310];
	v1 =	vmax.f32 v1, $0.0e+00;
	v2 =	vadd.f32 v4, v2  }
0xc6: {  	v4 =	vld [tilespmem:s13+$0x310];
	[tilespmem:s12+$0x6350] =	vst v1  }
0xc7: {  	v1 =	vld [tilespmem:s13+$0x6320];
	v7 =	vadd.f32 v8, v7;
	v2 =	vmax.f32 v2, $0.0e+00  }
0xc8: {  	v8 =	vld [tilespmem:s13+$0x320];
	[tilespmem:s12+$0x6360] =	vst v2;
	s12 =	smov.u32 s13  }
0xc9: {  	v2 =	vadd.f32 v3, v6;
	v6 =	vld [tilespmem:s12+$0x6330];
	v3 =	vmax.f32 v7, $0.0e+00  }
0xca: {  	v7 =	vld [tilespmem:s12+$0x330];
	[tilespmem:s12+$0x6370] =	vst v3  }
0xcb: {  	v2 =	vmax.f32 v2, $0.0e+00;
	v3 =	vadd.f32 v4, v5;
	v5 =	vld [tilespmem:s12+$0x6340]  }
0xcc: {  	[tilespmem:s12+$0x6300] =	vst v2;
	v9 =	vld [tilespmem:s12+$0x340]  }
.Ltmp9:
0xcd: {  	v2 =	vmax.f32 v3, $0.0e+00;
	v4 =	vadd.f32 v8, v1;
	v1 =	vld [tilespmem:s12+$0x6350];
	(pc) =	sbr.rel @p1 .LBB2_11-.Ltmp9, $4  }
0xce: {  	[tilespmem:s12+$0x6310] =	vst v2;
	v3 =	vld [tilespmem:s12+$0x350]  }
0xcf: {  	v4 =	vmax.f32 v4, $0.0e+00;
	v6 =	vadd.f32 v7, v6;
	v2 =	vld [tilespmem:s12+$0x6360]  }
0xd0: {  	s13 =	sshra.s32 s14, $0x2;
	[tilespmem:s12+$0x6320] =	vst v4;
	v4 =	vld [tilespmem:s12+$0x360]  }
0xd1: {  	s14 =	sadd.s32 $0x200, s14;
	v7 =	vld [tilespmem:s13+$0x6370];
	v6 =	vmax.f32 v6, $0.0e+00;
	v5 =	vadd.f32 v9, v5  }
0xd2: {  	v8 =	vld [tilespmem:s13+$0x370]  }
0xd3: {  	v9 =	vld [tilespmem:s13+$0x6300]  }
0xd4: {  	v10 =	vld [tilespmem:s13+$0x300]  }
0xd5: {  	v11 =	vld [tilespmem:s13+$0x6310]  }
0xd6: {  	v12 =	vld [tilespmem:s13+$0x310]  }
0xd7: {  	v13 =	vld [tilespmem:s13+$0x6320]  }
0xd8: {  	v53 =	vld [tilespmem:s13+$0x320]  }
0xd9: {  	v14 =	vld [tilespmem:s13+$0x6330]  }
0xda: {  	v54 =	vld [tilespmem:s13+$0x330]  }
0xdb: {  	v56 =	vld [tilespmem:s13+$0x6340]  }
0xdc: {  	v57 =	vld [tilespmem:s13+$0x340];
	v1 =	vadd.f32 v3, v1  }
0xdd: {  	v58 =	vld [tilespmem:s13+$0x6350];
	[tilespmem:s12+$0x6330] =	vst v6;
	v61 =	vmax.f32 v5, $0.0e+00;
	v2 =	vadd.f32 v4, v2  }
0xde: {  	v59 =	vld [tilespmem:s13+$0x350];
	[tilespmem:s12+$0x6340] =	vst v61;
	v1 =	vmax.f32 v1, $0.0e+00;
	v7 =	vadd.f32 v8, v7  }
0xdf: {  	v60 =	vld [tilespmem:s13+$0x6360];
	[tilespmem:s12+$0x6350] =	vst v1;
	v9 =	vadd.f32 v10, v9;
	v1 =	vmax.f32 v2, $0.0e+00  }
0xe0: {  	v3 =	vld [tilespmem:s13+$0x360];
	v11 =	vadd.f32 v12, v11;
	[tilespmem:s12+$0x6360] =	vst v1;
	v7 =	vmax.f32 v7, $0.0e+00  }
0xe1: {  	v8 =	vadd.f32 v53, v13;
	v55 =	vmax.f32 v9, $0.0e+00;
	[tilespmem:s13+$0x6370] =	vst v7  }
0xe2: {  	v62 =	vadd.f32 v54, v14;
	v11 =	vmax.f32 v11, $0.0e+00;
	[tilespmem:s13+$0x6300] =	vst v55  }
0xe3: {  	v2 =	vadd.f32 v57, v56;
	v8 =	vmax.f32 v8, $0.0e+00;
	[tilespmem:s13+$0x6310] =	vst v11  }
0xe4: {  	v63 =	vadd.f32 v59, v58;
	v1 =	vmax.f32 v62, $0.0e+00;
	[tilespmem:s13+$0x6320] =	vst v8  }
0xe5: {  	[tilespmem:s13+$0x6330] =	vst v1;
	v1 =	vmax.f32 v2, $0.0e+00;
	v2 =	vadd.f32 v3, v60  }
0xe6: {  	[tilespmem:s13+$0x6340] =	vst v1;
	v1 =	vmax.f32 v63, $0.0e+00  }
0xe7: {  	[tilespmem:s13+$0x6350] =	vst v1;
	v1 =	vmax.f32 v2, $0.0e+00  }
0xe8: {  	[tilespmem:s13+$0x6360] =	vst v1  }
0xe9: {  	_ =	swait.ge [sflag:s26], $0x40  }
0xea: {  	[sflag:s26] =	ssyncset.done $0x0  }
0xeb: {  	s14 =	simm.s32 $0x180;
	s16 =	simm.s32 $0x6300;
	[sflag:s26] =	ssyncadd.s32 $0xFFFFFFC0  }
0xec: {  	[spmem:s1] =	stream.indirect.scatter.add.f32 [tilespmem:s16], [sflag:$0xD], $0x80, s14, s19, $0xb8;
	[tilespmem:$0x1FB80] =	vst v63  }
.LBB2_13:
0xed: {  	s12 =	sadd.s32 $0x3, s10  }
0xee: {  	p1 =	sge.u32 s12, s15  }
0xef: {  	s13 =	simm.s32 @!p1 $0xD;
	s12 =	sshll.u32 @!p1 s12, $0xB  }
0xf0: {  	_ =	swait.ge @!p1 [sflag:s13], $0x2000;
	s14 =	sor.u32 @!p1 s17, s12  }
0xf1: {  	[sflag:s13] =	ssyncset.done @!p1 $0x0;
	s16 =	sshrl.u32 @!p1 s14, $0x3  }
0xf2: {  	s12 =	simm.s32 @!p1 $0x0;
	[sflag:s13] =	ssyncadd.s32 @!p1 $0xFFFFE000;
	s13 =	sadd.s32 @!p1 s6, s16  }
0xf3: {  	[tilespmem:s12], [sflag:$0x1] =	stream.linear.gather @!p1 [hbm4b:s13+s12], $0x40, $0x38;
	[tilespmem:$0x1FB80] =	vst v63  }
0xf4: {  	s13 =	sadd.s32 @!p1 s7, s16;
	s16 =	simm.s32 @!p1 $0x180  }
0xf5: {  	[tilespmem:s16], [sflag:$0x4] =	stream.linear.gather @!p1 [hbm4b:s13+s12], $0x40, $0x38;
	[tilespmem:$0x1FB80] =	vst v63  }
0xf6: {  	s13 =	sshll.u32 @!p1 s14, $0x4  }
0xf7: {  	p3 =	sge.u32 s29, s15;
	s14 =	simm.s32 @!p1 $0x6300;
	s13 =	sadd.s32 @!p1 s5, s13  }
0xf8: {  	[tilespmem:s14], [sflag:$0xA] =	stream.linear.gather @!p1 [hbm4b:s13+s12], $0x2000, $0x38;
	[tilespmem:$0x1FB80] =	vst v63  }
.Ltmp10:
0xf9: {  	s13 =	simm.s32 @!p3 $0x3;
	(pc) =	sbr.rel @p2 .LBB2_17-.Ltmp10, $4  }
0xfa: {  	_ =	swait.ge @!p3 [sflag:s13], $0x40  }
0xfb: {  	s16 =	simm.s32 @!p3 $0x4300;
	[sflag:s13] =	ssyncset.done @!p3 $0x0  }
0xfc: {  	s14 =	simm.s32 @!p3 $0x100;
	[sflag:s13] =	ssyncadd.s32 @!p3 $0xFFFFFFC0;
	s13 =	simm.s32 @!p3 $0x40  }
0xfd: {  	[tilespmem:s16], [sflag:$0x9] =	stream.indirect.gather @!p3 [hbm4b:s4+s13], $0x80, s14, s13, $0xb8;
	[tilespmem:$0x1FB80] =	vst v63  }
0xfe: {  	_ =	swait.ge [sflag:s28], $0x2000  }
0xff: {  	[sflag:s28] =	ssyncset.done $0x0  }
0x100: {  	[sflag:s28] =	ssyncadd.s32 $0xFFFFE000  }
0x101: {  	_ =	swait.ge [sflag:s30], $0x2000  }
0x102: {  	[sflag:s30] =	ssyncset.done $0x0  }
0x103: {  	s29 =	simm.s32 $0x0;
	[sflag:s30] =	ssyncadd.s32 $0xFFFFE000  }
0x104: {  	v1 =	vld [tilespmem:s29+$0x8370]  }
0x105: {  	v2 =	vld [tilespmem:s29+$0x2370]  }
0x106: {  	v3 =	vld [tilespmem:s29+$0x8300]  }
0x107: {  	v4 =	vld [tilespmem:s29+$0x2300]  }
0x108: {  	v5 =	vld [tilespmem:s29+$0x8310]  }
0x109: {  	v6 =	vld [tilespmem:s29+$0x2310]  }
0x10a: {  	v7 =	vld [tilespmem:s29+$0x8320]  }
0x10b: {  	v8 =	vld [tilespmem:s29+$0x8330];
	v1 =	vadd.f32 v2, v1  }
0x10c: {  	v2 =	vld [tilespmem:s29+$0x2320];
	v3 =	vadd.f32 v4, v3  }
0x10d: {  	v4 =	vld [tilespmem:s29+$0x2330];
	v1 =	vmax.f32 v1, $0.0e+00  }
0x10e: {  	v9 =	vld [tilespmem:s29+$0x8340];
	[tilespmem:s29+$0x8370] =	vst v1;
	v1 =	vmax.f32 v3, $0.0e+00;
	v3 =	vadd.f32 v6, v5  }
0x10f: {  	v5 =	vld [tilespmem:s29+$0x2340]  }
0x110: {  	[tilespmem:s29+$0x8300] =	vst v1;
	v1 =	vld [tilespmem:s29+$0x8350];
	v3 =	vmax.f32 v3, $0.0e+00  }
0x111: {  	v2 =	vadd.f32 v2, v7;
	[tilespmem:s29+$0x8310] =	vst v3;
	v3 =	vld [tilespmem:s29+$0x2350]  }
0x112: {  	v8 =	vadd.f32 v4, v8;
	v4 =	vld [tilespmem:s29+$0x2360]  }
0x113: {  	s13 =	simm.s32 $0x80;
	v6 =	vmax.f32 v2, $0.0e+00;
	v2 =	vld [tilespmem:s29+$0x8360]  }
0x114: {  	s14 =	simm.s32 $0x400;
	v7 =	vld [tilespmem:s13+$0x8370];
	[tilespmem:s29+$0x8320] =	vst v6;
	v6 =	vmax.f32 v8, $0.0e+00;
	v5 =	vadd.f32 v5, v9  }
.LBB2_15:
0x115: {  	p2 =	sne.s32 s14, $0x7E00;
	v8 =	vld [tilespmem:s13+$0x2370];
	[tilespmem:s29+$0x8330] =	vst v6  }
0x116: {  	v6 =	vld [tilespmem:s13+$0x8300];
	v5 =	vmax.f32 v5, $0.0e+00;
	v1 =	vadd.f32 v3, v1  }
0x117: {  	v3 =	vld [tilespmem:s13+$0x2300];
	[tilespmem:s29+$0x8340] =	vst v5  }
0x118: {  	v5 =	vld [tilespmem:s13+$0x8310];
	v1 =	vmax.f32 v1, $0.0e+00;
	v2 =	vadd.f32 v4, v2  }
0x119: {  	v4 =	vld [tilespmem:s13+$0x2310];
	[tilespmem:s29+$0x8350] =	vst v1  }
0x11a: {  	v1 =	vld [tilespmem:s13+$0x8320];
	v7 =	vadd.f32 v8, v7;
	v2 =	vmax.f32 v2, $0.0e+00  }
0x11b: {  	v8 =	vld [tilespmem:s13+$0x2320];
	[tilespmem:s29+$0x8360] =	vst v2;
	s29 =	smov.u32 s13  }
0x11c: {  	v2 =	vadd.f32 v3, v6;
	v6 =	vld [tilespmem:s29+$0x8330];
	v3 =	vmax.f32 v7, $0.0e+00  }
0x11d: {  	v7 =	vld [tilespmem:s29+$0x2330];
	[tilespmem:s29+$0x8370] =	vst v3  }
0x11e: {  	v2 =	vmax.f32 v2, $0.0e+00;
	v3 =	vadd.f32 v4, v5;
	v5 =	vld [tilespmem:s29+$0x8340]  }
0x11f: {  	[tilespmem:s29+$0x8300] =	vst v2;
	v9 =	vld [tilespmem:s29+$0x2340]  }
.Ltmp11:
0x120: {  	v2 =	vmax.f32 v3, $0.0e+00;
	v4 =	vadd.f32 v8, v1;
	v1 =	vld [tilespmem:s29+$0x8350];
	(pc) =	sbr.rel @p2 .LBB2_15-.Ltmp11, $4  }
0x121: {  	[tilespmem:s29+$0x8310] =	vst v2;
	v3 =	vld [tilespmem:s29+$0x2350]  }
0x122: {  	v4 =	vmax.f32 v4, $0.0e+00;
	v6 =	vadd.f32 v7, v6;
	v2 =	vld [tilespmem:s29+$0x8360]  }
0x123: {  	s13 =	sshra.s32 s14, $0x2;
	[tilespmem:s29+$0x8320] =	vst v4;
	v4 =	vld [tilespmem:s29+$0x2360]  }
0x124: {  	s14 =	sadd.s32 $0x200, s14;
	v7 =	vld [tilespmem:s13+$0x8370];
	v6 =	vmax.f32 v6, $0.0e+00;
	v5 =	vadd.f32 v9, v5  }
0x125: {  	v8 =	vld [tilespmem:s13+$0x2370]  }
0x126: {  	v9 =	vld [tilespmem:s13+$0x8300]  }
0x127: {  	v10 =	vld [tilespmem:s13+$0x2300]  }
0x128: {  	v11 =	vld [tilespmem:s13+$0x8310]  }
0x129: {  	v12 =	vld [tilespmem:s13+$0x2310]  }
0x12a: {  	v13 =	vld [tilespmem:s13+$0x8320]  }
0x12b: {  	v53 =	vld [tilespmem:s13+$0x2320]  }
0x12c: {  	v14 =	vld [tilespmem:s13+$0x8330]  }
0x12d: {  	v54 =	vld [tilespmem:s13+$0x2330]  }
0x12e: {  	v56 =	vld [tilespmem:s13+$0x8340]  }
0x12f: {  	v57 =	vld [tilespmem:s13+$0x2340];
	v1 =	vadd.f32 v3, v1  }
0x130: {  	v58 =	vld [tilespmem:s13+$0x8350];
	[tilespmem:s29+$0x8330] =	vst v6;
	v61 =	vmax.f32 v5, $0.0e+00;
	v2 =	vadd.f32 v4, v2  }
0x131: {  	v59 =	vld [tilespmem:s13+$0x2350];
	[tilespmem:s29+$0x8340] =	vst v61;
	v1 =	vmax.f32 v1, $0.0e+00;
	v7 =	vadd.f32 v8, v7  }
0x132: {  	v60 =	vld [tilespmem:s13+$0x8360];
	[tilespmem:s29+$0x8350] =	vst v1;
	v9 =	vadd.f32 v10, v9;
	v1 =	vmax.f32 v2, $0.0e+00  }
0x133: {  	v3 =	vld [tilespmem:s13+$0x2360];
	v11 =	vadd.f32 v12, v11;
	[tilespmem:s29+$0x8360] =	vst v1;
	v7 =	vmax.f32 v7, $0.0e+00  }
0x134: {  	v8 =	vadd.f32 v53, v13;
	v55 =	vmax.f32 v9, $0.0e+00;
	[tilespmem:s13+$0x8370] =	vst v7  }
0x135: {  	v62 =	vadd.f32 v54, v14;
	v11 =	vmax.f32 v11, $0.0e+00;
	[tilespmem:s13+$0x8300] =	vst v55  }
0x136: {  	v2 =	vadd.f32 v57, v56;
	v8 =	vmax.f32 v8, $0.0e+00;
	[tilespmem:s13+$0x8310] =	vst v11  }
0x137: {  	v63 =	vadd.f32 v59, v58;
	v1 =	vmax.f32 v62, $0.0e+00;
	[tilespmem:s13+$0x8320] =	vst v8  }
0x138: {  	[tilespmem:s13+$0x8330] =	vst v1;
	v1 =	vmax.f32 v2, $0.0e+00;
	v2 =	vadd.f32 v3, v60  }
0x139: {  	[tilespmem:s13+$0x8340] =	vst v1;
	v1 =	vmax.f32 v63, $0.0e+00  }
0x13a: {  	[tilespmem:s13+$0x8350] =	vst v1;
	v1 =	vmax.f32 v2, $0.0e+00  }
0x13b: {  	[tilespmem:s13+$0x8360] =	vst v1  }
0x13c: {  	_ =	swait.ge [sflag:s18], $0x40  }
0x13d: {  	[sflag:s18] =	ssyncset.done $0x0  }
0x13e: {  	s14 =	simm.s32 $0x8300;
	s29 =	simm.s32 $0x200;
	[sflag:s18] =	ssyncadd.s32 $0xFFFFFFC0  }
0x13f: {  	[spmem:s1] =	stream.indirect.scatter.add.f32 [tilespmem:s14], [sflag:$0xE], $0x80, s29, s19, $0xb8;
	[tilespmem:$0x1FB80] =	vst v63  }
.LBB2_17:
0x140: {  	s10 =	sadd.s32 $0x4, s10  }
0x141: {  	p2 =	sge.u32 s10, s15  }
0x142: {  	s13 =	simm.s32 @!p2 $0xE  }
0x143: {  	s10 =	sshll.u32 @!p2 s10, $0xB;
	_ =	swait.ge @!p2 [sflag:s13], $0x2000  }
0x144: {  	s10 =	sor.u32 @!p2 s17, s10;
	[sflag:s13] =	ssyncset.done @!p2 $0x0  }
0x145: {  	[sflag:s13] =	ssyncadd.s32 @!p2 $0xFFFFE000;
	s13 =	sshrl.u32 @!p2 s10, $0x3  }
0x146: {  	s16 =	simm.s32 @!p2 $0x0;
	s29 =	simm.s32 @!p2 $0x80;
	s14 =	sadd.s32 @!p2 s6, s13  }
0x147: {  	[tilespmem:s29], [sflag:$0x2] =	stream.linear.gather @!p2 [hbm4b:s14+s16], $0x40, $0x38;
	[tilespmem:$0x1FB80] =	vst v63  }
0x148: {  	s10 =	sshll.u32 @!p2 s10, $0x4;
	s13 =	sadd.s32 @!p2 s7, s13;
	s14 =	simm.s32 @!p2 $0x200  }
0x149: {  	[tilespmem:s14], [sflag:$0x5] =	stream.linear.gather @!p2 [hbm4b:s13+s16], $0x40, $0x38;
	[tilespmem:$0x1FB80] =	vst v63  }
0x14a: {  	s10 =	sadd.s32 @!p2 s5, s10;
	s13 =	simm.s32 @!p2 $0x8300  }
0x14b: {  	[tilespmem:s13], [sflag:$0xB] =	stream.linear.gather @!p2 [hbm4b:s10+s16], $0x2000, $0x38;
	[tilespmem:$0x1FB80] =	vst v63  }
.Ltmp12:
0x14c: {  	s10 =	simm.s32 @!p1 $0x1;
	(pc) =	sbr.rel @p3 .LBB2_21-.Ltmp12, $4  }
0x14d: {  	_ =	swait.ge @!p1 [sflag:s10], $0x40  }
0x14e: {  	[sflag:s10] =	ssyncset.done @!p1 $0x0  }
0x14f: {  	s13 =	simm.s32 @!p1 $0x300;
	[sflag:s10] =	ssyncadd.s32 @!p1 $0xFFFFFFC0;
	s10 =	simm.s32 @!p1 $0x40  }
0x150: {  	[tilespmem:s13], [sflag:$0x7] =	stream.indirect.gather @!p1 [hbm4b:s4+s10], $0x80, s12, s10, $0xb8;
	[tilespmem:$0x1FB80] =	vst v63  }
0x151: {  	_ =	swait.ge [sflag:s31], $0x2000  }
0x152: {  	[sflag:s31] =	ssyncset.done $0x0  }
0x153: {  	[sflag:s31] =	ssyncadd.s32 $0xFFFFE000  }
0x154: {  	_ =	swait.ge [sflag:s8], $0x2000  }
0x155: {  	[sflag:s8] =	ssyncset.done $0x0  }
0x156: {  	s10 =	simm.s32 $0x0;
	[sflag:s8] =	ssyncadd.s32 $0xFFFFE000  }
0x157: {  	v1 =	vld [tilespmem:s10+$0xA370]  }
0x158: {  	v2 =	vld [tilespmem:s10+$0x4370]  }
0x159: {  	v3 =	vld [tilespmem:s10+$0xA300]  }
0x15a: {  	v4 =	vld [tilespmem:s10+$0x4300]  }
0x15b: {  	v5 =	vld [tilespmem:s10+$0xA310]  }
0x15c: {  	v6 =	vld [tilespmem:s10+$0x4310]  }
0x15d: {  	v7 =	vld [tilespmem:s10+$0xA320]  }
0x15e: {  	v8 =	vld [tilespmem:s10+$0xA330];
	v1 =	vadd.f32 v2, v1  }
0x15f: {  	v2 =	vld [tilespmem:s10+$0x4320];
	v3 =	vadd.f32 v4, v3  }
0x160: {  	v4 =	vld [tilespmem:s10+$0x4330];
	v1 =	vmax.f32 v1, $0.0e+00  }
0x161: {  	v9 =	vld [tilespmem:s10+$0xA340];
	[tilespmem:s10+$0xA370] =	vst v1;
	v1 =	vmax.f32 v3, $0.0e+00;
	v3 =	vadd.f32 v6, v5  }
0x162: {  	v5 =	vld [tilespmem:s10+$0x4340]  }
0x163: {  	[tilespmem:s10+$0xA300] =	vst v1;
	v1 =	vld [tilespmem:s10+$0xA350];
	v3 =	vmax.f32 v3, $0.0e+00  }
0x164: {  	v2 =	vadd.f32 v2, v7;
	[tilespmem:s10+$0xA310] =	vst v3;
	v3 =	vld [tilespmem:s10+$0x4350]  }
0x165: {  	v8 =	vadd.f32 v4, v8;
	v4 =	vld [tilespmem:s10+$0x4360]  }
0x166: {  	s12 =	simm.s32 $0x80;
	v6 =	vmax.f32 v2, $0.0e+00;
	v2 =	vld [tilespmem:s10+$0xA360]  }
0x167: {  	s13 =	simm.s32 $0x400;
	v7 =	vld [tilespmem:s12+$0xA370];
	[tilespmem:s10+$0xA320] =	vst v6;
	v6 =	vmax.f32 v8, $0.0e+00;
	v5 =	vadd.f32 v5, v9  }
.LBB2_19:
0x168: {  	p1 =	sne.s32 s13, $0x7E00;
	v8 =	vld [tilespmem:s12+$0x4370];
	[tilespmem:s10+$0xA330] =	vst v6  }
0x169: {  	v6 =	vld [tilespmem:s12+$0xA300];
	v5 =	vmax.f32 v5, $0.0e+00;
	v1 =	vadd.f32 v3, v1  }
0x16a: {  	v3 =	vld [tilespmem:s12+$0x4300];
	[tilespmem:s10+$0xA340] =	vst v5  }
0x16b: {  	v5 =	vld [tilespmem:s12+$0xA310];
	v1 =	vmax.f32 v1, $0.0e+00;
	v2 =	vadd.f32 v4, v2  }
0x16c: {  	v4 =	vld [tilespmem:s12+$0x4310];
	[tilespmem:s10+$0xA350] =	vst v1  }
0x16d: {  	v1 =	vld [tilespmem:s12+$0xA320];
	v7 =	vadd.f32 v8, v7;
	v2 =	vmax.f32 v2, $0.0e+00  }
0x16e: {  	v8 =	vld [tilespmem:s12+$0x4320];
	[tilespmem:s10+$0xA360] =	vst v2;
	s10 =	smov.u32 s12  }
0x16f: {  	v2 =	vadd.f32 v3, v6;
	v6 =	vld [tilespmem:s10+$0xA330];
	v3 =	vmax.f32 v7, $0.0e+00  }
0x170: {  	v7 =	vld [tilespmem:s10+$0x4330];
	[tilespmem:s10+$0xA370] =	vst v3  }
0x171: {  	v2 =	vmax.f32 v2, $0.0e+00;
	v3 =	vadd.f32 v4, v5;
	v5 =	vld [tilespmem:s10+$0xA340]  }
0x172: {  	[tilespmem:s10+$0xA300] =	vst v2;
	v9 =	vld [tilespmem:s10+$0x4340]  }
.Ltmp13:
0x173: {  	v2 =	vmax.f32 v3, $0.0e+00;
	v4 =	vadd.f32 v8, v1;
	v1 =	vld [tilespmem:s10+$0xA350];
	(pc) =	sbr.rel @p1 .LBB2_19-.Ltmp13, $4  }
0x174: {  	[tilespmem:s10+$0xA310] =	vst v2;
	v3 =	vld [tilespmem:s10+$0x4350]  }
0x175: {  	v4 =	vmax.f32 v4, $0.0e+00;
	v6 =	vadd.f32 v7, v6;
	v2 =	vld [tilespmem:s10+$0xA360]  }
0x176: {  	s12 =	sshra.s32 s13, $0x2;
	[tilespmem:s10+$0xA320] =	vst v4;
	v4 =	vld [tilespmem:s10+$0x4360]  }
0x177: {  	s13 =	sadd.s32 $0x200, s13;
	v7 =	vld [tilespmem:s12+$0xA370];
	v6 =	vmax.f32 v6, $0.0e+00;
	v5 =	vadd.f32 v9, v5  }
0x178: {  	v8 =	vld [tilespmem:s12+$0x4370]  }
0x179: {  	v9 =	vld [tilespmem:s12+$0xA300]  }
0x17a: {  	v10 =	vld [tilespmem:s12+$0x4300]  }
0x17b: {  	v11 =	vld [tilespmem:s12+$0xA310]  }
0x17c: {  	v12 =	vld [tilespmem:s12+$0x4310]  }
0x17d: {  	v13 =	vld [tilespmem:s12+$0xA320]  }
0x17e: {  	v53 =	vld [tilespmem:s12+$0x4320]  }
0x17f: {  	v14 =	vld [tilespmem:s12+$0xA330]  }
0x180: {  	v54 =	vld [tilespmem:s12+$0x4330]  }
0x181: {  	v56 =	vld [tilespmem:s12+$0xA340]  }
0x182: {  	v57 =	vld [tilespmem:s12+$0x4340];
	v1 =	vadd.f32 v3, v1  }
0x183: {  	v58 =	vld [tilespmem:s12+$0xA350];
	[tilespmem:s10+$0xA330] =	vst v6;
	v61 =	vmax.f32 v5, $0.0e+00;
	v2 =	vadd.f32 v4, v2  }
0x184: {  	v59 =	vld [tilespmem:s12+$0x4350];
	[tilespmem:s10+$0xA340] =	vst v61;
	v1 =	vmax.f32 v1, $0.0e+00;
	v7 =	vadd.f32 v8, v7  }
0x185: {  	v60 =	vld [tilespmem:s12+$0xA360];
	[tilespmem:s10+$0xA350] =	vst v1;
	v9 =	vadd.f32 v10, v9;
	v1 =	vmax.f32 v2, $0.0e+00  }
0x186: {  	v3 =	vld [tilespmem:s12+$0x4360];
	v11 =	vadd.f32 v12, v11;
	[tilespmem:s10+$0xA360] =	vst v1;
	v7 =	vmax.f32 v7, $0.0e+00  }
0x187: {  	v8 =	vadd.f32 v53, v13;
	v55 =	vmax.f32 v9, $0.0e+00;
	[tilespmem:s12+$0xA370] =	vst v7  }
0x188: {  	v62 =	vadd.f32 v54, v14;
	v11 =	vmax.f32 v11, $0.0e+00;
	[tilespmem:s12+$0xA300] =	vst v55  }
0x189: {  	v2 =	vadd.f32 v57, v56;
	v8 =	vmax.f32 v8, $0.0e+00;
	[tilespmem:s12+$0xA310] =	vst v11  }
0x18a: {  	v63 =	vadd.f32 v59, v58;
	v1 =	vmax.f32 v62, $0.0e+00;
	[tilespmem:s12+$0xA320] =	vst v8  }
0x18b: {  	[tilespmem:s12+$0xA330] =	vst v1;
	v1 =	vmax.f32 v2, $0.0e+00;
	v2 =	vadd.f32 v3, v60  }
0x18c: {  	[tilespmem:s12+$0xA340] =	vst v1;
	v1 =	vmax.f32 v63, $0.0e+00  }
0x18d: {  	[tilespmem:s12+$0xA350] =	vst v1;
	v1 =	vmax.f32 v2, $0.0e+00  }
.Ltmp14:
0x18e: {  	[tilespmem:s12+$0xA360] =	vst v1;
	(pc) =	sbr.rel .LBB2_21-.Ltmp14, $4  }
0x18f: {  	_ =	swait.ge [sflag:s9], $0x40  }
0x190: {  	[sflag:s9] =	ssyncset.done $0x0  }
0x191: {  	[sflag:s9] =	ssyncadd.s32 $0xFFFFFFC0  }
0x192: {  	[spmem:s1] =	stream.indirect.scatter.add.f32 [tilespmem:s23], [sflag:$0xF], $0x80, s22, s19, $0xb8;
	[tilespmem:$0x1FB80] =	vst v63  }
.LBB2_7:
.Ltmp15:
0x193: {  	(pc) =	sbr.rel .LBB2_8-.Ltmp15, $4  }
0x194: {  	s12 =	rddreg [dreg:$0x19]  }
0x195: {  	s13 =	rddreg [dreg:$0x18]  }
0x196: {  	[tilespmem:s21], [sflag:$0x3] =	stream.linear.gather [hbm4b:s12+s2], $0x40, $0x38;
	[tilespmem:$0x1FB80] =	vst v63  }
0x197: {  	s12 =	rddreg [dreg:$0x15]  }
.LBB2_23:
0x198: {  	_ =	sfence.sel $0x180000  }
0x199: {  	[bflag:$0x0] =	sbarrier.arrive $0xFFFF  }
0x19a: {  	_ =	strace $0x9000004D  }
0x19b: {  	s0 =	stileid.u32;
	[bflag:$0x2] =	sbarrier.arrive $0xFFFF  }
0x19c: {  	p0 =	sne.s32 s0, $0x0;
	s0 =	rddreg [dreg:$0x2]  }
0x19d: {  	s0 =	sadd.s32 @!p0 $0x100000, s0  }
0x19e: {  	[sflag:s0] =	ssyncadd.tile.s32 @!p0 $0x1;
	_ =	shalt  }
.Lfunc_end2:
_tile_overlayer_lowered:
.L_overlay_start_2:
0x19f: {  	(tag) =	ssettag $0x2  }
0x1a0: {  	s0 =	rddreg [dreg:$0x0];
	s2 =	stileid.u32  }
0x1a1: {  	s1 =	rddreg [dreg:$0x1];
	p0 =	sne.s32 s2, $0x0  }
0x1a2: {  	s3 =	rddreg [dreg:$0x2];
	[bflag:$0x3] =	sbarrier.arrive $0xFFFF;
	s2 =	simm.s32 @!p0 $0x1C10  }
0x1a3: {  	[timem:s3], [sflag:s2] =	dma.local @!p0 [hbm:s0], s1  }
0x1a4: {  	s0 =	simm.s32 @!p0 $0x10  }
0x1a5: {  	_ =	swait.ge @!p0 [sflag:s0], s1  }
0x1a6: {  	s1 =	ssub.s32 @!p0 $0x0, s1;
	[sflag:s0] =	ssyncset.done @!p0 $0x0  }
0x1a7: {  	[sflag:s0] =	ssyncadd.s32 @!p0 s1  }
0x1a8: {  	[bflag:$0x3] =	sbarrier.arrive $0xFFFF  }
0x1a9: {  	_ =	shalt  }

</sc_bundles>
